<compile_context>
chip_gen: v7x
topology: tpu7x:2x2x1
jax: 0.10.2.dev20260603
libtpu: 0.0.44.dev20260713+nightly
codegen_flags: <defaults>
</compile_context>

<pallas_src>
import functools

import jax
import jax.numpy as jnp
from jax import lax
from jax.experimental import pallas as pl
from jax.experimental.pallas import tpu as pltpu
from jax.experimental.pallas import tpu_sc as plsc

_K = 20
_ROWS = 512
_NEG = -3.4e38
_EPS = 1e-5
_CHUNK = 128


def _topk_body(xr_ref, xt_ref, xT_ref, idx_ref, xx_ref):
  nb = pl.program_id(1)
  b = pl.program_id(0)
  n = xt_ref.shape[1]

  @pl.when(nb == 0)
  def _prep():
    xT = xT_ref[0]
    xx_ref[...] = jnp.sum(xT * xT, axis=0, keepdims=True)

  xr = xr_ref[0]
  inner = lax.dot_general(
      xr.astype(jnp.bfloat16), xT_ref[0].astype(jnp.bfloat16),
      (((1,), (0,)), ((), ())),
      preferred_element_type=jnp.float32)
  inner = -2.0 * inner
  xxr = jnp.sum(xr * xr, axis=1, keepdims=True)
  dist = (-xx_ref[...] - inner) - xxr

  iota = lax.broadcasted_iota(jnp.int32, dist.shape, 1)
  jmins = []
  for _ in range(_K):
    jmin = jnp.argmax(dist, axis=1, keepdims=True).astype(jnp.int32)
    dist = jnp.where(iota == jmin, _NEG, dist)
    jmins.append(jmin)
  idx_ref[...] = (jnp.concatenate(jmins, axis=1) + b * n)[None]


def _sc_gather_call(table, idx):
  e = idx.shape[0]
  c = table.shape[1]
  info = plsc.get_sparse_core_info()
  nw = info.num_cores * info.num_subcores
  per_w = e // nw
  grp = 8
  gsz = grp * _CHUNK
  ngrp = per_w // gsz
  mesh = plsc.VectorSubcoreMesh(core_axis_name="c", subcore_axis_name="s")

  @functools.partial(
      pl.kernel, mesh=mesh,
      out_type=jax.ShapeDtypeStruct((e, c), jnp.float32),
      compiler_params=pltpu.CompilerParams(use_tc_tiling_on_sc=False),
      scratch_types=[
          pltpu.VMEM((per_w,), jnp.int32),
          pltpu.VMEM((gsz, c), jnp.float32),
          pltpu.SemaphoreType.DMA,
      ],
  )
  def gather(table_hbm, idx_hbm, out_hbm, idx_v, rows_v, sem):
    w = lax.axis_index("s") * info.num_cores + lax.axis_index("c")
    base = w * per_w
    pltpu.sync_copy(idx_hbm.at[pl.ds(base, per_w)], idx_v)

    def body(g, carry):
      goff = g * gsz
      cps = [
          pltpu.async_copy(
              table_hbm.at[idx_v.at[pl.ds(goff + t * _CHUNK, _CHUNK)]],
              rows_v.at[pl.ds(t * _CHUNK, _CHUNK)], sem)
          for t in range(grp)
      ]
      for cp in cps:
        cp.wait()
      pltpu.sync_copy(rows_v, out_hbm.at[pl.ds(base + goff, gsz)])
      return carry

    lax.fori_loop(0, ngrp, body, 0)

  return gather(table, idx)


def _conv_body(xr_ref, g_ref, w_ref, mx_ref, mn_ref, s1_ref, s2_ref):
  r = xr_ref.shape[1]
  cout = w_ref.shape[0]
  xr = xr_ref[0]
  xg = g_ref[0]
  xi = jnp.broadcast_to(xr[:, None, :], xg.shape)
  feat = jnp.concatenate([xg - xi, xi], axis=2)
  fb = feat.astype(jnp.bfloat16).reshape(r * _K, feat.shape[2])
  y = lax.dot_general(
      fb, w_ref[...].astype(jnp.bfloat16), (((1,), (1,)), ((), ())),
      preferred_element_type=jnp.float32)
  y3 = y.reshape(r, _K, cout)
  mx_ref[...] = jnp.max(y3, axis=1)[None]
  mn_ref[...] = jnp.min(y3, axis=1)[None]
  s1_ref[...] = jnp.sum(y3, axis=(0, 1)).reshape(1, 1, cout)
  s2_ref[...] = jnp.sum(y3 * y3, axis=(0, 1)).reshape(1, 1, cout)


def _epilogue_body(mx_ref, mn_ref, s1_ref, s2_ref, g_ref, b_ref, out_ref,
                   *, count):
  cout = out_ref.shape[2]
  tot1 = jnp.sum(s1_ref[...], axis=(0, 1)).reshape(1, cout)
  tot2 = jnp.sum(s2_ref[...], axis=(0, 1)).reshape(1, cout)
  mean = tot1 / count
  var = tot2 / count - mean * mean
  a = g_ref[...] / jnp.sqrt(var + _EPS)
  c = b_ref[...] - mean * a
  sel = jnp.where(a >= 0.0, mx_ref[0], mn_ref[0])
  y = a * sel + c
  out_ref[...] = jnp.where(y >= 0.0, y, 0.2 * y)[None]


def _stage(xt, xT, wfull, gamma, beta):
  b, n, c = xt.shape
  cout = wfull.shape[0]
  wl = wfull[:, :c]
  wr = wfull[:, c:]
  if c < 16:
    pad = 16 - c
    xt = jnp.pad(xt, ((0, 0), (0, 0), (0, pad)))
    xT = jnp.pad(xT, ((0, 0), (0, pad), (0, 0)))
    wl = jnp.pad(wl, ((0, 0), (0, pad)))
    wr = jnp.pad(wr, ((0, 0), (0, pad)))
    c = 16
  w = jnp.concatenate([wl, wr], axis=1)
  rows = _ROWS if n % _ROWS == 0 else n
  nblk = n // rows

  if b % 2 == 0:
    hb = b // 2
    parts = [
        _half_stage(xt[h * hb:(h + 1) * hb], xT[h * hb:(h + 1) * hb],
                    w, rows, nblk)
        for h in range(2)
    ]
    mx = jnp.concatenate([p[0] for p in parts], axis=0)
    mn = jnp.concatenate([p[1] for p in parts], axis=0)
    s1 = jnp.concatenate([p[2] for p in parts], axis=0)
    s2 = jnp.concatenate([p[3] for p in parts], axis=0)
  else:
    mx, mn, s1, s2 = _half_stage(xt, xT, w, rows, nblk)

  out = pl.pallas_call(
      functools.partial(_epilogue_body, count=float(b * n * _K)),
      grid=(b,),
      in_specs=[
          pl.BlockSpec((1, n, cout), lambda i: (i, 0, 0)),
          pl.BlockSpec((1, n, cout), lambda i: (i, 0, 0)),
          pl.BlockSpec((b * nblk, 1, cout), lambda i: (0, 0, 0)),
          pl.BlockSpec((b * nblk, 1, cout), lambda i: (0, 0, 0)),
          pl.BlockSpec((1, cout), lambda i: (0, 0)),
          pl.BlockSpec((1, cout), lambda i: (0, 0)),
      ],
      out_specs=pl.BlockSpec((1, n, cout), lambda i: (i, 0, 0)),
      out_shape=jax.ShapeDtypeStruct((b, n, cout), jnp.float32),
  )(mx, mn, s1, s2, gamma.reshape(1, cout), beta.reshape(1, cout))
  return out


def _half_stage(xt, xT, w, rows, nblk):
  b, n, c = xt.shape
  cout = w.shape[0]

  idx = pl.pallas_call(
      _topk_body,
      grid=(b, nblk),
      in_specs=[
          pl.BlockSpec((1, rows, c), lambda i, j: (i, j, 0)),
          pl.BlockSpec((1, n, c), lambda i, j: (i, 0, 0)),
          pl.BlockSpec((1, c, n), lambda i, j: (i, 0, 0)),
      ],
      out_specs=pl.BlockSpec((1, rows, _K), lambda i, j: (i, j, 0)),
      out_shape=jax.ShapeDtypeStruct((b, n, _K), jnp.int32),
      scratch_shapes=[pltpu.VMEM((1, n), jnp.float32)],
  )(xt, xt, xT)

  gath = _sc_gather_call(xt.reshape(b * n, c), idx.reshape(b * n * _K))
  gath = gath.reshape(b, n, _K, c)

  mx, mn, s1, s2 = pl.pallas_call(
      _conv_body,
      grid=(b, nblk),
      in_specs=[
          pl.BlockSpec((1, rows, c), lambda i, j: (i, j, 0)),
          pl.BlockSpec((1, rows, _K, c), lambda i, j: (i, j, 0, 0)),
          pl.BlockSpec((cout, 2 * c), lambda i, j: (0, 0)),
      ],
      out_specs=[
          pl.BlockSpec((1, rows, cout), lambda i, j: (i, j, 0)),
          pl.BlockSpec((1, rows, cout), lambda i, j: (i, j, 0)),
          pl.BlockSpec((1, 1, cout), lambda i, j, _nb=nblk: (i * _nb + j, 0, 0)),
          pl.BlockSpec((1, 1, cout), lambda i, j, _nb=nblk: (i * _nb + j, 0, 0)),
      ],
      out_shape=[
          jax.ShapeDtypeStruct((b, n, cout), jnp.float32),
          jax.ShapeDtypeStruct((b, n, cout), jnp.float32),
          jax.ShapeDtypeStruct((b * nblk, 1, cout), jnp.float32),
          jax.ShapeDtypeStruct((b * nblk, 1, cout), jnp.float32),
      ],
  )(xt, gath, w)

  return mx, mn, s1, s2


def kernel(x, W1, g1, b1, W2, g2, b2, W3, g3, b3):
  xt = jnp.swapaxes(x, 1, 2)
  y1 = _stage(xt, x, W1, g1, b1)
  r1 = jnp.swapaxes(y1, 1, 2)
  y2 = _stage(y1, r1, W2, g2, b2)
  r2 = jnp.swapaxes(y2, 1, 2)
  y3 = _stage(y2, r2, W3, g3, b3)
  r3 = jnp.swapaxes(y3, 1, 2)
  return (r3, r1, r2, r3)

# --- scband reference (transcript-rebuilt; emitter-appended) ---
"""Pipeline reference for scband-dgcnnaggregation-91156385890644 (READ-ONLY COPY).

The authoritative reference and input builder live on the scoring server;
editing this copy changes nothing except your own understanding.
"""

import jax, jax.numpy as jnp
import numpy as np

NODES = [[3, 64], [64, 64], [64, 128]]
K = 20
B, C_IN, N = 8, 3, 2048


def setup_inputs(seed: int = 0) -> dict:
    key = jax.random.key(seed)
    ks = jax.random.split(key, 8)
    inp = {"x": jax.random.normal(ks[0], (B, C_IN, N), dtype=jnp.float32)}
    i = 1
    conv = 1
    for node_list in NODES:
        for li, (cin, cout) in enumerate(zip(node_list[:-1], node_list[1:])):
            if li == 0:
                cin = cin * 2
            inp[f"W{conv}"] = jax.random.normal(ks[i], (cout, cin), dtype=jnp.float32) * 0.05
            inp[f"g{conv}"] = jnp.ones((cout,), dtype=jnp.float32)
            inp[f"b{conv}"] = jnp.zeros((cout,), dtype=jnp.float32)
            i += 1
            conv += 1
    return inp


def _get_graph_feature(x, k):
    # x: [B, C, N]
    b = x.shape[0]
    xt = jnp.swapaxes(x, 1, 2)                      # [B, N, C]
    inner = -2.0 * jnp.matmul(xt, x)                # [B, N, N]
    xx = jnp.sum(x ** 2, axis=1, keepdims=True)     # [B, 1, N]
    pairwise = -xx - inner - jnp.swapaxes(xx, 1, 2) # [B, N, N] (negative sq dist)
    _, idx = jax.lax.top_k(pairwise, k)             # [B, N, k]
    feature = xt[jnp.arange(b)[:, None, None], idx] # gather -> [B, N, k, C]
    x_center = jnp.broadcast_to(xt[:, :, None, :], feature.shape)
    feat = jnp.concatenate([feature - x_center, x_center], axis=3)  # [B, N, k, 2C]
    return jnp.transpose(feat, (0, 3, 1, 2))        # [B, 2C, N, k]


def _conv_bn_lrelu(feat, W, g, b):
    y = jnp.einsum('oi,bink->bonk', W, feat)
    mean = jnp.mean(y, axis=(0, 2, 3), keepdims=True)
    var = jnp.var(y, axis=(0, 2, 3), keepdims=True)  # biased var (BN train mode)
    y = (y - mean) / jnp.sqrt(var + 1e-5)
    y = y * g[None, :, None, None] + b[None, :, None, None]
    return jnp.where(y >= 0, y, 0.2 * y)


def reference(x, W1, g1, b1, W2, g2, b2, W3, g3, b3):
    params = [(W1, g1, b1), (W2, g2, b2), (W3, g3, b3)]
    results = []
    conv = 0
    cur = x
    for node_list in NODES:
        feat = _get_graph_feature(cur, K)
        for _ in range(len(node_list) - 1):
            W, g, b = params[conv]
            feat = _conv_bn_lrelu(feat, W, g, b)
            conv += 1
        cur = jnp.max(feat, axis=-1)  # [B, C_out, N]
        results.append(cur)
    return (cur,) + tuple(results)

if __name__ == "__main__":
    import jax
    _d = setup_inputs()
    print(jax.jit(kernel)(*tuple(_d.values())))

</pallas_src>

<mosaic_0001>
#map = affine_map<(d0, d1) -> (0, 0)>
#map1 = affine_map<(d0, d1) -> (0)>
module attributes {stable_mosaic.version = 14 : i64} {
  func.func @gather(%arg0: i32, %arg1: i32, %arg2: memref<8192x64xf32, #tpu.memory_space<hbm>>, %arg3: memref<163840xi32, #tpu.memory_space<hbm>>, %arg4: memref<163840x64xf32, #tpu.memory_space<hbm>>, %arg5: memref<5120xi32, #tpu.memory_space<vmem>>, %arg6: memref<1024x64xf32, #tpu.memory_space<vmem>>, %arg7: memref<!tpu.dma_semaphore, #tpu.memory_space<semaphore_mem>>) attributes {dimension_semantics = [#tpu.dimension_semantics<core_parallel>, #tpu.dimension_semantics<subcore_parallel>], iteration_bounds = array<i64: 2, 16>, scalar_prefetch = 0 : i64, scratch_operands = 3 : i64, tpu.core_type = #tpu.core_type<sc_vector_subcore>, window_params = [{transform_indices = #map}, {transform_indices = #map1}, {transform_indices = #map}]} {
    %mul3A = arith.constant 2 : i32
    %mul3A_0 = arith.muli %arg1, %mul3A : i32
    %add3A = arith.addi %mul3A_0, %arg0 : i32
    %mul3A_1 = arith.constant 5120 : i32
    %mul3A_2 = arith.muli %add3A, %mul3A_1 : i32
    "tpu.region"() ({
      %run_scoped3A = tpu.sem_alloc : memref<!tpu.dma_semaphore, #tpu.memory_space<semaphore_mem>>
      %dma_start3A = tpu.memref_slice %arg3[%mul3A_2] : memref<163840xi32, #tpu.memory_space<hbm>> -> memref<5120xi32, #tpu.memory_space<hbm>>
      %dma_start3A_8 = tpu.memref_slice %arg3[%mul3A_2] : memref<163840xi32, #tpu.memory_space<hbm>> -> memref<5120xi32, #tpu.memory_space<hbm>>
      tpu.enqueue_dma source(%dma_start3A_8 : memref<5120xi32, #tpu.memory_space<hbm>>) target(%arg5 : memref<5120xi32, #tpu.memory_space<vmem>>) target_semaphore(%run_scoped3A : memref<!tpu.dma_semaphore, #tpu.memory_space<semaphore_mem>>)
      %dma_wait3A = tpu.memref_slice %arg3[%mul3A_2] : memref<163840xi32, #tpu.memory_space<hbm>> -> memref<5120xi32, #tpu.memory_space<hbm>>
      %dma_wait3A_9 = tpu.memref_slice %arg3[%mul3A_2] : memref<163840xi32, #tpu.memory_space<hbm>> -> memref<5120xi32, #tpu.memory_space<hbm>>
      tpu.wait_dma2 semaphore(%run_scoped3A : memref<!tpu.dma_semaphore, #tpu.memory_space<semaphore_mem>>) src(%dma_wait3A_9 : memref<5120xi32, #tpu.memory_space<hbm>>) dst(%arg5 : memref<5120xi32, #tpu.memory_space<vmem>>)
      tpu.yield
    }) : () -> ()
    %scan3A = arith.constant 0 : i32
    %scan3A_3 = arith.constant 0 : i32
    %scan3A_4 = arith.constant 5 : i32
    %scan3A_5 = arith.addi %scan3A_3, %scan3A_4 : i32
    %scan3A_6 = arith.constant 1 : i32
    scf.for %scan3A_8 = %scan3A_3 to %scan3A_5 step %scan3A_6  : i32 {
      %mul3A_9 = arith.constant 1024 : i32
      %mul3A_10 = arith.muli %scan3A_8, %mul3A_9 : i32
      %add3A_11 = arith.constant 0 : i32
      %add3A_12 = arith.addi %mul3A_10, %add3A_11 : i32
      %dma_start3A = arith.constant 0 : i32
      %dma_start3A_13 = arith.constant 0 : i32
      %dma_start3A_14 = tpu.memref_slice %arg6[%dma_start3A, %dma_start3A_13] : memref<1024x64xf32, #tpu.memory_space<vmem>> -> memref<128x64xf32, #tpu.memory_space<vmem>>
      %dma_start3A_15 = tpu.memref_slice %arg5[%add3A_12] : memref<5120xi32, #tpu.memory_space<vmem>> -> memref<128xi32, #tpu.memory_space<vmem>>
      %dma_start3A_16 = arith.constant 0 : i32
      %dma_start3A_17 = arith.constant 0 : i32
      %dma_start3A_18 = tpu.memref_slice %arg2[%dma_start3A_16, %dma_start3A_17] : memref<8192x64xf32, #tpu.memory_space<hbm>> -> memref<8192x64xf32, #tpu.memory_space<hbm>>
      tpu.enqueue_indirect_dma source(%dma_start3A_18 : memref<8192x64xf32, #tpu.memory_space<hbm>>) target(%dma_start3A_14 : memref<128x64xf32, #tpu.memory_space<vmem>>) offsets(%dma_start3A_15 : memref<128xi32, #tpu.memory_space<vmem>>) semaphore(%arg7 : memref<!tpu.dma_semaphore, #tpu.memory_space<semaphore_mem>>)
      %add3A_19 = arith.constant 128 : i32
      %add3A_20 = arith.addi %mul3A_10, %add3A_19 : i32
      %dma_start3A_21 = arith.constant 128 : i32
      %dma_start3A_22 = arith.constant 0 : i32
      %dma_start3A_23 = tpu.memref_slice %arg6[%dma_start3A_21, %dma_start3A_22] : memref<1024x64xf32, #tpu.memory_space<vmem>> -> memref<128x64xf32, #tpu.memory_space<vmem>>
      %dma_start3A_24 = tpu.memref_slice %arg5[%add3A_20] : memref<5120xi32, #tpu.memory_space<vmem>> -> memref<128xi32, #tpu.memory_space<vmem>>
      %dma_start3A_25 = arith.constant 0 : i32
      %dma_start3A_26 = arith.constant 0 : i32
      %dma_start3A_27 = tpu.memref_slice %arg2[%dma_start3A_25, %dma_start3A_26] : memref<8192x64xf32, #tpu.memory_space<hbm>> -> memref<8192x64xf32, #tpu.memory_space<hbm>>
      tpu.enqueue_indirect_dma source(%dma_start3A_27 : memref<8192x64xf32, #tpu.memory_space<hbm>>) target(%dma_start3A_23 : memref<128x64xf32, #tpu.memory_space<vmem>>) offsets(%dma_start3A_24 : memref<128xi32, #tpu.memory_space<vmem>>) semaphore(%arg7 : memref<!tpu.dma_semaphore, #tpu.memory_space<semaphore_mem>>)
      %add3A_28 = arith.constant 256 : i32
      %add3A_29 = arith.addi %mul3A_10, %add3A_28 : i32
      %dma_start3A_30 = arith.constant 256 : i32
      %dma_start3A_31 = arith.constant 0 : i32
      %dma_start3A_32 = tpu.memref_slice %arg6[%dma_start3A_30, %dma_start3A_31] : memref<1024x64xf32, #tpu.memory_space<vmem>> -> memref<128x64xf32, #tpu.memory_space<vmem>>
      %dma_start3A_33 = tpu.memref_slice %arg5[%add3A_29] : memref<5120xi32, #tpu.memory_space<vmem>> -> memref<128xi32, #tpu.memory_space<vmem>>
      %dma_start3A_34 = arith.constant 0 : i32
      %dma_start3A_35 = arith.constant 0 : i32
      %dma_start3A_36 = tpu.memref_slice %arg2[%dma_start3A_34, %dma_start3A_35] : memref<8192x64xf32, #tpu.memory_space<hbm>> -> memref<8192x64xf32, #tpu.memory_space<hbm>>
      tpu.enqueue_indirect_dma source(%dma_start3A_36 : memref<8192x64xf32, #tpu.memory_space<hbm>>) target(%dma_start3A_32 : memref<128x64xf32, #tpu.memory_space<vmem>>) offsets(%dma_start3A_33 : memref<128xi32, #tpu.memory_space<vmem>>) semaphore(%arg7 : memref<!tpu.dma_semaphore, #tpu.memory_space<semaphore_mem>>)
      %add3A_37 = arith.constant 384 : i32
      %add3A_38 = arith.addi %mul3A_10, %add3A_37 : i32
      %dma_start3A_39 = arith.constant 384 : i32
      %dma_start3A_40 = arith.constant 0 : i32
      %dma_start3A_41 = tpu.memref_slice %arg6[%dma_start3A_39, %dma_start3A_40] : memref<1024x64xf32, #tpu.memory_space<vmem>> -> memref<128x64xf32, #tpu.memory_space<vmem>>
      %dma_start3A_42 = tpu.memref_slice %arg5[%add3A_38] : memref<5120xi32, #tpu.memory_space<vmem>> -> memref<128xi32, #tpu.memory_space<vmem>>
      %dma_start3A_43 = arith.constant 0 : i32
      %dma_start3A_44 = arith.constant 0 : i32
      %dma_start3A_45 = tpu.memref_slice %arg2[%dma_start3A_43, %dma_start3A_44] : memref<8192x64xf32, #tpu.memory_space<hbm>> -> memref<8192x64xf32, #tpu.memory_space<hbm>>
      tpu.enqueue_indirect_dma source(%dma_start3A_45 : memref<8192x64xf32, #tpu.memory_space<hbm>>) target(%dma_start3A_41 : memref<128x64xf32, #tpu.memory_space<vmem>>) offsets(%dma_start3A_42 : memref<128xi32, #tpu.memory_space<vmem>>) semaphore(%arg7 : memref<!tpu.dma_semaphore, #tpu.memory_space<semaphore_mem>>)
      %add3A_46 = arith.constant 512 : i32
      %add3A_47 = arith.addi %mul3A_10, %add3A_46 : i32
      %dma_start3A_48 = arith.constant 512 : i32
      %dma_start3A_49 = arith.constant 0 : i32
      %dma_start3A_50 = tpu.memref_slice %arg6[%dma_start3A_48, %dma_start3A_49] : memref<1024x64xf32, #tpu.memory_space<vmem>> -> memref<128x64xf32, #tpu.memory_space<vmem>>
      %dma_start3A_51 = tpu.memref_slice %arg5[%add3A_47] : memref<5120xi32, #tpu.memory_space<vmem>> -> memref<128xi32, #tpu.memory_space<vmem>>
      %dma_start3A_52 = arith.constant 0 : i32
      %dma_start3A_53 = arith.constant 0 : i32
      %dma_start3A_54 = tpu.memref_slice %arg2[%dma_start3A_52, %dma_start3A_53] : memref<8192x64xf32, #tpu.memory_space<hbm>> -> memref<8192x64xf32, #tpu.memory_space<hbm>>
      tpu.enqueue_indirect_dma source(%dma_start3A_54 : memref<8192x64xf32, #tpu.memory_space<hbm>>) target(%dma_start3A_50 : memref<128x64xf32, #tpu.memory_space<vmem>>) offsets(%dma_start3A_51 : memref<128xi32, #tpu.memory_space<vmem>>) semaphore(%arg7 : memref<!tpu.dma_semaphore, #tpu.memory_space<semaphore_mem>>)
      %add3A_55 = arith.constant 640 : i32
      %add3A_56 = arith.addi %mul3A_10, %add3A_55 : i32
      %dma_start3A_57 = arith.constant 640 : i32
      %dma_start3A_58 = arith.constant 0 : i32
      %dma_start3A_59 = tpu.memref_slice %arg6[%dma_start3A_57, %dma_start3A_58] : memref<1024x64xf32, #tpu.memory_space<vmem>> -> memref<128x64xf32, #tpu.memory_space<vmem>>
      %dma_start3A_60 = tpu.memref_slice %arg5[%add3A_56] : memref<5120xi32, #tpu.memory_space<vmem>> -> memref<128xi32, #tpu.memory_space<vmem>>
      %dma_start3A_61 = arith.constant 0 : i32
      %dma_start3A_62 = arith.constant 0 : i32
      %dma_start3A_63 = tpu.memref_slice %arg2[%dma_start3A_61, %dma_start3A_62] : memref<8192x64xf32, #tpu.memory_space<hbm>> -> memref<8192x64xf32, #tpu.memory_space<hbm>>
      tpu.enqueue_indirect_dma source(%dma_start3A_63 : memref<8192x64xf32, #tpu.memory_space<hbm>>) target(%dma_start3A_59 : memref<128x64xf32, #tpu.memory_space<vmem>>) offsets(%dma_start3A_60 : memref<128xi32, #tpu.memory_space<vmem>>) semaphore(%arg7 : memref<!tpu.dma_semaphore, #tpu.memory_space<semaphore_mem>>)
      %add3A_64 = arith.constant 768 : i32
      %add3A_65 = arith.addi %mul3A_10, %add3A_64 : i32
      %dma_start3A_66 = arith.constant 768 : i32
      %dma_start3A_67 = arith.constant 0 : i32
      %dma_start3A_68 = tpu.memref_slice %arg6[%dma_start3A_66, %dma_start3A_67] : memref<1024x64xf32, #tpu.memory_space<vmem>> -> memref<128x64xf32, #tpu.memory_space<vmem>>
      %dma_start3A_69 = tpu.memref_slice %arg5[%add3A_65] : memref<5120xi32, #tpu.memory_space<vmem>> -> memref<128xi32, #tpu.memory_space<vmem>>
      %dma_start3A_70 = arith.constant 0 : i32
      %dma_start3A_71 = arith.constant 0 : i32
      %dma_start3A_72 = tpu.memref_slice %arg2[%dma_start3A_70, %dma_start3A_71] : memref<8192x64xf32, #tpu.memory_space<hbm>> -> memref<8192x64xf32, #tpu.memory_space<hbm>>
      tpu.enqueue_indirect_dma source(%dma_start3A_72 : memref<8192x64xf32, #tpu.memory_space<hbm>>) target(%dma_start3A_68 : memref<128x64xf32, #tpu.memory_space<vmem>>) offsets(%dma_start3A_69 : memref<128xi32, #tpu.memory_space<vmem>>) semaphore(%arg7 : memref<!tpu.dma_semaphore, #tpu.memory_space<semaphore_mem>>)
      %add3A_73 = arith.constant 896 : i32
      %add3A_74 = arith.addi %mul3A_10, %add3A_73 : i32
      %dma_start3A_75 = arith.constant 896 : i32
      %dma_start3A_76 = arith.constant 0 : i32
      %dma_start3A_77 = tpu.memref_slice %arg6[%dma_start3A_75, %dma_start3A_76] : memref<1024x64xf32, #tpu.memory_space<vmem>> -> memref<128x64xf32, #tpu.memory_space<vmem>>
      %dma_start3A_78 = tpu.memref_slice %arg5[%add3A_74] : memref<5120xi32, #tpu.memory_space<vmem>> -> memref<128xi32, #tpu.memory_space<vmem>>
      %dma_start3A_79 = arith.constant 0 : i32
      %dma_start3A_80 = arith.constant 0 : i32
      %dma_start3A_81 = tpu.memref_slice %arg2[%dma_start3A_79, %dma_start3A_80] : memref<8192x64xf32, #tpu.memory_space<hbm>> -> memref<8192x64xf32, #tpu.memory_space<hbm>>
      tpu.enqueue_indirect_dma source(%dma_start3A_81 : memref<8192x64xf32, #tpu.memory_space<hbm>>) target(%dma_start3A_77 : memref<128x64xf32, #tpu.memory_space<vmem>>) offsets(%dma_start3A_78 : memref<128xi32, #tpu.memory_space<vmem>>) semaphore(%arg7 : memref<!tpu.dma_semaphore, #tpu.memory_space<semaphore_mem>>)
      %dma_wait3A = arith.constant 0 : i32
      %dma_wait3A_82 = arith.constant 0 : i32
      %dma_wait3A_83 = tpu.memref_slice %arg6[%dma_wait3A, %dma_wait3A_82] : memref<1024x64xf32, #tpu.memory_space<vmem>> -> memref<128x64xf32, #tpu.memory_space<vmem>>
      %dma_wait3A_84 = tpu.memref_slice %arg5[%add3A_12] : memref<5120xi32, #tpu.memory_space<vmem>> -> memref<128xi32, #tpu.memory_space<vmem>>
      %dma_wait3A_85 = arith.constant 0 : i32
      %dma_wait3A_86 = arith.constant 0 : i32
      %dma_wait3A_87 = tpu.memref_slice %arg2[%dma_wait3A_85, %dma_wait3A_86] : memref<8192x64xf32, #tpu.memory_space<hbm>> -> memref<8192x64xf32, #tpu.memory_space<hbm>>
      tpu.wait_indirect_dma semaphore(%arg7 : memref<!tpu.dma_semaphore, #tpu.memory_space<semaphore_mem>>) src(%dma_wait3A_87 : memref<8192x64xf32, #tpu.memory_space<hbm>>) dst(%dma_wait3A_83 : memref<128x64xf32, #tpu.memory_space<vmem>>)
      %dma_wait3A_88 = arith.constant 128 : i32
      %dma_wait3A_89 = arith.constant 0 : i32
      %dma_wait3A_90 = tpu.memref_slice %arg6[%dma_wait3A_88, %dma_wait3A_89] : memref<1024x64xf32, #tpu.memory_space<vmem>> -> memref<128x64xf32, #tpu.memory_space<vmem>>
      %dma_wait3A_91 = tpu.memref_slice %arg5[%add3A_20] : memref<5120xi32, #tpu.memory_space<vmem>> -> memref<128xi32, #tpu.memory_space<vmem>>
      %dma_wait3A_92 = arith.constant 0 : i32
      %dma_wait3A_93 = arith.constant 0 : i32
      %dma_wait3A_94 = tpu.memref_slice %arg2[%dma_wait3A_92, %dma_wait3A_93] : memref<8192x64xf32, #tpu.memory_space<hbm>> -> memref<8192x64xf32, #tpu.memory_space<hbm>>
      tpu.wait_indirect_dma semaphore(%arg7 : memref<!tpu.dma_semaphore, #tpu.memory_space<semaphore_mem>>) src(%dma_wait3A_94 : memref<8192x64xf32, #tpu.memory_space<hbm>>) dst(%dma_wait3A_90 : memref<128x64xf32, #tpu.memory_space<vmem>>)
      %dma_wait3A_95 = arith.constant 256 : i32
      %dma_wait3A_96 = arith.constant 0 : i32
      %dma_wait3A_97 = tpu.memref_slice %arg6[%dma_wait3A_95, %dma_wait3A_96] : memref<1024x64xf32, #tpu.memory_space<vmem>> -> memref<128x64xf32, #tpu.memory_space<vmem>>
      %dma_wait3A_98 = tpu.memref_slice %arg5[%add3A_29] : memref<5120xi32, #tpu.memory_space<vmem>> -> memref<128xi32, #tpu.memory_space<vmem>>
      %dma_wait3A_99 = arith.constant 0 : i32
      %dma_wait3A_100 = arith.constant 0 : i32
      %dma_wait3A_101 = tpu.memref_slice %arg2[%dma_wait3A_99, %dma_wait3A_100] : memref<8192x64xf32, #tpu.memory_space<hbm>> -> memref<8192x64xf32, #tpu.memory_space<hbm>>
      tpu.wait_indirect_dma semaphore(%arg7 : memref<!tpu.dma_semaphore, #tpu.memory_space<semaphore_mem>>) src(%dma_wait3A_101 : memref<8192x64xf32, #tpu.memory_space<hbm>>) dst(%dma_wait3A_97 : memref<128x64xf32, #tpu.memory_space<vmem>>)
      %dma_wait3A_102 = arith.constant 384 : i32
      %dma_wait3A_103 = arith.constant 0 : i32
      %dma_wait3A_104 = tpu.memref_slice %arg6[%dma_wait3A_102, %dma_wait3A_103] : memref<1024x64xf32, #tpu.memory_space<vmem>> -> memref<128x64xf32, #tpu.memory_space<vmem>>
      %dma_wait3A_105 = tpu.memref_slice %arg5[%add3A_38] : memref<5120xi32, #tpu.memory_space<vmem>> -> memref<128xi32, #tpu.memory_space<vmem>>
      %dma_wait3A_106 = arith.constant 0 : i32
      %dma_wait3A_107 = arith.constant 0 : i32
      %dma_wait3A_108 = tpu.memref_slice %arg2[%dma_wait3A_106, %dma_wait3A_107] : memref<8192x64xf32, #tpu.memory_space<hbm>> -> memref<8192x64xf32, #tpu.memory_space<hbm>>
      tpu.wait_indirect_dma semaphore(%arg7 : memref<!tpu.dma_semaphore, #tpu.memory_space<semaphore_mem>>) src(%dma_wait3A_108 : memref<8192x64xf32, #tpu.memory_space<hbm>>) dst(%dma_wait3A_104 : memref<128x64xf32, #tpu.memory_space<vmem>>)
      %dma_wait3A_109 = arith.constant 512 : i32
      %dma_wait3A_110 = arith.constant 0 : i32
      %dma_wait3A_111 = tpu.memref_slice %arg6[%dma_wait3A_109, %dma_wait3A_110] : memref<1024x64xf32, #tpu.memory_space<vmem>> -> memref<128x64xf32, #tpu.memory_space<vmem>>
      %dma_wait3A_112 = tpu.memref_slice %arg5[%add3A_47] : memref<5120xi32, #tpu.memory_space<vmem>> -> memref<128xi32, #tpu.memory_space<vmem>>
      %dma_wait3A_113 = arith.constant 0 : i32
      %dma_wait3A_114 = arith.constant 0 : i32
      %dma_wait3A_115 = tpu.memref_slice %arg2[%dma_wait3A_113, %dma_wait3A_114] : memref<8192x64xf32, #tpu.memory_space<hbm>> -> memref<8192x64xf32, #tpu.memory_space<hbm>>
      tpu.wait_indirect_dma semaphore(%arg7 : memref<!tpu.dma_semaphore, #tpu.memory_space<semaphore_mem>>) src(%dma_wait3A_115 : memref<8192x64xf32, #tpu.memory_space<hbm>>) dst(%dma_wait3A_111 : memref<128x64xf32, #tpu.memory_space<vmem>>)
      %dma_wait3A_116 = arith.constant 640 : i32
      %dma_wait3A_117 = arith.constant 0 : i32
      %dma_wait3A_118 = tpu.memref_slice %arg6[%dma_wait3A_116, %dma_wait3A_117] : memref<1024x64xf32, #tpu.memory_space<vmem>> -> memref<128x64xf32, #tpu.memory_space<vmem>>
      %dma_wait3A_119 = tpu.memref_slice %arg5[%add3A_56] : memref<5120xi32, #tpu.memory_space<vmem>> -> memref<128xi32, #tpu.memory_space<vmem>>
      %dma_wait3A_120 = arith.constant 0 : i32
      %dma_wait3A_121 = arith.constant 0 : i32
      %dma_wait3A_122 = tpu.memref_slice %arg2[%dma_wait3A_120, %dma_wait3A_121] : memref<8192x64xf32, #tpu.memory_space<hbm>> -> memref<8192x64xf32, #tpu.memory_space<hbm>>
      tpu.wait_indirect_dma semaphore(%arg7 : memref<!tpu.dma_semaphore, #tpu.memory_space<semaphore_mem>>) src(%dma_wait3A_122 : memref<8192x64xf32, #tpu.memory_space<hbm>>) dst(%dma_wait3A_118 : memref<128x64xf32, #tpu.memory_space<vmem>>)
      %dma_wait3A_123 = arith.constant 768 : i32
      %dma_wait3A_124 = arith.constant 0 : i32
      %dma_wait3A_125 = tpu.memref_slice %arg6[%dma_wait3A_123, %dma_wait3A_124] : memref<1024x64xf32, #tpu.memory_space<vmem>> -> memref<128x64xf32, #tpu.memory_space<vmem>>
      %dma_wait3A_126 = tpu.memref_slice %arg5[%add3A_65] : memref<5120xi32, #tpu.memory_space<vmem>> -> memref<128xi32, #tpu.memory_space<vmem>>
      %dma_wait3A_127 = arith.constant 0 : i32
      %dma_wait3A_128 = arith.constant 0 : i32
      %dma_wait3A_129 = tpu.memref_slice %arg2[%dma_wait3A_127, %dma_wait3A_128] : memref<8192x64xf32, #tpu.memory_space<hbm>> -> memref<8192x64xf32, #tpu.memory_space<hbm>>
      tpu.wait_indirect_dma semaphore(%arg7 : memref<!tpu.dma_semaphore, #tpu.memory_space<semaphore_mem>>) src(%dma_wait3A_129 : memref<8192x64xf32, #tpu.memory_space<hbm>>) dst(%dma_wait3A_125 : memref<128x64xf32, #tpu.memory_space<vmem>>)
      %dma_wait3A_130 = arith.constant 896 : i32
      %dma_wait3A_131 = arith.constant 0 : i32
      %dma_wait3A_132 = tpu.memref_slice %arg6[%dma_wait3A_130, %dma_wait3A_131] : memref<1024x64xf32, #tpu.memory_space<vmem>> -> memref<128x64xf32, #tpu.memory_space<vmem>>
      %dma_wait3A_133 = tpu.memref_slice %arg5[%add3A_74] : memref<5120xi32, #tpu.memory_space<vmem>> -> memref<128xi32, #tpu.memory_space<vmem>>
      %dma_wait3A_134 = arith.constant 0 : i32
      %dma_wait3A_135 = arith.constant 0 : i32
      %dma_wait3A_136 = tpu.memref_slice %arg2[%dma_wait3A_134, %dma_wait3A_135] : memref<8192x64xf32, #tpu.memory_space<hbm>> -> memref<8192x64xf32, #tpu.memory_space<hbm>>
      tpu.wait_indirect_dma semaphore(%arg7 : memref<!tpu.dma_semaphore, #tpu.memory_space<semaphore_mem>>) src(%dma_wait3A_136 : memref<8192x64xf32, #tpu.memory_space<hbm>>) dst(%dma_wait3A_132 : memref<128x64xf32, #tpu.memory_space<vmem>>)
      %add3A_137 = arith.addi %mul3A_2, %mul3A_10 : i32
      "tpu.region"() ({
        %run_scoped3A = tpu.sem_alloc : memref<!tpu.dma_semaphore, #tpu.memory_space<semaphore_mem>>
        %dma_start3A_138 = arith.constant 0 : i32
        %dma_start3A_139 = tpu.memref_slice %arg4[%add3A_137, %dma_start3A_138] : memref<163840x64xf32, #tpu.memory_space<hbm>> -> memref<1024x64xf32, #tpu.memory_space<hbm>>
        %dma_start3A_140 = arith.constant 0 : i32
        %dma_start3A_141 = tpu.memref_slice %arg4[%add3A_137, %dma_start3A_140] : memref<163840x64xf32, #tpu.memory_space<hbm>> -> memref<1024x64xf32, #tpu.memory_space<hbm>>
        tpu.enqueue_dma source(%arg6 : memref<1024x64xf32, #tpu.memory_space<vmem>>) target(%dma_start3A_141 : memref<1024x64xf32, #tpu.memory_space<hbm>>) target_semaphore(%run_scoped3A : memref<!tpu.dma_semaphore, #tpu.memory_space<semaphore_mem>>)
        %dma_wait3A_142 = arith.constant 0 : i32
        %dma_wait3A_143 = tpu.memref_slice %arg4[%add3A_137, %dma_wait3A_142] : memref<163840x64xf32, #tpu.memory_space<hbm>> -> memref<1024x64xf32, #tpu.memory_space<hbm>>
        %dma_wait3A_144 = arith.constant 0 : i32
        %dma_wait3A_145 = tpu.memref_slice %arg4[%add3A_137, %dma_wait3A_144] : memref<163840x64xf32, #tpu.memory_space<hbm>> -> memref<1024x64xf32, #tpu.memory_space<hbm>>
        tpu.wait_dma2 semaphore(%run_scoped3A : memref<!tpu.dma_semaphore, #tpu.memory_space<semaphore_mem>>) src(%arg6 : memref<1024x64xf32, #tpu.memory_space<vmem>>) dst(%dma_wait3A_145 : memref<1024x64xf32, #tpu.memory_space<hbm>>)
        tpu.yield
      }) : () -> ()
    }
    %scan3A_7 = arith.constant 5 : i32
    return
  }
}

#map = affine_map<(d0, d1) -> (0, 0)>
#map1 = affine_map<(d0, d1) -> (0)>
module attributes {stable_mosaic.version = 14 : i64} {
  func.func @gather(%arg0: i32, %arg1: i32, %arg2: memref<8192x16xf32, #tpu.memory_space<hbm>>, %arg3: memref<163840xi32, #tpu.memory_space<hbm>>, %arg4: memref<163840x16xf32, #tpu.memory_space<hbm>>, %arg5: memref<5120xi32, #tpu.memory_space<vmem>>, %arg6: memref<1024x16xf32, #tpu.memory_space<vmem>>, %arg7: memref<!tpu.dma_semaphore, #tpu.memory_space<semaphore_mem>>) attributes {dimension_semantics = [#tpu.dimension_semantics<core_parallel>, #tpu.dimension_semantics<subcore_parallel>], iteration_bounds = array<i64: 2, 16>, scalar_prefetch = 0 : i64, scratch_operands = 3 : i64, tpu.core_type = #tpu.core_type<sc_vector_subcore>, window_params = [{transform_indices = #map}, {transform_indices = #map1}, {transform_indices = #map}]} {
    %mul3A = arith.constant 2 : i32
    %mul3A_0 = arith.muli %arg1, %mul3A : i32
    %add3A = arith.addi %mul3A_0, %arg0 : i32
    %mul3A_1 = arith.constant 5120 : i32
    %mul3A_2 = arith.muli %add3A, %mul3A_1 : i32
    "tpu.region"() ({
      %run_scoped3A = tpu.sem_alloc : memref<!tpu.dma_semaphore, #tpu.memory_space<semaphore_mem>>
      %dma_start3A = tpu.memref_slice %arg3[%mul3A_2] : memref<163840xi32, #tpu.memory_space<hbm>> -> memref<5120xi32, #tpu.memory_space<hbm>>
      %dma_start3A_8 = tpu.memref_slice %arg3[%mul3A_2] : memref<163840xi32, #tpu.memory_space<hbm>> -> memref<5120xi32, #tpu.memory_space<hbm>>
      tpu.enqueue_dma source(%dma_start3A_8 : memref<5120xi32, #tpu.memory_space<hbm>>) target(%arg5 : memref<5120xi32, #tpu.memory_space<vmem>>) target_semaphore(%run_scoped3A : memref<!tpu.dma_semaphore, #tpu.memory_space<semaphore_mem>>)
      %dma_wait3A = tpu.memref_slice %arg3[%mul3A_2] : memref<163840xi32, #tpu.memory_space<hbm>> -> memref<5120xi32, #tpu.memory_space<hbm>>
      %dma_wait3A_9 = tpu.memref_slice %arg3[%mul3A_2] : memref<163840xi32, #tpu.memory_space<hbm>> -> memref<5120xi32, #tpu.memory_space<hbm>>
      tpu.wait_dma2 semaphore(%run_scoped3A : memref<!tpu.dma_semaphore, #tpu.memory_space<semaphore_mem>>) src(%dma_wait3A_9 : memref<5120xi32, #tpu.memory_space<hbm>>) dst(%arg5 : memref<5120xi32, #tpu.memory_space<vmem>>)
      tpu.yield
    }) : () -> ()
    %scan3A = arith.constant 0 : i32
    %scan3A_3 = arith.constant 0 : i32
    %scan3A_4 = arith.constant 5 : i32
    %scan3A_5 = arith.addi %scan3A_3, %scan3A_4 : i32
    %scan3A_6 = arith.constant 1 : i32
    scf.for %scan3A_8 = %scan3A_3 to %scan3A_5 step %scan3A_6  : i32 {
      %mul3A_9 = arith.constant 1024 : i32
      %mul3A_10 = arith.muli %scan3A_8, %mul3A_9 : i32
      %add3A_11 = arith.constant 0 : i32
      %add3A_12 = arith.addi %mul3A_10, %add3A_11 : i32
      %dma_start3A = arith.constant 0 : i32
      %dma_start3A_13 = arith.constant 0 : i32
      %dma_start3A_14 = tpu.memref_slice %arg6[%dma_start3A, %dma_start3A_13] : memref<1024x16xf32, #tpu.memory_space<vmem>> -> memref<128x16xf32, #tpu.memory_space<vmem>>
      %dma_start3A_15 = tpu.memref_slice %arg5[%add3A_12] : memref<5120xi32, #tpu.memory_space<vmem>> -> memref<128xi32, #tpu.memory_space<vmem>>
      %dma_start3A_16 = arith.constant 0 : i32
      %dma_start3A_17 = arith.constant 0 : i32
      %dma_start3A_18 = tpu.memref_slice %arg2[%dma_start3A_16, %dma_start3A_17] : memref<8192x16xf32, #tpu.memory_space<hbm>> -> memref<8192x16xf32, #tpu.memory_space<hbm>>
      tpu.enqueue_indirect_dma source(%dma_start3A_18 : memref<8192x16xf32, #tpu.memory_space<hbm>>) target(%dma_start3A_14 : memref<128x16xf32, #tpu.memory_space<vmem>>) offsets(%dma_start3A_15 : memref<128xi32, #tpu.memory_space<vmem>>) semaphore(%arg7 : memref<!tpu.dma_semaphore, #tpu.memory_space<semaphore_mem>>)
      %add3A_19 = arith.constant 128 : i32
      %add3A_20 = arith.addi %mul3A_10, %add3A_19 : i32
      %dma_start3A_21 = arith.constant 128 : i32
      %dma_start3A_22 = arith.constant 0 : i32
      %dma_start3A_23 = tpu.memref_slice %arg6[%dma_start3A_21, %dma_start3A_22] : memref<1024x16xf32, #tpu.memory_space<vmem>> -> memref<128x16xf32, #tpu.memory_space<vmem>>
      %dma_start3A_24 = tpu.memref_slice %arg5[%add3A_20] : memref<5120xi32, #tpu.memory_space<vmem>> -> memref<128xi32, #tpu.memory_space<vmem>>
      %dma_start3A_25 = arith.constant 0 : i32
      %dma_start3A_26 = arith.constant 0 : i32
      %dma_start3A_27 = tpu.memref_slice %arg2[%dma_start3A_25, %dma_start3A_26] : memref<8192x16xf32, #tpu.memory_space<hbm>> -> memref<8192x16xf32, #tpu.memory_space<hbm>>
      tpu.enqueue_indirect_dma source(%dma_start3A_27 : memref<8192x16xf32, #tpu.memory_space<hbm>>) target(%dma_start3A_23 : memref<128x16xf32, #tpu.memory_space<vmem>>) offsets(%dma_start3A_24 : memref<128xi32, #tpu.memory_space<vmem>>) semaphore(%arg7 : memref<!tpu.dma_semaphore, #tpu.memory_space<semaphore_mem>>)
      %add3A_28 = arith.constant 256 : i32
      %add3A_29 = arith.addi %mul3A_10, %add3A_28 : i32
      %dma_start3A_30 = arith.constant 256 : i32
      %dma_start3A_31 = arith.constant 0 : i32
      %dma_start3A_32 = tpu.memref_slice %arg6[%dma_start3A_30, %dma_start3A_31] : memref<1024x16xf32, #tpu.memory_space<vmem>> -> memref<128x16xf32, #tpu.memory_space<vmem>>
      %dma_start3A_33 = tpu.memref_slice %arg5[%add3A_29] : memref<5120xi32, #tpu.memory_space<vmem>> -> memref<128xi32, #tpu.memory_space<vmem>>
      %dma_start3A_34 = arith.constant 0 : i32
      %dma_start3A_35 = arith.constant 0 : i32
      %dma_start3A_36 = tpu.memref_slice %arg2[%dma_start3A_34, %dma_start3A_35] : memref<8192x16xf32, #tpu.memory_space<hbm>> -> memref<8192x16xf32, #tpu.memory_space<hbm>>
      tpu.enqueue_indirect_dma source(%dma_start3A_36 : memref<8192x16xf32, #tpu.memory_space<hbm>>) target(%dma_start3A_32 : memref<128x16xf32, #tpu.memory_space<vmem>>) offsets(%dma_start3A_33 : memref<128xi32, #tpu.memory_space<vmem>>) semaphore(%arg7 : memref<!tpu.dma_semaphore, #tpu.memory_space<semaphore_mem>>)
      %add3A_37 = arith.constant 384 : i32
      %add3A_38 = arith.addi %mul3A_10, %add3A_37 : i32
      %dma_start3A_39 = arith.constant 384 : i32
      %dma_start3A_40 = arith.constant 0 : i32
      %dma_start3A_41 = tpu.memref_slice %arg6[%dma_start3A_39, %dma_start3A_40] : memref<1024x16xf32, #tpu.memory_space<vmem>> -> memref<128x16xf32, #tpu.memory_space<vmem>>
      %dma_start3A_42 = tpu.memref_slice %arg5[%add3A_38] : memref<5120xi32, #tpu.memory_space<vmem>> -> memref<128xi32, #tpu.memory_space<vmem>>
      %dma_start3A_43 = arith.constant 0 : i32
      %dma_start3A_44 = arith.constant 0 : i32
      %dma_start3A_45 = tpu.memref_slice %arg2[%dma_start3A_43, %dma_start3A_44] : memref<8192x16xf32, #tpu.memory_space<hbm>> -> memref<8192x16xf32, #tpu.memory_space<hbm>>
      tpu.enqueue_indirect_dma source(%dma_start3A_45 : memref<8192x16xf32, #tpu.memory_space<hbm>>) target(%dma_start3A_41 : memref<128x16xf32, #tpu.memory_space<vmem>>) offsets(%dma_start3A_42 : memref<128xi32, #tpu.memory_space<vmem>>) semaphore(%arg7 : memref<!tpu.dma_semaphore, #tpu.memory_space<semaphore_mem>>)
      %add3A_46 = arith.constant 512 : i32
      %add3A_47 = arith.addi %mul3A_10, %add3A_46 : i32
      %dma_start3A_48 = arith.constant 512 : i32
      %dma_start3A_49 = arith.constant 0 : i32
      %dma_start3A_50 = tpu.memref_slice %arg6[%dma_start3A_48, %dma_start3A_49] : memref<1024x16xf32, #tpu.memory_space<vmem>> -> memref<128x16xf32, #tpu.memory_space<vmem>>
      %dma_start3A_51 = tpu.memref_slice %arg5[%add3A_47] : memref<5120xi32, #tpu.memory_space<vmem>> -> memref<128xi32, #tpu.memory_space<vmem>>
      %dma_start3A_52 = arith.constant 0 : i32
      %dma_start3A_53 = arith.constant 0 : i32
      %dma_start3A_54 = tpu.memref_slice %arg2[%dma_start3A_52, %dma_start3A_53] : memref<8192x16xf32, #tpu.memory_space<hbm>> -> memref<8192x16xf32, #tpu.memory_space<hbm>>
      tpu.enqueue_indirect_dma source(%dma_start3A_54 : memref<8192x16xf32, #tpu.memory_space<hbm>>) target(%dma_start3A_50 : memref<128x16xf32, #tpu.memory_space<vmem>>) offsets(%dma_start3A_51 : memref<128xi32, #tpu.memory_space<vmem>>) semaphore(%arg7 : memref<!tpu.dma_semaphore, #tpu.memory_space<semaphore_mem>>)
      %add3A_55 = arith.constant 640 : i32
      %add3A_56 = arith.addi %mul3A_10, %add3A_55 : i32
      %dma_start3A_57 = arith.constant 640 : i32
      %dma_start3A_58 = arith.constant 0 : i32
      %dma_start3A_59 = tpu.memref_slice %arg6[%dma_start3A_57, %dma_start3A_58] : memref<1024x16xf32, #tpu.memory_space<vmem>> -> memref<128x16xf32, #tpu.memory_space<vmem>>
      %dma_start3A_60 = tpu.memref_slice %arg5[%add3A_56] : memref<5120xi32, #tpu.memory_space<vmem>> -> memref<128xi32, #tpu.memory_space<vmem>>
      %dma_start3A_61 = arith.constant 0 : i32
      %dma_start3A_62 = arith.constant 0 : i32
      %dma_start3A_63 = tpu.memref_slice %arg2[%dma_start3A_61, %dma_start3A_62] : memref<8192x16xf32, #tpu.memory_space<hbm>> -> memref<8192x16xf32, #tpu.memory_space<hbm>>
      tpu.enqueue_indirect_dma source(%dma_start3A_63 : memref<8192x16xf32, #tpu.memory_space<hbm>>) target(%dma_start3A_59 : memref<128x16xf32, #tpu.memory_space<vmem>>) offsets(%dma_start3A_60 : memref<128xi32, #tpu.memory_space<vmem>>) semaphore(%arg7 : memref<!tpu.dma_semaphore, #tpu.memory_space<semaphore_mem>>)
      %add3A_64 = arith.constant 768 : i32
      %add3A_65 = arith.addi %mul3A_10, %add3A_64 : i32
      %dma_start3A_66 = arith.constant 768 : i32
      %dma_start3A_67 = arith.constant 0 : i32
      %dma_start3A_68 = tpu.memref_slice %arg6[%dma_start3A_66, %dma_start3A_67] : memref<1024x16xf32, #tpu.memory_space<vmem>> -> memref<128x16xf32, #tpu.memory_space<vmem>>
      %dma_start3A_69 = tpu.memref_slice %arg5[%add3A_65] : memref<5120xi32, #tpu.memory_space<vmem>> -> memref<128xi32, #tpu.memory_space<vmem>>
      %dma_start3A_70 = arith.constant 0 : i32
      %dma_start3A_71 = arith.constant 0 : i32
      %dma_start3A_72 = tpu.memref_slice %arg2[%dma_start3A_70, %dma_start3A_71] : memref<8192x16xf32, #tpu.memory_space<hbm>> -> memref<8192x16xf32, #tpu.memory_space<hbm>>
      tpu.enqueue_indirect_dma source(%dma_start3A_72 : memref<8192x16xf32, #tpu.memory_space<hbm>>) target(%dma_start3A_68 : memref<128x16xf32, #tpu.memory_space<vmem>>) offsets(%dma_start3A_69 : memref<128xi32, #tpu.memory_space<vmem>>) semaphore(%arg7 : memref<!tpu.dma_semaphore, #tpu.memory_space<semaphore_mem>>)
      %add3A_73 = arith.constant 896 : i32
      %add3A_74 = arith.addi %mul3A_10, %add3A_73 : i32
      %dma_start3A_75 = arith.constant 896 : i32
      %dma_start3A_76 = arith.constant 0 : i32
      %dma_start3A_77 = tpu.memref_slice %arg6[%dma_start3A_75, %dma_start3A_76] : memref<1024x16xf32, #tpu.memory_space<vmem>> -> memref<128x16xf32, #tpu.memory_space<vmem>>
      %dma_start3A_78 = tpu.memref_slice %arg5[%add3A_74] : memref<5120xi32, #tpu.memory_space<vmem>> -> memref<128xi32, #tpu.memory_space<vmem>>
      %dma_start3A_79 = arith.constant 0 : i32
      %dma_start3A_80 = arith.constant 0 : i32
      %dma_start3A_81 = tpu.memref_slice %arg2[%dma_start3A_79, %dma_start3A_80] : memref<8192x16xf32, #tpu.memory_space<hbm>> -> memref<8192x16xf32, #tpu.memory_space<hbm>>
      tpu.enqueue_indirect_dma source(%dma_start3A_81 : memref<8192x16xf32, #tpu.memory_space<hbm>>) target(%dma_start3A_77 : memref<128x16xf32, #tpu.memory_space<vmem>>) offsets(%dma_start3A_78 : memref<128xi32, #tpu.memory_space<vmem>>) semaphore(%arg7 : memref<!tpu.dma_semaphore, #tpu.memory_space<semaphore_mem>>)
      %dma_wait3A = arith.constant 0 : i32
      %dma_wait3A_82 = arith.constant 0 : i32
      %dma_wait3A_83 = tpu.memref_slice %arg6[%dma_wait3A, %dma_wait3A_82] : memref<1024x16xf32, #tpu.memory_space<vmem>> -> memref<128x16xf32, #tpu.memory_space<vmem>>
      %dma_wait3A_84 = tpu.memref_slice %arg5[%add3A_12] : memref<5120xi32, #tpu.memory_space<vmem>> -> memref<128xi32, #tpu.memory_space<vmem>>
      %dma_wait3A_85 = arith.constant 0 : i32
      %dma_wait3A_86 = arith.constant 0 : i32
      %dma_wait3A_87 = tpu.memref_slice %arg2[%dma_wait3A_85, %dma_wait3A_86] : memref<8192x16xf32, #tpu.memory_space<hbm>> -> memref<8192x16xf32, #tpu.memory_space<hbm>>
      tpu.wait_indirect_dma semaphore(%arg7 : memref<!tpu.dma_semaphore, #tpu.memory_space<semaphore_mem>>) src(%dma_wait3A_87 : memref<8192x16xf32, #tpu.memory_space<hbm>>) dst(%dma_wait3A_83 : memref<128x16xf32, #tpu.memory_space<vmem>>)
      %dma_wait3A_88 = arith.constant 128 : i32
      %dma_wait3A_89 = arith.constant 0 : i32
      %dma_wait3A_90 = tpu.memref_slice %arg6[%dma_wait3A_88, %dma_wait3A_89] : memref<1024x16xf32, #tpu.memory_space<vmem>> -> memref<128x16xf32, #tpu.memory_space<vmem>>
      %dma_wait3A_91 = tpu.memref_slice %arg5[%add3A_20] : memref<5120xi32, #tpu.memory_space<vmem>> -> memref<128xi32, #tpu.memory_space<vmem>>
      %dma_wait3A_92 = arith.constant 0 : i32
      %dma_wait3A_93 = arith.constant 0 : i32
      %dma_wait3A_94 = tpu.memref_slice %arg2[%dma_wait3A_92, %dma_wait3A_93] : memref<8192x16xf32, #tpu.memory_space<hbm>> -> memref<8192x16xf32, #tpu.memory_space<hbm>>
      tpu.wait_indirect_dma semaphore(%arg7 : memref<!tpu.dma_semaphore, #tpu.memory_space<semaphore_mem>>) src(%dma_wait3A_94 : memref<8192x16xf32, #tpu.memory_space<hbm>>) dst(%dma_wait3A_90 : memref<128x16xf32, #tpu.memory_space<vmem>>)
      %dma_wait3A_95 = arith.constant 256 : i32
      %dma_wait3A_96 = arith.constant 0 : i32
      %dma_wait3A_97 = tpu.memref_slice %arg6[%dma_wait3A_95, %dma_wait3A_96] : memref<1024x16xf32, #tpu.memory_space<vmem>> -> memref<128x16xf32, #tpu.memory_space<vmem>>
      %dma_wait3A_98 = tpu.memref_slice %arg5[%add3A_29] : memref<5120xi32, #tpu.memory_space<vmem>> -> memref<128xi32, #tpu.memory_space<vmem>>
      %dma_wait3A_99 = arith.constant 0 : i32
      %dma_wait3A_100 = arith.constant 0 : i32
      %dma_wait3A_101 = tpu.memref_slice %arg2[%dma_wait3A_99, %dma_wait3A_100] : memref<8192x16xf32, #tpu.memory_space<hbm>> -> memref<8192x16xf32, #tpu.memory_space<hbm>>
      tpu.wait_indirect_dma semaphore(%arg7 : memref<!tpu.dma_semaphore, #tpu.memory_space<semaphore_mem>>) src(%dma_wait3A_101 : memref<8192x16xf32, #tpu.memory_space<hbm>>) dst(%dma_wait3A_97 : memref<128x16xf32, #tpu.memory_space<vmem>>)
      %dma_wait3A_102 = arith.constant 384 : i32
      %dma_wait3A_103 = arith.constant 0 : i32
      %dma_wait3A_104 = tpu.memref_slice %arg6[%dma_wait3A_102, %dma_wait3A_103] : memref<1024x16xf32, #tpu.memory_space<vmem>> -> memref<128x16xf32, #tpu.memory_space<vmem>>
      %dma_wait3A_105 = tpu.memref_slice %arg5[%add3A_38] : memref<5120xi32, #tpu.memory_space<vmem>> -> memref<128xi32, #tpu.memory_space<vmem>>
      %dma_wait3A_106 = arith.constant 0 : i32
      %dma_wait3A_107 = arith.constant 0 : i32
      %dma_wait3A_108 = tpu.memref_slice %arg2[%dma_wait3A_106, %dma_wait3A_107] : memref<8192x16xf32, #tpu.memory_space<hbm>> -> memref<8192x16xf32, #tpu.memory_space<hbm>>
      tpu.wait_indirect_dma semaphore(%arg7 : memref<!tpu.dma_semaphore, #tpu.memory_space<semaphore_mem>>) src(%dma_wait3A_108 : memref<8192x16xf32, #tpu.memory_space<hbm>>) dst(%dma_wait3A_104 : memref<128x16xf32, #tpu.memory_space<vmem>>)
      %dma_wait3A_109 = arith.constant 512 : i32
      %dma_wait3A_110 = arith.constant 0 : i32
      %dma_wait3A_111 = tpu.memref_slice %arg6[%dma_wait3A_109, %dma_wait3A_110] : memref<1024x16xf32, #tpu.memory_space<vmem>> -> memref<128x16xf32, #tpu.memory_space<vmem>>
      %dma_wait3A_112 = tpu.memref_slice %arg5[%add3A_47] : memref<5120xi32, #tpu.memory_space<vmem>> -> memref<128xi32, #tpu.memory_space<vmem>>
      %dma_wait3A_113 = arith.constant 0 : i32
      %dma_wait3A_114 = arith.constant 0 : i32
      %dma_wait3A_115 = tpu.memref_slice %arg2[%dma_wait3A_113, %dma_wait3A_114] : memref<8192x16xf32, #tpu.memory_space<hbm>> -> memref<8192x16xf32, #tpu.memory_space<hbm>>
      tpu.wait_indirect_dma semaphore(%arg7 : memref<!tpu.dma_semaphore, #tpu.memory_space<semaphore_mem>>) src(%dma_wait3A_115 : memref<8192x16xf32, #tpu.memory_space<hbm>>) dst(%dma_wait3A_111 : memref<128x16xf32, #tpu.memory_space<vmem>>)
      %dma_wait3A_116 = arith.constant 640 : i32
      %dma_wait3A_117 = arith.constant 0 : i32
      %dma_wait3A_118 = tpu.memref_slice %arg6[%dma_wait3A_116, %dma_wait3A_117] : memref<1024x16xf32, #tpu.memory_space<vmem>> -> memref<128x16xf32, #tpu.memory_space<vmem>>
      %dma_wait3A_119 = tpu.memref_slice %arg5[%add3A_56] : memref<5120xi32, #tpu.memory_space<vmem>> -> memref<128xi32, #tpu.memory_space<vmem>>
      %dma_wait3A_120 = arith.constant 0 : i32
      %dma_wait3A_121 = arith.constant 0 : i32
      %dma_wait3A_122 = tpu.memref_slice %arg2[%dma_wait3A_120, %dma_wait3A_121] : memref<8192x16xf32, #tpu.memory_space<hbm>> -> memref<8192x16xf32, #tpu.memory_space<hbm>>
      tpu.wait_indirect_dma semaphore(%arg7 : memref<!tpu.dma_semaphore, #tpu.memory_space<semaphore_mem>>) src(%dma_wait3A_122 : memref<8192x16xf32, #tpu.memory_space<hbm>>) dst(%dma_wait3A_118 : memref<128x16xf32, #tpu.memory_space<vmem>>)
      %dma_wait3A_123 = arith.constant 768 : i32
      %dma_wait3A_124 = arith.constant 0 : i32
      %dma_wait3A_125 = tpu.memref_slice %arg6[%dma_wait3A_123, %dma_wait3A_124] : memref<1024x16xf32, #tpu.memory_space<vmem>> -> memref<128x16xf32, #tpu.memory_space<vmem>>
      %dma_wait3A_126 = tpu.memref_slice %arg5[%add3A_65] : memref<5120xi32, #tpu.memory_space<vmem>> -> memref<128xi32, #tpu.memory_space<vmem>>
      %dma_wait3A_127 = arith.constant 0 : i32
      %dma_wait3A_128 = arith.constant 0 : i32
      %dma_wait3A_129 = tpu.memref_slice %arg2[%dma_wait3A_127, %dma_wait3A_128] : memref<8192x16xf32, #tpu.memory_space<hbm>> -> memref<8192x16xf32, #tpu.memory_space<hbm>>
      tpu.wait_indirect_dma semaphore(%arg7 : memref<!tpu.dma_semaphore, #tpu.memory_space<semaphore_mem>>) src(%dma_wait3A_129 : memref<8192x16xf32, #tpu.memory_space<hbm>>) dst(%dma_wait3A_125 : memref<128x16xf32, #tpu.memory_space<vmem>>)
      %dma_wait3A_130 = arith.constant 896 : i32
      %dma_wait3A_131 = arith.constant 0 : i32
      %dma_wait3A_132 = tpu.memref_slice %arg6[%dma_wait3A_130, %dma_wait3A_131] : memref<1024x16xf32, #tpu.memory_space<vmem>> -> memref<128x16xf32, #tpu.memory_space<vmem>>
      %dma_wait3A_133 = tpu.memref_slice %arg5[%add3A_74] : memref<5120xi32, #tpu.memory_space<vmem>> -> memref<128xi32, #tpu.memory_space<vmem>>
      %dma_wait3A_134 = arith.constant 0 : i32
      %dma_wait3A_135 = arith.constant 0 : i32
      %dma_wait3A_136 = tpu.memref_slice %arg2[%dma_wait3A_134, %dma_wait3A_135] : memref<8192x16xf32, #tpu.memory_space<hbm>> -> memref<8192x16xf32, #tpu.memory_space<hbm>>
      tpu.wait_indirect_dma semaphore(%arg7 : memref<!tpu.dma_semaphore, #tpu.memory_space<semaphore_mem>>) src(%dma_wait3A_136 : memref<8192x16xf32, #tpu.memory_space<hbm>>) dst(%dma_wait3A_132 : memref<128x16xf32, #tpu.memory_space<vmem>>)
      %add3A_137 = arith.addi %mul3A_2, %mul3A_10 : i32
      "tpu.region"() ({
        %run_scoped3A = tpu.sem_alloc : memref<!tpu.dma_semaphore, #tpu.memory_space<semaphore_mem>>
        %dma_start3A_138 = arith.constant 0 : i32
        %dma_start3A_139 = tpu.memref_slice %arg4[%add3A_137, %dma_start3A_138] : memref<163840x16xf32, #tpu.memory_space<hbm>> -> memref<1024x16xf32, #tpu.memory_space<hbm>>
        %dma_start3A_140 = arith.constant 0 : i32
        %dma_start3A_141 = tpu.memref_slice %arg4[%add3A_137, %dma_start3A_140] : memref<163840x16xf32, #tpu.memory_space<hbm>> -> memref<1024x16xf32, #tpu.memory_space<hbm>>
        tpu.enqueue_dma source(%arg6 : memref<1024x16xf32, #tpu.memory_space<vmem>>) target(%dma_start3A_141 : memref<1024x16xf32, #tpu.memory_space<hbm>>) target_semaphore(%run_scoped3A : memref<!tpu.dma_semaphore, #tpu.memory_space<semaphore_mem>>)
        %dma_wait3A_142 = arith.constant 0 : i32
        %dma_wait3A_143 = tpu.memref_slice %arg4[%add3A_137, %dma_wait3A_142] : memref<163840x16xf32, #tpu.memory_space<hbm>> -> memref<1024x16xf32, #tpu.memory_space<hbm>>
        %dma_wait3A_144 = arith.constant 0 : i32
        %dma_wait3A_145 = tpu.memref_slice %arg4[%add3A_137, %dma_wait3A_144] : memref<163840x16xf32, #tpu.memory_space<hbm>> -> memref<1024x16xf32, #tpu.memory_space<hbm>>
        tpu.wait_dma2 semaphore(%run_scoped3A : memref<!tpu.dma_semaphore, #tpu.memory_space<semaphore_mem>>) src(%arg6 : memref<1024x16xf32, #tpu.memory_space<vmem>>) dst(%dma_wait3A_145 : memref<1024x16xf32, #tpu.memory_space<hbm>>)
        tpu.yield
      }) : () -> ()
    }
    %scan3A_7 = arith.constant 5 : i32
    return
  }
}

#map = affine_map<(d0, d1) -> (0, 0)>
#map1 = affine_map<(d0, d1) -> (0)>
module attributes {stable_mosaic.version = 14 : i64} {
  func.func @gather(%arg0: i32, %arg1: i32, %arg2: memref<8192x16xf32, #tpu.memory_space<hbm>>, %arg3: memref<163840xi32, #tpu.memory_space<hbm>>, %arg4: memref<163840x16xf32, #tpu.memory_space<hbm>>, %arg5: memref<5120xi32, #tpu.memory_space<vmem>>, %arg6: memref<1024x16xf32, #tpu.memory_space<vmem>>, %arg7: memref<!tpu.dma_semaphore, #tpu.memory_space<semaphore_mem>>) attributes {dimension_semantics = [#tpu.dimension_semantics<core_parallel>, #tpu.dimension_semantics<subcore_parallel>], iteration_bounds = array<i64: 2, 16>, scalar_prefetch = 0 : i64, scratch_operands = 3 : i64, tpu.core_type = #tpu.core_type<sc_vector_subcore>, window_params = [{transform_indices = #map}, {transform_indices = #map1}, {transform_indices = #map}]} {
    %mul3A = arith.constant 2 : i32
    %mul3A_0 = arith.muli %arg1, %mul3A : i32
    %add3A = arith.addi %mul3A_0, %arg0 : i32
    %mul3A_1 = arith.constant 5120 : i32
    %mul3A_2 = arith.muli %add3A, %mul3A_1 : i32
    "tpu.region"() ({
      %run_scoped3A = tpu.sem_alloc : memref<!tpu.dma_semaphore, #tpu.memory_space<semaphore_mem>>
      %dma_start3A = tpu.memref_slice %arg3[%mul3A_2] : memref<163840xi32, #tpu.memory_space<hbm>> -> memref<5120xi32, #tpu.memory_space<hbm>>
      %dma_start3A_8 = tpu.memref_slice %arg3[%mul3A_2] : memref<163840xi32, #tpu.memory_space<hbm>> -> memref<5120xi32, #tpu.memory_space<hbm>>
      tpu.enqueue_dma source(%dma_start3A_8 : memref<5120xi32, #tpu.memory_space<hbm>>) target(%arg5 : memref<5120xi32, #tpu.memory_space<vmem>>) target_semaphore(%run_scoped3A : memref<!tpu.dma_semaphore, #tpu.memory_space<semaphore_mem>>)
      %dma_wait3A = tpu.memref_slice %arg3[%mul3A_2] : memref<163840xi32, #tpu.memory_space<hbm>> -> memref<5120xi32, #tpu.memory_space<hbm>>
      %dma_wait3A_9 = tpu.memref_slice %arg3[%mul3A_2] : memref<163840xi32, #tpu.memory_space<hbm>> -> memref<5120xi32, #tpu.memory_space<hbm>>
      tpu.wait_dma2 semaphore(%run_scoped3A : memref<!tpu.dma_semaphore, #tpu.memory_space<semaphore_mem>>) src(%dma_wait3A_9 : memref<5120xi32, #tpu.memory_space<hbm>>) dst(%arg5 : memref<5120xi32, #tpu.memory_space<vmem>>)
      tpu.yield
    }) : () -> ()
    %scan3A = arith.constant 0 : i32
    %scan3A_3 = arith.constant 0 : i32
    %scan3A_4 = arith.constant 5 : i32
    %scan3A_5 = arith.addi %scan3A_3, %scan3A_4 : i32
    %scan3A_6 = arith.constant 1 : i32
    scf.for %scan3A_8 = %scan3A_3 to %scan3A_5 step %scan3A_6  : i32 {
      %mul3A_9 = arith.constant 1024 : i32
      %mul3A_10 = arith.muli %scan3A_8, %mul3A_9 : i32
      %add3A_11 = arith.constant 0 : i32
      %add3A_12 = arith.addi %mul3A_10, %add3A_11 : i32
      %dma_start3A = arith.constant 0 : i32
      %dma_start3A_13 = arith.constant 0 : i32
      %dma_start3A_14 = tpu.memref_slice %arg6[%dma_start3A, %dma_start3A_13] : memref<1024x16xf32, #tpu.memory_space<vmem>> -> memref<128x16xf32, #tpu.memory_space<vmem>>
      %dma_start3A_15 = tpu.memref_slice %arg5[%add3A_12] : memref<5120xi32, #tpu.memory_space<vmem>> -> memref<128xi32, #tpu.memory_space<vmem>>
      %dma_start3A_16 = arith.constant 0 : i32
      %dma_start3A_17 = arith.constant 0 : i32
      %dma_start3A_18 = tpu.memref_slice %arg2[%dma_start3A_16, %dma_start3A_17] : memref<8192x16xf32, #tpu.memory_space<hbm>> -> memref<8192x16xf32, #tpu.memory_space<hbm>>
      tpu.enqueue_indirect_dma source(%dma_start3A_18 : memref<8192x16xf32, #tpu.memory_space<hbm>>) target(%dma_start3A_14 : memref<128x16xf32, #tpu.memory_space<vmem>>) offsets(%dma_start3A_15 : memref<128xi32, #tpu.memory_space<vmem>>) semaphore(%arg7 : memref<!tpu.dma_semaphore, #tpu.memory_space<semaphore_mem>>)
      %add3A_19 = arith.constant 128 : i32
      %add3A_20 = arith.addi %mul3A_10, %add3A_19 : i32
      %dma_start3A_21 = arith.constant 128 : i32
      %dma_start3A_22 = arith.constant 0 : i32
      %dma_start3A_23 = tpu.memref_slice %arg6[%dma_start3A_21, %dma_start3A_22] : memref<1024x16xf32, #tpu.memory_space<vmem>> -> memref<128x16xf32, #tpu.memory_space<vmem>>
      %dma_start3A_24 = tpu.memref_slice %arg5[%add3A_20] : memref<5120xi32, #tpu.memory_space<vmem>> -> memref<128xi32, #tpu.memory_space<vmem>>
      %dma_start3A_25 = arith.constant 0 : i32
      %dma_start3A_26 = arith.constant 0 : i32
      %dma_start3A_27 = tpu.memref_slice %arg2[%dma_start3A_25, %dma_start3A_26] : memref<8192x16xf32, #tpu.memory_space<hbm>> -> memref<8192x16xf32, #tpu.memory_space<hbm>>
      tpu.enqueue_indirect_dma source(%dma_start3A_27 : memref<8192x16xf32, #tpu.memory_space<hbm>>) target(%dma_start3A_23 : memref<128x16xf32, #tpu.memory_space<vmem>>) offsets(%dma_start3A_24 : memref<128xi32, #tpu.memory_space<vmem>>) semaphore(%arg7 : memref<!tpu.dma_semaphore, #tpu.memory_space<semaphore_mem>>)
      %add3A_28 = arith.constant 256 : i32
      %add3A_29 = arith.addi %mul3A_10, %add3A_28 : i32
      %dma_start3A_30 = arith.constant 256 : i32
      %dma_start3A_31 = arith.constant 0 : i32
      %dma_start3A_32 = tpu.memref_slice %arg6[%dma_start3A_30, %dma_start3A_31] : memref<1024x16xf32, #tpu.memory_space<vmem>> -> memref<128x16xf32, #tpu.memory_space<vmem>>
      %dma_start3A_33 = tpu.memref_slice %arg5[%add3A_29] : memref<5120xi32, #tpu.memory_space<vmem>> -> memref<128xi32, #tpu.memory_space<vmem>>
      %dma_start3A_34 = arith.constant 0 : i32
      %dma_start3A_35 = arith.constant 0 : i32
      %dma_start3A_36 = tpu.memref_slice %arg2[%dma_start3A_34, %dma_start3A_35] : memref<8192x16xf32, #tpu.memory_space<hbm>> -> memref<8192x16xf32, #tpu.memory_space<hbm>>
      tpu.enqueue_indirect_dma source(%dma_start3A_36 : memref<8192x16xf32, #tpu.memory_space<hbm>>) target(%dma_start3A_32 : memref<128x16xf32, #tpu.memory_space<vmem>>) offsets(%dma_start3A_33 : memref<128xi32, #tpu.memory_space<vmem>>) semaphore(%arg7 : memref<!tpu.dma_semaphore, #tpu.memory_space<semaphore_mem>>)
      %add3A_37 = arith.constant 384 : i32
      %add3A_38 = arith.addi %mul3A_10, %add3A_37 : i32
      %dma_start3A_39 = arith.constant 384 : i32
      %dma_start3A_40 = arith.constant 0 : i32
      %dma_start3A_41 = tpu.memref_slice %arg6[%dma_start3A_39, %dma_start3A_40] : memref<1024x16xf32, #tpu.memory_space<vmem>> -> memref<128x16xf32, #tpu.memory_space<vmem>>
      %dma_start3A_42 = tpu.memref_slice %arg5[%add3A_38] : memref<5120xi32, #tpu.memory_space<vmem>> -> memref<128xi32, #tpu.memory_space<vmem>>
      %dma_start3A_43 = arith.constant 0 : i32
      %dma_start3A_44 = arith.constant 0 : i32
      %dma_start3A_45 = tpu.memref_slice %arg2[%dma_start3A_43, %dma_start3A_44] : memref<8192x16xf32, #tpu.memory_space<hbm>> -> memref<8192x16xf32, #tpu.memory_space<hbm>>
      tpu.enqueue_indirect_dma source(%dma_start3A_45 : memref<8192x16xf32, #tpu.memory_space<hbm>>) target(%dma_start3A_41 : memref<128x16xf32, #tpu.memory_space<vmem>>) offsets(%dma_start3A_42 : memref<128xi32, #tpu.memory_space<vmem>>) semaphore(%arg7 : memref<!tpu.dma_semaphore, #tpu.memory_space<semaphore_mem>>)
      %add3A_46 = arith.constant 512 : i32
      %add3A_47 = arith.addi %mul3A_10, %add3A_46 : i32
      %dma_start3A_48 = arith.constant 512 : i32
      %dma_start3A_49 = arith.constant 0 : i32
      %dma_start3A_50 = tpu.memref_slice %arg6[%dma_start3A_48, %dma_start3A_49] : memref<1024x16xf32, #tpu.memory_space<vmem>> -> memref<128x16xf32, #tpu.memory_space<vmem>>
      %dma_start3A_51 = tpu.memref_slice %arg5[%add3A_47] : memref<5120xi32, #tpu.memory_space<vmem>> -> memref<128xi32, #tpu.memory_space<vmem>>
      %dma_start3A_52 = arith.constant 0 : i32
      %dma_start3A_53 = arith.constant 0 : i32
      %dma_start3A_54 = tpu.memref_slice %arg2[%dma_start3A_52, %dma_start3A_53] : memref<8192x16xf32, #tpu.memory_space<hbm>> -> memref<8192x16xf32, #tpu.memory_space<hbm>>
      tpu.enqueue_indirect_dma source(%dma_start3A_54 : memref<8192x16xf32, #tpu.memory_space<hbm>>) target(%dma_start3A_50 : memref<128x16xf32, #tpu.memory_space<vmem>>) offsets(%dma_start3A_51 : memref<128xi32, #tpu.memory_space<vmem>>) semaphore(%arg7 : memref<!tpu.dma_semaphore, #tpu.memory_space<semaphore_mem>>)
      %add3A_55 = arith.constant 640 : i32
      %add3A_56 = arith.addi %mul3A_10, %add3A_55 : i32
      %dma_start3A_57 = arith.constant 640 : i32
      %dma_start3A_58 = arith.constant 0 : i32
      %dma_start3A_59 = tpu.memref_slice %arg6[%dma_start3A_57, %dma_start3A_58] : memref<1024x16xf32, #tpu.memory_space<vmem>> -> memref<128x16xf32, #tpu.memory_space<vmem>>
      %dma_start3A_60 = tpu.memref_slice %arg5[%add3A_56] : memref<5120xi32, #tpu.memory_space<vmem>> -> memref<128xi32, #tpu.memory_space<vmem>>
      %dma_start3A_61 = arith.constant 0 : i32
      %dma_start3A_62 = arith.constant 0 : i32
      %dma_start3A_63 = tpu.memref_slice %arg2[%dma_start3A_61, %dma_start3A_62] : memref<8192x16xf32, #tpu.memory_space<hbm>> -> memref<8192x16xf32, #tpu.memory_space<hbm>>
      tpu.enqueue_indirect_dma source(%dma_start3A_63 : memref<8192x16xf32, #tpu.memory_space<hbm>>) target(%dma_start3A_59 : memref<128x16xf32, #tpu.memory_space<vmem>>) offsets(%dma_start3A_60 : memref<128xi32, #tpu.memory_space<vmem>>) semaphore(%arg7 : memref<!tpu.dma_semaphore, #tpu.memory_space<semaphore_mem>>)
      %add3A_64 = arith.constant 768 : i32
      %add3A_65 = arith.addi %mul3A_10, %add3A_64 : i32
      %dma_start3A_66 = arith.constant 768 : i32
      %dma_start3A_67 = arith.constant 0 : i32
      %dma_start3A_68 = tpu.memref_slice %arg6[%dma_start3A_66, %dma_start3A_67] : memref<1024x16xf32, #tpu.memory_space<vmem>> -> memref<128x16xf32, #tpu.memory_space<vmem>>
      %dma_start3A_69 = tpu.memref_slice %arg5[%add3A_65] : memref<5120xi32, #tpu.memory_space<vmem>> -> memref<128xi32, #tpu.memory_space<vmem>>
      %dma_start3A_70 = arith.constant 0 : i32
      %dma_start3A_71 = arith.constant 0 : i32
      %dma_start3A_72 = tpu.memref_slice %arg2[%dma_start3A_70, %dma_start3A_71] : memref<8192x16xf32, #tpu.memory_space<hbm>> -> memref<8192x16xf32, #tpu.memory_space<hbm>>
      tpu.enqueue_indirect_dma source(%dma_start3A_72 : memref<8192x16xf32, #tpu.memory_space<hbm>>) target(%dma_start3A_68 : memref<128x16xf32, #tpu.memory_space<vmem>>) offsets(%dma_start3A_69 : memref<128xi32, #tpu.memory_space<vmem>>) semaphore(%arg7 : memref<!tpu.dma_semaphore, #tpu.memory_space<semaphore_mem>>)
      %add3A_73 = arith.constant 896 : i32
      %add3A_74 = arith.addi %mul3A_10, %add3A_73 : i32
      %dma_start3A_75 = arith.constant 896 : i32
      %dma_start3A_76 = arith.constant 0 : i32
      %dma_start3A_77 = tpu.memref_slice %arg6[%dma_start3A_75, %dma_start3A_76] : memref<1024x16xf32, #tpu.memory_space<vmem>> -> memref<128x16xf32, #tpu.memory_space<vmem>>
      %dma_start3A_78 = tpu.memref_slice %arg5[%add3A_74] : memref<5120xi32, #tpu.memory_space<vmem>> -> memref<128xi32, #tpu.memory_space<vmem>>
      %dma_start3A_79 = arith.constant 0 : i32
      %dma_start3A_80 = arith.constant 0 : i32
      %dma_start3A_81 = tpu.memref_slice %arg2[%dma_start3A_79, %dma_start3A_80] : memref<8192x16xf32, #tpu.memory_space<hbm>> -> memref<8192x16xf32, #tpu.memory_space<hbm>>
      tpu.enqueue_indirect_dma source(%dma_start3A_81 : memref<8192x16xf32, #tpu.memory_space<hbm>>) target(%dma_start3A_77 : memref<128x16xf32, #tpu.memory_space<vmem>>) offsets(%dma_start3A_78 : memref<128xi32, #tpu.memory_space<vmem>>) semaphore(%arg7 : memref<!tpu.dma_semaphore, #tpu.memory_space<semaphore_mem>>)
      %dma_wait3A = arith.constant 0 : i32
      %dma_wait3A_82 = arith.constant 0 : i32
      %dma_wait3A_83 = tpu.memref_slice %arg6[%dma_wait3A, %dma_wait3A_82] : memref<1024x16xf32, #tpu.memory_space<vmem>> -> memref<128x16xf32, #tpu.memory_space<vmem>>
      %dma_wait3A_84 = tpu.memref_slice %arg5[%add3A_12] : memref<5120xi32, #tpu.memory_space<vmem>> -> memref<128xi32, #tpu.memory_space<vmem>>
      %dma_wait3A_85 = arith.constant 0 : i32
      %dma_wait3A_86 = arith.constant 0 : i32
      %dma_wait3A_87 = tpu.memref_slice %arg2[%dma_wait3A_85, %dma_wait3A_86] : memref<8192x16xf32, #tpu.memory_space<hbm>> -> memref<8192x16xf32, #tpu.memory_space<hbm>>
      tpu.wait_indirect_dma semaphore(%arg7 : memref<!tpu.dma_semaphore, #tpu.memory_space<semaphore_mem>>) src(%dma_wait3A_87 : memref<8192x16xf32, #tpu.memory_space<hbm>>) dst(%dma_wait3A_83 : memref<128x16xf32, #tpu.memory_space<vmem>>)
      %dma_wait3A_88 = arith.constant 128 : i32
      %dma_wait3A_89 = arith.constant 0 : i32
      %dma_wait3A_90 = tpu.memref_slice %arg6[%dma_wait3A_88, %dma_wait3A_89] : memref<1024x16xf32, #tpu.memory_space<vmem>> -> memref<128x16xf32, #tpu.memory_space<vmem>>
      %dma_wait3A_91 = tpu.memref_slice %arg5[%add3A_20] : memref<5120xi32, #tpu.memory_space<vmem>> -> memref<128xi32, #tpu.memory_space<vmem>>
      %dma_wait3A_92 = arith.constant 0 : i32
      %dma_wait3A_93 = arith.constant 0 : i32
      %dma_wait3A_94 = tpu.memref_slice %arg2[%dma_wait3A_92, %dma_wait3A_93] : memref<8192x16xf32, #tpu.memory_space<hbm>> -> memref<8192x16xf32, #tpu.memory_space<hbm>>
      tpu.wait_indirect_dma semaphore(%arg7 : memref<!tpu.dma_semaphore, #tpu.memory_space<semaphore_mem>>) src(%dma_wait3A_94 : memref<8192x16xf32, #tpu.memory_space<hbm>>) dst(%dma_wait3A_90 : memref<128x16xf32, #tpu.memory_space<vmem>>)
      %dma_wait3A_95 = arith.constant 256 : i32
      %dma_wait3A_96 = arith.constant 0 : i32
      %dma_wait3A_97 = tpu.memref_slice %arg6[%dma_wait3A_95, %dma_wait3A_96] : memref<1024x16xf32, #tpu.memory_space<vmem>> -> memref<128x16xf32, #tpu.memory_space<vmem>>
      %dma_wait3A_98 = tpu.memref_slice %arg5[%add3A_29] : memref<5120xi32, #tpu.memory_space<vmem>> -> memref<128xi32, #tpu.memory_space<vmem>>
      %dma_wait3A_99 = arith.constant 0 : i32
      %dma_wait3A_100 = arith.constant 0 : i32
      %dma_wait3A_101 = tpu.memref_slice %arg2[%dma_wait3A_99, %dma_wait3A_100] : memref<8192x16xf32, #tpu.memory_space<hbm>> -> memref<8192x16xf32, #tpu.memory_space<hbm>>
      tpu.wait_indirect_dma semaphore(%arg7 : memref<!tpu.dma_semaphore, #tpu.memory_space<semaphore_mem>>) src(%dma_wait3A_101 : memref<8192x16xf32, #tpu.memory_space<hbm>>) dst(%dma_wait3A_97 : memref<128x16xf32, #tpu.memory_space<vmem>>)
      %dma_wait3A_102 = arith.constant 384 : i32
      %dma_wait3A_103 = arith.constant 0 : i32
      %dma_wait3A_104 = tpu.memref_slice %arg6[%dma_wait3A_102, %dma_wait3A_103] : memref<1024x16xf32, #tpu.memory_space<vmem>> -> memref<128x16xf32, #tpu.memory_space<vmem>>
      %dma_wait3A_105 = tpu.memref_slice %arg5[%add3A_38] : memref<5120xi32, #tpu.memory_space<vmem>> -> memref<128xi32, #tpu.memory_space<vmem>>
      %dma_wait3A_106 = arith.constant 0 : i32
      %dma_wait3A_107 = arith.constant 0 : i32
      %dma_wait3A_108 = tpu.memref_slice %arg2[%dma_wait3A_106, %dma_wait3A_107] : memref<8192x16xf32, #tpu.memory_space<hbm>> -> memref<8192x16xf32, #tpu.memory_space<hbm>>
      tpu.wait_indirect_dma semaphore(%arg7 : memref<!tpu.dma_semaphore, #tpu.memory_space<semaphore_mem>>) src(%dma_wait3A_108 : memref<8192x16xf32, #tpu.memory_space<hbm>>) dst(%dma_wait3A_104 : memref<128x16xf32, #tpu.memory_space<vmem>>)
      %dma_wait3A_109 = arith.constant 512 : i32
      %dma_wait3A_110 = arith.constant 0 : i32
      %dma_wait3A_111 = tpu.memref_slice %arg6[%dma_wait3A_109, %dma_wait3A_110] : memref<1024x16xf32, #tpu.memory_space<vmem>> -> memref<128x16xf32, #tpu.memory_space<vmem>>
      %dma_wait3A_112 = tpu.memref_slice %arg5[%add3A_47] : memref<5120xi32, #tpu.memory_space<vmem>> -> memref<128xi32, #tpu.memory_space<vmem>>
      %dma_wait3A_113 = arith.constant 0 : i32
      %dma_wait3A_114 = arith.constant 0 : i32
      %dma_wait3A_115 = tpu.memref_slice %arg2[%dma_wait3A_113, %dma_wait3A_114] : memref<8192x16xf32, #tpu.memory_space<hbm>> -> memref<8192x16xf32, #tpu.memory_space<hbm>>
      tpu.wait_indirect_dma semaphore(%arg7 : memref<!tpu.dma_semaphore, #tpu.memory_space<semaphore_mem>>) src(%dma_wait3A_115 : memref<8192x16xf32, #tpu.memory_space<hbm>>) dst(%dma_wait3A_111 : memref<128x16xf32, #tpu.memory_space<vmem>>)
      %dma_wait3A_116 = arith.constant 640 : i32
      %dma_wait3A_117 = arith.constant 0 : i32
      %dma_wait3A_118 = tpu.memref_slice %arg6[%dma_wait3A_116, %dma_wait3A_117] : memref<1024x16xf32, #tpu.memory_space<vmem>> -> memref<128x16xf32, #tpu.memory_space<vmem>>
      %dma_wait3A_119 = tpu.memref_slice %arg5[%add3A_56] : memref<5120xi32, #tpu.memory_space<vmem>> -> memref<128xi32, #tpu.memory_space<vmem>>
      %dma_wait3A_120 = arith.constant 0 : i32
      %dma_wait3A_121 = arith.constant 0 : i32
      %dma_wait3A_122 = tpu.memref_slice %arg2[%dma_wait3A_120, %dma_wait3A_121] : memref<8192x16xf32, #tpu.memory_space<hbm>> -> memref<8192x16xf32, #tpu.memory_space<hbm>>
      tpu.wait_indirect_dma semaphore(%arg7 : memref<!tpu.dma_semaphore, #tpu.memory_space<semaphore_mem>>) src(%dma_wait3A_122 : memref<8192x16xf32, #tpu.memory_space<hbm>>) dst(%dma_wait3A_118 : memref<128x16xf32, #tpu.memory_space<vmem>>)
      %dma_wait3A_123 = arith.constant 768 : i32
      %dma_wait3A_124 = arith.constant 0 : i32
      %dma_wait3A_125 = tpu.memref_slice %arg6[%dma_wait3A_123, %dma_wait3A_124] : memref<1024x16xf32, #tpu.memory_space<vmem>> -> memref<128x16xf32, #tpu.memory_space<vmem>>
      %dma_wait3A_126 = tpu.memref_slice %arg5[%add3A_65] : memref<5120xi32, #tpu.memory_space<vmem>> -> memref<128xi32, #tpu.memory_space<vmem>>
      %dma_wait3A_127 = arith.constant 0 : i32
      %dma_wait3A_128 = arith.constant 0 : i32
      %dma_wait3A_129 = tpu.memref_slice %arg2[%dma_wait3A_127, %dma_wait3A_128] : memref<8192x16xf32, #tpu.memory_space<hbm>> -> memref<8192x16xf32, #tpu.memory_space<hbm>>
      tpu.wait_indirect_dma semaphore(%arg7 : memref<!tpu.dma_semaphore, #tpu.memory_space<semaphore_mem>>) src(%dma_wait3A_129 : memref<8192x16xf32, #tpu.memory_space<hbm>>) dst(%dma_wait3A_125 : memref<128x16xf32, #tpu.memory_space<vmem>>)
      %dma_wait3A_130 = arith.constant 896 : i32
      %dma_wait3A_131 = arith.constant 0 : i32
      %dma_wait3A_132 = tpu.memref_slice %arg6[%dma_wait3A_130, %dma_wait3A_131] : memref<1024x16xf32, #tpu.memory_space<vmem>> -> memref<128x16xf32, #tpu.memory_space<vmem>>
      %dma_wait3A_133 = tpu.memref_slice %arg5[%add3A_74] : memref<5120xi32, #tpu.memory_space<vmem>> -> memref<128xi32, #tpu.memory_space<vmem>>
      %dma_wait3A_134 = arith.constant 0 : i32
      %dma_wait3A_135 = arith.constant 0 : i32
      %dma_wait3A_136 = tpu.memref_slice %arg2[%dma_wait3A_134, %dma_wait3A_135] : memref<8192x16xf32, #tpu.memory_space<hbm>> -> memref<8192x16xf32, #tpu.memory_space<hbm>>
      tpu.wait_indirect_dma semaphore(%arg7 : memref<!tpu.dma_semaphore, #tpu.memory_space<semaphore_mem>>) src(%dma_wait3A_136 : memref<8192x16xf32, #tpu.memory_space<hbm>>) dst(%dma_wait3A_132 : memref<128x16xf32, #tpu.memory_space<vmem>>)
      %add3A_137 = arith.addi %mul3A_2, %mul3A_10 : i32
      "tpu.region"() ({
        %run_scoped3A = tpu.sem_alloc : memref<!tpu.dma_semaphore, #tpu.memory_space<semaphore_mem>>
        %dma_start3A_138 = arith.constant 0 : i32
        %dma_start3A_139 = tpu.memref_slice %arg4[%add3A_137, %dma_start3A_138] : memref<163840x16xf32, #tpu.memory_space<hbm>> -> memref<1024x16xf32, #tpu.memory_space<hbm>>
        %dma_start3A_140 = arith.constant 0 : i32
        %dma_start3A_141 = tpu.memref_slice %arg4[%add3A_137, %dma_start3A_140] : memref<163840x16xf32, #tpu.memory_space<hbm>> -> memref<1024x16xf32, #tpu.memory_space<hbm>>
        tpu.enqueue_dma source(%arg6 : memref<1024x16xf32, #tpu.memory_space<vmem>>) target(%dma_start3A_141 : memref<1024x16xf32, #tpu.memory_space<hbm>>) target_semaphore(%run_scoped3A : memref<!tpu.dma_semaphore, #tpu.memory_space<semaphore_mem>>)
        %dma_wait3A_142 = arith.constant 0 : i32
        %dma_wait3A_143 = tpu.memref_slice %arg4[%add3A_137, %dma_wait3A_142] : memref<163840x16xf32, #tpu.memory_space<hbm>> -> memref<1024x16xf32, #tpu.memory_space<hbm>>
        %dma_wait3A_144 = arith.constant 0 : i32
        %dma_wait3A_145 = tpu.memref_slice %arg4[%add3A_137, %dma_wait3A_144] : memref<163840x16xf32, #tpu.memory_space<hbm>> -> memref<1024x16xf32, #tpu.memory_space<hbm>>
        tpu.wait_dma2 semaphore(%run_scoped3A : memref<!tpu.dma_semaphore, #tpu.memory_space<semaphore_mem>>) src(%arg6 : memref<1024x16xf32, #tpu.memory_space<vmem>>) dst(%dma_wait3A_145 : memref<1024x16xf32, #tpu.memory_space<hbm>>)
        tpu.yield
      }) : () -> ()
    }
    %scan3A_7 = arith.constant 5 : i32
    return
  }
}

#map = affine_map<(d0, d1) -> (0, 0)>
#map1 = affine_map<(d0, d1) -> (0)>
module attributes {stable_mosaic.version = 14 : i64} {
  func.func @gather(%arg0: i32, %arg1: i32, %arg2: memref<8192x64xf32, #tpu.memory_space<hbm>>, %arg3: memref<163840xi32, #tpu.memory_space<hbm>>, %arg4: memref<163840x64xf32, #tpu.memory_space<hbm>>, %arg5: memref<5120xi32, #tpu.memory_space<vmem>>, %arg6: memref<1024x64xf32, #tpu.memory_space<vmem>>, %arg7: memref<!tpu.dma_semaphore, #tpu.memory_space<semaphore_mem>>) attributes {dimension_semantics = [#tpu.dimension_semantics<core_parallel>, #tpu.dimension_semantics<subcore_parallel>], iteration_bounds = array<i64: 2, 16>, scalar_prefetch = 0 : i64, scratch_operands = 3 : i64, tpu.core_type = #tpu.core_type<sc_vector_subcore>, window_params = [{transform_indices = #map}, {transform_indices = #map1}, {transform_indices = #map}]} {
    %mul3A = arith.constant 2 : i32
    %mul3A_0 = arith.muli %arg1, %mul3A : i32
    %add3A = arith.addi %mul3A_0, %arg0 : i32
    %mul3A_1 = arith.constant 5120 : i32
    %mul3A_2 = arith.muli %add3A, %mul3A_1 : i32
    "tpu.region"() ({
      %run_scoped3A = tpu.sem_alloc : memref<!tpu.dma_semaphore, #tpu.memory_space<semaphore_mem>>
      %dma_start3A = tpu.memref_slice %arg3[%mul3A_2] : memref<163840xi32, #tpu.memory_space<hbm>> -> memref<5120xi32, #tpu.memory_space<hbm>>
      %dma_start3A_8 = tpu.memref_slice %arg3[%mul3A_2] : memref<163840xi32, #tpu.memory_space<hbm>> -> memref<5120xi32, #tpu.memory_space<hbm>>
      tpu.enqueue_dma source(%dma_start3A_8 : memref<5120xi32, #tpu.memory_space<hbm>>) target(%arg5 : memref<5120xi32, #tpu.memory_space<vmem>>) target_semaphore(%run_scoped3A : memref<!tpu.dma_semaphore, #tpu.memory_space<semaphore_mem>>)
      %dma_wait3A = tpu.memref_slice %arg3[%mul3A_2] : memref<163840xi32, #tpu.memory_space<hbm>> -> memref<5120xi32, #tpu.memory_space<hbm>>
      %dma_wait3A_9 = tpu.memref_slice %arg3[%mul3A_2] : memref<163840xi32, #tpu.memory_space<hbm>> -> memref<5120xi32, #tpu.memory_space<hbm>>
      tpu.wait_dma2 semaphore(%run_scoped3A : memref<!tpu.dma_semaphore, #tpu.memory_space<semaphore_mem>>) src(%dma_wait3A_9 : memref<5120xi32, #tpu.memory_space<hbm>>) dst(%arg5 : memref<5120xi32, #tpu.memory_space<vmem>>)
      tpu.yield
    }) : () -> ()
    %scan3A = arith.constant 0 : i32
    %scan3A_3 = arith.constant 0 : i32
    %scan3A_4 = arith.constant 5 : i32
    %scan3A_5 = arith.addi %scan3A_3, %scan3A_4 : i32
    %scan3A_6 = arith.constant 1 : i32
    scf.for %scan3A_8 = %scan3A_3 to %scan3A_5 step %scan3A_6  : i32 {
      %mul3A_9 = arith.constant 1024 : i32
      %mul3A_10 = arith.muli %scan3A_8, %mul3A_9 : i32
      %add3A_11 = arith.constant 0 : i32
      %add3A_12 = arith.addi %mul3A_10, %add3A_11 : i32
      %dma_start3A = arith.constant 0 : i32
      %dma_start3A_13 = arith.constant 0 : i32
      %dma_start3A_14 = tpu.memref_slice %arg6[%dma_start3A, %dma_start3A_13] : memref<1024x64xf32, #tpu.memory_space<vmem>> -> memref<128x64xf32, #tpu.memory_space<vmem>>
      %dma_start3A_15 = tpu.memref_slice %arg5[%add3A_12] : memref<5120xi32, #tpu.memory_space<vmem>> -> memref<128xi32, #tpu.memory_space<vmem>>
      %dma_start3A_16 = arith.constant 0 : i32
      %dma_start3A_17 = arith.constant 0 : i32
      %dma_start3A_18 = tpu.memref_slice %arg2[%dma_start3A_16, %dma_start3A_17] : memref<8192x64xf32, #tpu.memory_space<hbm>> -> memref<8192x64xf32, #tpu.memory_space<hbm>>
      tpu.enqueue_indirect_dma source(%dma_start3A_18 : memref<8192x64xf32, #tpu.memory_space<hbm>>) target(%dma_start3A_14 : memref<128x64xf32, #tpu.memory_space<vmem>>) offsets(%dma_start3A_15 : memref<128xi32, #tpu.memory_space<vmem>>) semaphore(%arg7 : memref<!tpu.dma_semaphore, #tpu.memory_space<semaphore_mem>>)
      %add3A_19 = arith.constant 128 : i32
      %add3A_20 = arith.addi %mul3A_10, %add3A_19 : i32
      %dma_start3A_21 = arith.constant 128 : i32
      %dma_start3A_22 = arith.constant 0 : i32
      %dma_start3A_23 = tpu.memref_slice %arg6[%dma_start3A_21, %dma_start3A_22] : memref<1024x64xf32, #tpu.memory_space<vmem>> -> memref<128x64xf32, #tpu.memory_space<vmem>>
      %dma_start3A_24 = tpu.memref_slice %arg5[%add3A_20] : memref<5120xi32, #tpu.memory_space<vmem>> -> memref<128xi32, #tpu.memory_space<vmem>>
      %dma_start3A_25 = arith.constant 0 : i32
      %dma_start3A_26 = arith.constant 0 : i32
      %dma_start3A_27 = tpu.memref_slice %arg2[%dma_start3A_25, %dma_start3A_26] : memref<8192x64xf32, #tpu.memory_space<hbm>> -> memref<8192x64xf32, #tpu.memory_space<hbm>>
      tpu.enqueue_indirect_dma source(%dma_start3A_27 : memref<8192x64xf32, #tpu.memory_space<hbm>>) target(%dma_start3A_23 : memref<128x64xf32, #tpu.memory_space<vmem>>) offsets(%dma_start3A_24 : memref<128xi32, #tpu.memory_space<vmem>>) semaphore(%arg7 : memref<!tpu.dma_semaphore, #tpu.memory_space<semaphore_mem>>)
      %add3A_28 = arith.constant 256 : i32
      %add3A_29 = arith.addi %mul3A_10, %add3A_28 : i32
      %dma_start3A_30 = arith.constant 256 : i32
      %dma_start3A_31 = arith.constant 0 : i32
      %dma_start3A_32 = tpu.memref_slice %arg6[%dma_start3A_30, %dma_start3A_31] : memref<1024x64xf32, #tpu.memory_space<vmem>> -> memref<128x64xf32, #tpu.memory_space<vmem>>
      %dma_start3A_33 = tpu.memref_slice %arg5[%add3A_29] : memref<5120xi32, #tpu.memory_space<vmem>> -> memref<128xi32, #tpu.memory_space<vmem>>
      %dma_start3A_34 = arith.constant 0 : i32
      %dma_start3A_35 = arith.constant 0 : i32
      %dma_start3A_36 = tpu.memref_slice %arg2[%dma_start3A_34, %dma_start3A_35] : memref<8192x64xf32, #tpu.memory_space<hbm>> -> memref<8192x64xf32, #tpu.memory_space<hbm>>
      tpu.enqueue_indirect_dma source(%dma_start3A_36 : memref<8192x64xf32, #tpu.memory_space<hbm>>) target(%dma_start3A_32 : memref<128x64xf32, #tpu.memory_space<vmem>>) offsets(%dma_start3A_33 : memref<128xi32, #tpu.memory_space<vmem>>) semaphore(%arg7 : memref<!tpu.dma_semaphore, #tpu.memory_space<semaphore_mem>>)
      %add3A_37 = arith.constant 384 : i32
      %add3A_38 = arith.addi %mul3A_10, %add3A_37 : i32
      %dma_start3A_39 = arith.constant 384 : i32
      %dma_start3A_40 = arith.constant 0 : i32
      %dma_start3A_41 = tpu.memref_slice %arg6[%dma_start3A_39, %dma_start3A_40] : memref<1024x64xf32, #tpu.memory_space<vmem>> -> memref<128x64xf32, #tpu.memory_space<vmem>>
      %dma_start3A_42 = tpu.memref_slice %arg5[%add3A_38] : memref<5120xi32, #tpu.memory_space<vmem>> -> memref<128xi32, #tpu.memory_space<vmem>>
      %dma_start3A_43 = arith.constant 0 : i32
      %dma_start3A_44 = arith.constant 0 : i32
      %dma_start3A_45 = tpu.memref_slice %arg2[%dma_start3A_43, %dma_start3A_44] : memref<8192x64xf32, #tpu.memory_space<hbm>> -> memref<8192x64xf32, #tpu.memory_space<hbm>>
      tpu.enqueue_indirect_dma source(%dma_start3A_45 : memref<8192x64xf32, #tpu.memory_space<hbm>>) target(%dma_start3A_41 : memref<128x64xf32, #tpu.memory_space<vmem>>) offsets(%dma_start3A_42 : memref<128xi32, #tpu.memory_space<vmem>>) semaphore(%arg7 : memref<!tpu.dma_semaphore, #tpu.memory_space<semaphore_mem>>)
      %add3A_46 = arith.constant 512 : i32
      %add3A_47 = arith.addi %mul3A_10, %add3A_46 : i32
      %dma_start3A_48 = arith.constant 512 : i32
      %dma_start3A_49 = arith.constant 0 : i32
      %dma_start3A_50 = tpu.memref_slice %arg6[%dma_start3A_48, %dma_start3A_49] : memref<1024x64xf32, #tpu.memory_space<vmem>> -> memref<128x64xf32, #tpu.memory_space<vmem>>
      %dma_start3A_51 = tpu.memref_slice %arg5[%add3A_47] : memref<5120xi32, #tpu.memory_space<vmem>> -> memref<128xi32, #tpu.memory_space<vmem>>
      %dma_start3A_52 = arith.constant 0 : i32
      %dma_start3A_53 = arith.constant 0 : i32
      %dma_start3A_54 = tpu.memref_slice %arg2[%dma_start3A_52, %dma_start3A_53] : memref<8192x64xf32, #tpu.memory_space<hbm>> -> memref<8192x64xf32, #tpu.memory_space<hbm>>
      tpu.enqueue_indirect_dma source(%dma_start3A_54 : memref<8192x64xf32, #tpu.memory_space<hbm>>) target(%dma_start3A_50 : memref<128x64xf32, #tpu.memory_space<vmem>>) offsets(%dma_start3A_51 : memref<128xi32, #tpu.memory_space<vmem>>) semaphore(%arg7 : memref<!tpu.dma_semaphore, #tpu.memory_space<semaphore_mem>>)
      %add3A_55 = arith.constant 640 : i32
      %add3A_56 = arith.addi %mul3A_10, %add3A_55 : i32
      %dma_start3A_57 = arith.constant 640 : i32
      %dma_start3A_58 = arith.constant 0 : i32
      %dma_start3A_59 = tpu.memref_slice %arg6[%dma_start3A_57, %dma_start3A_58] : memref<1024x64xf32, #tpu.memory_space<vmem>> -> memref<128x64xf32, #tpu.memory_space<vmem>>
      %dma_start3A_60 = tpu.memref_slice %arg5[%add3A_56] : memref<5120xi32, #tpu.memory_space<vmem>> -> memref<128xi32, #tpu.memory_space<vmem>>
      %dma_start3A_61 = arith.constant 0 : i32
      %dma_start3A_62 = arith.constant 0 : i32
      %dma_start3A_63 = tpu.memref_slice %arg2[%dma_start3A_61, %dma_start3A_62] : memref<8192x64xf32, #tpu.memory_space<hbm>> -> memref<8192x64xf32, #tpu.memory_space<hbm>>
      tpu.enqueue_indirect_dma source(%dma_start3A_63 : memref<8192x64xf32, #tpu.memory_space<hbm>>) target(%dma_start3A_59 : memref<128x64xf32, #tpu.memory_space<vmem>>) offsets(%dma_start3A_60 : memref<128xi32, #tpu.memory_space<vmem>>) semaphore(%arg7 : memref<!tpu.dma_semaphore, #tpu.memory_space<semaphore_mem>>)
      %add3A_64 = arith.constant 768 : i32
      %add3A_65 = arith.addi %mul3A_10, %add3A_64 : i32
      %dma_start3A_66 = arith.constant 768 : i32
      %dma_start3A_67 = arith.constant 0 : i32
      %dma_start3A_68 = tpu.memref_slice %arg6[%dma_start3A_66, %dma_start3A_67] : memref<1024x64xf32, #tpu.memory_space<vmem>> -> memref<128x64xf32, #tpu.memory_space<vmem>>
      %dma_start3A_69 = tpu.memref_slice %arg5[%add3A_65] : memref<5120xi32, #tpu.memory_space<vmem>> -> memref<128xi32, #tpu.memory_space<vmem>>
      %dma_start3A_70 = arith.constant 0 : i32
      %dma_start3A_71 = arith.constant 0 : i32
      %dma_start3A_72 = tpu.memref_slice %arg2[%dma_start3A_70, %dma_start3A_71] : memref<8192x64xf32, #tpu.memory_space<hbm>> -> memref<8192x64xf32, #tpu.memory_space<hbm>>
      tpu.enqueue_indirect_dma source(%dma_start3A_72 : memref<8192x64xf32, #tpu.memory_space<hbm>>) target(%dma_start3A_68 : memref<128x64xf32, #tpu.memory_space<vmem>>) offsets(%dma_start3A_69 : memref<128xi32, #tpu.memory_space<vmem>>) semaphore(%arg7 : memref<!tpu.dma_semaphore, #tpu.memory_space<semaphore_mem>>)
      %add3A_73 = arith.constant 896 : i32
      %add3A_74 = arith.addi %mul3A_10, %add3A_73 : i32
      %dma_start3A_75 = arith.constant 896 : i32
      %dma_start3A_76 = arith.constant 0 : i32
      %dma_start3A_77 = tpu.memref_slice %arg6[%dma_start3A_75, %dma_start3A_76] : memref<1024x64xf32, #tpu.memory_space<vmem>> -> memref<128x64xf32, #tpu.memory_space<vmem>>
      %dma_start3A_78 = tpu.memref_slice %arg5[%add3A_74] : memref<5120xi32, #tpu.memory_space<vmem>> -> memref<128xi32, #tpu.memory_space<vmem>>
      %dma_start3A_79 = arith.constant 0 : i32
      %dma_start3A_80 = arith.constant 0 : i32
      %dma_start3A_81 = tpu.memref_slice %arg2[%dma_start3A_79, %dma_start3A_80] : memref<8192x64xf32, #tpu.memory_space<hbm>> -> memref<8192x64xf32, #tpu.memory_space<hbm>>
      tpu.enqueue_indirect_dma source(%dma_start3A_81 : memref<8192x64xf32, #tpu.memory_space<hbm>>) target(%dma_start3A_77 : memref<128x64xf32, #tpu.memory_space<vmem>>) offsets(%dma_start3A_78 : memref<128xi32, #tpu.memory_space<vmem>>) semaphore(%arg7 : memref<!tpu.dma_semaphore, #tpu.memory_space<semaphore_mem>>)
      %dma_wait3A = arith.constant 0 : i32
      %dma_wait3A_82 = arith.constant 0 : i32
      %dma_wait3A_83 = tpu.memref_slice %arg6[%dma_wait3A, %dma_wait3A_82] : memref<1024x64xf32, #tpu.memory_space<vmem>> -> memref<128x64xf32, #tpu.memory_space<vmem>>
      %dma_wait3A_84 = tpu.memref_slice %arg5[%add3A_12] : memref<5120xi32, #tpu.memory_space<vmem>> -> memref<128xi32, #tpu.memory_space<vmem>>
      %dma_wait3A_85 = arith.constant 0 : i32
      %dma_wait3A_86 = arith.constant 0 : i32
      %dma_wait3A_87 = tpu.memref_slice %arg2[%dma_wait3A_85, %dma_wait3A_86] : memref<8192x64xf32, #tpu.memory_space<hbm>> -> memref<8192x64xf32, #tpu.memory_space<hbm>>
      tpu.wait_indirect_dma semaphore(%arg7 : memref<!tpu.dma_semaphore, #tpu.memory_space<semaphore_mem>>) src(%dma_wait3A_87 : memref<8192x64xf32, #tpu.memory_space<hbm>>) dst(%dma_wait3A_83 : memref<128x64xf32, #tpu.memory_space<vmem>>)
      %dma_wait3A_88 = arith.constant 128 : i32
      %dma_wait3A_89 = arith.constant 0 : i32
      %dma_wait3A_90 = tpu.memref_slice %arg6[%dma_wait3A_88, %dma_wait3A_89] : memref<1024x64xf32, #tpu.memory_space<vmem>> -> memref<128x64xf32, #tpu.memory_space<vmem>>
      %dma_wait3A_91 = tpu.memref_slice %arg5[%add3A_20] : memref<5120xi32, #tpu.memory_space<vmem>> -> memref<128xi32, #tpu.memory_space<vmem>>
      %dma_wait3A_92 = arith.constant 0 : i32
      %dma_wait3A_93 = arith.constant 0 : i32
      %dma_wait3A_94 = tpu.memref_slice %arg2[%dma_wait3A_92, %dma_wait3A_93] : memref<8192x64xf32, #tpu.memory_space<hbm>> -> memref<8192x64xf32, #tpu.memory_space<hbm>>
      tpu.wait_indirect_dma semaphore(%arg7 : memref<!tpu.dma_semaphore, #tpu.memory_space<semaphore_mem>>) src(%dma_wait3A_94 : memref<8192x64xf32, #tpu.memory_space<hbm>>) dst(%dma_wait3A_90 : memref<128x64xf32, #tpu.memory_space<vmem>>)
      %dma_wait3A_95 = arith.constant 256 : i32
      %dma_wait3A_96 = arith.constant 0 : i32
      %dma_wait3A_97 = tpu.memref_slice %arg6[%dma_wait3A_95, %dma_wait3A_96] : memref<1024x64xf32, #tpu.memory_space<vmem>> -> memref<128x64xf32, #tpu.memory_space<vmem>>
      %dma_wait3A_98 = tpu.memref_slice %arg5[%add3A_29] : memref<5120xi32, #tpu.memory_space<vmem>> -> memref<128xi32, #tpu.memory_space<vmem>>
      %dma_wait3A_99 = arith.constant 0 : i32
      %dma_wait3A_100 = arith.constant 0 : i32
      %dma_wait3A_101 = tpu.memref_slice %arg2[%dma_wait3A_99, %dma_wait3A_100] : memref<8192x64xf32, #tpu.memory_space<hbm>> -> memref<8192x64xf32, #tpu.memory_space<hbm>>
      tpu.wait_indirect_dma semaphore(%arg7 : memref<!tpu.dma_semaphore, #tpu.memory_space<semaphore_mem>>) src(%dma_wait3A_101 : memref<8192x64xf32, #tpu.memory_space<hbm>>) dst(%dma_wait3A_97 : memref<128x64xf32, #tpu.memory_space<vmem>>)
      %dma_wait3A_102 = arith.constant 384 : i32
      %dma_wait3A_103 = arith.constant 0 : i32
      %dma_wait3A_104 = tpu.memref_slice %arg6[%dma_wait3A_102, %dma_wait3A_103] : memref<1024x64xf32, #tpu.memory_space<vmem>> -> memref<128x64xf32, #tpu.memory_space<vmem>>
      %dma_wait3A_105 = tpu.memref_slice %arg5[%add3A_38] : memref<5120xi32, #tpu.memory_space<vmem>> -> memref<128xi32, #tpu.memory_space<vmem>>
      %dma_wait3A_106 = arith.constant 0 : i32
      %dma_wait3A_107 = arith.constant 0 : i32
      %dma_wait3A_108 = tpu.memref_slice %arg2[%dma_wait3A_106, %dma_wait3A_107] : memref<8192x64xf32, #tpu.memory_space<hbm>> -> memref<8192x64xf32, #tpu.memory_space<hbm>>
      tpu.wait_indirect_dma semaphore(%arg7 : memref<!tpu.dma_semaphore, #tpu.memory_space<semaphore_mem>>) src(%dma_wait3A_108 : memref<8192x64xf32, #tpu.memory_space<hbm>>) dst(%dma_wait3A_104 : memref<128x64xf32, #tpu.memory_space<vmem>>)
      %dma_wait3A_109 = arith.constant 512 : i32
      %dma_wait3A_110 = arith.constant 0 : i32
      %dma_wait3A_111 = tpu.memref_slice %arg6[%dma_wait3A_109, %dma_wait3A_110] : memref<1024x64xf32, #tpu.memory_space<vmem>> -> memref<128x64xf32, #tpu.memory_space<vmem>>
      %dma_wait3A_112 = tpu.memref_slice %arg5[%add3A_47] : memref<5120xi32, #tpu.memory_space<vmem>> -> memref<128xi32, #tpu.memory_space<vmem>>
      %dma_wait3A_113 = arith.constant 0 : i32
      %dma_wait3A_114 = arith.constant 0 : i32
      %dma_wait3A_115 = tpu.memref_slice %arg2[%dma_wait3A_113, %dma_wait3A_114] : memref<8192x64xf32, #tpu.memory_space<hbm>> -> memref<8192x64xf32, #tpu.memory_space<hbm>>
      tpu.wait_indirect_dma semaphore(%arg7 : memref<!tpu.dma_semaphore, #tpu.memory_space<semaphore_mem>>) src(%dma_wait3A_115 : memref<8192x64xf32, #tpu.memory_space<hbm>>) dst(%dma_wait3A_111 : memref<128x64xf32, #tpu.memory_space<vmem>>)
      %dma_wait3A_116 = arith.constant 640 : i32
      %dma_wait3A_117 = arith.constant 0 : i32
      %dma_wait3A_118 = tpu.memref_slice %arg6[%dma_wait3A_116, %dma_wait3A_117] : memref<1024x64xf32, #tpu.memory_space<vmem>> -> memref<128x64xf32, #tpu.memory_space<vmem>>
      %dma_wait3A_119 = tpu.memref_slice %arg5[%add3A_56] : memref<5120xi32, #tpu.memory_space<vmem>> -> memref<128xi32, #tpu.memory_space<vmem>>
      %dma_wait3A_120 = arith.constant 0 : i32
      %dma_wait3A_121 = arith.constant 0 : i32
      %dma_wait3A_122 = tpu.memref_slice %arg2[%dma_wait3A_120, %dma_wait3A_121] : memref<8192x64xf32, #tpu.memory_space<hbm>> -> memref<8192x64xf32, #tpu.memory_space<hbm>>
      tpu.wait_indirect_dma semaphore(%arg7 : memref<!tpu.dma_semaphore, #tpu.memory_space<semaphore_mem>>) src(%dma_wait3A_122 : memref<8192x64xf32, #tpu.memory_space<hbm>>) dst(%dma_wait3A_118 : memref<128x64xf32, #tpu.memory_space<vmem>>)
      %dma_wait3A_123 = arith.constant 768 : i32
      %dma_wait3A_124 = arith.constant 0 : i32
      %dma_wait3A_125 = tpu.memref_slice %arg6[%dma_wait3A_123, %dma_wait3A_124] : memref<1024x64xf32, #tpu.memory_space<vmem>> -> memref<128x64xf32, #tpu.memory_space<vmem>>
      %dma_wait3A_126 = tpu.memref_slice %arg5[%add3A_65] : memref<5120xi32, #tpu.memory_space<vmem>> -> memref<128xi32, #tpu.memory_space<vmem>>
      %dma_wait3A_127 = arith.constant 0 : i32
      %dma_wait3A_128 = arith.constant 0 : i32
      %dma_wait3A_129 = tpu.memref_slice %arg2[%dma_wait3A_127, %dma_wait3A_128] : memref<8192x64xf32, #tpu.memory_space<hbm>> -> memref<8192x64xf32, #tpu.memory_space<hbm>>
      tpu.wait_indirect_dma semaphore(%arg7 : memref<!tpu.dma_semaphore, #tpu.memory_space<semaphore_mem>>) src(%dma_wait3A_129 : memref<8192x64xf32, #tpu.memory_space<hbm>>) dst(%dma_wait3A_125 : memref<128x64xf32, #tpu.memory_space<vmem>>)
      %dma_wait3A_130 = arith.constant 896 : i32
      %dma_wait3A_131 = arith.constant 0 : i32
      %dma_wait3A_132 = tpu.memref_slice %arg6[%dma_wait3A_130, %dma_wait3A_131] : memref<1024x64xf32, #tpu.memory_space<vmem>> -> memref<128x64xf32, #tpu.memory_space<vmem>>
      %dma_wait3A_133 = tpu.memref_slice %arg5[%add3A_74] : memref<5120xi32, #tpu.memory_space<vmem>> -> memref<128xi32, #tpu.memory_space<vmem>>
      %dma_wait3A_134 = arith.constant 0 : i32
      %dma_wait3A_135 = arith.constant 0 : i32
      %dma_wait3A_136 = tpu.memref_slice %arg2[%dma_wait3A_134, %dma_wait3A_135] : memref<8192x64xf32, #tpu.memory_space<hbm>> -> memref<8192x64xf32, #tpu.memory_space<hbm>>
      tpu.wait_indirect_dma semaphore(%arg7 : memref<!tpu.dma_semaphore, #tpu.memory_space<semaphore_mem>>) src(%dma_wait3A_136 : memref<8192x64xf32, #tpu.memory_space<hbm>>) dst(%dma_wait3A_132 : memref<128x64xf32, #tpu.memory_space<vmem>>)
      %add3A_137 = arith.addi %mul3A_2, %mul3A_10 : i32
      "tpu.region"() ({
        %run_scoped3A = tpu.sem_alloc : memref<!tpu.dma_semaphore, #tpu.memory_space<semaphore_mem>>
        %dma_start3A_138 = arith.constant 0 : i32
        %dma_start3A_139 = tpu.memref_slice %arg4[%add3A_137, %dma_start3A_138] : memref<163840x64xf32, #tpu.memory_space<hbm>> -> memref<1024x64xf32, #tpu.memory_space<hbm>>
        %dma_start3A_140 = arith.constant 0 : i32
        %dma_start3A_141 = tpu.memref_slice %arg4[%add3A_137, %dma_start3A_140] : memref<163840x64xf32, #tpu.memory_space<hbm>> -> memref<1024x64xf32, #tpu.memory_space<hbm>>
        tpu.enqueue_dma source(%arg6 : memref<1024x64xf32, #tpu.memory_space<vmem>>) target(%dma_start3A_141 : memref<1024x64xf32, #tpu.memory_space<hbm>>) target_semaphore(%run_scoped3A : memref<!tpu.dma_semaphore, #tpu.memory_space<semaphore_mem>>)
        %dma_wait3A_142 = arith.constant 0 : i32
        %dma_wait3A_143 = tpu.memref_slice %arg4[%add3A_137, %dma_wait3A_142] : memref<163840x64xf32, #tpu.memory_space<hbm>> -> memref<1024x64xf32, #tpu.memory_space<hbm>>
        %dma_wait3A_144 = arith.constant 0 : i32
        %dma_wait3A_145 = tpu.memref_slice %arg4[%add3A_137, %dma_wait3A_144] : memref<163840x64xf32, #tpu.memory_space<hbm>> -> memref<1024x64xf32, #tpu.memory_space<hbm>>
        tpu.wait_dma2 semaphore(%run_scoped3A : memref<!tpu.dma_semaphore, #tpu.memory_space<semaphore_mem>>) src(%arg6 : memref<1024x64xf32, #tpu.memory_space<vmem>>) dst(%dma_wait3A_145 : memref<1024x64xf32, #tpu.memory_space<hbm>>)
        tpu.yield
      }) : () -> ()
    }
    %scan3A_7 = arith.constant 5 : i32
    return
  }
}

#map = affine_map<(d0, d1) -> (0, 0)>
#map1 = affine_map<(d0, d1) -> (0)>
module attributes {stable_mosaic.version = 14 : i64} {
  func.func @gather(%arg0: i32, %arg1: i32, %arg2: memref<8192x64xf32, #tpu.memory_space<hbm>>, %arg3: memref<163840xi32, #tpu.memory_space<hbm>>, %arg4: memref<163840x64xf32, #tpu.memory_space<hbm>>, %arg5: memref<5120xi32, #tpu.memory_space<vmem>>, %arg6: memref<1024x64xf32, #tpu.memory_space<vmem>>, %arg7: memref<!tpu.dma_semaphore, #tpu.memory_space<semaphore_mem>>) attributes {dimension_semantics = [#tpu.dimension_semantics<core_parallel>, #tpu.dimension_semantics<subcore_parallel>], iteration_bounds = array<i64: 2, 16>, scalar_prefetch = 0 : i64, scratch_operands = 3 : i64, tpu.core_type = #tpu.core_type<sc_vector_subcore>, window_params = [{transform_indices = #map}, {transform_indices = #map1}, {transform_indices = #map}]} {
    %mul3A = arith.constant 2 : i32
    %mul3A_0 = arith.muli %arg1, %mul3A : i32
    %add3A = arith.addi %mul3A_0, %arg0 : i32
    %mul3A_1 = arith.constant 5120 : i32
    %mul3A_2 = arith.muli %add3A, %mul3A_1 : i32
    "tpu.region"() ({
      %run_scoped3A = tpu.sem_alloc : memref<!tpu.dma_semaphore, #tpu.memory_space<semaphore_mem>>
      %dma_start3A = tpu.memref_slice %arg3[%mul3A_2] : memref<163840xi32, #tpu.memory_space<hbm>> -> memref<5120xi32, #tpu.memory_space<hbm>>
      %dma_start3A_8 = tpu.memref_slice %arg3[%mul3A_2] : memref<163840xi32, #tpu.memory_space<hbm>> -> memref<5120xi32, #tpu.memory_space<hbm>>
      tpu.enqueue_dma source(%dma_start3A_8 : memref<5120xi32, #tpu.memory_space<hbm>>) target(%arg5 : memref<5120xi32, #tpu.memory_space<vmem>>) target_semaphore(%run_scoped3A : memref<!tpu.dma_semaphore, #tpu.memory_space<semaphore_mem>>)
      %dma_wait3A = tpu.memref_slice %arg3[%mul3A_2] : memref<163840xi32, #tpu.memory_space<hbm>> -> memref<5120xi32, #tpu.memory_space<hbm>>
      %dma_wait3A_9 = tpu.memref_slice %arg3[%mul3A_2] : memref<163840xi32, #tpu.memory_space<hbm>> -> memref<5120xi32, #tpu.memory_space<hbm>>
      tpu.wait_dma2 semaphore(%run_scoped3A : memref<!tpu.dma_semaphore, #tpu.memory_space<semaphore_mem>>) src(%dma_wait3A_9 : memref<5120xi32, #tpu.memory_space<hbm>>) dst(%arg5 : memref<5120xi32, #tpu.memory_space<vmem>>)
      tpu.yield
    }) : () -> ()
    %scan3A = arith.constant 0 : i32
    %scan3A_3 = arith.constant 0 : i32
    %scan3A_4 = arith.constant 5 : i32
    %scan3A_5 = arith.addi %scan3A_3, %scan3A_4 : i32
    %scan3A_6 = arith.constant 1 : i32
    scf.for %scan3A_8 = %scan3A_3 to %scan3A_5 step %scan3A_6  : i32 {
      %mul3A_9 = arith.constant 1024 : i32
      %mul3A_10 = arith.muli %scan3A_8, %mul3A_9 : i32
      %add3A_11 = arith.constant 0 : i32
      %add3A_12 = arith.addi %mul3A_10, %add3A_11 : i32
      %dma_start3A = arith.constant 0 : i32
      %dma_start3A_13 = arith.constant 0 : i32
      %dma_start3A_14 = tpu.memref_slice %arg6[%dma_start3A, %dma_start3A_13] : memref<1024x64xf32, #tpu.memory_space<vmem>> -> memref<128x64xf32, #tpu.memory_space<vmem>>
      %dma_start3A_15 = tpu.memref_slice %arg5[%add3A_12] : memref<5120xi32, #tpu.memory_space<vmem>> -> memref<128xi32, #tpu.memory_space<vmem>>
      %dma_start3A_16 = arith.constant 0 : i32
      %dma_start3A_17 = arith.constant 0 : i32
      %dma_start3A_18 = tpu.memref_slice %arg2[%dma_start3A_16, %dma_start3A_17] : memref<8192x64xf32, #tpu.memory_space<hbm>> -> memref<8192x64xf32, #tpu.memory_space<hbm>>
      tpu.enqueue_indirect_dma source(%dma_start3A_18 : memref<8192x64xf32, #tpu.memory_space<hbm>>) target(%dma_start3A_14 : memref<128x64xf32, #tpu.memory_space<vmem>>) offsets(%dma_start3A_15 : memref<128xi32, #tpu.memory_space<vmem>>) semaphore(%arg7 : memref<!tpu.dma_semaphore, #tpu.memory_space<semaphore_mem>>)
      %add3A_19 = arith.constant 128 : i32
      %add3A_20 = arith.addi %mul3A_10, %add3A_19 : i32
      %dma_start3A_21 = arith.constant 128 : i32
      %dma_start3A_22 = arith.constant 0 : i32
      %dma_start3A_23 = tpu.memref_slice %arg6[%dma_start3A_21, %dma_start3A_22] : memref<1024x64xf32, #tpu.memory_space<vmem>> -> memref<128x64xf32, #tpu.memory_space<vmem>>
      %dma_start3A_24 = tpu.memref_slice %arg5[%add3A_20] : memref<5120xi32, #tpu.memory_space<vmem>> -> memref<128xi32, #tpu.memory_space<vmem>>
      %dma_start3A_25 = arith.constant 0 : i32
      %dma_start3A_26 = arith.constant 0 : i32
      %dma_start3A_27 = tpu.memref_slice %arg2[%dma_start3A_25, %dma_start3A_26] : memref<8192x64xf32, #tpu.memory_space<hbm>> -> memref<8192x64xf32, #tpu.memory_space<hbm>>
      tpu.enqueue_indirect_dma source(%dma_start3A_27 : memref<8192x64xf32, #tpu.memory_space<hbm>>) target(%dma_start3A_23 : memref<128x64xf32, #tpu.memory_space<vmem>>) offsets(%dma_start3A_24 : memref<128xi32, #tpu.memory_space<vmem>>) semaphore(%arg7 : memref<!tpu.dma_semaphore, #tpu.memory_space<semaphore_mem>>)
      %add3A_28 = arith.constant 256 : i32
      %add3A_29 = arith.addi %mul3A_10, %add3A_28 : i32
      %dma_start3A_30 = arith.constant 256 : i32
      %dma_start3A_31 = arith.constant 0 : i32
      %dma_start3A_32 = tpu.memref_slice %arg6[%dma_start3A_30, %dma_start3A_31] : memref<1024x64xf32, #tpu.memory_space<vmem>> -> memref<128x64xf32, #tpu.memory_space<vmem>>
      %dma_start3A_33 = tpu.memref_slice %arg5[%add3A_29] : memref<5120xi32, #tpu.memory_space<vmem>> -> memref<128xi32, #tpu.memory_space<vmem>>
      %dma_start3A_34 = arith.constant 0 : i32
      %dma_start3A_35 = arith.constant 0 : i32
      %dma_start3A_36 = tpu.memref_slice %arg2[%dma_start3A_34, %dma_start3A_35] : memref<8192x64xf32, #tpu.memory_space<hbm>> -> memref<8192x64xf32, #tpu.memory_space<hbm>>
      tpu.enqueue_indirect_dma source(%dma_start3A_36 : memref<8192x64xf32, #tpu.memory_space<hbm>>) target(%dma_start3A_32 : memref<128x64xf32, #tpu.memory_space<vmem>>) offsets(%dma_start3A_33 : memref<128xi32, #tpu.memory_space<vmem>>) semaphore(%arg7 : memref<!tpu.dma_semaphore, #tpu.memory_space<semaphore_mem>>)
      %add3A_37 = arith.constant 384 : i32
      %add3A_38 = arith.addi %mul3A_10, %add3A_37 : i32
      %dma_start3A_39 = arith.constant 384 : i32
      %dma_start3A_40 = arith.constant 0 : i32
      %dma_start3A_41 = tpu.memref_slice %arg6[%dma_start3A_39, %dma_start3A_40] : memref<1024x64xf32, #tpu.memory_space<vmem>> -> memref<128x64xf32, #tpu.memory_space<vmem>>
      %dma_start3A_42 = tpu.memref_slice %arg5[%add3A_38] : memref<5120xi32, #tpu.memory_space<vmem>> -> memref<128xi32, #tpu.memory_space<vmem>>
      %dma_start3A_43 = arith.constant 0 : i32
      %dma_start3A_44 = arith.constant 0 : i32
      %dma_start3A_45 = tpu.memref_slice %arg2[%dma_start3A_43, %dma_start3A_44] : memref<8192x64xf32, #tpu.memory_space<hbm>> -> memref<8192x64xf32, #tpu.memory_space<hbm>>
      tpu.enqueue_indirect_dma source(%dma_start3A_45 : memref<8192x64xf32, #tpu.memory_space<hbm>>) target(%dma_start3A_41 : memref<128x64xf32, #tpu.memory_space<vmem>>) offsets(%dma_start3A_42 : memref<128xi32, #tpu.memory_space<vmem>>) semaphore(%arg7 : memref<!tpu.dma_semaphore, #tpu.memory_space<semaphore_mem>>)
      %add3A_46 = arith.constant 512 : i32
      %add3A_47 = arith.addi %mul3A_10, %add3A_46 : i32
      %dma_start3A_48 = arith.constant 512 : i32
      %dma_start3A_49 = arith.constant 0 : i32
      %dma_start3A_50 = tpu.memref_slice %arg6[%dma_start3A_48, %dma_start3A_49] : memref<1024x64xf32, #tpu.memory_space<vmem>> -> memref<128x64xf32, #tpu.memory_space<vmem>>
      %dma_start3A_51 = tpu.memref_slice %arg5[%add3A_47] : memref<5120xi32, #tpu.memory_space<vmem>> -> memref<128xi32, #tpu.memory_space<vmem>>
      %dma_start3A_52 = arith.constant 0 : i32
      %dma_start3A_53 = arith.constant 0 : i32
      %dma_start3A_54 = tpu.memref_slice %arg2[%dma_start3A_52, %dma_start3A_53] : memref<8192x64xf32, #tpu.memory_space<hbm>> -> memref<8192x64xf32, #tpu.memory_space<hbm>>
      tpu.enqueue_indirect_dma source(%dma_start3A_54 : memref<8192x64xf32, #tpu.memory_space<hbm>>) target(%dma_start3A_50 : memref<128x64xf32, #tpu.memory_space<vmem>>) offsets(%dma_start3A_51 : memref<128xi32, #tpu.memory_space<vmem>>) semaphore(%arg7 : memref<!tpu.dma_semaphore, #tpu.memory_space<semaphore_mem>>)
      %add3A_55 = arith.constant 640 : i32
      %add3A_56 = arith.addi %mul3A_10, %add3A_55 : i32
      %dma_start3A_57 = arith.constant 640 : i32
      %dma_start3A_58 = arith.constant 0 : i32
      %dma_start3A_59 = tpu.memref_slice %arg6[%dma_start3A_57, %dma_start3A_58] : memref<1024x64xf32, #tpu.memory_space<vmem>> -> memref<128x64xf32, #tpu.memory_space<vmem>>
      %dma_start3A_60 = tpu.memref_slice %arg5[%add3A_56] : memref<5120xi32, #tpu.memory_space<vmem>> -> memref<128xi32, #tpu.memory_space<vmem>>
      %dma_start3A_61 = arith.constant 0 : i32
      %dma_start3A_62 = arith.constant 0 : i32
      %dma_start3A_63 = tpu.memref_slice %arg2[%dma_start3A_61, %dma_start3A_62] : memref<8192x64xf32, #tpu.memory_space<hbm>> -> memref<8192x64xf32, #tpu.memory_space<hbm>>
      tpu.enqueue_indirect_dma source(%dma_start3A_63 : memref<8192x64xf32, #tpu.memory_space<hbm>>) target(%dma_start3A_59 : memref<128x64xf32, #tpu.memory_space<vmem>>) offsets(%dma_start3A_60 : memref<128xi32, #tpu.memory_space<vmem>>) semaphore(%arg7 : memref<!tpu.dma_semaphore, #tpu.memory_space<semaphore_mem>>)
      %add3A_64 = arith.constant 768 : i32
      %add3A_65 = arith.addi %mul3A_10, %add3A_64 : i32
      %dma_start3A_66 = arith.constant 768 : i32
      %dma_start3A_67 = arith.constant 0 : i32
      %dma_start3A_68 = tpu.memref_slice %arg6[%dma_start3A_66, %dma_start3A_67] : memref<1024x64xf32, #tpu.memory_space<vmem>> -> memref<128x64xf32, #tpu.memory_space<vmem>>
      %dma_start3A_69 = tpu.memref_slice %arg5[%add3A_65] : memref<5120xi32, #tpu.memory_space<vmem>> -> memref<128xi32, #tpu.memory_space<vmem>>
      %dma_start3A_70 = arith.constant 0 : i32
      %dma_start3A_71 = arith.constant 0 : i32
      %dma_start3A_72 = tpu.memref_slice %arg2[%dma_start3A_70, %dma_start3A_71] : memref<8192x64xf32, #tpu.memory_space<hbm>> -> memref<8192x64xf32, #tpu.memory_space<hbm>>
      tpu.enqueue_indirect_dma source(%dma_start3A_72 : memref<8192x64xf32, #tpu.memory_space<hbm>>) target(%dma_start3A_68 : memref<128x64xf32, #tpu.memory_space<vmem>>) offsets(%dma_start3A_69 : memref<128xi32, #tpu.memory_space<vmem>>) semaphore(%arg7 : memref<!tpu.dma_semaphore, #tpu.memory_space<semaphore_mem>>)
      %add3A_73 = arith.constant 896 : i32
      %add3A_74 = arith.addi %mul3A_10, %add3A_73 : i32
      %dma_start3A_75 = arith.constant 896 : i32
      %dma_start3A_76 = arith.constant 0 : i32
      %dma_start3A_77 = tpu.memref_slice %arg6[%dma_start3A_75, %dma_start3A_76] : memref<1024x64xf32, #tpu.memory_space<vmem>> -> memref<128x64xf32, #tpu.memory_space<vmem>>
      %dma_start3A_78 = tpu.memref_slice %arg5[%add3A_74] : memref<5120xi32, #tpu.memory_space<vmem>> -> memref<128xi32, #tpu.memory_space<vmem>>
      %dma_start3A_79 = arith.constant 0 : i32
      %dma_start3A_80 = arith.constant 0 : i32
      %dma_start3A_81 = tpu.memref_slice %arg2[%dma_start3A_79, %dma_start3A_80] : memref<8192x64xf32, #tpu.memory_space<hbm>> -> memref<8192x64xf32, #tpu.memory_space<hbm>>
      tpu.enqueue_indirect_dma source(%dma_start3A_81 : memref<8192x64xf32, #tpu.memory_space<hbm>>) target(%dma_start3A_77 : memref<128x64xf32, #tpu.memory_space<vmem>>) offsets(%dma_start3A_78 : memref<128xi32, #tpu.memory_space<vmem>>) semaphore(%arg7 : memref<!tpu.dma_semaphore, #tpu.memory_space<semaphore_mem>>)
      %dma_wait3A = arith.constant 0 : i32
      %dma_wait3A_82 = arith.constant 0 : i32
      %dma_wait3A_83 = tpu.memref_slice %arg6[%dma_wait3A, %dma_wait3A_82] : memref<1024x64xf32, #tpu.memory_space<vmem>> -> memref<128x64xf32, #tpu.memory_space<vmem>>
      %dma_wait3A_84 = tpu.memref_slice %arg5[%add3A_12] : memref<5120xi32, #tpu.memory_space<vmem>> -> memref<128xi32, #tpu.memory_space<vmem>>
      %dma_wait3A_85 = arith.constant 0 : i32
      %dma_wait3A_86 = arith.constant 0 : i32
      %dma_wait3A_87 = tpu.memref_slice %arg2[%dma_wait3A_85, %dma_wait3A_86] : memref<8192x64xf32, #tpu.memory_space<hbm>> -> memref<8192x64xf32, #tpu.memory_space<hbm>>
      tpu.wait_indirect_dma semaphore(%arg7 : memref<!tpu.dma_semaphore, #tpu.memory_space<semaphore_mem>>) src(%dma_wait3A_87 : memref<8192x64xf32, #tpu.memory_space<hbm>>) dst(%dma_wait3A_83 : memref<128x64xf32, #tpu.memory_space<vmem>>)
      %dma_wait3A_88 = arith.constant 128 : i32
      %dma_wait3A_89 = arith.constant 0 : i32
      %dma_wait3A_90 = tpu.memref_slice %arg6[%dma_wait3A_88, %dma_wait3A_89] : memref<1024x64xf32, #tpu.memory_space<vmem>> -> memref<128x64xf32, #tpu.memory_space<vmem>>
      %dma_wait3A_91 = tpu.memref_slice %arg5[%add3A_20] : memref<5120xi32, #tpu.memory_space<vmem>> -> memref<128xi32, #tpu.memory_space<vmem>>
      %dma_wait3A_92 = arith.constant 0 : i32
      %dma_wait3A_93 = arith.constant 0 : i32
      %dma_wait3A_94 = tpu.memref_slice %arg2[%dma_wait3A_92, %dma_wait3A_93] : memref<8192x64xf32, #tpu.memory_space<hbm>> -> memref<8192x64xf32, #tpu.memory_space<hbm>>
      tpu.wait_indirect_dma semaphore(%arg7 : memref<!tpu.dma_semaphore, #tpu.memory_space<semaphore_mem>>) src(%dma_wait3A_94 : memref<8192x64xf32, #tpu.memory_space<hbm>>) dst(%dma_wait3A_90 : memref<128x64xf32, #tpu.memory_space<vmem>>)
      %dma_wait3A_95 = arith.constant 256 : i32
      %dma_wait3A_96 = arith.constant 0 : i32
      %dma_wait3A_97 = tpu.memref_slice %arg6[%dma_wait3A_95, %dma_wait3A_96] : memref<1024x64xf32, #tpu.memory_space<vmem>> -> memref<128x64xf32, #tpu.memory_space<vmem>>
      %dma_wait3A_98 = tpu.memref_slice %arg5[%add3A_29] : memref<5120xi32, #tpu.memory_space<vmem>> -> memref<128xi32, #tpu.memory_space<vmem>>
      %dma_wait3A_99 = arith.constant 0 : i32
      %dma_wait3A_100 = arith.constant 0 : i32
      %dma_wait3A_101 = tpu.memref_slice %arg2[%dma_wait3A_99, %dma_wait3A_100] : memref<8192x64xf32, #tpu.memory_space<hbm>> -> memref<8192x64xf32, #tpu.memory_space<hbm>>
      tpu.wait_indirect_dma semaphore(%arg7 : memref<!tpu.dma_semaphore, #tpu.memory_space<semaphore_mem>>) src(%dma_wait3A_101 : memref<8192x64xf32, #tpu.memory_space<hbm>>) dst(%dma_wait3A_97 : memref<128x64xf32, #tpu.memory_space<vmem>>)
      %dma_wait3A_102 = arith.constant 384 : i32
      %dma_wait3A_103 = arith.constant 0 : i32
      %dma_wait3A_104 = tpu.memref_slice %arg6[%dma_wait3A_102, %dma_wait3A_103] : memref<1024x64xf32, #tpu.memory_space<vmem>> -> memref<128x64xf32, #tpu.memory_space<vmem>>
      %dma_wait3A_105 = tpu.memref_slice %arg5[%add3A_38] : memref<5120xi32, #tpu.memory_space<vmem>> -> memref<128xi32, #tpu.memory_space<vmem>>
      %dma_wait3A_106 = arith.constant 0 : i32
      %dma_wait3A_107 = arith.constant 0 : i32
      %dma_wait3A_108 = tpu.memref_slice %arg2[%dma_wait3A_106, %dma_wait3A_107] : memref<8192x64xf32, #tpu.memory_space<hbm>> -> memref<8192x64xf32, #tpu.memory_space<hbm>>
      tpu.wait_indirect_dma semaphore(%arg7 : memref<!tpu.dma_semaphore, #tpu.memory_space<semaphore_mem>>) src(%dma_wait3A_108 : memref<8192x64xf32, #tpu.memory_space<hbm>>) dst(%dma_wait3A_104 : memref<128x64xf32, #tpu.memory_space<vmem>>)
      %dma_wait3A_109 = arith.constant 512 : i32
      %dma_wait3A_110 = arith.constant 0 : i32
      %dma_wait3A_111 = tpu.memref_slice %arg6[%dma_wait3A_109, %dma_wait3A_110] : memref<1024x64xf32, #tpu.memory_space<vmem>> -> memref<128x64xf32, #tpu.memory_space<vmem>>
      %dma_wait3A_112 = tpu.memref_slice %arg5[%add3A_47] : memref<5120xi32, #tpu.memory_space<vmem>> -> memref<128xi32, #tpu.memory_space<vmem>>
      %dma_wait3A_113 = arith.constant 0 : i32
      %dma_wait3A_114 = arith.constant 0 : i32
      %dma_wait3A_115 = tpu.memref_slice %arg2[%dma_wait3A_113, %dma_wait3A_114] : memref<8192x64xf32, #tpu.memory_space<hbm>> -> memref<8192x64xf32, #tpu.memory_space<hbm>>
      tpu.wait_indirect_dma semaphore(%arg7 : memref<!tpu.dma_semaphore, #tpu.memory_space<semaphore_mem>>) src(%dma_wait3A_115 : memref<8192x64xf32, #tpu.memory_space<hbm>>) dst(%dma_wait3A_111 : memref<128x64xf32, #tpu.memory_space<vmem>>)
      %dma_wait3A_116 = arith.constant 640 : i32
      %dma_wait3A_117 = arith.constant 0 : i32
      %dma_wait3A_118 = tpu.memref_slice %arg6[%dma_wait3A_116, %dma_wait3A_117] : memref<1024x64xf32, #tpu.memory_space<vmem>> -> memref<128x64xf32, #tpu.memory_space<vmem>>
      %dma_wait3A_119 = tpu.memref_slice %arg5[%add3A_56] : memref<5120xi32, #tpu.memory_space<vmem>> -> memref<128xi32, #tpu.memory_space<vmem>>
      %dma_wait3A_120 = arith.constant 0 : i32
      %dma_wait3A_121 = arith.constant 0 : i32
      %dma_wait3A_122 = tpu.memref_slice %arg2[%dma_wait3A_120, %dma_wait3A_121] : memref<8192x64xf32, #tpu.memory_space<hbm>> -> memref<8192x64xf32, #tpu.memory_space<hbm>>
      tpu.wait_indirect_dma semaphore(%arg7 : memref<!tpu.dma_semaphore, #tpu.memory_space<semaphore_mem>>) src(%dma_wait3A_122 : memref<8192x64xf32, #tpu.memory_space<hbm>>) dst(%dma_wait3A_118 : memref<128x64xf32, #tpu.memory_space<vmem>>)
      %dma_wait3A_123 = arith.constant 768 : i32
      %dma_wait3A_124 = arith.constant 0 : i32
      %dma_wait3A_125 = tpu.memref_slice %arg6[%dma_wait3A_123, %dma_wait3A_124] : memref<1024x64xf32, #tpu.memory_space<vmem>> -> memref<128x64xf32, #tpu.memory_space<vmem>>
      %dma_wait3A_126 = tpu.memref_slice %arg5[%add3A_65] : memref<5120xi32, #tpu.memory_space<vmem>> -> memref<128xi32, #tpu.memory_space<vmem>>
      %dma_wait3A_127 = arith.constant 0 : i32
      %dma_wait3A_128 = arith.constant 0 : i32
      %dma_wait3A_129 = tpu.memref_slice %arg2[%dma_wait3A_127, %dma_wait3A_128] : memref<8192x64xf32, #tpu.memory_space<hbm>> -> memref<8192x64xf32, #tpu.memory_space<hbm>>
      tpu.wait_indirect_dma semaphore(%arg7 : memref<!tpu.dma_semaphore, #tpu.memory_space<semaphore_mem>>) src(%dma_wait3A_129 : memref<8192x64xf32, #tpu.memory_space<hbm>>) dst(%dma_wait3A_125 : memref<128x64xf32, #tpu.memory_space<vmem>>)
      %dma_wait3A_130 = arith.constant 896 : i32
      %dma_wait3A_131 = arith.constant 0 : i32
      %dma_wait3A_132 = tpu.memref_slice %arg6[%dma_wait3A_130, %dma_wait3A_131] : memref<1024x64xf32, #tpu.memory_space<vmem>> -> memref<128x64xf32, #tpu.memory_space<vmem>>
      %dma_wait3A_133 = tpu.memref_slice %arg5[%add3A_74] : memref<5120xi32, #tpu.memory_space<vmem>> -> memref<128xi32, #tpu.memory_space<vmem>>
      %dma_wait3A_134 = arith.constant 0 : i32
      %dma_wait3A_135 = arith.constant 0 : i32
      %dma_wait3A_136 = tpu.memref_slice %arg2[%dma_wait3A_134, %dma_wait3A_135] : memref<8192x64xf32, #tpu.memory_space<hbm>> -> memref<8192x64xf32, #tpu.memory_space<hbm>>
      tpu.wait_indirect_dma semaphore(%arg7 : memref<!tpu.dma_semaphore, #tpu.memory_space<semaphore_mem>>) src(%dma_wait3A_136 : memref<8192x64xf32, #tpu.memory_space<hbm>>) dst(%dma_wait3A_132 : memref<128x64xf32, #tpu.memory_space<vmem>>)
      %add3A_137 = arith.addi %mul3A_2, %mul3A_10 : i32
      "tpu.region"() ({
        %run_scoped3A = tpu.sem_alloc : memref<!tpu.dma_semaphore, #tpu.memory_space<semaphore_mem>>
        %dma_start3A_138 = arith.constant 0 : i32
        %dma_start3A_139 = tpu.memref_slice %arg4[%add3A_137, %dma_start3A_138] : memref<163840x64xf32, #tpu.memory_space<hbm>> -> memref<1024x64xf32, #tpu.memory_space<hbm>>
        %dma_start3A_140 = arith.constant 0 : i32
        %dma_start3A_141 = tpu.memref_slice %arg4[%add3A_137, %dma_start3A_140] : memref<163840x64xf32, #tpu.memory_space<hbm>> -> memref<1024x64xf32, #tpu.memory_space<hbm>>
        tpu.enqueue_dma source(%arg6 : memref<1024x64xf32, #tpu.memory_space<vmem>>) target(%dma_start3A_141 : memref<1024x64xf32, #tpu.memory_space<hbm>>) target_semaphore(%run_scoped3A : memref<!tpu.dma_semaphore, #tpu.memory_space<semaphore_mem>>)
        %dma_wait3A_142 = arith.constant 0 : i32
        %dma_wait3A_143 = tpu.memref_slice %arg4[%add3A_137, %dma_wait3A_142] : memref<163840x64xf32, #tpu.memory_space<hbm>> -> memref<1024x64xf32, #tpu.memory_space<hbm>>
        %dma_wait3A_144 = arith.constant 0 : i32
        %dma_wait3A_145 = tpu.memref_slice %arg4[%add3A_137, %dma_wait3A_144] : memref<163840x64xf32, #tpu.memory_space<hbm>> -> memref<1024x64xf32, #tpu.memory_space<hbm>>
        tpu.wait_dma2 semaphore(%run_scoped3A : memref<!tpu.dma_semaphore, #tpu.memory_space<semaphore_mem>>) src(%arg6 : memref<1024x64xf32, #tpu.memory_space<vmem>>) dst(%dma_wait3A_145 : memref<1024x64xf32, #tpu.memory_space<hbm>>)
        tpu.yield
      }) : () -> ()
    }
    %scan3A_7 = arith.constant 5 : i32
    return
  }
}

#map = affine_map<(d0, d1) -> (0, 0)>
#map1 = affine_map<(d0, d1) -> (0)>
module attributes {stable_mosaic.version = 14 : i64} {
  func.func @gather(%arg0: i32, %arg1: i32, %arg2: memref<8192x64xf32, #tpu.memory_space<hbm>>, %arg3: memref<163840xi32, #tpu.memory_space<hbm>>, %arg4: memref<163840x64xf32, #tpu.memory_space<hbm>>, %arg5: memref<5120xi32, #tpu.memory_space<vmem>>, %arg6: memref<1024x64xf32, #tpu.memory_space<vmem>>, %arg7: memref<!tpu.dma_semaphore, #tpu.memory_space<semaphore_mem>>) attributes {dimension_semantics = [#tpu.dimension_semantics<core_parallel>, #tpu.dimension_semantics<subcore_parallel>], iteration_bounds = array<i64: 2, 16>, scalar_prefetch = 0 : i64, scratch_operands = 3 : i64, tpu.core_type = #tpu.core_type<sc_vector_subcore>, window_params = [{transform_indices = #map}, {transform_indices = #map1}, {transform_indices = #map}]} {
    %mul3A = arith.constant 2 : i32
    %mul3A_0 = arith.muli %arg1, %mul3A : i32
    %add3A = arith.addi %mul3A_0, %arg0 : i32
    %mul3A_1 = arith.constant 5120 : i32
    %mul3A_2 = arith.muli %add3A, %mul3A_1 : i32
    "tpu.region"() ({
      %run_scoped3A = tpu.sem_alloc : memref<!tpu.dma_semaphore, #tpu.memory_space<semaphore_mem>>
      %dma_start3A = tpu.memref_slice %arg3[%mul3A_2] : memref<163840xi32, #tpu.memory_space<hbm>> -> memref<5120xi32, #tpu.memory_space<hbm>>
      %dma_start3A_8 = tpu.memref_slice %arg3[%mul3A_2] : memref<163840xi32, #tpu.memory_space<hbm>> -> memref<5120xi32, #tpu.memory_space<hbm>>
      tpu.enqueue_dma source(%dma_start3A_8 : memref<5120xi32, #tpu.memory_space<hbm>>) target(%arg5 : memref<5120xi32, #tpu.memory_space<vmem>>) target_semaphore(%run_scoped3A : memref<!tpu.dma_semaphore, #tpu.memory_space<semaphore_mem>>)
      %dma_wait3A = tpu.memref_slice %arg3[%mul3A_2] : memref<163840xi32, #tpu.memory_space<hbm>> -> memref<5120xi32, #tpu.memory_space<hbm>>
      %dma_wait3A_9 = tpu.memref_slice %arg3[%mul3A_2] : memref<163840xi32, #tpu.memory_space<hbm>> -> memref<5120xi32, #tpu.memory_space<hbm>>
      tpu.wait_dma2 semaphore(%run_scoped3A : memref<!tpu.dma_semaphore, #tpu.memory_space<semaphore_mem>>) src(%dma_wait3A_9 : memref<5120xi32, #tpu.memory_space<hbm>>) dst(%arg5 : memref<5120xi32, #tpu.memory_space<vmem>>)
      tpu.yield
    }) : () -> ()
    %scan3A = arith.constant 0 : i32
    %scan3A_3 = arith.constant 0 : i32
    %scan3A_4 = arith.constant 5 : i32
    %scan3A_5 = arith.addi %scan3A_3, %scan3A_4 : i32
    %scan3A_6 = arith.constant 1 : i32
    scf.for %scan3A_8 = %scan3A_3 to %scan3A_5 step %scan3A_6  : i32 {
      %mul3A_9 = arith.constant 1024 : i32
      %mul3A_10 = arith.muli %scan3A_8, %mul3A_9 : i32
      %add3A_11 = arith.constant 0 : i32
      %add3A_12 = arith.addi %mul3A_10, %add3A_11 : i32
      %dma_start3A = arith.constant 0 : i32
      %dma_start3A_13 = arith.constant 0 : i32
      %dma_start3A_14 = tpu.memref_slice %arg6[%dma_start3A, %dma_start3A_13] : memref<1024x64xf32, #tpu.memory_space<vmem>> -> memref<128x64xf32, #tpu.memory_space<vmem>>
      %dma_start3A_15 = tpu.memref_slice %arg5[%add3A_12] : memref<5120xi32, #tpu.memory_space<vmem>> -> memref<128xi32, #tpu.memory_space<vmem>>
      %dma_start3A_16 = arith.constant 0 : i32
      %dma_start3A_17 = arith.constant 0 : i32
      %dma_start3A_18 = tpu.memref_slice %arg2[%dma_start3A_16, %dma_start3A_17] : memref<8192x64xf32, #tpu.memory_space<hbm>> -> memref<8192x64xf32, #tpu.memory_space<hbm>>
      tpu.enqueue_indirect_dma source(%dma_start3A_18 : memref<8192x64xf32, #tpu.memory_space<hbm>>) target(%dma_start3A_14 : memref<128x64xf32, #tpu.memory_space<vmem>>) offsets(%dma_start3A_15 : memref<128xi32, #tpu.memory_space<vmem>>) semaphore(%arg7 : memref<!tpu.dma_semaphore, #tpu.memory_space<semaphore_mem>>)
      %add3A_19 = arith.constant 128 : i32
      %add3A_20 = arith.addi %mul3A_10, %add3A_19 : i32
      %dma_start3A_21 = arith.constant 128 : i32
      %dma_start3A_22 = arith.constant 0 : i32
      %dma_start3A_23 = tpu.memref_slice %arg6[%dma_start3A_21, %dma_start3A_22] : memref<1024x64xf32, #tpu.memory_space<vmem>> -> memref<128x64xf32, #tpu.memory_space<vmem>>
      %dma_start3A_24 = tpu.memref_slice %arg5[%add3A_20] : memref<5120xi32, #tpu.memory_space<vmem>> -> memref<128xi32, #tpu.memory_space<vmem>>
      %dma_start3A_25 = arith.constant 0 : i32
      %dma_start3A_26 = arith.constant 0 : i32
      %dma_start3A_27 = tpu.memref_slice %arg2[%dma_start3A_25, %dma_start3A_26] : memref<8192x64xf32, #tpu.memory_space<hbm>> -> memref<8192x64xf32, #tpu.memory_space<hbm>>
      tpu.enqueue_indirect_dma source(%dma_start3A_27 : memref<8192x64xf32, #tpu.memory_space<hbm>>) target(%dma_start3A_23 : memref<128x64xf32, #tpu.memory_space<vmem>>) offsets(%dma_start3A_24 : memref<128xi32, #tpu.memory_space<vmem>>) semaphore(%arg7 : memref<!tpu.dma_semaphore, #tpu.memory_space<semaphore_mem>>)
      %add3A_28 = arith.constant 256 : i32
      %add3A_29 = arith.addi %mul3A_10, %add3A_28 : i32
      %dma_start3A_30 = arith.constant 256 : i32
      %dma_start3A_31 = arith.constant 0 : i32
      %dma_start3A_32 = tpu.memref_slice %arg6[%dma_start3A_30, %dma_start3A_31] : memref<1024x64xf32, #tpu.memory_space<vmem>> -> memref<128x64xf32, #tpu.memory_space<vmem>>
      %dma_start3A_33 = tpu.memref_slice %arg5[%add3A_29] : memref<5120xi32, #tpu.memory_space<vmem>> -> memref<128xi32, #tpu.memory_space<vmem>>
      %dma_start3A_34 = arith.constant 0 : i32
      %dma_start3A_35 = arith.constant 0 : i32
      %dma_start3A_36 = tpu.memref_slice %arg2[%dma_start3A_34, %dma_start3A_35] : memref<8192x64xf32, #tpu.memory_space<hbm>> -> memref<8192x64xf32, #tpu.memory_space<hbm>>
      tpu.enqueue_indirect_dma source(%dma_start3A_36 : memref<8192x64xf32, #tpu.memory_space<hbm>>) target(%dma_start3A_32 : memref<128x64xf32, #tpu.memory_space<vmem>>) offsets(%dma_start3A_33 : memref<128xi32, #tpu.memory_space<vmem>>) semaphore(%arg7 : memref<!tpu.dma_semaphore, #tpu.memory_space<semaphore_mem>>)
      %add3A_37 = arith.constant 384 : i32
      %add3A_38 = arith.addi %mul3A_10, %add3A_37 : i32
      %dma_start3A_39 = arith.constant 384 : i32
      %dma_start3A_40 = arith.constant 0 : i32
      %dma_start3A_41 = tpu.memref_slice %arg6[%dma_start3A_39, %dma_start3A_40] : memref<1024x64xf32, #tpu.memory_space<vmem>> -> memref<128x64xf32, #tpu.memory_space<vmem>>
      %dma_start3A_42 = tpu.memref_slice %arg5[%add3A_38] : memref<5120xi32, #tpu.memory_space<vmem>> -> memref<128xi32, #tpu.memory_space<vmem>>
      %dma_start3A_43 = arith.constant 0 : i32
      %dma_start3A_44 = arith.constant 0 : i32
      %dma_start3A_45 = tpu.memref_slice %arg2[%dma_start3A_43, %dma_start3A_44] : memref<8192x64xf32, #tpu.memory_space<hbm>> -> memref<8192x64xf32, #tpu.memory_space<hbm>>
      tpu.enqueue_indirect_dma source(%dma_start3A_45 : memref<8192x64xf32, #tpu.memory_space<hbm>>) target(%dma_start3A_41 : memref<128x64xf32, #tpu.memory_space<vmem>>) offsets(%dma_start3A_42 : memref<128xi32, #tpu.memory_space<vmem>>) semaphore(%arg7 : memref<!tpu.dma_semaphore, #tpu.memory_space<semaphore_mem>>)
      %add3A_46 = arith.constant 512 : i32
      %add3A_47 = arith.addi %mul3A_10, %add3A_46 : i32
      %dma_start3A_48 = arith.constant 512 : i32
      %dma_start3A_49 = arith.constant 0 : i32
      %dma_start3A_50 = tpu.memref_slice %arg6[%dma_start3A_48, %dma_start3A_49] : memref<1024x64xf32, #tpu.memory_space<vmem>> -> memref<128x64xf32, #tpu.memory_space<vmem>>
      %dma_start3A_51 = tpu.memref_slice %arg5[%add3A_47] : memref<5120xi32, #tpu.memory_space<vmem>> -> memref<128xi32, #tpu.memory_space<vmem>>
      %dma_start3A_52 = arith.constant 0 : i32
      %dma_start3A_53 = arith.constant 0 : i32
      %dma_start3A_54 = tpu.memref_slice %arg2[%dma_start3A_52, %dma_start3A_53] : memref<8192x64xf32, #tpu.memory_space<hbm>> -> memref<8192x64xf32, #tpu.memory_space<hbm>>
      tpu.enqueue_indirect_dma source(%dma_start3A_54 : memref<8192x64xf32, #tpu.memory_space<hbm>>) target(%dma_start3A_50 : memref<128x64xf32, #tpu.memory_space<vmem>>) offsets(%dma_start3A_51 : memref<128xi32, #tpu.memory_space<vmem>>) semaphore(%arg7 : memref<!tpu.dma_semaphore, #tpu.memory_space<semaphore_mem>>)
      %add3A_55 = arith.constant 640 : i32
      %add3A_56 = arith.addi %mul3A_10, %add3A_55 : i32
      %dma_start3A_57 = arith.constant 640 : i32
      %dma_start3A_58 = arith.constant 0 : i32
      %dma_start3A_59 = tpu.memref_slice %arg6[%dma_start3A_57, %dma_start3A_58] : memref<1024x64xf32, #tpu.memory_space<vmem>> -> memref<128x64xf32, #tpu.memory_space<vmem>>
      %dma_start3A_60 = tpu.memref_slice %arg5[%add3A_56] : memref<5120xi32, #tpu.memory_space<vmem>> -> memref<128xi32, #tpu.memory_space<vmem>>
      %dma_start3A_61 = arith.constant 0 : i32
      %dma_start3A_62 = arith.constant 0 : i32
      %dma_start3A_63 = tpu.memref_slice %arg2[%dma_start3A_61, %dma_start3A_62] : memref<8192x64xf32, #tpu.memory_space<hbm>> -> memref<8192x64xf32, #tpu.memory_space<hbm>>
      tpu.enqueue_indirect_dma source(%dma_start3A_63 : memref<8192x64xf32, #tpu.memory_space<hbm>>) target(%dma_start3A_59 : memref<128x64xf32, #tpu.memory_space<vmem>>) offsets(%dma_start3A_60 : memref<128xi32, #tpu.memory_space<vmem>>) semaphore(%arg7 : memref<!tpu.dma_semaphore, #tpu.memory_space<semaphore_mem>>)
      %add3A_64 = arith.constant 768 : i32
      %add3A_65 = arith.addi %mul3A_10, %add3A_64 : i32
      %dma_start3A_66 = arith.constant 768 : i32
      %dma_start3A_67 = arith.constant 0 : i32
      %dma_start3A_68 = tpu.memref_slice %arg6[%dma_start3A_66, %dma_start3A_67] : memref<1024x64xf32, #tpu.memory_space<vmem>> -> memref<128x64xf32, #tpu.memory_space<vmem>>
      %dma_start3A_69 = tpu.memref_slice %arg5[%add3A_65] : memref<5120xi32, #tpu.memory_space<vmem>> -> memref<128xi32, #tpu.memory_space<vmem>>
      %dma_start3A_70 = arith.constant 0 : i32
      %dma_start3A_71 = arith.constant 0 : i32
      %dma_start3A_72 = tpu.memref_slice %arg2[%dma_start3A_70, %dma_start3A_71] : memref<8192x64xf32, #tpu.memory_space<hbm>> -> memref<8192x64xf32, #tpu.memory_space<hbm>>
      tpu.enqueue_indirect_dma source(%dma_start3A_72 : memref<8192x64xf32, #tpu.memory_space<hbm>>) target(%dma_start3A_68 : memref<128x64xf32, #tpu.memory_space<vmem>>) offsets(%dma_start3A_69 : memref<128xi32, #tpu.memory_space<vmem>>) semaphore(%arg7 : memref<!tpu.dma_semaphore, #tpu.memory_space<semaphore_mem>>)
      %add3A_73 = arith.constant 896 : i32
      %add3A_74 = arith.addi %mul3A_10, %add3A_73 : i32
      %dma_start3A_75 = arith.constant 896 : i32
      %dma_start3A_76 = arith.constant 0 : i32
      %dma_start3A_77 = tpu.memref_slice %arg6[%dma_start3A_75, %dma_start3A_76] : memref<1024x64xf32, #tpu.memory_space<vmem>> -> memref<128x64xf32, #tpu.memory_space<vmem>>
      %dma_start3A_78 = tpu.memref_slice %arg5[%add3A_74] : memref<5120xi32, #tpu.memory_space<vmem>> -> memref<128xi32, #tpu.memory_space<vmem>>
      %dma_start3A_79 = arith.constant 0 : i32
      %dma_start3A_80 = arith.constant 0 : i32
      %dma_start3A_81 = tpu.memref_slice %arg2[%dma_start3A_79, %dma_start3A_80] : memref<8192x64xf32, #tpu.memory_space<hbm>> -> memref<8192x64xf32, #tpu.memory_space<hbm>>
      tpu.enqueue_indirect_dma source(%dma_start3A_81 : memref<8192x64xf32, #tpu.memory_space<hbm>>) target(%dma_start3A_77 : memref<128x64xf32, #tpu.memory_space<vmem>>) offsets(%dma_start3A_78 : memref<128xi32, #tpu.memory_space<vmem>>) semaphore(%arg7 : memref<!tpu.dma_semaphore, #tpu.memory_space<semaphore_mem>>)
      %dma_wait3A = arith.constant 0 : i32
      %dma_wait3A_82 = arith.constant 0 : i32
      %dma_wait3A_83 = tpu.memref_slice %arg6[%dma_wait3A, %dma_wait3A_82] : memref<1024x64xf32, #tpu.memory_space<vmem>> -> memref<128x64xf32, #tpu.memory_space<vmem>>
      %dma_wait3A_84 = tpu.memref_slice %arg5[%add3A_12] : memref<5120xi32, #tpu.memory_space<vmem>> -> memref<128xi32, #tpu.memory_space<vmem>>
      %dma_wait3A_85 = arith.constant 0 : i32
      %dma_wait3A_86 = arith.constant 0 : i32
      %dma_wait3A_87 = tpu.memref_slice %arg2[%dma_wait3A_85, %dma_wait3A_86] : memref<8192x64xf32, #tpu.memory_space<hbm>> -> memref<8192x64xf32, #tpu.memory_space<hbm>>
      tpu.wait_indirect_dma semaphore(%arg7 : memref<!tpu.dma_semaphore, #tpu.memory_space<semaphore_mem>>) src(%dma_wait3A_87 : memref<8192x64xf32, #tpu.memory_space<hbm>>) dst(%dma_wait3A_83 : memref<128x64xf32, #tpu.memory_space<vmem>>)
      %dma_wait3A_88 = arith.constant 128 : i32
      %dma_wait3A_89 = arith.constant 0 : i32
      %dma_wait3A_90 = tpu.memref_slice %arg6[%dma_wait3A_88, %dma_wait3A_89] : memref<1024x64xf32, #tpu.memory_space<vmem>> -> memref<128x64xf32, #tpu.memory_space<vmem>>
      %dma_wait3A_91 = tpu.memref_slice %arg5[%add3A_20] : memref<5120xi32, #tpu.memory_space<vmem>> -> memref<128xi32, #tpu.memory_space<vmem>>
      %dma_wait3A_92 = arith.constant 0 : i32
      %dma_wait3A_93 = arith.constant 0 : i32
      %dma_wait3A_94 = tpu.memref_slice %arg2[%dma_wait3A_92, %dma_wait3A_93] : memref<8192x64xf32, #tpu.memory_space<hbm>> -> memref<8192x64xf32, #tpu.memory_space<hbm>>
      tpu.wait_indirect_dma semaphore(%arg7 : memref<!tpu.dma_semaphore, #tpu.memory_space<semaphore_mem>>) src(%dma_wait3A_94 : memref<8192x64xf32, #tpu.memory_space<hbm>>) dst(%dma_wait3A_90 : memref<128x64xf32, #tpu.memory_space<vmem>>)
      %dma_wait3A_95 = arith.constant 256 : i32
      %dma_wait3A_96 = arith.constant 0 : i32
      %dma_wait3A_97 = tpu.memref_slice %arg6[%dma_wait3A_95, %dma_wait3A_96] : memref<1024x64xf32, #tpu.memory_space<vmem>> -> memref<128x64xf32, #tpu.memory_space<vmem>>
      %dma_wait3A_98 = tpu.memref_slice %arg5[%add3A_29] : memref<5120xi32, #tpu.memory_space<vmem>> -> memref<128xi32, #tpu.memory_space<vmem>>
      %dma_wait3A_99 = arith.constant 0 : i32
      %dma_wait3A_100 = arith.constant 0 : i32
      %dma_wait3A_101 = tpu.memref_slice %arg2[%dma_wait3A_99, %dma_wait3A_100] : memref<8192x64xf32, #tpu.memory_space<hbm>> -> memref<8192x64xf32, #tpu.memory_space<hbm>>
      tpu.wait_indirect_dma semaphore(%arg7 : memref<!tpu.dma_semaphore, #tpu.memory_space<semaphore_mem>>) src(%dma_wait3A_101 : memref<8192x64xf32, #tpu.memory_space<hbm>>) dst(%dma_wait3A_97 : memref<128x64xf32, #tpu.memory_space<vmem>>)
      %dma_wait3A_102 = arith.constant 384 : i32
      %dma_wait3A_103 = arith.constant 0 : i32
      %dma_wait3A_104 = tpu.memref_slice %arg6[%dma_wait3A_102, %dma_wait3A_103] : memref<1024x64xf32, #tpu.memory_space<vmem>> -> memref<128x64xf32, #tpu.memory_space<vmem>>
      %dma_wait3A_105 = tpu.memref_slice %arg5[%add3A_38] : memref<5120xi32, #tpu.memory_space<vmem>> -> memref<128xi32, #tpu.memory_space<vmem>>
      %dma_wait3A_106 = arith.constant 0 : i32
      %dma_wait3A_107 = arith.constant 0 : i32
      %dma_wait3A_108 = tpu.memref_slice %arg2[%dma_wait3A_106, %dma_wait3A_107] : memref<8192x64xf32, #tpu.memory_space<hbm>> -> memref<8192x64xf32, #tpu.memory_space<hbm>>
      tpu.wait_indirect_dma semaphore(%arg7 : memref<!tpu.dma_semaphore, #tpu.memory_space<semaphore_mem>>) src(%dma_wait3A_108 : memref<8192x64xf32, #tpu.memory_space<hbm>>) dst(%dma_wait3A_104 : memref<128x64xf32, #tpu.memory_space<vmem>>)
      %dma_wait3A_109 = arith.constant 512 : i32
      %dma_wait3A_110 = arith.constant 0 : i32
      %dma_wait3A_111 = tpu.memref_slice %arg6[%dma_wait3A_109, %dma_wait3A_110] : memref<1024x64xf32, #tpu.memory_space<vmem>> -> memref<128x64xf32, #tpu.memory_space<vmem>>
      %dma_wait3A_112 = tpu.memref_slice %arg5[%add3A_47] : memref<5120xi32, #tpu.memory_space<vmem>> -> memref<128xi32, #tpu.memory_space<vmem>>
      %dma_wait3A_113 = arith.constant 0 : i32
      %dma_wait3A_114 = arith.constant 0 : i32
      %dma_wait3A_115 = tpu.memref_slice %arg2[%dma_wait3A_113, %dma_wait3A_114] : memref<8192x64xf32, #tpu.memory_space<hbm>> -> memref<8192x64xf32, #tpu.memory_space<hbm>>
      tpu.wait_indirect_dma semaphore(%arg7 : memref<!tpu.dma_semaphore, #tpu.memory_space<semaphore_mem>>) src(%dma_wait3A_115 : memref<8192x64xf32, #tpu.memory_space<hbm>>) dst(%dma_wait3A_111 : memref<128x64xf32, #tpu.memory_space<vmem>>)
      %dma_wait3A_116 = arith.constant 640 : i32
      %dma_wait3A_117 = arith.constant 0 : i32
      %dma_wait3A_118 = tpu.memref_slice %arg6[%dma_wait3A_116, %dma_wait3A_117] : memref<1024x64xf32, #tpu.memory_space<vmem>> -> memref<128x64xf32, #tpu.memory_space<vmem>>
      %dma_wait3A_119 = tpu.memref_slice %arg5[%add3A_56] : memref<5120xi32, #tpu.memory_space<vmem>> -> memref<128xi32, #tpu.memory_space<vmem>>
      %dma_wait3A_120 = arith.constant 0 : i32
      %dma_wait3A_121 = arith.constant 0 : i32
      %dma_wait3A_122 = tpu.memref_slice %arg2[%dma_wait3A_120, %dma_wait3A_121] : memref<8192x64xf32, #tpu.memory_space<hbm>> -> memref<8192x64xf32, #tpu.memory_space<hbm>>
      tpu.wait_indirect_dma semaphore(%arg7 : memref<!tpu.dma_semaphore, #tpu.memory_space<semaphore_mem>>) src(%dma_wait3A_122 : memref<8192x64xf32, #tpu.memory_space<hbm>>) dst(%dma_wait3A_118 : memref<128x64xf32, #tpu.memory_space<vmem>>)
      %dma_wait3A_123 = arith.constant 768 : i32
      %dma_wait3A_124 = arith.constant 0 : i32
      %dma_wait3A_125 = tpu.memref_slice %arg6[%dma_wait3A_123, %dma_wait3A_124] : memref<1024x64xf32, #tpu.memory_space<vmem>> -> memref<128x64xf32, #tpu.memory_space<vmem>>
      %dma_wait3A_126 = tpu.memref_slice %arg5[%add3A_65] : memref<5120xi32, #tpu.memory_space<vmem>> -> memref<128xi32, #tpu.memory_space<vmem>>
      %dma_wait3A_127 = arith.constant 0 : i32
      %dma_wait3A_128 = arith.constant 0 : i32
      %dma_wait3A_129 = tpu.memref_slice %arg2[%dma_wait3A_127, %dma_wait3A_128] : memref<8192x64xf32, #tpu.memory_space<hbm>> -> memref<8192x64xf32, #tpu.memory_space<hbm>>
      tpu.wait_indirect_dma semaphore(%arg7 : memref<!tpu.dma_semaphore, #tpu.memory_space<semaphore_mem>>) src(%dma_wait3A_129 : memref<8192x64xf32, #tpu.memory_space<hbm>>) dst(%dma_wait3A_125 : memref<128x64xf32, #tpu.memory_space<vmem>>)
      %dma_wait3A_130 = arith.constant 896 : i32
      %dma_wait3A_131 = arith.constant 0 : i32
      %dma_wait3A_132 = tpu.memref_slice %arg6[%dma_wait3A_130, %dma_wait3A_131] : memref<1024x64xf32, #tpu.memory_space<vmem>> -> memref<128x64xf32, #tpu.memory_space<vmem>>
      %dma_wait3A_133 = tpu.memref_slice %arg5[%add3A_74] : memref<5120xi32, #tpu.memory_space<vmem>> -> memref<128xi32, #tpu.memory_space<vmem>>
      %dma_wait3A_134 = arith.constant 0 : i32
      %dma_wait3A_135 = arith.constant 0 : i32
      %dma_wait3A_136 = tpu.memref_slice %arg2[%dma_wait3A_134, %dma_wait3A_135] : memref<8192x64xf32, #tpu.memory_space<hbm>> -> memref<8192x64xf32, #tpu.memory_space<hbm>>
      tpu.wait_indirect_dma semaphore(%arg7 : memref<!tpu.dma_semaphore, #tpu.memory_space<semaphore_mem>>) src(%dma_wait3A_136 : memref<8192x64xf32, #tpu.memory_space<hbm>>) dst(%dma_wait3A_132 : memref<128x64xf32, #tpu.memory_space<vmem>>)
      %add3A_137 = arith.addi %mul3A_2, %mul3A_10 : i32
      "tpu.region"() ({
        %run_scoped3A = tpu.sem_alloc : memref<!tpu.dma_semaphore, #tpu.memory_space<semaphore_mem>>
        %dma_start3A_138 = arith.constant 0 : i32
        %dma_start3A_139 = tpu.memref_slice %arg4[%add3A_137, %dma_start3A_138] : memref<163840x64xf32, #tpu.memory_space<hbm>> -> memref<1024x64xf32, #tpu.memory_space<hbm>>
        %dma_start3A_140 = arith.constant 0 : i32
        %dma_start3A_141 = tpu.memref_slice %arg4[%add3A_137, %dma_start3A_140] : memref<163840x64xf32, #tpu.memory_space<hbm>> -> memref<1024x64xf32, #tpu.memory_space<hbm>>
        tpu.enqueue_dma source(%arg6 : memref<1024x64xf32, #tpu.memory_space<vmem>>) target(%dma_start3A_141 : memref<1024x64xf32, #tpu.memory_space<hbm>>) target_semaphore(%run_scoped3A : memref<!tpu.dma_semaphore, #tpu.memory_space<semaphore_mem>>)
        %dma_wait3A_142 = arith.constant 0 : i32
        %dma_wait3A_143 = tpu.memref_slice %arg4[%add3A_137, %dma_wait3A_142] : memref<163840x64xf32, #tpu.memory_space<hbm>> -> memref<1024x64xf32, #tpu.memory_space<hbm>>
        %dma_wait3A_144 = arith.constant 0 : i32
        %dma_wait3A_145 = tpu.memref_slice %arg4[%add3A_137, %dma_wait3A_144] : memref<163840x64xf32, #tpu.memory_space<hbm>> -> memref<1024x64xf32, #tpu.memory_space<hbm>>
        tpu.wait_dma2 semaphore(%run_scoped3A : memref<!tpu.dma_semaphore, #tpu.memory_space<semaphore_mem>>) src(%arg6 : memref<1024x64xf32, #tpu.memory_space<vmem>>) dst(%dma_wait3A_145 : memref<1024x64xf32, #tpu.memory_space<hbm>>)
        tpu.yield
      }) : () -> ()
    }
    %scan3A_7 = arith.constant 5 : i32
    return
  }
}

module attributes {stable_mosaic.version = 14 : i64} {
  func.func @_topk_body(%arg0: i32, %arg1: i32, %arg2: memref<1x512x16xf32, #tpu.memory_space<vmem>>, %arg3: memref<1x2048x16xf32, #tpu.memory_space<vmem>>, %arg4: memref<1x16x2048xf32, #tpu.memory_space<vmem>>, %arg5: memref<1x512x20xi32, #tpu.memory_space<vmem>>, %arg6: memref<1x2048xf32, #tpu.memory_space<vmem>>) attributes {dimension_semantics = [#tpu.dimension_semantics<arbitrary>, #tpu.dimension_semantics<arbitrary>], iteration_bounds = array<i64: 4, 4>, scalar_prefetch = 0 : i64, scratch_operands = 1 : i64, tpu.core_type = #tpu.core_type<tc>, window_params = [{transform_indices = @transform_0, window_bounds = array<i64: 1, 512, 16>}, {transform_indices = @transform_1, window_bounds = array<i64: 1, 2048, 16>}, {transform_indices = @transform_2, window_bounds = array<i64: 1, 16, 2048>}, {transform_indices = @transform_3, window_bounds = array<i64: 1, 512, 20>}]} {
    %eq3A = arith.constant 0 : i32
    %eq3A_0 = arith.cmpi eq, %arg1, %eq3A : i32
    %convert_element_type3A = arith.extui %eq3A_0 : i1 to i32
    %cond3A = arith.constant 0 : i32
    %cond3A_1 = arith.cmpi ne, %convert_element_type3A, %cond3A : i32
    scf.if %cond3A_1 {
      %get3A_165 = arith.constant 0 : index
      %get3A_166 = arith.constant 0 : index
      %get3A_167 = arith.constant 0 : index
      %get3A_168 = vector.load %arg4[%get3A_165, %get3A_166, %get3A_167] : memref<1x16x2048xf32, #tpu.memory_space<vmem>>, vector<1x16x2048xf32>
      %get3A_169 = vector.shape_cast %get3A_168 : vector<1x16x2048xf32> to vector<16x2048xf32>
      %mul3A_170 = arith.mulf %get3A_169, %get3A_169 : vector<16x2048xf32>
      %reduce_sum3A_171 = arith.constant dense<0.000000e+00> : vector<2048xf32>
      %reduce_sum3A_172 = vector.multi_reduction <add>, %mul3A_170, %reduce_sum3A_171 [0] : vector<16x2048xf32> to vector<2048xf32>
      %broadcast_in_dim3A_173 = vector.shape_cast %reduce_sum3A_172 : vector<2048xf32> to vector<1x2048xf32>
      %swap3A_174 = arith.constant 0 : index
      %swap3A_175 = arith.constant 0 : index
      %swap3A_176 = vector.load %arg6[%swap3A_174, %swap3A_175] : memref<1x2048xf32, #tpu.memory_space<vmem>>, vector<1x2048xf32>
      tpu.vector_store %arg6[%swap3A_174, %swap3A_175], %broadcast_in_dim3A_173 {strides = array<i32>} : memref<1x2048xf32, #tpu.memory_space<vmem>>, vector<1x2048xf32>,
    } else {
    }
    %get3A = arith.constant 0 : index
    %get3A_2 = arith.constant 0 : index
    %get3A_3 = arith.constant 0 : index
    %get3A_4 = vector.load %arg2[%get3A, %get3A_2, %get3A_3] : memref<1x512x16xf32, #tpu.memory_space<vmem>>, vector<1x512x16xf32>
    %get3A_5 = vector.shape_cast %get3A_4 : vector<1x512x16xf32> to vector<512x16xf32>
    %convert_element_type3A_6 = arith.truncf %get3A_5 : vector<512x16xf32> to vector<512x16xbf16>
    %get3A_7 = arith.constant 0 : index
    %get3A_8 = arith.constant 0 : index
    %get3A_9 = arith.constant 0 : index
    %get3A_10 = vector.load %arg4[%get3A_7, %get3A_8, %get3A_9] : memref<1x16x2048xf32, #tpu.memory_space<vmem>>, vector<1x16x2048xf32>
    %get3A_11 = vector.shape_cast %get3A_10 : vector<1x16x2048xf32> to vector<16x2048xf32>
    %convert_element_type3A_12 = arith.truncf %get3A_11 : vector<16x2048xf32> to vector<16x2048xbf16>
    %dot_general3A = arith.constant dense<0.000000e+00> : vector<512x2048xf32>
    %dot_general3A_13 = tpu.matmul %convert_element_type3A_6, %convert_element_type3A_12, %dot_general3A {dimension_numbers = #tpu.dot_dimension_numbers<[1], [0], [0], [1], [0, 0, 1, 1], [], []>, transpose_lhs_hint = false} : vector<512x16xbf16>, vector<16x2048xbf16>, vector<512x2048xf32> -> vector<512x2048xf32>
    %mul3A = arith.constant -2.000000e+00 : f32
    %mul3A_14 = vector.broadcast %mul3A : f32 to vector<512x2048xf32>
    %mul3A_15 = arith.mulf %mul3A_14, %dot_general3A_13 : vector<512x2048xf32>
    %mul3A_16 = arith.mulf %get3A_5, %get3A_5 : vector<512x16xf32>
    %reduce_sum3A = arith.constant dense<0.000000e+00> : vector<512xf32>
    %reduce_sum3A_17 = vector.multi_reduction <add>, %mul3A_16, %reduce_sum3A [1] : vector<512x16xf32> to vector<512xf32>
    %broadcast_in_dim3A = vector.shape_cast %reduce_sum3A_17 : vector<512xf32> to vector<512x1xf32>
    %get3A_18 = arith.constant 0 : index
    %get3A_19 = arith.constant 0 : index
    %get3A_20 = vector.load %arg6[%get3A_18, %get3A_19] : memref<1x2048xf32, #tpu.memory_space<vmem>>, vector<1x2048xf32>
    %neg3A = arith.constant 0.000000e+00 : f32
    %neg3A_21 = vector.broadcast %neg3A : f32 to vector<1x2048xf32>
    %neg3A_22 = arith.subf %neg3A_21, %get3A_20 : vector<1x2048xf32>
    %sub3A = vector.broadcast %neg3A_22 : vector<1x2048xf32> to vector<512x2048xf32>
    %sub3A_23 = arith.subf %sub3A, %mul3A_15 : vector<512x2048xf32>
    %sub3A_24 = vector.broadcast %broadcast_in_dim3A : vector<512x1xf32> to vector<512x2048xf32>
    %sub3A_25 = arith.subf %sub3A_23, %sub3A_24 : vector<512x2048xf32>
    %iota3A = tpu.iota {dimensions = array<i32: 1>} : vector<512x2048xi32>
    %argmax3A = tpu.reduce_index %sub3A_25 {axis = 1 : i32, kind = #tpu.reduction_kind<arg_max>} : vector<512x2048xf32> -> vector<512xi32>
    %broadcast_in_dim3A_26 = vector.shape_cast %argmax3A : vector<512xi32> to vector<512x1xi32>
    %eq3A_27 = vector.broadcast %broadcast_in_dim3A_26 : vector<512x1xi32> to vector<512x2048xi32>
    %eq3A_28 = arith.cmpi eq, %iota3A, %eq3A_27 : vector<512x2048xi32>
    %jit3A = arith.constant -3.400000e+38 : f32
    %broadcast_in_dim3A_29 = vector.broadcast %jit3A : f32 to vector<512x2048xf32>
    %select_n3A = arith.select %eq3A_28, %broadcast_in_dim3A_29, %sub3A_25 : vector<512x2048xi1>, vector<512x2048xf32>
    %argmax3A_30 = tpu.reduce_index %select_n3A {axis = 1 : i32, kind = #tpu.reduction_kind<arg_max>} : vector<512x2048xf32> -> vector<512xi32>
    %broadcast_in_dim3A_31 = vector.shape_cast %argmax3A_30 : vector<512xi32> to vector<512x1xi32>
    %eq3A_32 = vector.broadcast %broadcast_in_dim3A_31 : vector<512x1xi32> to vector<512x2048xi32>
    %eq3A_33 = arith.cmpi eq, %iota3A, %eq3A_32 : vector<512x2048xi32>
    %jit3A_34 = arith.constant -3.400000e+38 : f32
    %broadcast_in_dim3A_35 = vector.broadcast %jit3A_34 : f32 to vector<512x2048xf32>
    %select_n3A_36 = arith.select %eq3A_33, %broadcast_in_dim3A_35, %select_n3A : vector<512x2048xi1>, vector<512x2048xf32>
    %argmax3A_37 = tpu.reduce_index %select_n3A_36 {axis = 1 : i32, kind = #tpu.reduction_kind<arg_max>} : vector<512x2048xf32> -> vector<512xi32>
    %broadcast_in_dim3A_38 = vector.shape_cast %argmax3A_37 : vector<512xi32> to vector<512x1xi32>
    %eq3A_39 = vector.broadcast %broadcast_in_dim3A_38 : vector<512x1xi32> to vector<512x2048xi32>
    %eq3A_40 = arith.cmpi eq, %iota3A, %eq3A_39 : vector<512x2048xi32>
    %jit3A_41 = arith.constant -3.400000e+38 : f32
    %broadcast_in_dim3A_42 = vector.broadcast %jit3A_41 : f32 to vector<512x2048xf32>
    %select_n3A_43 = arith.select %eq3A_40, %broadcast_in_dim3A_42, %select_n3A_36 : vector<512x2048xi1>, vector<512x2048xf32>
    %argmax3A_44 = tpu.reduce_index %select_n3A_43 {axis = 1 : i32, kind = #tpu.reduction_kind<arg_max>} : vector<512x2048xf32> -> vector<512xi32>
    %broadcast_in_dim3A_45 = vector.shape_cast %argmax3A_44 : vector<512xi32> to vector<512x1xi32>
    %eq3A_46 = vector.broadcast %broadcast_in_dim3A_45 : vector<512x1xi32> to vector<512x2048xi32>
    %eq3A_47 = arith.cmpi eq, %iota3A, %eq3A_46 : vector<512x2048xi32>
    %jit3A_48 = arith.constant -3.400000e+38 : f32
    %broadcast_in_dim3A_49 = vector.broadcast %jit3A_48 : f32 to vector<512x2048xf32>
    %select_n3A_50 = arith.select %eq3A_47, %broadcast_in_dim3A_49, %select_n3A_43 : vector<512x2048xi1>, vector<512x2048xf32>
    %argmax3A_51 = tpu.reduce_index %select_n3A_50 {axis = 1 : i32, kind = #tpu.reduction_kind<arg_max>} : vector<512x2048xf32> -> vector<512xi32>
    %broadcast_in_dim3A_52 = vector.shape_cast %argmax3A_51 : vector<512xi32> to vector<512x1xi32>
    %eq3A_53 = vector.broadcast %broadcast_in_dim3A_52 : vector<512x1xi32> to vector<512x2048xi32>
    %eq3A_54 = arith.cmpi eq, %iota3A, %eq3A_53 : vector<512x2048xi32>
    %jit3A_55 = arith.constant -3.400000e+38 : f32
    %broadcast_in_dim3A_56 = vector.broadcast %jit3A_55 : f32 to vector<512x2048xf32>
    %select_n3A_57 = arith.select %eq3A_54, %broadcast_in_dim3A_56, %select_n3A_50 : vector<512x2048xi1>, vector<512x2048xf32>
    %argmax3A_58 = tpu.reduce_index %select_n3A_57 {axis = 1 : i32, kind = #tpu.reduction_kind<arg_max>} : vector<512x2048xf32> -> vector<512xi32>
    %broadcast_in_dim3A_59 = vector.shape_cast %argmax3A_58 : vector<512xi32> to vector<512x1xi32>
    %eq3A_60 = vector.broadcast %broadcast_in_dim3A_59 : vector<512x1xi32> to vector<512x2048xi32>
    %eq3A_61 = arith.cmpi eq, %iota3A, %eq3A_60 : vector<512x2048xi32>
    %jit3A_62 = arith.constant -3.400000e+38 : f32
    %broadcast_in_dim3A_63 = vector.broadcast %jit3A_62 : f32 to vector<512x2048xf32>
    %select_n3A_64 = arith.select %eq3A_61, %broadcast_in_dim3A_63, %select_n3A_57 : vector<512x2048xi1>, vector<512x2048xf32>
    %argmax3A_65 = tpu.reduce_index %select_n3A_64 {axis = 1 : i32, kind = #tpu.reduction_kind<arg_max>} : vector<512x2048xf32> -> vector<512xi32>
    %broadcast_in_dim3A_66 = vector.shape_cast %argmax3A_65 : vector<512xi32> to vector<512x1xi32>
    %eq3A_67 = vector.broadcast %broadcast_in_dim3A_66 : vector<512x1xi32> to vector<512x2048xi32>
    %eq3A_68 = arith.cmpi eq, %iota3A, %eq3A_67 : vector<512x2048xi32>
    %jit3A_69 = arith.constant -3.400000e+38 : f32
    %broadcast_in_dim3A_70 = vector.broadcast %jit3A_69 : f32 to vector<512x2048xf32>
    %select_n3A_71 = arith.select %eq3A_68, %broadcast_in_dim3A_70, %select_n3A_64 : vector<512x2048xi1>, vector<512x2048xf32>
    %argmax3A_72 = tpu.reduce_index %select_n3A_71 {axis = 1 : i32, kind = #tpu.reduction_kind<arg_max>} : vector<512x2048xf32> -> vector<512xi32>
    %broadcast_in_dim3A_73 = vector.shape_cast %argmax3A_72 : vector<512xi32> to vector<512x1xi32>
    %eq3A_74 = vector.broadcast %broadcast_in_dim3A_73 : vector<512x1xi32> to vector<512x2048xi32>
    %eq3A_75 = arith.cmpi eq, %iota3A, %eq3A_74 : vector<512x2048xi32>
    %jit3A_76 = arith.constant -3.400000e+38 : f32
    %broadcast_in_dim3A_77 = vector.broadcast %jit3A_76 : f32 to vector<512x2048xf32>
    %select_n3A_78 = arith.select %eq3A_75, %broadcast_in_dim3A_77, %select_n3A_71 : vector<512x2048xi1>, vector<512x2048xf32>
    %argmax3A_79 = tpu.reduce_index %select_n3A_78 {axis = 1 : i32, kind = #tpu.reduction_kind<arg_max>} : vector<512x2048xf32> -> vector<512xi32>
    %broadcast_in_dim3A_80 = vector.shape_cast %argmax3A_79 : vector<512xi32> to vector<512x1xi32>
    %eq3A_81 = vector.broadcast %broadcast_in_dim3A_80 : vector<512x1xi32> to vector<512x2048xi32>
    %eq3A_82 = arith.cmpi eq, %iota3A, %eq3A_81 : vector<512x2048xi32>
    %jit3A_83 = arith.constant -3.400000e+38 : f32
    %broadcast_in_dim3A_84 = vector.broadcast %jit3A_83 : f32 to vector<512x2048xf32>
    %select_n3A_85 = arith.select %eq3A_82, %broadcast_in_dim3A_84, %select_n3A_78 : vector<512x2048xi1>, vector<512x2048xf32>
    %argmax3A_86 = tpu.reduce_index %select_n3A_85 {axis = 1 : i32, kind = #tpu.reduction_kind<arg_max>} : vector<512x2048xf32> -> vector<512xi32>
    %broadcast_in_dim3A_87 = vector.shape_cast %argmax3A_86 : vector<512xi32> to vector<512x1xi32>
    %eq3A_88 = vector.broadcast %broadcast_in_dim3A_87 : vector<512x1xi32> to vector<512x2048xi32>
    %eq3A_89 = arith.cmpi eq, %iota3A, %eq3A_88 : vector<512x2048xi32>
    %jit3A_90 = arith.constant -3.400000e+38 : f32
    %broadcast_in_dim3A_91 = vector.broadcast %jit3A_90 : f32 to vector<512x2048xf32>
    %select_n3A_92 = arith.select %eq3A_89, %broadcast_in_dim3A_91, %select_n3A_85 : vector<512x2048xi1>, vector<512x2048xf32>
    %argmax3A_93 = tpu.reduce_index %select_n3A_92 {axis = 1 : i32, kind = #tpu.reduction_kind<arg_max>} : vector<512x2048xf32> -> vector<512xi32>
    %broadcast_in_dim3A_94 = vector.shape_cast %argmax3A_93 : vector<512xi32> to vector<512x1xi32>
    %eq3A_95 = vector.broadcast %broadcast_in_dim3A_94 : vector<512x1xi32> to vector<512x2048xi32>
    %eq3A_96 = arith.cmpi eq, %iota3A, %eq3A_95 : vector<512x2048xi32>
    %jit3A_97 = arith.constant -3.400000e+38 : f32
    %broadcast_in_dim3A_98 = vector.broadcast %jit3A_97 : f32 to vector<512x2048xf32>
    %select_n3A_99 = arith.select %eq3A_96, %broadcast_in_dim3A_98, %select_n3A_92 : vector<512x2048xi1>, vector<512x2048xf32>
    %argmax3A_100 = tpu.reduce_index %select_n3A_99 {axis = 1 : i32, kind = #tpu.reduction_kind<arg_max>} : vector<512x2048xf32> -> vector<512xi32>
    %broadcast_in_dim3A_101 = vector.shape_cast %argmax3A_100 : vector<512xi32> to vector<512x1xi32>
    %eq3A_102 = vector.broadcast %broadcast_in_dim3A_101 : vector<512x1xi32> to vector<512x2048xi32>
    %eq3A_103 = arith.cmpi eq, %iota3A, %eq3A_102 : vector<512x2048xi32>
    %jit3A_104 = arith.constant -3.400000e+38 : f32
    %broadcast_in_dim3A_105 = vector.broadcast %jit3A_104 : f32 to vector<512x2048xf32>
    %select_n3A_106 = arith.select %eq3A_103, %broadcast_in_dim3A_105, %select_n3A_99 : vector<512x2048xi1>, vector<512x2048xf32>
    %argmax3A_107 = tpu.reduce_index %select_n3A_106 {axis = 1 : i32, kind = #tpu.reduction_kind<arg_max>} : vector<512x2048xf32> -> vector<512xi32>
    %broadcast_in_dim3A_108 = vector.shape_cast %argmax3A_107 : vector<512xi32> to vector<512x1xi32>
    %eq3A_109 = vector.broadcast %broadcast_in_dim3A_108 : vector<512x1xi32> to vector<512x2048xi32>
    %eq3A_110 = arith.cmpi eq, %iota3A, %eq3A_109 : vector<512x2048xi32>
    %jit3A_111 = arith.constant -3.400000e+38 : f32
    %broadcast_in_dim3A_112 = vector.broadcast %jit3A_111 : f32 to vector<512x2048xf32>
    %select_n3A_113 = arith.select %eq3A_110, %broadcast_in_dim3A_112, %select_n3A_106 : vector<512x2048xi1>, vector<512x2048xf32>
    %argmax3A_114 = tpu.reduce_index %select_n3A_113 {axis = 1 : i32, kind = #tpu.reduction_kind<arg_max>} : vector<512x2048xf32> -> vector<512xi32>
    %broadcast_in_dim3A_115 = vector.shape_cast %argmax3A_114 : vector<512xi32> to vector<512x1xi32>
    %eq3A_116 = vector.broadcast %broadcast_in_dim3A_115 : vector<512x1xi32> to vector<512x2048xi32>
    %eq3A_117 = arith.cmpi eq, %iota3A, %eq3A_116 : vector<512x2048xi32>
    %jit3A_118 = arith.constant -3.400000e+38 : f32
    %broadcast_in_dim3A_119 = vector.broadcast %jit3A_118 : f32 to vector<512x2048xf32>
    %select_n3A_120 = arith.select %eq3A_117, %broadcast_in_dim3A_119, %select_n3A_113 : vector<512x2048xi1>, vector<512x2048xf32>
    %argmax3A_121 = tpu.reduce_index %select_n3A_120 {axis = 1 : i32, kind = #tpu.reduction_kind<arg_max>} : vector<512x2048xf32> -> vector<512xi32>
    %broadcast_in_dim3A_122 = vector.shape_cast %argmax3A_121 : vector<512xi32> to vector<512x1xi32>
    %eq3A_123 = vector.broadcast %broadcast_in_dim3A_122 : vector<512x1xi32> to vector<512x2048xi32>
    %eq3A_124 = arith.cmpi eq, %iota3A, %eq3A_123 : vector<512x2048xi32>
    %jit3A_125 = arith.constant -3.400000e+38 : f32
    %broadcast_in_dim3A_126 = vector.broadcast %jit3A_125 : f32 to vector<512x2048xf32>
    %select_n3A_127 = arith.select %eq3A_124, %broadcast_in_dim3A_126, %select_n3A_120 : vector<512x2048xi1>, vector<512x2048xf32>
    %argmax3A_128 = tpu.reduce_index %select_n3A_127 {axis = 1 : i32, kind = #tpu.reduction_kind<arg_max>} : vector<512x2048xf32> -> vector<512xi32>
    %broadcast_in_dim3A_129 = vector.shape_cast %argmax3A_128 : vector<512xi32> to vector<512x1xi32>
    %eq3A_130 = vector.broadcast %broadcast_in_dim3A_129 : vector<512x1xi32> to vector<512x2048xi32>
    %eq3A_131 = arith.cmpi eq, %iota3A, %eq3A_130 : vector<512x2048xi32>
    %jit3A_132 = arith.constant -3.400000e+38 : f32
    %broadcast_in_dim3A_133 = vector.broadcast %jit3A_132 : f32 to vector<512x2048xf32>
    %select_n3A_134 = arith.select %eq3A_131, %broadcast_in_dim3A_133, %select_n3A_127 : vector<512x2048xi1>, vector<512x2048xf32>
    %argmax3A_135 = tpu.reduce_index %select_n3A_134 {axis = 1 : i32, kind = #tpu.reduction_kind<arg_max>} : vector<512x2048xf32> -> vector<512xi32>
    %broadcast_in_dim3A_136 = vector.shape_cast %argmax3A_135 : vector<512xi32> to vector<512x1xi32>
    %eq3A_137 = vector.broadcast %broadcast_in_dim3A_136 : vector<512x1xi32> to vector<512x2048xi32>
    %eq3A_138 = arith.cmpi eq, %iota3A, %eq3A_137 : vector<512x2048xi32>
    %jit3A_139 = arith.constant -3.400000e+38 : f32
    %broadcast_in_dim3A_140 = vector.broadcast %jit3A_139 : f32 to vector<512x2048xf32>
    %select_n3A_141 = arith.select %eq3A_138, %broadcast_in_dim3A_140, %select_n3A_134 : vector<512x2048xi1>, vector<512x2048xf32>
    %argmax3A_142 = tpu.reduce_index %select_n3A_141 {axis = 1 : i32, kind = #tpu.reduction_kind<arg_max>} : vector<512x2048xf32> -> vector<512xi32>
    %broadcast_in_dim3A_143 = vector.shape_cast %argmax3A_142 : vector<512xi32> to vector<512x1xi32>
    %eq3A_144 = vector.broadcast %broadcast_in_dim3A_143 : vector<512x1xi32> to vector<512x2048xi32>
    %eq3A_145 = arith.cmpi eq, %iota3A, %eq3A_144 : vector<512x2048xi32>
    %jit3A_146 = arith.constant -3.400000e+38 : f32
    %broadcast_in_dim3A_147 = vector.broadcast %jit3A_146 : f32 to vector<512x2048xf32>
    %select_n3A_148 = arith.select %eq3A_145, %broadcast_in_dim3A_147, %select_n3A_141 : vector<512x2048xi1>, vector<512x2048xf32>
    %argmax3A_149 = tpu.reduce_index %select_n3A_148 {axis = 1 : i32, kind = #tpu.reduction_kind<arg_max>} : vector<512x2048xf32> -> vector<512xi32>
    %broadcast_in_dim3A_150 = vector.shape_cast %argmax3A_149 : vector<512xi32> to vector<512x1xi32>
    %eq3A_151 = vector.broadcast %broadcast_in_dim3A_150 : vector<512x1xi32> to vector<512x2048xi32>
    %eq3A_152 = arith.cmpi eq, %iota3A, %eq3A_151 : vector<512x2048xi32>
    %jit3A_153 = arith.constant -3.400000e+38 : f32
    %broadcast_in_dim3A_154 = vector.broadcast %jit3A_153 : f32 to vector<512x2048xf32>
    %select_n3A_155 = arith.select %eq3A_152, %broadcast_in_dim3A_154, %select_n3A_148 : vector<512x2048xi1>, vector<512x2048xf32>
    %argmax3A_156 = tpu.reduce_index %select_n3A_155 {axis = 1 : i32, kind = #tpu.reduction_kind<arg_max>} : vector<512x2048xf32> -> vector<512xi32>
    %broadcast_in_dim3A_157 = vector.shape_cast %argmax3A_156 : vector<512xi32> to vector<512x1xi32>
    %concatenate3A = tpu.concatenate %broadcast_in_dim3A_26, %broadcast_in_dim3A_31, %broadcast_in_dim3A_38, %broadcast_in_dim3A_45, %broadcast_in_dim3A_52, %broadcast_in_dim3A_59, %broadcast_in_dim3A_66, %broadcast_in_dim3A_73, %broadcast_in_dim3A_80, %broadcast_in_dim3A_87, %broadcast_in_dim3A_94, %broadcast_in_dim3A_101, %broadcast_in_dim3A_108, %broadcast_in_dim3A_115, %broadcast_in_dim3A_122, %broadcast_in_dim3A_129, %broadcast_in_dim3A_136, %broadcast_in_dim3A_143, %broadcast_in_dim3A_150, %broadcast_in_dim3A_157 in 1 : vector<512x1xi32>, vector<512x1xi32>, vector<512x1xi32>, vector<512x1xi32>, vector<512x1xi32>, vector<512x1xi32>, vector<512x1xi32>, vector<512x1xi32>, vector<512x1xi32>, vector<512x1xi32>, vector<512x1xi32>, vector<512x1xi32>, vector<512x1xi32>, vector<512x1xi32>, vector<512x1xi32>, vector<512x1xi32>, vector<512x1xi32>, vector<512x1xi32>, vector<512x1xi32>, vector<512x1xi32> -> vector<512x20xi32>
    %mul3A_158 = arith.constant 2048 : i32
    %mul3A_159 = arith.muli %arg0, %mul3A_158 : i32
    %add3A = vector.broadcast %mul3A_159 : i32 to vector<512x20xi32>
    %add3A_160 = arith.addi %concatenate3A, %add3A : vector<512x20xi32>
    %broadcast_in_dim3A_161 = vector.shape_cast %add3A_160 : vector<512x20xi32> to vector<1x512x20xi32>
    %swap3A = arith.constant 0 : index
    %swap3A_162 = arith.constant 0 : index
    %swap3A_163 = arith.constant 0 : index
    %swap3A_164 = vector.load %arg5[%swap3A, %swap3A_162, %swap3A_163] : memref<1x512x20xi32, #tpu.memory_space<vmem>>, vector<1x512x20xi32>
    tpu.vector_store %arg5[%swap3A, %swap3A_162, %swap3A_163], %broadcast_in_dim3A_161 {strides = array<i32>} : memref<1x512x20xi32, #tpu.memory_space<vmem>>, vector<1x512x20xi32>,
    return
  }
  func.func @transform_0(%arg0: i32, %arg1: i32) -> (i32, i32, i32) {
    %c0_i32 = arith.constant 0 : i32
    %c0_i32_0 = arith.constant 0 : i32
    return %arg0, %arg1, %c0_i32 : i32, i32, i32
  }
  func.func @transform_1(%arg0: i32, %arg1: i32) -> (i32, i32, i32) {
    %c0_i32 = arith.constant 0 : i32
    %c0_i32_0 = arith.constant 0 : i32
    %c0_i32_1 = arith.constant 0 : i32
    return %arg0, %c0_i32, %c0_i32_0 : i32, i32, i32
  }
  func.func @transform_2(%arg0: i32, %arg1: i32) -> (i32, i32, i32) {
    %c0_i32 = arith.constant 0 : i32
    %c0_i32_0 = arith.constant 0 : i32
    %c0_i32_1 = arith.constant 0 : i32
    return %arg0, %c0_i32, %c0_i32_0 : i32, i32, i32
  }
  func.func @transform_3(%arg0: i32, %arg1: i32) -> (i32, i32, i32) {
    %c0_i32 = arith.constant 0 : i32
    %c0_i32_0 = arith.constant 0 : i32
    return %arg0, %arg1, %c0_i32 : i32, i32, i32
  }
}

module attributes {stable_mosaic.version = 14 : i64} {
  func.func @_conv_body(%arg0: i32, %arg1: i32, %arg2: memref<1x512x16xf32, #tpu.memory_space<vmem>>, %arg3: memref<1x512x20x16xf32, #tpu.memory_space<vmem>>, %arg4: memref<64x32xf32, #tpu.memory_space<vmem>>, %arg5: memref<1x512x64xf32, #tpu.memory_space<vmem>>, %arg6: memref<1x512x64xf32, #tpu.memory_space<vmem>>, %arg7: memref<1x1x64xf32, #tpu.memory_space<vmem>>, %arg8: memref<1x1x64xf32, #tpu.memory_space<vmem>>) attributes {dimension_semantics = [#tpu.dimension_semantics<arbitrary>, #tpu.dimension_semantics<arbitrary>], iteration_bounds = array<i64: 4, 4>, scalar_prefetch = 0 : i64, scratch_operands = 0 : i64, tpu.core_type = #tpu.core_type<tc>, window_params = [{transform_indices = @transform_0, window_bounds = array<i64: 1, 512, 16>}, {transform_indices = @transform_1, window_bounds = array<i64: 1, 512, 20, 16>}, {pipeline_mode = #tpu.pipeline_mode<synchronous>, transform_indices = @transform_2, window_bounds = array<i64: 64, 32>}, {transform_indices = @transform_3, window_bounds = array<i64: 1, 512, 64>}, {transform_indices = @transform_4, window_bounds = array<i64: 1, 512, 64>}, {transform_indices = @transform_5, window_bounds = array<i64: 1, 1, 64>}, {transform_indices = @transform_6, window_bounds = array<i64: 1, 1, 64>}]} {
    %get3A = arith.constant 0 : index
    %get3A_0 = arith.constant 0 : index
    %get3A_1 = arith.constant 0 : index
    %get3A_2 = vector.load %arg2[%get3A, %get3A_0, %get3A_1] : memref<1x512x16xf32, #tpu.memory_space<vmem>>, vector<1x512x16xf32>
    %get3A_3 = vector.shape_cast %get3A_2 : vector<1x512x16xf32> to vector<512x16xf32>
    %get3A_4 = arith.constant 0 : index
    %get3A_5 = arith.constant 0 : index
    %get3A_6 = arith.constant 0 : index
    %get3A_7 = arith.constant 0 : index
    %get3A_8 = vector.load %arg3[%get3A_4, %get3A_5, %get3A_6, %get3A_7] : memref<1x512x20x16xf32, #tpu.memory_space<vmem>>, vector<1x512x20x16xf32>
    %get3A_9 = vector.shape_cast %get3A_8 : vector<1x512x20x16xf32> to vector<512x20x16xf32>
    %broadcast_in_dim3A = vector.shape_cast %get3A_3 : vector<512x16xf32> to vector<512x1x16xf32>
    %broadcast_in_dim3A_10 = vector.shape_cast %broadcast_in_dim3A : vector<512x1x16xf32> to vector<512x1x16xf32>
    %broadcast_in_dim3A_11 = vector.broadcast %broadcast_in_dim3A_10 : vector<512x1x16xf32> to vector<512x20x16xf32>
    %sub3A = arith.subf %get3A_9, %broadcast_in_dim3A_11 : vector<512x20x16xf32>
    %concatenate3A = tpu.concatenate %sub3A, %broadcast_in_dim3A_11 in 2 : vector<512x20x16xf32>, vector<512x20x16xf32> -> vector<512x20x32xf32>
    %convert_element_type3A = arith.truncf %concatenate3A : vector<512x20x32xf32> to vector<512x20x32xbf16>
    %reshape3A = vector.shape_cast %convert_element_type3A : vector<512x20x32xbf16> to vector<10240x32xbf16>
    %get3A_12 = arith.constant 0 : index
    %get3A_13 = arith.constant 0 : index
    %get3A_14 = vector.load %arg4[%get3A_12, %get3A_13] : memref<64x32xf32, #tpu.memory_space<vmem>>, vector<64x32xf32>
    %convert_element_type3A_15 = arith.truncf %get3A_14 : vector<64x32xf32> to vector<64x32xbf16>
    %dot_general3A = arith.constant dense<0.000000e+00> : vector<10240x64xf32>
    %dot_general3A_16 = tpu.matmul %reshape3A, %convert_element_type3A_15, %dot_general3A {dimension_numbers = #tpu.dot_dimension_numbers<[1], [1], [0], [0], [0, 0, 1, 0], [], []>, transpose_lhs_hint = false} : vector<10240x32xbf16>, vector<64x32xbf16>, vector<10240x64xf32> -> vector<10240x64xf32>
    %reshape3A_17 = vector.shape_cast %dot_general3A_16 : vector<10240x64xf32> to vector<512x20x64xf32>
    %reduce_max3A = arith.constant dense<0xFF800000> : vector<512x64xf32>
    %reduce_max3A_18 = vector.multi_reduction <maximumf>, %reshape3A_17, %reduce_max3A [1] : vector<512x20x64xf32> to vector<512x64xf32>
    %broadcast_in_dim3A_19 = vector.shape_cast %reduce_max3A_18 : vector<512x64xf32> to vector<1x512x64xf32>
    %swap3A = arith.constant 0 : index
    %swap3A_20 = arith.constant 0 : index
    %swap3A_21 = arith.constant 0 : index
    %swap3A_22 = vector.load %arg5[%swap3A, %swap3A_20, %swap3A_21] : memref<1x512x64xf32, #tpu.memory_space<vmem>>, vector<1x512x64xf32>
    tpu.vector_store %arg5[%swap3A, %swap3A_20, %swap3A_21], %broadcast_in_dim3A_19 {strides = array<i32>} : memref<1x512x64xf32, #tpu.memory_space<vmem>>, vector<1x512x64xf32>,
    %reduce_min3A = arith.constant dense<0x7F800000> : vector<512x64xf32>
    %reduce_min3A_23 = vector.multi_reduction <minimumf>, %reshape3A_17, %reduce_min3A [1] : vector<512x20x64xf32> to vector<512x64xf32>
    %broadcast_in_dim3A_24 = vector.shape_cast %reduce_min3A_23 : vector<512x64xf32> to vector<1x512x64xf32>
    %swap3A_25 = arith.constant 0 : index
    %swap3A_26 = arith.constant 0 : index
    %swap3A_27 = arith.constant 0 : index
    %swap3A_28 = vector.load %arg6[%swap3A_25, %swap3A_26, %swap3A_27] : memref<1x512x64xf32, #tpu.memory_space<vmem>>, vector<1x512x64xf32>
    tpu.vector_store %arg6[%swap3A_25, %swap3A_26, %swap3A_27], %broadcast_in_dim3A_24 {strides = array<i32>} : memref<1x512x64xf32, #tpu.memory_space<vmem>>, vector<1x512x64xf32>,
    %reduce_sum3A = arith.constant dense<0.000000e+00> : vector<64xf32>
    %reduce_sum3A_29 = vector.multi_reduction <add>, %reshape3A_17, %reduce_sum3A [0, 1] : vector<512x20x64xf32> to vector<64xf32>
    %reshape3A_30 = vector.shape_cast %reduce_sum3A_29 : vector<64xf32> to vector<1x1x64xf32>
    %swap3A_31 = arith.constant 0 : index
    %swap3A_32 = arith.constant 0 : index
    %swap3A_33 = arith.constant 0 : index
    %swap3A_34 = vector.load %arg7[%swap3A_31, %swap3A_32, %swap3A_33] : memref<1x1x64xf32, #tpu.memory_space<vmem>>, vector<1x1x64xf32>
    tpu.vector_store %arg7[%swap3A_31, %swap3A_32, %swap3A_33], %reshape3A_30 {strides = array<i32>} : memref<1x1x64xf32, #tpu.memory_space<vmem>>, vector<1x1x64xf32>,
    %mul3A = arith.mulf %reshape3A_17, %reshape3A_17 : vector<512x20x64xf32>
    %reduce_sum3A_35 = arith.constant dense<0.000000e+00> : vector<64xf32>
    %reduce_sum3A_36 = vector.multi_reduction <add>, %mul3A, %reduce_sum3A_35 [0, 1] : vector<512x20x64xf32> to vector<64xf32>
    %reshape3A_37 = vector.shape_cast %reduce_sum3A_36 : vector<64xf32> to vector<1x1x64xf32>
    %swap3A_38 = arith.constant 0 : index
    %swap3A_39 = arith.constant 0 : index
    %swap3A_40 = arith.constant 0 : index
    %swap3A_41 = vector.load %arg8[%swap3A_38, %swap3A_39, %swap3A_40] : memref<1x1x64xf32, #tpu.memory_space<vmem>>, vector<1x1x64xf32>
    tpu.vector_store %arg8[%swap3A_38, %swap3A_39, %swap3A_40], %reshape3A_37 {strides = array<i32>} : memref<1x1x64xf32, #tpu.memory_space<vmem>>, vector<1x1x64xf32>,
    return
  }
  func.func @transform_0(%arg0: i32, %arg1: i32) -> (i32, i32, i32) {
    %c0_i32 = arith.constant 0 : i32
    %c0_i32_0 = arith.constant 0 : i32
    return %arg0, %arg1, %c0_i32 : i32, i32, i32
  }
  func.func @transform_1(%arg0: i32, %arg1: i32) -> (i32, i32, i32, i32) {
    %c0_i32 = arith.constant 0 : i32
    %c0_i32_0 = arith.constant 0 : i32
    %c0_i32_1 = arith.constant 0 : i32
    return %arg0, %arg1, %c0_i32, %c0_i32_0 : i32, i32, i32, i32
  }
  func.func @transform_2(%arg0: i32, %arg1: i32) -> (i32, i32) {
    %c0_i32 = arith.constant 0 : i32
    %c0_i32_0 = arith.constant 0 : i32
    %c0_i32_1 = arith.constant 0 : i32
    return %c0_i32, %c0_i32_0 : i32, i32
  }
  func.func @transform_3(%arg0: i32, %arg1: i32) -> (i32, i32, i32) {
    %c0_i32 = arith.constant 0 : i32
    %c0_i32_0 = arith.constant 0 : i32
    return %arg0, %arg1, %c0_i32 : i32, i32, i32
  }
  func.func @transform_4(%arg0: i32, %arg1: i32) -> (i32, i32, i32) {
    %c0_i32 = arith.constant 0 : i32
    %c0_i32_0 = arith.constant 0 : i32
    return %arg0, %arg1, %c0_i32 : i32, i32, i32
  }
  func.func @transform_5(%arg0: i32, %arg1: i32) -> (i32, i32, i32) {
    %mul3A = arith.constant 4 : i32
    %mul3A_0 = arith.muli %arg0, %mul3A : i32
    %add3A = arith.addi %mul3A_0, %arg1 : i32
    %c0_i32 = arith.constant 0 : i32
    %c0_i32_1 = arith.constant 0 : i32
    %c0_i32_2 = arith.constant 0 : i32
    return %add3A, %c0_i32, %c0_i32_1 : i32, i32, i32
  }
  func.func @transform_6(%arg0: i32, %arg1: i32) -> (i32, i32, i32) {
    %mul3A = arith.constant 4 : i32
    %mul3A_0 = arith.muli %arg0, %mul3A : i32
    %add3A = arith.addi %mul3A_0, %arg1 : i32
    %c0_i32 = arith.constant 0 : i32
    %c0_i32_1 = arith.constant 0 : i32
    %c0_i32_2 = arith.constant 0 : i32
    return %add3A, %c0_i32, %c0_i32_1 : i32, i32, i32
  }
}

module attributes {stable_mosaic.version = 14 : i64} {
  func.func @_epilogue_body(%arg0: i32, %arg1: memref<1x2048x64xf32, #tpu.memory_space<vmem>>, %arg2: memref<1x2048x64xf32, #tpu.memory_space<vmem>>, %arg3: memref<32x1x64xf32, #tpu.memory_space<vmem>>, %arg4: memref<32x1x64xf32, #tpu.memory_space<vmem>>, %arg5: memref<1x64xf32, #tpu.memory_space<vmem>>, %arg6: memref<1x64xf32, #tpu.memory_space<vmem>>, %arg7: memref<1x2048x64xf32, #tpu.memory_space<vmem>>) attributes {dimension_semantics = [#tpu.dimension_semantics<arbitrary>], iteration_bounds = array<i64: 8>, scalar_prefetch = 0 : i64, scratch_operands = 0 : i64, tpu.core_type = #tpu.core_type<tc>, window_params = [{transform_indices = @transform_0, window_bounds = array<i64: 1, 2048, 64>}, {transform_indices = @transform_1, window_bounds = array<i64: 1, 2048, 64>}, {pipeline_mode = #tpu.pipeline_mode<synchronous>, transform_indices = @transform_2, window_bounds = array<i64: 32, 1, 64>}, {pipeline_mode = #tpu.pipeline_mode<synchronous>, transform_indices = @transform_3, window_bounds = array<i64: 32, 1, 64>}, {pipeline_mode = #tpu.pipeline_mode<synchronous>, transform_indices = @transform_4, window_bounds = array<i64: 1, 64>}, {pipeline_mode = #tpu.pipeline_mode<synchronous>, transform_indices = @transform_5, window_bounds = array<i64: 1, 64>}, {transform_indices = @transform_6, window_bounds = array<i64: 1, 2048, 64>}]} {
    %get3A = arith.constant 0 : index
    %get3A_0 = arith.constant 0 : index
    %get3A_1 = arith.constant 0 : index
    %get3A_2 = vector.load %arg3[%get3A, %get3A_0, %get3A_1] : memref<32x1x64xf32, #tpu.memory_space<vmem>>, vector<32x1x64xf32>
    %reduce_sum3A = arith.constant dense<0.000000e+00> : vector<64xf32>
    %reduce_sum3A_3 = vector.multi_reduction <add>, %get3A_2, %reduce_sum3A [0, 1] : vector<32x1x64xf32> to vector<64xf32>
    %reshape3A = vector.shape_cast %reduce_sum3A_3 : vector<64xf32> to vector<1x64xf32>
    %get3A_4 = arith.constant 0 : index
    %get3A_5 = arith.constant 0 : index
    %get3A_6 = arith.constant 0 : index
    %get3A_7 = vector.load %arg4[%get3A_4, %get3A_5, %get3A_6] : memref<32x1x64xf32, #tpu.memory_space<vmem>>, vector<32x1x64xf32>
    %reduce_sum3A_8 = arith.constant dense<0.000000e+00> : vector<64xf32>
    %reduce_sum3A_9 = vector.multi_reduction <add>, %get3A_7, %reduce_sum3A_8 [0, 1] : vector<32x1x64xf32> to vector<64xf32>
    %reshape3A_10 = vector.shape_cast %reduce_sum3A_9 : vector<64xf32> to vector<1x64xf32>
    %div3A = arith.constant 3.276800e+05 : f32
    %div3A_11 = vector.broadcast %div3A : f32 to vector<1x64xf32>
    %div3A_12 = arith.divf %reshape3A, %div3A_11 : vector<1x64xf32>
    %div3A_13 = arith.constant 3.276800e+05 : f32
    %div3A_14 = vector.broadcast %div3A_13 : f32 to vector<1x64xf32>
    %div3A_15 = arith.divf %reshape3A_10, %div3A_14 : vector<1x64xf32>
    %mul3A = arith.mulf %div3A_12, %div3A_12 : vector<1x64xf32>
    %sub3A = arith.subf %div3A_15, %mul3A : vector<1x64xf32>
    %get3A_16 = arith.constant 0 : index
    %get3A_17 = arith.constant 0 : index
    %get3A_18 = vector.load %arg5[%get3A_16, %get3A_17] : memref<1x64xf32, #tpu.memory_space<vmem>>, vector<1x64xf32>
    %add3A = arith.constant 9.99999974E-6 : f32
    %add3A_19 = vector.broadcast %add3A : f32 to vector<1x64xf32>
    %add3A_20 = arith.addf %sub3A, %add3A_19 : vector<1x64xf32>
    %sqrt3A = math.sqrt %add3A_20 : vector<1x64xf32>
    %div3A_21 = arith.divf %get3A_18, %sqrt3A : vector<1x64xf32>
    %get3A_22 = arith.constant 0 : index
    %get3A_23 = arith.constant 0 : index
    %get3A_24 = vector.load %arg6[%get3A_22, %get3A_23] : memref<1x64xf32, #tpu.memory_space<vmem>>, vector<1x64xf32>
    %mul3A_25 = arith.mulf %div3A_12, %div3A_21 : vector<1x64xf32>
    %sub3A_26 = arith.subf %get3A_24, %mul3A_25 : vector<1x64xf32>
    %ge3A = arith.constant 0.000000e+00 : f32
    %ge3A_27 = vector.broadcast %ge3A : f32 to vector<1x64xf32>
    %ge3A_28 = arith.cmpf oge, %div3A_21, %ge3A_27 : vector<1x64xf32>
    %get3A_29 = arith.constant 0 : index
    %get3A_30 = arith.constant 0 : index
    %get3A_31 = arith.constant 0 : index
    %get3A_32 = vector.load %arg1[%get3A_29, %get3A_30, %get3A_31] : memref<1x2048x64xf32, #tpu.memory_space<vmem>>, vector<1x2048x64xf32>
    %get3A_33 = vector.shape_cast %get3A_32 : vector<1x2048x64xf32> to vector<2048x64xf32>
    %get3A_34 = arith.constant 0 : index
    %get3A_35 = arith.constant 0 : index
    %get3A_36 = arith.constant 0 : index
    %get3A_37 = vector.load %arg2[%get3A_34, %get3A_35, %get3A_36] : memref<1x2048x64xf32, #tpu.memory_space<vmem>>, vector<1x2048x64xf32>
    %get3A_38 = vector.shape_cast %get3A_37 : vector<1x2048x64xf32> to vector<2048x64xf32>
    %broadcast_in_dim3A = vector.shape_cast %ge3A_28 : vector<1x64xi1> to vector<1x64xi1>
    %broadcast_in_dim3A_39 = vector.broadcast %broadcast_in_dim3A : vector<1x64xi1> to vector<2048x64xi1>
    %select_n3A = arith.select %broadcast_in_dim3A_39, %get3A_33, %get3A_38 : vector<2048x64xi1>, vector<2048x64xf32>
    %mul3A_40 = vector.broadcast %div3A_21 : vector<1x64xf32> to vector<2048x64xf32>
    %mul3A_41 = arith.mulf %mul3A_40, %select_n3A : vector<2048x64xf32>
    %add3A_42 = vector.broadcast %sub3A_26 : vector<1x64xf32> to vector<2048x64xf32>
    %add3A_43 = arith.addf %mul3A_41, %add3A_42 : vector<2048x64xf32>
    %ge3A_44 = arith.constant 0.000000e+00 : f32
    %ge3A_45 = vector.broadcast %ge3A_44 : f32 to vector<2048x64xf32>
    %ge3A_46 = arith.cmpf oge, %add3A_43, %ge3A_45 : vector<2048x64xf32>
    %mul3A_47 = arith.constant 2.000000e-01 : f32
    %mul3A_48 = vector.broadcast %mul3A_47 : f32 to vector<2048x64xf32>
    %mul3A_49 = arith.mulf %mul3A_48, %add3A_43 : vector<2048x64xf32>
    %select_n3A_50 = arith.select %ge3A_46, %add3A_43, %mul3A_49 : vector<2048x64xi1>, vector<2048x64xf32>
    %broadcast_in_dim3A_51 = vector.shape_cast %select_n3A_50 : vector<2048x64xf32> to vector<1x2048x64xf32>
    %swap3A = arith.constant 0 : index
    %swap3A_52 = arith.constant 0 : index
    %swap3A_53 = arith.constant 0 : index
    %swap3A_54 = vector.load %arg7[%swap3A, %swap3A_52, %swap3A_53] : memref<1x2048x64xf32, #tpu.memory_space<vmem>>, vector<1x2048x64xf32>
    tpu.vector_store %arg7[%swap3A, %swap3A_52, %swap3A_53], %broadcast_in_dim3A_51 {strides = array<i32>} : memref<1x2048x64xf32, #tpu.memory_space<vmem>>, vector<1x2048x64xf32>,
    return
  }
  func.func @transform_0(%arg0: i32) -> (i32, i32, i32) {
    %c0_i32 = arith.constant 0 : i32
    %c0_i32_0 = arith.constant 0 : i32
    %c0_i32_1 = arith.constant 0 : i32
    return %arg0, %c0_i32, %c0_i32_0 : i32, i32, i32
  }
  func.func @transform_1(%arg0: i32) -> (i32, i32, i32) {
    %c0_i32 = arith.constant 0 : i32
    %c0_i32_0 = arith.constant 0 : i32
    %c0_i32_1 = arith.constant 0 : i32
    return %arg0, %c0_i32, %c0_i32_0 : i32, i32, i32
  }
  func.func @transform_2(%arg0: i32) -> (i32, i32, i32) {
    %c0_i32 = arith.constant 0 : i32
    %c0_i32_0 = arith.constant 0 : i32
    %c0_i32_1 = arith.constant 0 : i32
    %c0_i32_2 = arith.constant 0 : i32
    return %c0_i32, %c0_i32_0, %c0_i32_1 : i32, i32, i32
  }
  func.func @transform_3(%arg0: i32) -> (i32, i32, i32) {
    %c0_i32 = arith.constant 0 : i32
    %c0_i32_0 = arith.constant 0 : i32
    %c0_i32_1 = arith.constant 0 : i32
    %c0_i32_2 = arith.constant 0 : i32
    return %c0_i32, %c0_i32_0, %c0_i32_1 : i32, i32, i32
  }
  func.func @transform_4(%arg0: i32) -> (i32, i32) {
    %c0_i32 = arith.constant 0 : i32
    %c0_i32_0 = arith.constant 0 : i32
    %c0_i32_1 = arith.constant 0 : i32
    return %c0_i32, %c0_i32_0 : i32, i32
  }
  func.func @transform_5(%arg0: i32) -> (i32, i32) {
    %c0_i32 = arith.constant 0 : i32
    %c0_i32_0 = arith.constant 0 : i32
    %c0_i32_1 = arith.constant 0 : i32
    return %c0_i32, %c0_i32_0 : i32, i32
  }
  func.func @transform_6(%arg0: i32) -> (i32, i32, i32) {
    %c0_i32 = arith.constant 0 : i32
    %c0_i32_0 = arith.constant 0 : i32
    %c0_i32_1 = arith.constant 0 : i32
    return %arg0, %c0_i32, %c0_i32_0 : i32, i32, i32
  }
}

module attributes {stable_mosaic.version = 14 : i64} {
  func.func @_topk_body(%arg0: i32, %arg1: i32, %arg2: memref<1x512x64xf32, #tpu.memory_space<vmem>>, %arg3: memref<1x2048x64xf32, #tpu.memory_space<vmem>>, %arg4: memref<1x64x2048xf32, #tpu.memory_space<vmem>>, %arg5: memref<1x512x20xi32, #tpu.memory_space<vmem>>, %arg6: memref<1x2048xf32, #tpu.memory_space<vmem>>) attributes {dimension_semantics = [#tpu.dimension_semantics<arbitrary>, #tpu.dimension_semantics<arbitrary>], iteration_bounds = array<i64: 4, 4>, scalar_prefetch = 0 : i64, scratch_operands = 1 : i64, tpu.core_type = #tpu.core_type<tc>, window_params = [{transform_indices = @transform_0, window_bounds = array<i64: 1, 512, 64>}, {transform_indices = @transform_1, window_bounds = array<i64: 1, 2048, 64>}, {transform_indices = @transform_2, window_bounds = array<i64: 1, 64, 2048>}, {transform_indices = @transform_3, window_bounds = array<i64: 1, 512, 20>}]} {
    %eq3A = arith.constant 0 : i32
    %eq3A_0 = arith.cmpi eq, %arg1, %eq3A : i32
    %convert_element_type3A = arith.extui %eq3A_0 : i1 to i32
    %cond3A = arith.constant 0 : i32
    %cond3A_1 = arith.cmpi ne, %convert_element_type3A, %cond3A : i32
    scf.if %cond3A_1 {
      %get3A_165 = arith.constant 0 : index
      %get3A_166 = arith.constant 0 : index
      %get3A_167 = arith.constant 0 : index
      %get3A_168 = vector.load %arg4[%get3A_165, %get3A_166, %get3A_167] : memref<1x64x2048xf32, #tpu.memory_space<vmem>>, vector<1x64x2048xf32>
      %get3A_169 = vector.shape_cast %get3A_168 : vector<1x64x2048xf32> to vector<64x2048xf32>
      %mul3A_170 = arith.mulf %get3A_169, %get3A_169 : vector<64x2048xf32>
      %reduce_sum3A_171 = arith.constant dense<0.000000e+00> : vector<2048xf32>
      %reduce_sum3A_172 = vector.multi_reduction <add>, %mul3A_170, %reduce_sum3A_171 [0] : vector<64x2048xf32> to vector<2048xf32>
      %broadcast_in_dim3A_173 = vector.shape_cast %reduce_sum3A_172 : vector<2048xf32> to vector<1x2048xf32>
      %swap3A_174 = arith.constant 0 : index
      %swap3A_175 = arith.constant 0 : index
      %swap3A_176 = vector.load %arg6[%swap3A_174, %swap3A_175] : memref<1x2048xf32, #tpu.memory_space<vmem>>, vector<1x2048xf32>
      tpu.vector_store %arg6[%swap3A_174, %swap3A_175], %broadcast_in_dim3A_173 {strides = array<i32>} : memref<1x2048xf32, #tpu.memory_space<vmem>>, vector<1x2048xf32>,
    } else {
    }
    %get3A = arith.constant 0 : index
    %get3A_2 = arith.constant 0 : index
    %get3A_3 = arith.constant 0 : index
    %get3A_4 = vector.load %arg2[%get3A, %get3A_2, %get3A_3] : memref<1x512x64xf32, #tpu.memory_space<vmem>>, vector<1x512x64xf32>
    %get3A_5 = vector.shape_cast %get3A_4 : vector<1x512x64xf32> to vector<512x64xf32>
    %convert_element_type3A_6 = arith.truncf %get3A_5 : vector<512x64xf32> to vector<512x64xbf16>
    %get3A_7 = arith.constant 0 : index
    %get3A_8 = arith.constant 0 : index
    %get3A_9 = arith.constant 0 : index
    %get3A_10 = vector.load %arg4[%get3A_7, %get3A_8, %get3A_9] : memref<1x64x2048xf32, #tpu.memory_space<vmem>>, vector<1x64x2048xf32>
    %get3A_11 = vector.shape_cast %get3A_10 : vector<1x64x2048xf32> to vector<64x2048xf32>
    %convert_element_type3A_12 = arith.truncf %get3A_11 : vector<64x2048xf32> to vector<64x2048xbf16>
    %dot_general3A = arith.constant dense<0.000000e+00> : vector<512x2048xf32>
    %dot_general3A_13 = tpu.matmul %convert_element_type3A_6, %convert_element_type3A_12, %dot_general3A {dimension_numbers = #tpu.dot_dimension_numbers<[1], [0], [0], [1], [0, 0, 1, 1], [], []>, transpose_lhs_hint = false} : vector<512x64xbf16>, vector<64x2048xbf16>, vector<512x2048xf32> -> vector<512x2048xf32>
    %mul3A = arith.constant -2.000000e+00 : f32
    %mul3A_14 = vector.broadcast %mul3A : f32 to vector<512x2048xf32>
    %mul3A_15 = arith.mulf %mul3A_14, %dot_general3A_13 : vector<512x2048xf32>
    %mul3A_16 = arith.mulf %get3A_5, %get3A_5 : vector<512x64xf32>
    %reduce_sum3A = arith.constant dense<0.000000e+00> : vector<512xf32>
    %reduce_sum3A_17 = vector.multi_reduction <add>, %mul3A_16, %reduce_sum3A [1] : vector<512x64xf32> to vector<512xf32>
    %broadcast_in_dim3A = vector.shape_cast %reduce_sum3A_17 : vector<512xf32> to vector<512x1xf32>
    %get3A_18 = arith.constant 0 : index
    %get3A_19 = arith.constant 0 : index
    %get3A_20 = vector.load %arg6[%get3A_18, %get3A_19] : memref<1x2048xf32, #tpu.memory_space<vmem>>, vector<1x2048xf32>
    %neg3A = arith.constant 0.000000e+00 : f32
    %neg3A_21 = vector.broadcast %neg3A : f32 to vector<1x2048xf32>
    %neg3A_22 = arith.subf %neg3A_21, %get3A_20 : vector<1x2048xf32>
    %sub3A = vector.broadcast %neg3A_22 : vector<1x2048xf32> to vector<512x2048xf32>
    %sub3A_23 = arith.subf %sub3A, %mul3A_15 : vector<512x2048xf32>
    %sub3A_24 = vector.broadcast %broadcast_in_dim3A : vector<512x1xf32> to vector<512x2048xf32>
    %sub3A_25 = arith.subf %sub3A_23, %sub3A_24 : vector<512x2048xf32>
    %iota3A = tpu.iota {dimensions = array<i32: 1>} : vector<512x2048xi32>
    %argmax3A = tpu.reduce_index %sub3A_25 {axis = 1 : i32, kind = #tpu.reduction_kind<arg_max>} : vector<512x2048xf32> -> vector<512xi32>
    %broadcast_in_dim3A_26 = vector.shape_cast %argmax3A : vector<512xi32> to vector<512x1xi32>
    %eq3A_27 = vector.broadcast %broadcast_in_dim3A_26 : vector<512x1xi32> to vector<512x2048xi32>
    %eq3A_28 = arith.cmpi eq, %iota3A, %eq3A_27 : vector<512x2048xi32>
    %jit3A = arith.constant -3.400000e+38 : f32
    %broadcast_in_dim3A_29 = vector.broadcast %jit3A : f32 to vector<512x2048xf32>
    %select_n3A = arith.select %eq3A_28, %broadcast_in_dim3A_29, %sub3A_25 : vector<512x2048xi1>, vector<512x2048xf32>
    %argmax3A_30 = tpu.reduce_index %select_n3A {axis = 1 : i32, kind = #tpu.reduction_kind<arg_max>} : vector<512x2048xf32> -> vector<512xi32>
    %broadcast_in_dim3A_31 = vector.shape_cast %argmax3A_30 : vector<512xi32> to vector<512x1xi32>
    %eq3A_32 = vector.broadcast %broadcast_in_dim3A_31 : vector<512x1xi32> to vector<512x2048xi32>
    %eq3A_33 = arith.cmpi eq, %iota3A, %eq3A_32 : vector<512x2048xi32>
    %jit3A_34 = arith.constant -3.400000e+38 : f32
    %broadcast_in_dim3A_35 = vector.broadcast %jit3A_34 : f32 to vector<512x2048xf32>
    %select_n3A_36 = arith.select %eq3A_33, %broadcast_in_dim3A_35, %select_n3A : vector<512x2048xi1>, vector<512x2048xf32>
    %argmax3A_37 = tpu.reduce_index %select_n3A_36 {axis = 1 : i32, kind = #tpu.reduction_kind<arg_max>} : vector<512x2048xf32> -> vector<512xi32>
    %broadcast_in_dim3A_38 = vector.shape_cast %argmax3A_37 : vector<512xi32> to vector<512x1xi32>
    %eq3A_39 = vector.broadcast %broadcast_in_dim3A_38 : vector<512x1xi32> to vector<512x2048xi32>
    %eq3A_40 = arith.cmpi eq, %iota3A, %eq3A_39 : vector<512x2048xi32>
    %jit3A_41 = arith.constant -3.400000e+38 : f32
    %broadcast_in_dim3A_42 = vector.broadcast %jit3A_41 : f32 to vector<512x2048xf32>
    %select_n3A_43 = arith.select %eq3A_40, %broadcast_in_dim3A_42, %select_n3A_36 : vector<512x2048xi1>, vector<512x2048xf32>
    %argmax3A_44 = tpu.reduce_index %select_n3A_43 {axis = 1 : i32, kind = #tpu.reduction_kind<arg_max>} : vector<512x2048xf32> -> vector<512xi32>
    %broadcast_in_dim3A_45 = vector.shape_cast %argmax3A_44 : vector<512xi32> to vector<512x1xi32>
    %eq3A_46 = vector.broadcast %broadcast_in_dim3A_45 : vector<512x1xi32> to vector<512x2048xi32>
    %eq3A_47 = arith.cmpi eq, %iota3A, %eq3A_46 : vector<512x2048xi32>
    %jit3A_48 = arith.constant -3.400000e+38 : f32
    %broadcast_in_dim3A_49 = vector.broadcast %jit3A_48 : f32 to vector<512x2048xf32>
    %select_n3A_50 = arith.select %eq3A_47, %broadcast_in_dim3A_49, %select_n3A_43 : vector<512x2048xi1>, vector<512x2048xf32>
    %argmax3A_51 = tpu.reduce_index %select_n3A_50 {axis = 1 : i32, kind = #tpu.reduction_kind<arg_max>} : vector<512x2048xf32> -> vector<512xi32>
    %broadcast_in_dim3A_52 = vector.shape_cast %argmax3A_51 : vector<512xi32> to vector<512x1xi32>
    %eq3A_53 = vector.broadcast %broadcast_in_dim3A_52 : vector<512x1xi32> to vector<512x2048xi32>
    %eq3A_54 = arith.cmpi eq, %iota3A, %eq3A_53 : vector<512x2048xi32>
    %jit3A_55 = arith.constant -3.400000e+38 : f32
    %broadcast_in_dim3A_56 = vector.broadcast %jit3A_55 : f32 to vector<512x2048xf32>
    %select_n3A_57 = arith.select %eq3A_54, %broadcast_in_dim3A_56, %select_n3A_50 : vector<512x2048xi1>, vector<512x2048xf32>
    %argmax3A_58 = tpu.reduce_index %select_n3A_57 {axis = 1 : i32, kind = #tpu.reduction_kind<arg_max>} : vector<512x2048xf32> -> vector<512xi32>
    %broadcast_in_dim3A_59 = vector.shape_cast %argmax3A_58 : vector<512xi32> to vector<512x1xi32>
    %eq3A_60 = vector.broadcast %broadcast_in_dim3A_59 : vector<512x1xi32> to vector<512x2048xi32>
    %eq3A_61 = arith.cmpi eq, %iota3A, %eq3A_60 : vector<512x2048xi32>
    %jit3A_62 = arith.constant -3.400000e+38 : f32
    %broadcast_in_dim3A_63 = vector.broadcast %jit3A_62 : f32 to vector<512x2048xf32>
    %select_n3A_64 = arith.select %eq3A_61, %broadcast_in_dim3A_63, %select_n3A_57 : vector<512x2048xi1>, vector<512x2048xf32>
    %argmax3A_65 = tpu.reduce_index %select_n3A_64 {axis = 1 : i32, kind = #tpu.reduction_kind<arg_max>} : vector<512x2048xf32> -> vector<512xi32>
    %broadcast_in_dim3A_66 = vector.shape_cast %argmax3A_65 : vector<512xi32> to vector<512x1xi32>
    %eq3A_67 = vector.broadcast %broadcast_in_dim3A_66 : vector<512x1xi32> to vector<512x2048xi32>
    %eq3A_68 = arith.cmpi eq, %iota3A, %eq3A_67 : vector<512x2048xi32>
    %jit3A_69 = arith.constant -3.400000e+38 : f32
    %broadcast_in_dim3A_70 = vector.broadcast %jit3A_69 : f32 to vector<512x2048xf32>
    %select_n3A_71 = arith.select %eq3A_68, %broadcast_in_dim3A_70, %select_n3A_64 : vector<512x2048xi1>, vector<512x2048xf32>
    %argmax3A_72 = tpu.reduce_index %select_n3A_71 {axis = 1 : i32, kind = #tpu.reduction_kind<arg_max>} : vector<512x2048xf32> -> vector<512xi32>
    %broadcast_in_dim3A_73 = vector.shape_cast %argmax3A_72 : vector<512xi32> to vector<512x1xi32>
    %eq3A_74 = vector.broadcast %broadcast_in_dim3A_73 : vector<512x1xi32> to vector<512x2048xi32>
    %eq3A_75 = arith.cmpi eq, %iota3A, %eq3A_74 : vector<512x2048xi32>
    %jit3A_76 = arith.constant -3.400000e+38 : f32
    %broadcast_in_dim3A_77 = vector.broadcast %jit3A_76 : f32 to vector<512x2048xf32>
    %select_n3A_78 = arith.select %eq3A_75, %broadcast_in_dim3A_77, %select_n3A_71 : vector<512x2048xi1>, vector<512x2048xf32>
    %argmax3A_79 = tpu.reduce_index %select_n3A_78 {axis = 1 : i32, kind = #tpu.reduction_kind<arg_max>} : vector<512x2048xf32> -> vector<512xi32>
    %broadcast_in_dim3A_80 = vector.shape_cast %argmax3A_79 : vector<512xi32> to vector<512x1xi32>
    %eq3A_81 = vector.broadcast %broadcast_in_dim3A_80 : vector<512x1xi32> to vector<512x2048xi32>
    %eq3A_82 = arith.cmpi eq, %iota3A, %eq3A_81 : vector<512x2048xi32>
    %jit3A_83 = arith.constant -3.400000e+38 : f32
    %broadcast_in_dim3A_84 = vector.broadcast %jit3A_83 : f32 to vector<512x2048xf32>
    %select_n3A_85 = arith.select %eq3A_82, %broadcast_in_dim3A_84, %select_n3A_78 : vector<512x2048xi1>, vector<512x2048xf32>
    %argmax3A_86 = tpu.reduce_index %select_n3A_85 {axis = 1 : i32, kind = #tpu.reduction_kind<arg_max>} : vector<512x2048xf32> -> vector<512xi32>
    %broadcast_in_dim3A_87 = vector.shape_cast %argmax3A_86 : vector<512xi32> to vector<512x1xi32>
    %eq3A_88 = vector.broadcast %broadcast_in_dim3A_87 : vector<512x1xi32> to vector<512x2048xi32>
    %eq3A_89 = arith.cmpi eq, %iota3A, %eq3A_88 : vector<512x2048xi32>
    %jit3A_90 = arith.constant -3.400000e+38 : f32
    %broadcast_in_dim3A_91 = vector.broadcast %jit3A_90 : f32 to vector<512x2048xf32>
    %select_n3A_92 = arith.select %eq3A_89, %broadcast_in_dim3A_91, %select_n3A_85 : vector<512x2048xi1>, vector<512x2048xf32>
    %argmax3A_93 = tpu.reduce_index %select_n3A_92 {axis = 1 : i32, kind = #tpu.reduction_kind<arg_max>} : vector<512x2048xf32> -> vector<512xi32>
    %broadcast_in_dim3A_94 = vector.shape_cast %argmax3A_93 : vector<512xi32> to vector<512x1xi32>
    %eq3A_95 = vector.broadcast %broadcast_in_dim3A_94 : vector<512x1xi32> to vector<512x2048xi32>
    %eq3A_96 = arith.cmpi eq, %iota3A, %eq3A_95 : vector<512x2048xi32>
    %jit3A_97 = arith.constant -3.400000e+38 : f32
    %broadcast_in_dim3A_98 = vector.broadcast %jit3A_97 : f32 to vector<512x2048xf32>
    %select_n3A_99 = arith.select %eq3A_96, %broadcast_in_dim3A_98, %select_n3A_92 : vector<512x2048xi1>, vector<512x2048xf32>
    %argmax3A_100 = tpu.reduce_index %select_n3A_99 {axis = 1 : i32, kind = #tpu.reduction_kind<arg_max>} : vector<512x2048xf32> -> vector<512xi32>
    %broadcast_in_dim3A_101 = vector.shape_cast %argmax3A_100 : vector<512xi32> to vector<512x1xi32>
    %eq3A_102 = vector.broadcast %broadcast_in_dim3A_101 : vector<512x1xi32> to vector<512x2048xi32>
    %eq3A_103 = arith.cmpi eq, %iota3A, %eq3A_102 : vector<512x2048xi32>
    %jit3A_104 = arith.constant -3.400000e+38 : f32
    %broadcast_in_dim3A_105 = vector.broadcast %jit3A_104 : f32 to vector<512x2048xf32>
    %select_n3A_106 = arith.select %eq3A_103, %broadcast_in_dim3A_105, %select_n3A_99 : vector<512x2048xi1>, vector<512x2048xf32>
    %argmax3A_107 = tpu.reduce_index %select_n3A_106 {axis = 1 : i32, kind = #tpu.reduction_kind<arg_max>} : vector<512x2048xf32> -> vector<512xi32>
    %broadcast_in_dim3A_108 = vector.shape_cast %argmax3A_107 : vector<512xi32> to vector<512x1xi32>
    %eq3A_109 = vector.broadcast %broadcast_in_dim3A_108 : vector<512x1xi32> to vector<512x2048xi32>
    %eq3A_110 = arith.cmpi eq, %iota3A, %eq3A_109 : vector<512x2048xi32>
    %jit3A_111 = arith.constant -3.400000e+38 : f32
    %broadcast_in_dim3A_112 = vector.broadcast %jit3A_111 : f32 to vector<512x2048xf32>
    %select_n3A_113 = arith.select %eq3A_110, %broadcast_in_dim3A_112, %select_n3A_106 : vector<512x2048xi1>, vector<512x2048xf32>
    %argmax3A_114 = tpu.reduce_index %select_n3A_113 {axis = 1 : i32, kind = #tpu.reduction_kind<arg_max>} : vector<512x2048xf32> -> vector<512xi32>
    %broadcast_in_dim3A_115 = vector.shape_cast %argmax3A_114 : vector<512xi32> to vector<512x1xi32>
    %eq3A_116 = vector.broadcast %broadcast_in_dim3A_115 : vector<512x1xi32> to vector<512x2048xi32>
    %eq3A_117 = arith.cmpi eq, %iota3A, %eq3A_116 : vector<512x2048xi32>
    %jit3A_118 = arith.constant -3.400000e+38 : f32
    %broadcast_in_dim3A_119 = vector.broadcast %jit3A_118 : f32 to vector<512x2048xf32>
    %select_n3A_120 = arith.select %eq3A_117, %broadcast_in_dim3A_119, %select_n3A_113 : vector<512x2048xi1>, vector<512x2048xf32>
    %argmax3A_121 = tpu.reduce_index %select_n3A_120 {axis = 1 : i32, kind = #tpu.reduction_kind<arg_max>} : vector<512x2048xf32> -> vector<512xi32>
    %broadcast_in_dim3A_122 = vector.shape_cast %argmax3A_121 : vector<512xi32> to vector<512x1xi32>
    %eq3A_123 = vector.broadcast %broadcast_in_dim3A_122 : vector<512x1xi32> to vector<512x2048xi32>
    %eq3A_124 = arith.cmpi eq, %iota3A, %eq3A_123 : vector<512x2048xi32>
    %jit3A_125 = arith.constant -3.400000e+38 : f32
    %broadcast_in_dim3A_126 = vector.broadcast %jit3A_125 : f32 to vector<512x2048xf32>
    %select_n3A_127 = arith.select %eq3A_124, %broadcast_in_dim3A_126, %select_n3A_120 : vector<512x2048xi1>, vector<512x2048xf32>
    %argmax3A_128 = tpu.reduce_index %select_n3A_127 {axis = 1 : i32, kind = #tpu.reduction_kind<arg_max>} : vector<512x2048xf32> -> vector<512xi32>
    %broadcast_in_dim3A_129 = vector.shape_cast %argmax3A_128 : vector<512xi32> to vector<512x1xi32>
    %eq3A_130 = vector.broadcast %broadcast_in_dim3A_129 : vector<512x1xi32> to vector<512x2048xi32>
    %eq3A_131 = arith.cmpi eq, %iota3A, %eq3A_130 : vector<512x2048xi32>
    %jit3A_132 = arith.constant -3.400000e+38 : f32
    %broadcast_in_dim3A_133 = vector.broadcast %jit3A_132 : f32 to vector<512x2048xf32>
    %select_n3A_134 = arith.select %eq3A_131, %broadcast_in_dim3A_133, %select_n3A_127 : vector<512x2048xi1>, vector<512x2048xf32>
    %argmax3A_135 = tpu.reduce_index %select_n3A_134 {axis = 1 : i32, kind = #tpu.reduction_kind<arg_max>} : vector<512x2048xf32> -> vector<512xi32>
    %broadcast_in_dim3A_136 = vector.shape_cast %argmax3A_135 : vector<512xi32> to vector<512x1xi32>
    %eq3A_137 = vector.broadcast %broadcast_in_dim3A_136 : vector<512x1xi32> to vector<512x2048xi32>
    %eq3A_138 = arith.cmpi eq, %iota3A, %eq3A_137 : vector<512x2048xi32>
    %jit3A_139 = arith.constant -3.400000e+38 : f32
    %broadcast_in_dim3A_140 = vector.broadcast %jit3A_139 : f32 to vector<512x2048xf32>
    %select_n3A_141 = arith.select %eq3A_138, %broadcast_in_dim3A_140, %select_n3A_134 : vector<512x2048xi1>, vector<512x2048xf32>
    %argmax3A_142 = tpu.reduce_index %select_n3A_141 {axis = 1 : i32, kind = #tpu.reduction_kind<arg_max>} : vector<512x2048xf32> -> vector<512xi32>
    %broadcast_in_dim3A_143 = vector.shape_cast %argmax3A_142 : vector<512xi32> to vector<512x1xi32>
    %eq3A_144 = vector.broadcast %broadcast_in_dim3A_143 : vector<512x1xi32> to vector<512x2048xi32>
    %eq3A_145 = arith.cmpi eq, %iota3A, %eq3A_144 : vector<512x2048xi32>
    %jit3A_146 = arith.constant -3.400000e+38 : f32
    %broadcast_in_dim3A_147 = vector.broadcast %jit3A_146 : f32 to vector<512x2048xf32>
    %select_n3A_148 = arith.select %eq3A_145, %broadcast_in_dim3A_147, %select_n3A_141 : vector<512x2048xi1>, vector<512x2048xf32>
    %argmax3A_149 = tpu.reduce_index %select_n3A_148 {axis = 1 : i32, kind = #tpu.reduction_kind<arg_max>} : vector<512x2048xf32> -> vector<512xi32>
    %broadcast_in_dim3A_150 = vector.shape_cast %argmax3A_149 : vector<512xi32> to vector<512x1xi32>
    %eq3A_151 = vector.broadcast %broadcast_in_dim3A_150 : vector<512x1xi32> to vector<512x2048xi32>
    %eq3A_152 = arith.cmpi eq, %iota3A, %eq3A_151 : vector<512x2048xi32>
    %jit3A_153 = arith.constant -3.400000e+38 : f32
    %broadcast_in_dim3A_154 = vector.broadcast %jit3A_153 : f32 to vector<512x2048xf32>
    %select_n3A_155 = arith.select %eq3A_152, %broadcast_in_dim3A_154, %select_n3A_148 : vector<512x2048xi1>, vector<512x2048xf32>
    %argmax3A_156 = tpu.reduce_index %select_n3A_155 {axis = 1 : i32, kind = #tpu.reduction_kind<arg_max>} : vector<512x2048xf32> -> vector<512xi32>
    %broadcast_in_dim3A_157 = vector.shape_cast %argmax3A_156 : vector<512xi32> to vector<512x1xi32>
    %concatenate3A = tpu.concatenate %broadcast_in_dim3A_26, %broadcast_in_dim3A_31, %broadcast_in_dim3A_38, %broadcast_in_dim3A_45, %broadcast_in_dim3A_52, %broadcast_in_dim3A_59, %broadcast_in_dim3A_66, %broadcast_in_dim3A_73, %broadcast_in_dim3A_80, %broadcast_in_dim3A_87, %broadcast_in_dim3A_94, %broadcast_in_dim3A_101, %broadcast_in_dim3A_108, %broadcast_in_dim3A_115, %broadcast_in_dim3A_122, %broadcast_in_dim3A_129, %broadcast_in_dim3A_136, %broadcast_in_dim3A_143, %broadcast_in_dim3A_150, %broadcast_in_dim3A_157 in 1 : vector<512x1xi32>, vector<512x1xi32>, vector<512x1xi32>, vector<512x1xi32>, vector<512x1xi32>, vector<512x1xi32>, vector<512x1xi32>, vector<512x1xi32>, vector<512x1xi32>, vector<512x1xi32>, vector<512x1xi32>, vector<512x1xi32>, vector<512x1xi32>, vector<512x1xi32>, vector<512x1xi32>, vector<512x1xi32>, vector<512x1xi32>, vector<512x1xi32>, vector<512x1xi32>, vector<512x1xi32> -> vector<512x20xi32>
    %mul3A_158 = arith.constant 2048 : i32
    %mul3A_159 = arith.muli %arg0, %mul3A_158 : i32
    %add3A = vector.broadcast %mul3A_159 : i32 to vector<512x20xi32>
    %add3A_160 = arith.addi %concatenate3A, %add3A : vector<512x20xi32>
    %broadcast_in_dim3A_161 = vector.shape_cast %add3A_160 : vector<512x20xi32> to vector<1x512x20xi32>
    %swap3A = arith.constant 0 : index
    %swap3A_162 = arith.constant 0 : index
    %swap3A_163 = arith.constant 0 : index
    %swap3A_164 = vector.load %arg5[%swap3A, %swap3A_162, %swap3A_163] : memref<1x512x20xi32, #tpu.memory_space<vmem>>, vector<1x512x20xi32>
    tpu.vector_store %arg5[%swap3A, %swap3A_162, %swap3A_163], %broadcast_in_dim3A_161 {strides = array<i32>} : memref<1x512x20xi32, #tpu.memory_space<vmem>>, vector<1x512x20xi32>,
    return
  }
  func.func @transform_0(%arg0: i32, %arg1: i32) -> (i32, i32, i32) {
    %c0_i32 = arith.constant 0 : i32
    %c0_i32_0 = arith.constant 0 : i32
    return %arg0, %arg1, %c0_i32 : i32, i32, i32
  }
  func.func @transform_1(%arg0: i32, %arg1: i32) -> (i32, i32, i32) {
    %c0_i32 = arith.constant 0 : i32
    %c0_i32_0 = arith.constant 0 : i32
    %c0_i32_1 = arith.constant 0 : i32
    return %arg0, %c0_i32, %c0_i32_0 : i32, i32, i32
  }
  func.func @transform_2(%arg0: i32, %arg1: i32) -> (i32, i32, i32) {
    %c0_i32 = arith.constant 0 : i32
    %c0_i32_0 = arith.constant 0 : i32
    %c0_i32_1 = arith.constant 0 : i32
    return %arg0, %c0_i32, %c0_i32_0 : i32, i32, i32
  }
  func.func @transform_3(%arg0: i32, %arg1: i32) -> (i32, i32, i32) {
    %c0_i32 = arith.constant 0 : i32
    %c0_i32_0 = arith.constant 0 : i32
    return %arg0, %arg1, %c0_i32 : i32, i32, i32
  }
}

module attributes {stable_mosaic.version = 14 : i64} {
  func.func @_conv_body(%arg0: i32, %arg1: i32, %arg2: memref<1x512x64xf32, #tpu.memory_space<vmem>>, %arg3: memref<1x512x20x64xf32, #tpu.memory_space<vmem>>, %arg4: memref<64x128xf32, #tpu.memory_space<vmem>>, %arg5: memref<1x512x64xf32, #tpu.memory_space<vmem>>, %arg6: memref<1x512x64xf32, #tpu.memory_space<vmem>>, %arg7: memref<1x1x64xf32, #tpu.memory_space<vmem>>, %arg8: memref<1x1x64xf32, #tpu.memory_space<vmem>>) attributes {dimension_semantics = [#tpu.dimension_semantics<arbitrary>, #tpu.dimension_semantics<arbitrary>], iteration_bounds = array<i64: 4, 4>, scalar_prefetch = 0 : i64, scratch_operands = 0 : i64, tpu.core_type = #tpu.core_type<tc>, window_params = [{transform_indices = @transform_0, window_bounds = array<i64: 1, 512, 64>}, {transform_indices = @transform_1, window_bounds = array<i64: 1, 512, 20, 64>}, {pipeline_mode = #tpu.pipeline_mode<synchronous>, transform_indices = @transform_2, window_bounds = array<i64: 64, 128>}, {transform_indices = @transform_3, window_bounds = array<i64: 1, 512, 64>}, {transform_indices = @transform_4, window_bounds = array<i64: 1, 512, 64>}, {transform_indices = @transform_5, window_bounds = array<i64: 1, 1, 64>}, {transform_indices = @transform_6, window_bounds = array<i64: 1, 1, 64>}]} {
    %get3A = arith.constant 0 : index
    %get3A_0 = arith.constant 0 : index
    %get3A_1 = arith.constant 0 : index
    %get3A_2 = vector.load %arg2[%get3A, %get3A_0, %get3A_1] : memref<1x512x64xf32, #tpu.memory_space<vmem>>, vector<1x512x64xf32>
    %get3A_3 = vector.shape_cast %get3A_2 : vector<1x512x64xf32> to vector<512x64xf32>
    %get3A_4 = arith.constant 0 : index
    %get3A_5 = arith.constant 0 : index
    %get3A_6 = arith.constant 0 : index
    %get3A_7 = arith.constant 0 : index
    %get3A_8 = vector.load %arg3[%get3A_4, %get3A_5, %get3A_6, %get3A_7] : memref<1x512x20x64xf32, #tpu.memory_space<vmem>>, vector<1x512x20x64xf32>
    %get3A_9 = vector.shape_cast %get3A_8 : vector<1x512x20x64xf32> to vector<512x20x64xf32>
    %broadcast_in_dim3A = vector.shape_cast %get3A_3 : vector<512x64xf32> to vector<512x1x64xf32>
    %broadcast_in_dim3A_10 = vector.shape_cast %broadcast_in_dim3A : vector<512x1x64xf32> to vector<512x1x64xf32>
    %broadcast_in_dim3A_11 = vector.broadcast %broadcast_in_dim3A_10 : vector<512x1x64xf32> to vector<512x20x64xf32>
    %sub3A = arith.subf %get3A_9, %broadcast_in_dim3A_11 : vector<512x20x64xf32>
    %concatenate3A = tpu.concatenate %sub3A, %broadcast_in_dim3A_11 in 2 : vector<512x20x64xf32>, vector<512x20x64xf32> -> vector<512x20x128xf32>
    %convert_element_type3A = arith.truncf %concatenate3A : vector<512x20x128xf32> to vector<512x20x128xbf16>
    %reshape3A = vector.shape_cast %convert_element_type3A : vector<512x20x128xbf16> to vector<10240x128xbf16>
    %get3A_12 = arith.constant 0 : index
    %get3A_13 = arith.constant 0 : index
    %get3A_14 = vector.load %arg4[%get3A_12, %get3A_13] : memref<64x128xf32, #tpu.memory_space<vmem>>, vector<64x128xf32>
    %convert_element_type3A_15 = arith.truncf %get3A_14 : vector<64x128xf32> to vector<64x128xbf16>
    %dot_general3A = arith.constant dense<0.000000e+00> : vector<10240x64xf32>
    %dot_general3A_16 = tpu.matmul %reshape3A, %convert_element_type3A_15, %dot_general3A {dimension_numbers = #tpu.dot_dimension_numbers<[1], [1], [0], [0], [0, 0, 1, 0], [], []>, transpose_lhs_hint = false} : vector<10240x128xbf16>, vector<64x128xbf16>, vector<10240x64xf32> -> vector<10240x64xf32>
    %reshape3A_17 = vector.shape_cast %dot_general3A_16 : vector<10240x64xf32> to vector<512x20x64xf32>
    %reduce_max3A = arith.constant dense<0xFF800000> : vector<512x64xf32>
    %reduce_max3A_18 = vector.multi_reduction <maximumf>, %reshape3A_17, %reduce_max3A [1] : vector<512x20x64xf32> to vector<512x64xf32>
    %broadcast_in_dim3A_19 = vector.shape_cast %reduce_max3A_18 : vector<512x64xf32> to vector<1x512x64xf32>
    %swap3A = arith.constant 0 : index
    %swap3A_20 = arith.constant 0 : index
    %swap3A_21 = arith.constant 0 : index
    %swap3A_22 = vector.load %arg5[%swap3A, %swap3A_20, %swap3A_21] : memref<1x512x64xf32, #tpu.memory_space<vmem>>, vector<1x512x64xf32>
    tpu.vector_store %arg5[%swap3A, %swap3A_20, %swap3A_21], %broadcast_in_dim3A_19 {strides = array<i32>} : memref<1x512x64xf32, #tpu.memory_space<vmem>>, vector<1x512x64xf32>,
    %reduce_min3A = arith.constant dense<0x7F800000> : vector<512x64xf32>
    %reduce_min3A_23 = vector.multi_reduction <minimumf>, %reshape3A_17, %reduce_min3A [1] : vector<512x20x64xf32> to vector<512x64xf32>
    %broadcast_in_dim3A_24 = vector.shape_cast %reduce_min3A_23 : vector<512x64xf32> to vector<1x512x64xf32>
    %swap3A_25 = arith.constant 0 : index
    %swap3A_26 = arith.constant 0 : index
    %swap3A_27 = arith.constant 0 : index
    %swap3A_28 = vector.load %arg6[%swap3A_25, %swap3A_26, %swap3A_27] : memref<1x512x64xf32, #tpu.memory_space<vmem>>, vector<1x512x64xf32>
    tpu.vector_store %arg6[%swap3A_25, %swap3A_26, %swap3A_27], %broadcast_in_dim3A_24 {strides = array<i32>} : memref<1x512x64xf32, #tpu.memory_space<vmem>>, vector<1x512x64xf32>,
    %reduce_sum3A = arith.constant dense<0.000000e+00> : vector<64xf32>
    %reduce_sum3A_29 = vector.multi_reduction <add>, %reshape3A_17, %reduce_sum3A [0, 1] : vector<512x20x64xf32> to vector<64xf32>
    %reshape3A_30 = vector.shape_cast %reduce_sum3A_29 : vector<64xf32> to vector<1x1x64xf32>
    %swap3A_31 = arith.constant 0 : index
    %swap3A_32 = arith.constant 0 : index
    %swap3A_33 = arith.constant 0 : index
    %swap3A_34 = vector.load %arg7[%swap3A_31, %swap3A_32, %swap3A_33] : memref<1x1x64xf32, #tpu.memory_space<vmem>>, vector<1x1x64xf32>
    tpu.vector_store %arg7[%swap3A_31, %swap3A_32, %swap3A_33], %reshape3A_30 {strides = array<i32>} : memref<1x1x64xf32, #tpu.memory_space<vmem>>, vector<1x1x64xf32>,
    %mul3A = arith.mulf %reshape3A_17, %reshape3A_17 : vector<512x20x64xf32>
    %reduce_sum3A_35 = arith.constant dense<0.000000e+00> : vector<64xf32>
    %reduce_sum3A_36 = vector.multi_reduction <add>, %mul3A, %reduce_sum3A_35 [0, 1] : vector<512x20x64xf32> to vector<64xf32>
    %reshape3A_37 = vector.shape_cast %reduce_sum3A_36 : vector<64xf32> to vector<1x1x64xf32>
    %swap3A_38 = arith.constant 0 : index
    %swap3A_39 = arith.constant 0 : index
    %swap3A_40 = arith.constant 0 : index
    %swap3A_41 = vector.load %arg8[%swap3A_38, %swap3A_39, %swap3A_40] : memref<1x1x64xf32, #tpu.memory_space<vmem>>, vector<1x1x64xf32>
    tpu.vector_store %arg8[%swap3A_38, %swap3A_39, %swap3A_40], %reshape3A_37 {strides = array<i32>} : memref<1x1x64xf32, #tpu.memory_space<vmem>>, vector<1x1x64xf32>,
    return
  }
  func.func @transform_0(%arg0: i32, %arg1: i32) -> (i32, i32, i32) {
    %c0_i32 = arith.constant 0 : i32
    %c0_i32_0 = arith.constant 0 : i32
    return %arg0, %arg1, %c0_i32 : i32, i32, i32
  }
  func.func @transform_1(%arg0: i32, %arg1: i32) -> (i32, i32, i32, i32) {
    %c0_i32 = arith.constant 0 : i32
    %c0_i32_0 = arith.constant 0 : i32
    %c0_i32_1 = arith.constant 0 : i32
    return %arg0, %arg1, %c0_i32, %c0_i32_0 : i32, i32, i32, i32
  }
  func.func @transform_2(%arg0: i32, %arg1: i32) -> (i32, i32) {
    %c0_i32 = arith.constant 0 : i32
    %c0_i32_0 = arith.constant 0 : i32
    %c0_i32_1 = arith.constant 0 : i32
    return %c0_i32, %c0_i32_0 : i32, i32
  }
  func.func @transform_3(%arg0: i32, %arg1: i32) -> (i32, i32, i32) {
    %c0_i32 = arith.constant 0 : i32
    %c0_i32_0 = arith.constant 0 : i32
    return %arg0, %arg1, %c0_i32 : i32, i32, i32
  }
  func.func @transform_4(%arg0: i32, %arg1: i32) -> (i32, i32, i32) {
    %c0_i32 = arith.constant 0 : i32
    %c0_i32_0 = arith.constant 0 : i32
    return %arg0, %arg1, %c0_i32 : i32, i32, i32
  }
  func.func @transform_5(%arg0: i32, %arg1: i32) -> (i32, i32, i32) {
    %mul3A = arith.constant 4 : i32
    %mul3A_0 = arith.muli %arg0, %mul3A : i32
    %add3A = arith.addi %mul3A_0, %arg1 : i32
    %c0_i32 = arith.constant 0 : i32
    %c0_i32_1 = arith.constant 0 : i32
    %c0_i32_2 = arith.constant 0 : i32
    return %add3A, %c0_i32, %c0_i32_1 : i32, i32, i32
  }
  func.func @transform_6(%arg0: i32, %arg1: i32) -> (i32, i32, i32) {
    %mul3A = arith.constant 4 : i32
    %mul3A_0 = arith.muli %arg0, %mul3A : i32
    %add3A = arith.addi %mul3A_0, %arg1 : i32
    %c0_i32 = arith.constant 0 : i32
    %c0_i32_1 = arith.constant 0 : i32
    %c0_i32_2 = arith.constant 0 : i32
    return %add3A, %c0_i32, %c0_i32_1 : i32, i32, i32
  }
}

module attributes {stable_mosaic.version = 14 : i64} {
  func.func @_conv_body(%arg0: i32, %arg1: i32, %arg2: memref<1x512x64xf32, #tpu.memory_space<vmem>>, %arg3: memref<1x512x20x64xf32, #tpu.memory_space<vmem>>, %arg4: memref<128x128xf32, #tpu.memory_space<vmem>>, %arg5: memref<1x512x128xf32, #tpu.memory_space<vmem>>, %arg6: memref<1x512x128xf32, #tpu.memory_space<vmem>>, %arg7: memref<1x1x128xf32, #tpu.memory_space<vmem>>, %arg8: memref<1x1x128xf32, #tpu.memory_space<vmem>>) attributes {dimension_semantics = [#tpu.dimension_semantics<arbitrary>, #tpu.dimension_semantics<arbitrary>], iteration_bounds = array<i64: 4, 4>, scalar_prefetch = 0 : i64, scratch_operands = 0 : i64, tpu.core_type = #tpu.core_type<tc>, window_params = [{transform_indices = @transform_0, window_bounds = array<i64: 1, 512, 64>}, {transform_indices = @transform_1, window_bounds = array<i64: 1, 512, 20, 64>}, {pipeline_mode = #tpu.pipeline_mode<synchronous>, transform_indices = @transform_2, window_bounds = array<i64: 128, 128>}, {transform_indices = @transform_3, window_bounds = array<i64: 1, 512, 128>}, {transform_indices = @transform_4, window_bounds = array<i64: 1, 512, 128>}, {transform_indices = @transform_5, window_bounds = array<i64: 1, 1, 128>}, {transform_indices = @transform_6, window_bounds = array<i64: 1, 1, 128>}]} {
    %get3A = arith.constant 0 : index
    %get3A_0 = arith.constant 0 : index
    %get3A_1 = arith.constant 0 : index
    %get3A_2 = vector.load %arg2[%get3A, %get3A_0, %get3A_1] : memref<1x512x64xf32, #tpu.memory_space<vmem>>, vector<1x512x64xf32>
    %get3A_3 = vector.shape_cast %get3A_2 : vector<1x512x64xf32> to vector<512x64xf32>
    %get3A_4 = arith.constant 0 : index
    %get3A_5 = arith.constant 0 : index
    %get3A_6 = arith.constant 0 : index
    %get3A_7 = arith.constant 0 : index
    %get3A_8 = vector.load %arg3[%get3A_4, %get3A_5, %get3A_6, %get3A_7] : memref<1x512x20x64xf32, #tpu.memory_space<vmem>>, vector<1x512x20x64xf32>
    %get3A_9 = vector.shape_cast %get3A_8 : vector<1x512x20x64xf32> to vector<512x20x64xf32>
    %broadcast_in_dim3A = vector.shape_cast %get3A_3 : vector<512x64xf32> to vector<512x1x64xf32>
    %broadcast_in_dim3A_10 = vector.shape_cast %broadcast_in_dim3A : vector<512x1x64xf32> to vector<512x1x64xf32>
    %broadcast_in_dim3A_11 = vector.broadcast %broadcast_in_dim3A_10 : vector<512x1x64xf32> to vector<512x20x64xf32>
    %sub3A = arith.subf %get3A_9, %broadcast_in_dim3A_11 : vector<512x20x64xf32>
    %concatenate3A = tpu.concatenate %sub3A, %broadcast_in_dim3A_11 in 2 : vector<512x20x64xf32>, vector<512x20x64xf32> -> vector<512x20x128xf32>
    %convert_element_type3A = arith.truncf %concatenate3A : vector<512x20x128xf32> to vector<512x20x128xbf16>
    %reshape3A = vector.shape_cast %convert_element_type3A : vector<512x20x128xbf16> to vector<10240x128xbf16>
    %get3A_12 = arith.constant 0 : index
    %get3A_13 = arith.constant 0 : index
    %get3A_14 = vector.load %arg4[%get3A_12, %get3A_13] : memref<128x128xf32, #tpu.memory_space<vmem>>, vector<128x128xf32>
    %convert_element_type3A_15 = arith.truncf %get3A_14 : vector<128x128xf32> to vector<128x128xbf16>
    %dot_general3A = arith.constant dense<0.000000e+00> : vector<10240x128xf32>
    %dot_general3A_16 = tpu.matmul %reshape3A, %convert_element_type3A_15, %dot_general3A {dimension_numbers = #tpu.dot_dimension_numbers<[1], [1], [0], [0], [0, 0, 1, 0], [], []>, transpose_lhs_hint = false} : vector<10240x128xbf16>, vector<128x128xbf16>, vector<10240x128xf32> -> vector<10240x128xf32>
    %reshape3A_17 = vector.shape_cast %dot_general3A_16 : vector<10240x128xf32> to vector<512x20x128xf32>
    %reduce_max3A = arith.constant dense<0xFF800000> : vector<512x128xf32>
    %reduce_max3A_18 = vector.multi_reduction <maximumf>, %reshape3A_17, %reduce_max3A [1] : vector<512x20x128xf32> to vector<512x128xf32>
    %broadcast_in_dim3A_19 = vector.shape_cast %reduce_max3A_18 : vector<512x128xf32> to vector<1x512x128xf32>
    %swap3A = arith.constant 0 : index
    %swap3A_20 = arith.constant 0 : index
    %swap3A_21 = arith.constant 0 : index
    %swap3A_22 = vector.load %arg5[%swap3A, %swap3A_20, %swap3A_21] : memref<1x512x128xf32, #tpu.memory_space<vmem>>, vector<1x512x128xf32>
    tpu.vector_store %arg5[%swap3A, %swap3A_20, %swap3A_21], %broadcast_in_dim3A_19 {strides = array<i32>} : memref<1x512x128xf32, #tpu.memory_space<vmem>>, vector<1x512x128xf32>,
    %reduce_min3A = arith.constant dense<0x7F800000> : vector<512x128xf32>
    %reduce_min3A_23 = vector.multi_reduction <minimumf>, %reshape3A_17, %reduce_min3A [1] : vector<512x20x128xf32> to vector<512x128xf32>
    %broadcast_in_dim3A_24 = vector.shape_cast %reduce_min3A_23 : vector<512x128xf32> to vector<1x512x128xf32>
    %swap3A_25 = arith.constant 0 : index
    %swap3A_26 = arith.constant 0 : index
    %swap3A_27 = arith.constant 0 : index
    %swap3A_28 = vector.load %arg6[%swap3A_25, %swap3A_26, %swap3A_27] : memref<1x512x128xf32, #tpu.memory_space<vmem>>, vector<1x512x128xf32>
    tpu.vector_store %arg6[%swap3A_25, %swap3A_26, %swap3A_27], %broadcast_in_dim3A_24 {strides = array<i32>} : memref<1x512x128xf32, #tpu.memory_space<vmem>>, vector<1x512x128xf32>,
    %reduce_sum3A = arith.constant dense<0.000000e+00> : vector<128xf32>
    %reduce_sum3A_29 = vector.multi_reduction <add>, %reshape3A_17, %reduce_sum3A [0, 1] : vector<512x20x128xf32> to vector<128xf32>
    %reshape3A_30 = vector.shape_cast %reduce_sum3A_29 : vector<128xf32> to vector<1x1x128xf32>
    %swap3A_31 = arith.constant 0 : index
    %swap3A_32 = arith.constant 0 : index
    %swap3A_33 = arith.constant 0 : index
    %swap3A_34 = vector.load %arg7[%swap3A_31, %swap3A_32, %swap3A_33] : memref<1x1x128xf32, #tpu.memory_space<vmem>>, vector<1x1x128xf32>
    tpu.vector_store %arg7[%swap3A_31, %swap3A_32, %swap3A_33], %reshape3A_30 {strides = array<i32>} : memref<1x1x128xf32, #tpu.memory_space<vmem>>, vector<1x1x128xf32>,
    %mul3A = arith.mulf %reshape3A_17, %reshape3A_17 : vector<512x20x128xf32>
    %reduce_sum3A_35 = arith.constant dense<0.000000e+00> : vector<128xf32>
    %reduce_sum3A_36 = vector.multi_reduction <add>, %mul3A, %reduce_sum3A_35 [0, 1] : vector<512x20x128xf32> to vector<128xf32>
    %reshape3A_37 = vector.shape_cast %reduce_sum3A_36 : vector<128xf32> to vector<1x1x128xf32>
    %swap3A_38 = arith.constant 0 : index
    %swap3A_39 = arith.constant 0 : index
    %swap3A_40 = arith.constant 0 : index
    %swap3A_41 = vector.load %arg8[%swap3A_38, %swap3A_39, %swap3A_40] : memref<1x1x128xf32, #tpu.memory_space<vmem>>, vector<1x1x128xf32>
    tpu.vector_store %arg8[%swap3A_38, %swap3A_39, %swap3A_40], %reshape3A_37 {strides = array<i32>} : memref<1x1x128xf32, #tpu.memory_space<vmem>>, vector<1x1x128xf32>,
    return
  }
  func.func @transform_0(%arg0: i32, %arg1: i32) -> (i32, i32, i32) {
    %c0_i32 = arith.constant 0 : i32
    %c0_i32_0 = arith.constant 0 : i32
    return %arg0, %arg1, %c0_i32 : i32, i32, i32
  }
  func.func @transform_1(%arg0: i32, %arg1: i32) -> (i32, i32, i32, i32) {
    %c0_i32 = arith.constant 0 : i32
    %c0_i32_0 = arith.constant 0 : i32
    %c0_i32_1 = arith.constant 0 : i32
    return %arg0, %arg1, %c0_i32, %c0_i32_0 : i32, i32, i32, i32
  }
  func.func @transform_2(%arg0: i32, %arg1: i32) -> (i32, i32) {
    %c0_i32 = arith.constant 0 : i32
    %c0_i32_0 = arith.constant 0 : i32
    %c0_i32_1 = arith.constant 0 : i32
    return %c0_i32, %c0_i32_0 : i32, i32
  }
  func.func @transform_3(%arg0: i32, %arg1: i32) -> (i32, i32, i32) {
    %c0_i32 = arith.constant 0 : i32
    %c0_i32_0 = arith.constant 0 : i32
    return %arg0, %arg1, %c0_i32 : i32, i32, i32
  }
  func.func @transform_4(%arg0: i32, %arg1: i32) -> (i32, i32, i32) {
    %c0_i32 = arith.constant 0 : i32
    %c0_i32_0 = arith.constant 0 : i32
    return %arg0, %arg1, %c0_i32 : i32, i32, i32
  }
  func.func @transform_5(%arg0: i32, %arg1: i32) -> (i32, i32, i32) {
    %mul3A = arith.constant 4 : i32
    %mul3A_0 = arith.muli %arg0, %mul3A : i32
    %add3A = arith.addi %mul3A_0, %arg1 : i32
    %c0_i32 = arith.constant 0 : i32
    %c0_i32_1 = arith.constant 0 : i32
    %c0_i32_2 = arith.constant 0 : i32
    return %add3A, %c0_i32, %c0_i32_1 : i32, i32, i32
  }
  func.func @transform_6(%arg0: i32, %arg1: i32) -> (i32, i32, i32) {
    %mul3A = arith.constant 4 : i32
    %mul3A_0 = arith.muli %arg0, %mul3A : i32
    %add3A = arith.addi %mul3A_0, %arg1 : i32
    %c0_i32 = arith.constant 0 : i32
    %c0_i32_1 = arith.constant 0 : i32
    %c0_i32_2 = arith.constant 0 : i32
    return %add3A, %c0_i32, %c0_i32_1 : i32, i32, i32
  }
}

module attributes {stable_mosaic.version = 14 : i64} {
  func.func @_epilogue_body(%arg0: i32, %arg1: memref<1x2048x128xf32, #tpu.memory_space<vmem>>, %arg2: memref<1x2048x128xf32, #tpu.memory_space<vmem>>, %arg3: memref<32x1x128xf32, #tpu.memory_space<vmem>>, %arg4: memref<32x1x128xf32, #tpu.memory_space<vmem>>, %arg5: memref<1x128xf32, #tpu.memory_space<vmem>>, %arg6: memref<1x128xf32, #tpu.memory_space<vmem>>, %arg7: memref<1x2048x128xf32, #tpu.memory_space<vmem>>) attributes {dimension_semantics = [#tpu.dimension_semantics<arbitrary>], iteration_bounds = array<i64: 8>, scalar_prefetch = 0 : i64, scratch_operands = 0 : i64, tpu.core_type = #tpu.core_type<tc>, window_params = [{transform_indices = @transform_0, window_bounds = array<i64: 1, 2048, 128>}, {transform_indices = @transform_1, window_bounds = array<i64: 1, 2048, 128>}, {pipeline_mode = #tpu.pipeline_mode<synchronous>, transform_indices = @transform_2, window_bounds = array<i64: 32, 1, 128>}, {pipeline_mode = #tpu.pipeline_mode<synchronous>, transform_indices = @transform_3, window_bounds = array<i64: 32, 1, 128>}, {pipeline_mode = #tpu.pipeline_mode<synchronous>, transform_indices = @transform_4, window_bounds = array<i64: 1, 128>}, {pipeline_mode = #tpu.pipeline_mode<synchronous>, transform_indices = @transform_5, window_bounds = array<i64: 1, 128>}, {transform_indices = @transform_6, window_bounds = array<i64: 1, 2048, 128>}]} {
    %get3A = arith.constant 0 : index
    %get3A_0 = arith.constant 0 : index
    %get3A_1 = arith.constant 0 : index
    %get3A_2 = vector.load %arg3[%get3A, %get3A_0, %get3A_1] : memref<32x1x128xf32, #tpu.memory_space<vmem>>, vector<32x1x128xf32>
    %reduce_sum3A = arith.constant dense<0.000000e+00> : vector<128xf32>
    %reduce_sum3A_3 = vector.multi_reduction <add>, %get3A_2, %reduce_sum3A [0, 1] : vector<32x1x128xf32> to vector<128xf32>
    %reshape3A = vector.shape_cast %reduce_sum3A_3 : vector<128xf32> to vector<1x128xf32>
    %get3A_4 = arith.constant 0 : index
    %get3A_5 = arith.constant 0 : index
    %get3A_6 = arith.constant 0 : index
    %get3A_7 = vector.load %arg4[%get3A_4, %get3A_5, %get3A_6] : memref<32x1x128xf32, #tpu.memory_space<vmem>>, vector<32x1x128xf32>
    %reduce_sum3A_8 = arith.constant dense<0.000000e+00> : vector<128xf32>
    %reduce_sum3A_9 = vector.multi_reduction <add>, %get3A_7, %reduce_sum3A_8 [0, 1] : vector<32x1x128xf32> to vector<128xf32>
    %reshape3A_10 = vector.shape_cast %reduce_sum3A_9 : vector<128xf32> to vector<1x128xf32>
    %div3A = arith.constant 3.276800e+05 : f32
    %div3A_11 = vector.broadcast %div3A : f32 to vector<1x128xf32>
    %div3A_12 = arith.divf %reshape3A, %div3A_11 : vector<1x128xf32>
    %div3A_13 = arith.constant 3.276800e+05 : f32
    %div3A_14 = vector.broadcast %div3A_13 : f32 to vector<1x128xf32>
    %div3A_15 = arith.divf %reshape3A_10, %div3A_14 : vector<1x128xf32>
    %mul3A = arith.mulf %div3A_12, %div3A_12 : vector<1x128xf32>
    %sub3A = arith.subf %div3A_15, %mul3A : vector<1x128xf32>
    %get3A_16 = arith.constant 0 : index
    %get3A_17 = arith.constant 0 : index
    %get3A_18 = vector.load %arg5[%get3A_16, %get3A_17] : memref<1x128xf32, #tpu.memory_space<vmem>>, vector<1x128xf32>
    %add3A = arith.constant 9.99999974E-6 : f32
    %add3A_19 = vector.broadcast %add3A : f32 to vector<1x128xf32>
    %add3A_20 = arith.addf %sub3A, %add3A_19 : vector<1x128xf32>
    %sqrt3A = math.sqrt %add3A_20 : vector<1x128xf32>
    %div3A_21 = arith.divf %get3A_18, %sqrt3A : vector<1x128xf32>
    %get3A_22 = arith.constant 0 : index
    %get3A_23 = arith.constant 0 : index
    %get3A_24 = vector.load %arg6[%get3A_22, %get3A_23] : memref<1x128xf32, #tpu.memory_space<vmem>>, vector<1x128xf32>
    %mul3A_25 = arith.mulf %div3A_12, %div3A_21 : vector<1x128xf32>
    %sub3A_26 = arith.subf %get3A_24, %mul3A_25 : vector<1x128xf32>
    %ge3A = arith.constant 0.000000e+00 : f32
    %ge3A_27 = vector.broadcast %ge3A : f32 to vector<1x128xf32>
    %ge3A_28 = arith.cmpf oge, %div3A_21, %ge3A_27 : vector<1x128xf32>
    %get3A_29 = arith.constant 0 : index
    %get3A_30 = arith.constant 0 : index
    %get3A_31 = arith.constant 0 : index
    %get3A_32 = vector.load %arg1[%get3A_29, %get3A_30, %get3A_31] : memref<1x2048x128xf32, #tpu.memory_space<vmem>>, vector<1x2048x128xf32>
    %get3A_33 = vector.shape_cast %get3A_32 : vector<1x2048x128xf32> to vector<2048x128xf32>
    %get3A_34 = arith.constant 0 : index
    %get3A_35 = arith.constant 0 : index
    %get3A_36 = arith.constant 0 : index
    %get3A_37 = vector.load %arg2[%get3A_34, %get3A_35, %get3A_36] : memref<1x2048x128xf32, #tpu.memory_space<vmem>>, vector<1x2048x128xf32>
    %get3A_38 = vector.shape_cast %get3A_37 : vector<1x2048x128xf32> to vector<2048x128xf32>
    %broadcast_in_dim3A = vector.shape_cast %ge3A_28 : vector<1x128xi1> to vector<1x128xi1>
    %broadcast_in_dim3A_39 = vector.broadcast %broadcast_in_dim3A : vector<1x128xi1> to vector<2048x128xi1>
    %select_n3A = arith.select %broadcast_in_dim3A_39, %get3A_33, %get3A_38 : vector<2048x128xi1>, vector<2048x128xf32>
    %mul3A_40 = vector.broadcast %div3A_21 : vector<1x128xf32> to vector<2048x128xf32>
    %mul3A_41 = arith.mulf %mul3A_40, %select_n3A : vector<2048x128xf32>
    %add3A_42 = vector.broadcast %sub3A_26 : vector<1x128xf32> to vector<2048x128xf32>
    %add3A_43 = arith.addf %mul3A_41, %add3A_42 : vector<2048x128xf32>
    %ge3A_44 = arith.constant 0.000000e+00 : f32
    %ge3A_45 = vector.broadcast %ge3A_44 : f32 to vector<2048x128xf32>
    %ge3A_46 = arith.cmpf oge, %add3A_43, %ge3A_45 : vector<2048x128xf32>
    %mul3A_47 = arith.constant 2.000000e-01 : f32
    %mul3A_48 = vector.broadcast %mul3A_47 : f32 to vector<2048x128xf32>
    %mul3A_49 = arith.mulf %mul3A_48, %add3A_43 : vector<2048x128xf32>
    %select_n3A_50 = arith.select %ge3A_46, %add3A_43, %mul3A_49 : vector<2048x128xi1>, vector<2048x128xf32>
    %broadcast_in_dim3A_51 = vector.shape_cast %select_n3A_50 : vector<2048x128xf32> to vector<1x2048x128xf32>
    %swap3A = arith.constant 0 : index
    %swap3A_52 = arith.constant 0 : index
    %swap3A_53 = arith.constant 0 : index
    %swap3A_54 = vector.load %arg7[%swap3A, %swap3A_52, %swap3A_53] : memref<1x2048x128xf32, #tpu.memory_space<vmem>>, vector<1x2048x128xf32>
    tpu.vector_store %arg7[%swap3A, %swap3A_52, %swap3A_53], %broadcast_in_dim3A_51 {strides = array<i32>} : memref<1x2048x128xf32, #tpu.memory_space<vmem>>, vector<1x2048x128xf32>,
    return
  }
  func.func @transform_0(%arg0: i32) -> (i32, i32, i32) {
    %c0_i32 = arith.constant 0 : i32
    %c0_i32_0 = arith.constant 0 : i32
    %c0_i32_1 = arith.constant 0 : i32
    return %arg0, %c0_i32, %c0_i32_0 : i32, i32, i32
  }
  func.func @transform_1(%arg0: i32) -> (i32, i32, i32) {
    %c0_i32 = arith.constant 0 : i32
    %c0_i32_0 = arith.constant 0 : i32
    %c0_i32_1 = arith.constant 0 : i32
    return %arg0, %c0_i32, %c0_i32_0 : i32, i32, i32
  }
  func.func @transform_2(%arg0: i32) -> (i32, i32, i32) {
    %c0_i32 = arith.constant 0 : i32
    %c0_i32_0 = arith.constant 0 : i32
    %c0_i32_1 = arith.constant 0 : i32
    %c0_i32_2 = arith.constant 0 : i32
    return %c0_i32, %c0_i32_0, %c0_i32_1 : i32, i32, i32
  }
  func.func @transform_3(%arg0: i32) -> (i32, i32, i32) {
    %c0_i32 = arith.constant 0 : i32
    %c0_i32_0 = arith.constant 0 : i32
    %c0_i32_1 = arith.constant 0 : i32
    %c0_i32_2 = arith.constant 0 : i32
    return %c0_i32, %c0_i32_0, %c0_i32_1 : i32, i32, i32
  }
  func.func @transform_4(%arg0: i32) -> (i32, i32) {
    %c0_i32 = arith.constant 0 : i32
    %c0_i32_0 = arith.constant 0 : i32
    %c0_i32_1 = arith.constant 0 : i32
    return %c0_i32, %c0_i32_0 : i32, i32
  }
  func.func @transform_5(%arg0: i32) -> (i32, i32) {
    %c0_i32 = arith.constant 0 : i32
    %c0_i32_0 = arith.constant 0 : i32
    %c0_i32_1 = arith.constant 0 : i32
    return %c0_i32, %c0_i32_0 : i32, i32
  }
  func.func @transform_6(%arg0: i32) -> (i32, i32, i32) {
    %c0_i32 = arith.constant 0 : i32
    %c0_i32_0 = arith.constant 0 : i32
    %c0_i32_1 = arith.constant 0 : i32
    return %arg0, %c0_i32, %c0_i32_0 : i32, i32, i32
  }
}

</mosaic_0001>

<sc_bundles>
// kernel: kernel.23.cloned.1.call-start
scs
__scs_entry_jumppad:
0x0: {  	(pc) =	sbr.rel $0x88, $3  }
0x1: {  	(tag) =	ssettag $0x0;
	lr =	simm.s32 $0x1  }
0x2: {  	[smem:$0x3F97] =	sst lr;
	_ =	strace $0xD0000000  }
0x3: {  	_ = 	snop  }
0x4: {  	_ = 	snop  }
0x5: {  	_ = 	snop  }
0x6: {  	_ = 	snop  }
0x7: {  	_ = 	snop  }
__scs_overlays_trampoline_lowered:
0x8: {  	[smem:$0x3FA6] =	sst s0  }
0x9: {  	[smem:$0x3FA7] =	sst s1  }
0xa: {  	[smem:$0x3FA8] =	sst s2  }
0xb: {  	[smem:$0x3FA9] =	sst s3  }
0xc: {  	[smem:$0x3FAA] =	sst s4  }
0xd: {  	[smem:$0x3FAB] =	sst s5  }
0xe: {  	[smem:$0x3FAC] =	sst s6  }
0xf: {  	[smem:$0x3FAD] =	sst s7  }
0x10: {  	[smem:$0x3FAE] =	sst s8  }
0x11: {  	[smem:$0x3FAF] =	sst s9;
	s0 =	simm.s32 @!p0 $0x0  }
0x12: {  	s1 =	sld [smem:$0x3F95];
	s0 =	simm.s32 @p0 $0x1  }
0x13: {  	[smem:$0x3FB0] =	sst s0;
	s0 =	simm.s32 @!p1 $0x0  }
0x14: {  	s2 =	sld [smem:$0x3F94];
	s0 =	simm.s32 @p1 $0x1  }
0x15: {  	[smem:$0x3FB1] =	sst s0;
	s0 =	simm.s32 @!p2 $0x0  }
0x16: {  	s3 =	sld [smem:$0x3FDB];
	s0 =	simm.s32 @p2 $0x1  }
0x17: {  	s4 =	simm.s32 $0x1BF5;
	[smem:$0x3FB3] =	sst s0  }
0x18: {  	s0 =	sld [smem:$0x3F96];
	_ =	swait.ge [sflag:s4], $0x0  }
0x19: {  	s7 =	sld [smem:$0x3F97]  }
0x1a: {  	s8 =	sadd.s32 $0xFFFFE003, lr  }
0x1b: {  	s9 =	sadd.s32 $0xFFFFFEF7, lr;
	s5 =	simm.s32 $0xFFFFFFFF;
	p2 =	slt.u32 s8, $0xFFFFF086  }
0x1c: {  	p1 =	slt.u32 s9, $0xF7A;
	s5 =	simm.s32 @!p2 $0x0  }
0x1d: {  	s5 =	simm.s32 @p1 $0x1;
	p0 =	seq.s32 s7, s2  }
0x1e: {  	s7 =	smul.u32 @!p0 $0xF7A, s2;
	p2 =	seq.s32 @!p0 s5, $0x0  }
0x1f: {  	s9 =	smul.u32 $0xF7A, s1;
	s8 =	simm.s32 @!p0 $0x1BF5;
	p2 =	por !p2, p0  }
0x20: {  	[sflag:s8] =	ssyncset.s32 @!p0 $0xFFFFF086;
	s6 =	sadd.s32 @!p0 s3, s7;
	s7 =	simm.s32 @!p0 $0x108  }
0x21: {  	s3 =	sadd.s32 s3, s9;
	s6 =	sadd.s32 @!p0 $0x88, s6;
	s7 =	simm.s32 @p2 $0x1082  }
0x22: {  	[simem:s7], [sflag:s8] =	dma.local @!p0 [hbm:s6], $0xF7A  }
0x23: {  	s9 =	sor.u32 $0xD0000000, s2;
	s6 =	simm.s32 $0x108;
	_ =	swait.ge @!p0 [sflag:s8], $0x0  }
0x24: {  	s3 =	sadd.s32 $0x88, s3;
	s6 =	simm.s32 @!p1 $0x1082;
	[sflag:s4] =	ssyncset.s32 $0xFFFFF086  }
0x25: {  	[simem:s6], [sflag:s4] =	dma.local [hbm:s3], $0xF7A  }
0x26: {  	[smem:$0x3F97] =	sst s1;
	(tag) =	ssettag s2;
	_ =	strace s9  }
0x27: {  	s1 =	sld [smem:$0x3FA7]  }
0x28: {  	s2 =	sld [smem:$0x3FA8]  }
0x29: {  	s4 =	sld [smem:$0x3FAA]  }
0x2a: {  	p0 =	seq.s32 s5, $0x0;
	s5 =	sld [smem:$0x3FAB]  }
0x2b: {  	s6 =	sld [smem:$0x3FAC]  }
0x2c: {  	s7 =	sld [smem:$0x3FAD]  }
0x2d: {  	s3 =	simm.s32 $0x108;
	s8 =	sld [smem:$0x3FAE]  }
0x2e: {  	s3 =	simm.s32 @!p0 $0x1082;
	s9 =	sld [smem:$0x3FAF]  }
0x2f: {  	lr =	sadd.s32 s0, s3;
	s0 =	sld [smem:$0x3FA6]  }
0x30: {  	s3 =	sld [smem:$0x3FA9]  }
0x31: {  	[smem:$0x3FB2] =	sst s10  }
0x32: {  	s10 =	sld [smem:$0x3FB0];
	_ =	sdelay $0x3  }
0x33: {  	p0 =	seq.s32 s10, $0x1;
	s10 =	sld [smem:$0x3FB2];
	_ =	sdelay $0x3  }
0x34: {  	[smem:$0x3FB2] =	sst s10  }
0x35: {  	s10 =	sld [smem:$0x3FB1];
	_ =	sdelay $0x3  }
0x36: {  	p1 =	seq.s32 s10, $0x1;
	s10 =	sld [smem:$0x3FB2];
	_ =	sdelay $0x3  }
0x37: {  	[smem:$0x3FB2] =	sst s10  }
0x38: {  	s10 =	sld [smem:$0x3FB3]  }
0x39: {  	_ = 	snop;
	(pc) =	sbr.ind lr, $3  }
0x3a: {  	_ = 	snop  }
0x3b: {  	_ = 	snop  }
0x3c: {  	p2 =	seq.s32 s10, $0x1;
	s10 =	sld [smem:$0x3FB2]  }
0x3d: {  	_ =	shalt  }
0x3e: {  	_ =	shalt  }
0x3f: {  	_ =	shalt  }
0x40: {  	_ =	shalt  }
0x41: {  	_ =	shalt  }
0x42: {  	_ =	shalt  }
0x43: {  	_ =	shalt  }
0x44: {  	_ =	shalt  }
0x45: {  	_ =	shalt  }
0x46: {  	_ =	shalt  }
0x47: {  	_ =	shalt  }
0x48: {  	_ =	shalt  }
0x49: {  	_ =	shalt  }
0x4a: {  	_ =	shalt  }
0x4b: {  	_ =	shalt  }
0x4c: {  	_ =	shalt  }
0x4d: {  	_ =	shalt  }
0x4e: {  	_ =	shalt  }
0x4f: {  	_ =	shalt  }
0x50: {  	_ =	shalt  }
0x51: {  	_ =	shalt  }
0x52: {  	_ =	shalt  }
0x53: {  	_ =	shalt  }
0x54: {  	_ =	shalt  }
0x55: {  	_ =	shalt  }
0x56: {  	_ =	shalt  }
0x57: {  	_ =	shalt  }
0x58: {  	_ =	shalt  }
0x59: {  	_ =	shalt  }
0x5a: {  	_ =	shalt  }
0x5b: {  	_ =	shalt  }
0x5c: {  	_ =	shalt  }
0x5d: {  	_ =	shalt  }
0x5e: {  	_ =	shalt  }
0x5f: {  	_ =	shalt  }
0x60: {  	_ =	shalt  }
0x61: {  	_ =	shalt  }
0x62: {  	_ =	shalt  }
0x63: {  	_ =	shalt  }
0x64: {  	_ =	shalt  }
0x65: {  	_ =	shalt  }
0x66: {  	_ =	shalt  }
0x67: {  	_ =	shalt  }
0x68: {  	_ =	shalt  }
0x69: {  	_ =	shalt  }
0x6a: {  	_ =	shalt  }
0x6b: {  	_ =	shalt  }
0x6c: {  	_ =	shalt  }
0x6d: {  	_ =	shalt  }
0x6e: {  	_ =	shalt  }
0x6f: {  	_ =	shalt  }
0x70: {  	_ =	shalt  }
0x71: {  	_ =	shalt  }
0x72: {  	_ =	shalt  }
0x73: {  	_ =	shalt  }
0x74: {  	_ =	shalt  }
0x75: {  	_ =	shalt  }
0x76: {  	_ =	shalt  }
0x77: {  	_ =	shalt  }
0x78: {  	_ =	shalt  }
0x79: {  	_ =	shalt  }
0x7a: {  	_ =	shalt  }
0x7b: {  	_ =	shalt  }
0x7c: {  	_ =	shalt  }
0x7d: {  	_ =	shalt  }
0x7e: {  	_ =	shalt  }
0x7f: {  	_ =	shalt  }
0x80: {  	_ =	shalt  }
0x81: {  	_ =	shalt  }
0x82: {  	_ =	shalt  }
0x83: {  	_ =	shalt  }
0x84: {  	_ =	shalt  }
0x85: {  	_ =	shalt  }
0x86: {  	_ =	shalt  }
0x87: {  	_ =	shalt  }
.Lfunc_end0:
.L_simem_size_0:
called_computation_lowered:
.L_overlay_start_0:
0x88: {  	s2 =	sld [smem:$0x3FD9]  }
0x89: {  	s3 =	sld [smem:$0x3FFE];
	_ =	sdelay $0x1  }
0x8a: {  	s1 =	srdreg.scid  }
0x8b: {  	s0 =	sand.u32 $0x1, s1  }
0x8c: {  	s14 =	sshll.u32 s0, $0xA;
	s2 =	sadd.s32 s3, s2  }
0x8d: {  	s2 =	sadd.s32 s2, s14  }
0x8e: {  	[smem:$0x3FBE] =	sst s2  }
0x8f: {  	_ = 	snop  }
0x90: {  	s2 =	sld [smem:$0x3FD0];
	_ =	sdelay $0x2  }
0x91: {  	s15 =	simm.s32 $0xB;
	s4 =	simm.s32 $0x10  }
0x92: {  	[smem:s4], [sflag:s15] =	dma.local [hbm:s2], $0x1  }
0x93: {  	_ =	swait.eq [sflag:s15], $0x1  }
0x94: {  	[sflag:s15] =	ssyncset.done $0x0  }
0x95: {  	s16 =	sld [smem:$0x10];
	[sflag:s15] =	ssyncadd.s32 $0xFFFFFFFF  }
0x96: {  	s17 =	sld [smem:$0x11];
	(tm) =	ssettm $0x1  }
0x97: {  	s18 =	sld [smem:$0x3FFB];
	_ =	sdelay $0x3  }
0x98: {  	_ =	strace s18  }
0x99: {  	s4 =	sld [smem:$0x3FFC];
	_ =	sdelay $0x3  }
0x9a: {  	_ =	strace s4  }
0x9b: {  	s4 =	sld [smem:$0x3FFD];
	_ =	sdelay $0x3  }
0x9c: {  	_ =	strace s4  }
0x9d: {  	_ =	strace $0x8FFFFFFF  }
0x9e: {  	s19 =	sld [smem:$0x3FDB];
	_ =	sdelay $0x1  }
0x9f: {  	s5 =	simm.s32 $_scs_section_size  }
0xa0: {  	s6 =	simm.s32 $_size__tile_overlayer_lowered;
	s7 =	simm.s32 $_tile_overlayer_lowered  }
0xa1: {  	s22 =	simm.s32 $0x1BFF;
	s21 =	sshll.u32 s7, $0x1;
	s4 =	sadd.s32 s5, s19  }
0xa2: {  	s8 =	simm.s32 $0x0;
	s20 =	sshll.u32 s6, $0x1;
	s6 =	sadd.s32 s21, s4  }
0xa3: {  	[timem:s8], [sflag:s22] =	dma.local [hbm:s6], s20  }
0xa4: {  	_ =	swait.ge [sflag:s22], s20  }
0xa5: {  	s5 =	ssub.s32 $0x0, s20;
	[sflag:s22] =	ssyncset.done $0x0  }
0xa6: {  	[sflag:s22] =	ssyncadd.s32 s5;
	_ =	sdelay $0x1  }
0xa7: {  	s23 =	simm.s32 $0x1B8B  }
0xa8: {  	_ =	swait.ge [sflag:s23], $0x1  }
0xa9: {  	[sflag:s23] =	ssyncset.done $0x0  }
0xaa: {  	s25 =	simm.s32 $0x1B8E;
	s24 =	sld [smem:$0x3FFE];
	[sflag:s23] =	ssyncadd.s32 $0xFFFFFFFF  }
0xab: {  	s26 =	simm.s32 $execute0_lowered;
	[smem:$0x3FD2] =	sst s25  }
0xac: {  	s6 =	sshll.u32 s26, $0x1;
	_ =	strace $0x80000046;
	[dreg:$0x1] =	wrdreg $0xFFFFFFFF  }
0xad: {  	s28 =	simm.s32 $_size_execute0_lowered;
	s4 =	sadd.s32 s4, s6;
	[dreg:$0x0] =	wrdreg $0x0  }
0xae: {  	s6 =	sshll.u32 s28, $0x1;
	[dreg:$0x2] =	wrdreg s4  }
0xaf: {  	[dreg:$0x3] =	wrdreg s6  }
0xb0: {  	[dreg:$0x4] =	wrdreg $0xC0  }
0xb1: {  	_ =	task [dreg:s8], $0x5FFFF  }
0xb2: {  	[dreg:$0x1] =	wrdreg $0xFFFFFFFF  }
0xb3: {  	[dreg:$0x0] =	wrdreg $0x60  }
0xb4: {  	[dreg:$0x2] =	wrdreg s16  }
0xb5: {  	[dreg:$0x3] =	wrdreg s17  }
0xb6: {  	[dreg:$0x4] =	wrdreg s24  }
0xb7: {  	[dreg:$0x5] =	wrdreg $0x9  }
0xb8: {  	_ =	task.clear_ibuf [dreg:s8], $0x6FFFF;
	_ =	strace $0x90000046  }
0xb9: {  	s29 =	simm.s32 $0x9;
	_ =	strace $0x80000048  }
0xba: {  	_ =	swait.ge [sflag:s29], $0x1  }
0xbb: {  	[sflag:s29] =	ssyncadd.s32 $0xFFFFFFFF  }
0xbc: {  	_ =	strace $0x90000048  }
0xbd: {  	_ =	sfence  }
0xbe: {  	s30 =	sld [smem:$0x0];
	_ =	sdelay $0x2  }
0xbf: {  	s31 =	sshll.u32 s1, $0xD;
	s1 =	sshrl.u32 s1, $0x2  }
0xc0: {  	s3 =	sand.u32 $0x4000, s31;
	s1 =	sadd.s32 s1, s30  }
0xc1: {  	s0 =	sor.u32 s3, s0;
	s1 =	sshll.u32 s1, $0x11  }
0xc2: {  	s0 =	sor.u32 s1, s0  }
0xc3: {  	s0 =	sadd.s32 $0x8F2B, s0  }
0xc4: {  	[sflag:s0] =	ssyncadd.remote.s32 $0x1  }
0xc5: {  	_ =	sfence.sel $0xFFFF  }
0xc6: {  	[dreg:$0x0] =	wrdreg $0xFFFFFFFF;
	(pc) =	sbr.abs _section_cstart, $3  }
0xc7: {  	[dreg:$0x1] =	wrdreg $0xFFFFFFFF  }
0xc8: {  	_ =	task.clear_ibuf [dreg:s8], $0x2FFFF;
	_ =	strace $0x9FFFFFFF  }
0xc9: {  	(tm) =	ssettm $0x7FFFFFFF  }
tec
execute0_lowered:
.L_overlay_start_1:
0x0: {  	(tag) =	ssettag $0x1  }
0x1: {  	s1 =	rddreg [dreg:$0x0]  }
0x2: {  	s0 =	stileid.u32;
	s4 =	rddreg [dreg:$0x1]  }
0x3: {  	s2 =	srdreg.scid;
	s6 =	rddreg [dreg:$0x2];
	s3 =	simm.s32 $0x0  }
0x4: {  	s10 =	simm.s32 $0x1C00;
	s11 =	simm.s32 $0x2400;
	s12 =	simm.s32 $0x2C00  }
0x5: {  	s13 =	simm.s32 $0x3400;
	s14 =	simm.s32 $0x3C00;
	s15 =	simm.s32 $0x4400  }
0x6: {  	s16 =	simm.s32 $0x4C00;
	s17 =	simm.s32 $0x1;
	s18 =	simm.s32 $0x0  }
0x7: {  	s5 =	sand.u32 $0x1, s2;
	s30 =	sshll.u32 s0, $0x1;
	s2 =	rddreg [dreg:$0x3]  }
0x8: {  	s7 =	smul.u32 $0x5000, s0;
	[smem:$0x7FF] =	sst s3;
	s8 =	sor.u32 s5, s30  }
0x9: {  	s9 =	ssub.s32 $0x2, s5;
	s5 =	smul.u32 $0x2800, s5;
	_ =	strace $0x80000047  }
0xa: {  	s8 =	smul.u32 $0x1400, s8;
	s6 =	sadd.s32 s7, s6;
	s31 =	sshrl.u32 s9, $0x1  }
0xb: {  	s7 =	ssub.s32 s9, s31;
	s6 =	sadd.s32 s5, s6;
	s9 =	simm.s32 $0x1400  }
0xc: {  	s8 =	sshrl.u32 s8, $0x3;
	s5 =	smax.u32 s7, $0x1;
	s6 =	sadd.s32 $0x6000, s6  }
0xd: {  	s7 =	simm.s32 $0x2;
	s4 =	sadd.s32 s4, s8;
	s8 =	simm.s32 $0x80  }
.LBB2_1:
0xe: {  	[tilespmem:s3], [sflag:$0x2] =	stream.linear.gather [hbm4b:s4+s3], $0x1400, $0x38;
	[tilespmem:$0x5400] =	vst v63  }
0xf: {  	_ =	swait.ge [sflag:s7], $0x1400  }
0x10: {  	[sflag:s7] =	ssyncset.done $0x0  }
0x11: {  	s19 =	simm.s32 $0x0;
	[sflag:s7] =	ssyncadd.s32 $0xFFFFEC00  }
0x12: {  	[tilespmem:s9], [sflag:$0x1] =	stream.indirect.gather [hbm4b:s1+s8], $0x10, s19, s8, $0xb8;
	[tilespmem:$0x5400] =	vst v63  }
0x13: {  	s24 =	simm.s32 $0x80  }
0x14: {  	[tilespmem:s10], [sflag:$0x1] =	stream.indirect.gather [hbm4b:s1+s8], $0x10, s24, s8, $0xb8;
	[tilespmem:$0x5400] =	vst v63  }
0x15: {  	s25 =	simm.s32 $0x100  }
0x16: {  	[tilespmem:s11], [sflag:$0x1] =	stream.indirect.gather [hbm4b:s1+s8], $0x10, s25, s8, $0xb8;
	[tilespmem:$0x5400] =	vst v63  }
0x17: {  	s26 =	simm.s32 $0x180  }
0x18: {  	[tilespmem:s12], [sflag:$0x1] =	stream.indirect.gather [hbm4b:s1+s8], $0x10, s26, s8, $0xb8;
	[tilespmem:$0x5400] =	vst v63  }
0x19: {  	s28 =	simm.s32 $0x200  }
0x1a: {  	[tilespmem:s13], [sflag:$0x1] =	stream.indirect.gather [hbm4b:s1+s8], $0x10, s28, s8, $0xb8;
	[tilespmem:$0x5400] =	vst v63  }
0x1b: {  	s29 =	simm.s32 $0x280  }
0x1c: {  	[tilespmem:s14], [sflag:$0x1] =	stream.indirect.gather [hbm4b:s1+s8], $0x10, s29, s8, $0xb8;
	[tilespmem:$0x5400] =	vst v63  }
0x1d: {  	s30 =	simm.s32 $0x300  }
0x1e: {  	[tilespmem:s15], [sflag:$0x1] =	stream.indirect.gather [hbm4b:s1+s8], $0x10, s30, s8, $0xb8;
	[tilespmem:$0x5400] =	vst v63  }
0x1f: {  	s31 =	simm.s32 $0x380  }
0x20: {  	[tilespmem:s16], [sflag:$0x1] =	stream.indirect.gather [hbm4b:s1+s8], $0x10, s31, s8, $0xb8;
	[tilespmem:$0x5400] =	vst v63  }
0x21: {  	_ =	swait.ge [sflag:s17], $0x800  }
0x22: {  	[sflag:s17] =	ssyncset.done $0x0  }
0x23: {  	[sflag:s17] =	ssyncadd.s32 $0xFFFFF800  }
0x24: {  	_ =	swait.ge [sflag:s17], $0x800  }
0x25: {  	[sflag:s17] =	ssyncset.done $0x0  }
0x26: {  	[sflag:s17] =	ssyncadd.s32 $0xFFFFF800  }
0x27: {  	_ =	swait.ge [sflag:s17], $0x800  }
0x28: {  	[sflag:s17] =	ssyncset.done $0x0  }
0x29: {  	[sflag:s17] =	ssyncadd.s32 $0xFFFFF800  }
0x2a: {  	_ =	swait.ge [sflag:s17], $0x800  }
0x2b: {  	[sflag:s17] =	ssyncset.done $0x0  }
0x2c: {  	[sflag:s17] =	ssyncadd.s32 $0xFFFFF800  }
0x2d: {  	_ =	swait.ge [sflag:s17], $0x800  }
0x2e: {  	[sflag:s17] =	ssyncset.done $0x0  }
0x2f: {  	[sflag:s17] =	ssyncadd.s32 $0xFFFFF800  }
0x30: {  	_ =	swait.ge [sflag:s17], $0x800  }
0x31: {  	[sflag:s17] =	ssyncset.done $0x0  }
0x32: {  	[sflag:s17] =	ssyncadd.s32 $0xFFFFF800  }
0x33: {  	_ =	swait.ge [sflag:s17], $0x800  }
0x34: {  	[sflag:s17] =	ssyncset.done $0x0  }
0x35: {  	[sflag:s17] =	ssyncadd.s32 $0xFFFFF800  }
0x36: {  	_ =	swait.ge [sflag:s17], $0x800  }
0x37: {  	[sflag:s17] =	ssyncset.done $0x0  }
0x38: {  	[sflag:s17] =	ssyncadd.s32 $0xFFFFF800  }
0x39: {  	[hbm4b:s6+s3] =	stream.linear.scatter [tilespmem:s9], [sflag:$0x2], $0x4000, $0x38;
	[tilespmem:$0x5400] =	vst v63  }
0x3a: {  	s20 =	simm.s32 $0x1000;
	_ =	swait.ge [sflag:s7], $0x4000  }
0x3b: {  	s22 =	simm.s32 $0x2000;
	s19 =	sadd.s32 $0x800, s6;
	[sflag:s7] =	ssyncset.done $0x0  }
.LBB2_2:
0x3c: {  	s23 =	sshra.s32 s20, $0x2  }
0x3d: {  	[sflag:s7] =	ssyncadd.s32 $0xFFFFC000;
	s20 =	smov.u32 s22;
	s21 =	sadd.s32 $0x1000, s22  }
0x3e: {  	[tilespmem:s9], [sflag:$0x1] =	stream.indirect.gather [hbm4b:s1+s8], $0x10, s23, s8, $0xb8;
	[tilespmem:$0x5400] =	vst v63  }
0x3f: {  	p0 =	sne.s32 s22, $0x4000;
	s22 =	sadd.s32 $0x80, s23  }
0x40: {  	[tilespmem:s10], [sflag:$0x1] =	stream.indirect.gather [hbm4b:s1+s8], $0x10, s22, s8, $0xb8;
	[tilespmem:$0x5400] =	vst v63  }
0x41: {  	s22 =	sadd.s32 $0x100, s23  }
0x42: {  	[tilespmem:s11], [sflag:$0x1] =	stream.indirect.gather [hbm4b:s1+s8], $0x10, s22, s8, $0xb8;
	[tilespmem:$0x5400] =	vst v63  }
0x43: {  	s22 =	sadd.s32 $0x180, s23  }
0x44: {  	[tilespmem:s12], [sflag:$0x1] =	stream.indirect.gather [hbm4b:s1+s8], $0x10, s22, s8, $0xb8;
	[tilespmem:$0x5400] =	vst v63  }
0x45: {  	s22 =	sadd.s32 $0x200, s23  }
0x46: {  	[tilespmem:s13], [sflag:$0x1] =	stream.indirect.gather [hbm4b:s1+s8], $0x10, s22, s8, $0xb8;
	[tilespmem:$0x5400] =	vst v63  }
0x47: {  	s22 =	sadd.s32 $0x280, s23  }
0x48: {  	[tilespmem:s14], [sflag:$0x1] =	stream.indirect.gather [hbm4b:s1+s8], $0x10, s22, s8, $0xb8;
	[tilespmem:$0x5400] =	vst v63  }
0x49: {  	s22 =	sadd.s32 $0x300, s23  }
0x4a: {  	[tilespmem:s15], [sflag:$0x1] =	stream.indirect.gather [hbm4b:s1+s8], $0x10, s22, s8, $0xb8;
	[tilespmem:$0x5400] =	vst v63  }
0x4b: {  	s22 =	sadd.s32 $0x380, s23  }
0x4c: {  	[tilespmem:s16], [sflag:$0x1] =	stream.indirect.gather [hbm4b:s1+s8], $0x10, s22, s8, $0xb8;
	[tilespmem:$0x5400] =	vst v63  }
0x4d: {  	_ =	swait.ge [sflag:s17], $0x800  }
0x4e: {  	[sflag:s17] =	ssyncset.done $0x0  }
0x4f: {  	[sflag:s17] =	ssyncadd.s32 $0xFFFFF800  }
0x50: {  	_ =	swait.ge [sflag:s17], $0x800  }
0x51: {  	[sflag:s17] =	ssyncset.done $0x0  }
0x52: {  	[sflag:s17] =	ssyncadd.s32 $0xFFFFF800  }
0x53: {  	_ =	swait.ge [sflag:s17], $0x800  }
0x54: {  	[sflag:s17] =	ssyncset.done $0x0  }
0x55: {  	[sflag:s17] =	ssyncadd.s32 $0xFFFFF800  }
0x56: {  	_ =	swait.ge [sflag:s17], $0x800  }
0x57: {  	[sflag:s17] =	ssyncset.done $0x0  }
0x58: {  	[sflag:s17] =	ssyncadd.s32 $0xFFFFF800  }
0x59: {  	_ =	swait.ge [sflag:s17], $0x800  }
0x5a: {  	[sflag:s17] =	ssyncset.done $0x0  }
0x5b: {  	[sflag:s17] =	ssyncadd.s32 $0xFFFFF800  }
0x5c: {  	_ =	swait.ge [sflag:s17], $0x800  }
0x5d: {  	[sflag:s17] =	ssyncset.done $0x0  }
0x5e: {  	[sflag:s17] =	ssyncadd.s32 $0xFFFFF800  }
0x5f: {  	_ =	swait.ge [sflag:s17], $0x800  }
0x60: {  	[sflag:s17] =	ssyncset.done $0x0  }
0x61: {  	[sflag:s17] =	ssyncadd.s32 $0xFFFFF800  }
0x62: {  	_ =	swait.ge [sflag:s17], $0x800  }
.Ltmp0:
0x63: {  	[sflag:s17] =	ssyncset.done $0x0;
	(pc) =	sbr.rel @p0 .LBB2_2-.Ltmp0, $4  }
0x64: {  	[sflag:s17] =	ssyncadd.s32 $0xFFFFF800  }
0x65: {  	[hbm4b:s19+s3] =	stream.linear.scatter [tilespmem:s9], [sflag:$0x2], $0x4000, $0x38;
	[tilespmem:$0x5400] =	vst v63  }
0x66: {  	_ =	swait.ge [sflag:s7], $0x4000  }
0x67: {  	s22 =	smov.u32 s21;
	s19 =	sadd.s32 $0x800, s19;
	[sflag:s7] =	ssyncset.done $0x0  }
0x68: {  	s20 =	sshra.s32 s20, $0x2;
	[sflag:s7] =	ssyncadd.s32 $0xFFFFC000  }
0x69: {  	[tilespmem:s9], [sflag:$0x1] =	stream.indirect.gather [hbm4b:s1+s8], $0x10, s20, s8, $0xb8;
	[tilespmem:$0x5400] =	vst v63  }
0x6a: {  	s21 =	sadd.s32 $0x80, s20  }
0x6b: {  	[tilespmem:s10], [sflag:$0x1] =	stream.indirect.gather [hbm4b:s1+s8], $0x10, s21, s8, $0xb8;
	[tilespmem:$0x5400] =	vst v63  }
0x6c: {  	s26 =	sadd.s32 $0x100, s20  }
0x6d: {  	[tilespmem:s11], [sflag:$0x1] =	stream.indirect.gather [hbm4b:s1+s8], $0x10, s26, s8, $0xb8;
	[tilespmem:$0x5400] =	vst v63  }
0x6e: {  	s28 =	sadd.s32 $0x180, s20  }
0x6f: {  	[tilespmem:s12], [sflag:$0x1] =	stream.indirect.gather [hbm4b:s1+s8], $0x10, s28, s8, $0xb8;
	[tilespmem:$0x5400] =	vst v63  }
0x70: {  	s29 =	sadd.s32 $0x200, s20  }
0x71: {  	[tilespmem:s13], [sflag:$0x1] =	stream.indirect.gather [hbm4b:s1+s8], $0x10, s29, s8, $0xb8;
	[tilespmem:$0x5400] =	vst v63  }
0x72: {  	s30 =	sadd.s32 $0x280, s20  }
0x73: {  	[tilespmem:s14], [sflag:$0x1] =	stream.indirect.gather [hbm4b:s1+s8], $0x10, s30, s8, $0xb8;
	[tilespmem:$0x5400] =	vst v63  }
0x74: {  	s31 =	sadd.s32 $0x300, s20  }
0x75: {  	[tilespmem:s15], [sflag:$0x1] =	stream.indirect.gather [hbm4b:s1+s8], $0x10, s31, s8, $0xb8;
	[tilespmem:$0x5400] =	vst v63  }
0x76: {  	s20 =	sadd.s32 $0x380, s20  }
0x77: {  	[tilespmem:s16], [sflag:$0x1] =	stream.indirect.gather [hbm4b:s1+s8], $0x10, s20, s8, $0xb8;
	[tilespmem:$0x5400] =	vst v63  }
0x78: {  	_ =	swait.ge [sflag:s17], $0x800  }
0x79: {  	[sflag:s17] =	ssyncset.done $0x0  }
0x7a: {  	[sflag:s17] =	ssyncadd.s32 $0xFFFFF800  }
0x7b: {  	_ =	swait.ge [sflag:s17], $0x800  }
0x7c: {  	[sflag:s17] =	ssyncset.done $0x0  }
0x7d: {  	[sflag:s17] =	ssyncadd.s32 $0xFFFFF800  }
0x7e: {  	_ =	swait.ge [sflag:s17], $0x800  }
0x7f: {  	[sflag:s17] =	ssyncset.done $0x0  }
0x80: {  	[sflag:s17] =	ssyncadd.s32 $0xFFFFF800  }
0x81: {  	_ =	swait.ge [sflag:s17], $0x800  }
0x82: {  	[sflag:s17] =	ssyncset.done $0x0  }
0x83: {  	[sflag:s17] =	ssyncadd.s32 $0xFFFFF800  }
0x84: {  	_ =	swait.ge [sflag:s17], $0x800  }
0x85: {  	[sflag:s17] =	ssyncset.done $0x0  }
0x86: {  	[sflag:s17] =	ssyncadd.s32 $0xFFFFF800  }
0x87: {  	_ =	swait.ge [sflag:s17], $0x800  }
0x88: {  	[sflag:s17] =	ssyncset.done $0x0  }
0x89: {  	[sflag:s17] =	ssyncadd.s32 $0xFFFFF800  }
0x8a: {  	_ =	swait.ge [sflag:s17], $0x800  }
0x8b: {  	[sflag:s17] =	ssyncset.done $0x0  }
0x8c: {  	[sflag:s17] =	ssyncadd.s32 $0xFFFFF800  }
0x8d: {  	s18 =	sadd.s32 $0x1, s18;
	_ =	swait.ge [sflag:s17], $0x800  }
0x8e: {  	p0 =	sne.s32 s18, s5;
	[sflag:s17] =	ssyncset.done $0x0  }
.Ltmp1:
0x8f: {  	[sflag:s17] =	ssyncadd.s32 $0xFFFFF800;
	(pc) =	sbr.rel @p0 .LBB2_1-.Ltmp1, $4  }
0x90: {  	[hbm4b:s19+s3] =	stream.linear.scatter [tilespmem:s9], [sflag:$0x2], $0x4000, $0x38;
	[tilespmem:$0x5400] =	vst v63  }
0x91: {  	_ =	swait.ge [sflag:s7], $0x4000  }
0x92: {  	[sflag:s7] =	ssyncset.done $0x0  }
0x93: {  	[sflag:s7] =	ssyncadd.s32 $0xFFFFC000  }
0x94: {  	_ =	sfence.sel $0x180000  }
0x95: {  	[bflag:$0x0] =	sbarrier.arrive $0xFFFF  }
0x96: {  	p0 =	sne.s32 s0, $0x0;
	_ =	strace $0x90000047  }
0x97: {  	s0 =	sadd.s32 @!p0 $0x100000, s2;
	[bflag:$0x2] =	sbarrier.arrive $0xFFFF  }
0x98: {  	[sflag:s0] =	ssyncadd.tile.s32 @!p0 $0x1;
	_ =	shalt  }
.Lfunc_end2:
_tile_overlayer_lowered:
.L_overlay_start_2:
0x99: {  	(tag) =	ssettag $0x2  }
0x9a: {  	s0 =	rddreg [dreg:$0x0];
	s2 =	stileid.u32  }
0x9b: {  	s1 =	rddreg [dreg:$0x1];
	p0 =	sne.s32 s2, $0x0  }
0x9c: {  	s3 =	rddreg [dreg:$0x2];
	[bflag:$0x3] =	sbarrier.arrive $0xFFFF;
	s2 =	simm.s32 @!p0 $0x1C02  }
0x9d: {  	[timem:s3], [sflag:s2] =	dma.local @!p0 [hbm:s0], s1  }
0x9e: {  	s0 =	simm.s32 @!p0 $0x2  }
0x9f: {  	_ =	swait.ge @!p0 [sflag:s0], s1  }
0xa0: {  	s1 =	ssub.s32 @!p0 $0x0, s1;
	[sflag:s0] =	ssyncset.done @!p0 $0x0  }
0xa1: {  	[sflag:s0] =	ssyncadd.s32 @!p0 s1  }
0xa2: {  	[bflag:$0x3] =	sbarrier.arrive $0xFFFF  }
0xa3: {  	_ =	shalt  }

// kernel: kernel.26.cloned.1.call-start
scs
__scs_entry_jumppad:
0x0: {  	(pc) =	sbr.rel $0x88, $3  }
0x1: {  	(tag) =	ssettag $0x0;
	lr =	simm.s32 $0x1  }
0x2: {  	[smem:$0x3F97] =	sst lr;
	_ =	strace $0xD0000000  }
0x3: {  	_ = 	snop  }
0x4: {  	_ = 	snop  }
0x5: {  	_ = 	snop  }
0x6: {  	_ = 	snop  }
0x7: {  	_ = 	snop  }
__scs_overlays_trampoline_lowered:
0x8: {  	[smem:$0x3FA6] =	sst s0  }
0x9: {  	[smem:$0x3FA7] =	sst s1  }
0xa: {  	[smem:$0x3FA8] =	sst s2  }
0xb: {  	[smem:$0x3FA9] =	sst s3  }
0xc: {  	[smem:$0x3FAA] =	sst s4  }
0xd: {  	[smem:$0x3FAB] =	sst s5  }
0xe: {  	[smem:$0x3FAC] =	sst s6  }
0xf: {  	[smem:$0x3FAD] =	sst s7  }
0x10: {  	[smem:$0x3FAE] =	sst s8  }
0x11: {  	[smem:$0x3FAF] =	sst s9;
	s0 =	simm.s32 @!p0 $0x0  }
0x12: {  	s1 =	sld [smem:$0x3F95];
	s0 =	simm.s32 @p0 $0x1  }
0x13: {  	[smem:$0x3FB0] =	sst s0;
	s0 =	simm.s32 @!p1 $0x0  }
0x14: {  	s2 =	sld [smem:$0x3F94];
	s0 =	simm.s32 @p1 $0x1  }
0x15: {  	[smem:$0x3FB1] =	sst s0;
	s0 =	simm.s32 @!p2 $0x0  }
0x16: {  	s3 =	sld [smem:$0x3FDB];
	s0 =	simm.s32 @p2 $0x1  }
0x17: {  	s4 =	simm.s32 $0x1BF5;
	[smem:$0x3FB3] =	sst s0  }
0x18: {  	s0 =	sld [smem:$0x3F96];
	_ =	swait.ge [sflag:s4], $0x0  }
0x19: {  	s7 =	sld [smem:$0x3F97]  }
0x1a: {  	s8 =	sadd.s32 $0xFFFFE003, lr  }
0x1b: {  	s9 =	sadd.s32 $0xFFFFFEF7, lr;
	s5 =	simm.s32 $0xFFFFFFFF;
	p2 =	slt.u32 s8, $0xFFFFF086  }
0x1c: {  	p1 =	slt.u32 s9, $0xF7A;
	s5 =	simm.s32 @!p2 $0x0  }
0x1d: {  	s5 =	simm.s32 @p1 $0x1;
	p0 =	seq.s32 s7, s2  }
0x1e: {  	s7 =	smul.u32 @!p0 $0xF7A, s2;
	p2 =	seq.s32 @!p0 s5, $0x0  }
0x1f: {  	s9 =	smul.u32 $0xF7A, s1;
	s8 =	simm.s32 @!p0 $0x1BF5;
	p2 =	por !p2, p0  }
0x20: {  	[sflag:s8] =	ssyncset.s32 @!p0 $0xFFFFF086;
	s6 =	sadd.s32 @!p0 s3, s7;
	s7 =	simm.s32 @!p0 $0x108  }
0x21: {  	s3 =	sadd.s32 s3, s9;
	s6 =	sadd.s32 @!p0 $0x88, s6;
	s7 =	simm.s32 @p2 $0x1082  }
0x22: {  	[simem:s7], [sflag:s8] =	dma.local @!p0 [hbm:s6], $0xF7A  }
0x23: {  	s9 =	sor.u32 $0xD0000000, s2;
	s6 =	simm.s32 $0x108;
	_ =	swait.ge @!p0 [sflag:s8], $0x0  }
0x24: {  	s3 =	sadd.s32 $0x88, s3;
	s6 =	simm.s32 @!p1 $0x1082;
	[sflag:s4] =	ssyncset.s32 $0xFFFFF086  }
0x25: {  	[simem:s6], [sflag:s4] =	dma.local [hbm:s3], $0xF7A  }
0x26: {  	[smem:$0x3F97] =	sst s1;
	(tag) =	ssettag s2;
	_ =	strace s9  }
0x27: {  	s1 =	sld [smem:$0x3FA7]  }
0x28: {  	s2 =	sld [smem:$0x3FA8]  }
0x29: {  	s4 =	sld [smem:$0x3FAA]  }
0x2a: {  	p0 =	seq.s32 s5, $0x0;
	s5 =	sld [smem:$0x3FAB]  }
0x2b: {  	s6 =	sld [smem:$0x3FAC]  }
0x2c: {  	s7 =	sld [smem:$0x3FAD]  }
0x2d: {  	s3 =	simm.s32 $0x108;
	s8 =	sld [smem:$0x3FAE]  }
0x2e: {  	s3 =	simm.s32 @!p0 $0x1082;
	s9 =	sld [smem:$0x3FAF]  }
0x2f: {  	lr =	sadd.s32 s0, s3;
	s0 =	sld [smem:$0x3FA6]  }
0x30: {  	s3 =	sld [smem:$0x3FA9]  }
0x31: {  	[smem:$0x3FB2] =	sst s10  }
0x32: {  	s10 =	sld [smem:$0x3FB0];
	_ =	sdelay $0x3  }
0x33: {  	p0 =	seq.s32 s10, $0x1;
	s10 =	sld [smem:$0x3FB2];
	_ =	sdelay $0x3  }
0x34: {  	[smem:$0x3FB2] =	sst s10  }
0x35: {  	s10 =	sld [smem:$0x3FB1];
	_ =	sdelay $0x3  }
0x36: {  	p1 =	seq.s32 s10, $0x1;
	s10 =	sld [smem:$0x3FB2];
	_ =	sdelay $0x3  }
0x37: {  	[smem:$0x3FB2] =	sst s10  }
0x38: {  	s10 =	sld [smem:$0x3FB3]  }
0x39: {  	_ = 	snop;
	(pc) =	sbr.ind lr, $3  }
0x3a: {  	_ = 	snop  }
0x3b: {  	_ = 	snop  }
0x3c: {  	p2 =	seq.s32 s10, $0x1;
	s10 =	sld [smem:$0x3FB2]  }
0x3d: {  	_ =	shalt  }
0x3e: {  	_ =	shalt  }
0x3f: {  	_ =	shalt  }
0x40: {  	_ =	shalt  }
0x41: {  	_ =	shalt  }
0x42: {  	_ =	shalt  }
0x43: {  	_ =	shalt  }
0x44: {  	_ =	shalt  }
0x45: {  	_ =	shalt  }
0x46: {  	_ =	shalt  }
0x47: {  	_ =	shalt  }
0x48: {  	_ =	shalt  }
0x49: {  	_ =	shalt  }
0x4a: {  	_ =	shalt  }
0x4b: {  	_ =	shalt  }
0x4c: {  	_ =	shalt  }
0x4d: {  	_ =	shalt  }
0x4e: {  	_ =	shalt  }
0x4f: {  	_ =	shalt  }
0x50: {  	_ =	shalt  }
0x51: {  	_ =	shalt  }
0x52: {  	_ =	shalt  }
0x53: {  	_ =	shalt  }
0x54: {  	_ =	shalt  }
0x55: {  	_ =	shalt  }
0x56: {  	_ =	shalt  }
0x57: {  	_ =	shalt  }
0x58: {  	_ =	shalt  }
0x59: {  	_ =	shalt  }
0x5a: {  	_ =	shalt  }
0x5b: {  	_ =	shalt  }
0x5c: {  	_ =	shalt  }
0x5d: {  	_ =	shalt  }
0x5e: {  	_ =	shalt  }
0x5f: {  	_ =	shalt  }
0x60: {  	_ =	shalt  }
0x61: {  	_ =	shalt  }
0x62: {  	_ =	shalt  }
0x63: {  	_ =	shalt  }
0x64: {  	_ =	shalt  }
0x65: {  	_ =	shalt  }
0x66: {  	_ =	shalt  }
0x67: {  	_ =	shalt  }
0x68: {  	_ =	shalt  }
0x69: {  	_ =	shalt  }
0x6a: {  	_ =	shalt  }
0x6b: {  	_ =	shalt  }
0x6c: {  	_ =	shalt  }
0x6d: {  	_ =	shalt  }
0x6e: {  	_ =	shalt  }
0x6f: {  	_ =	shalt  }
0x70: {  	_ =	shalt  }
0x71: {  	_ =	shalt  }
0x72: {  	_ =	shalt  }
0x73: {  	_ =	shalt  }
0x74: {  	_ =	shalt  }
0x75: {  	_ =	shalt  }
0x76: {  	_ =	shalt  }
0x77: {  	_ =	shalt  }
0x78: {  	_ =	shalt  }
0x79: {  	_ =	shalt  }
0x7a: {  	_ =	shalt  }
0x7b: {  	_ =	shalt  }
0x7c: {  	_ =	shalt  }
0x7d: {  	_ =	shalt  }
0x7e: {  	_ =	shalt  }
0x7f: {  	_ =	shalt  }
0x80: {  	_ =	shalt  }
0x81: {  	_ =	shalt  }
0x82: {  	_ =	shalt  }
0x83: {  	_ =	shalt  }
0x84: {  	_ =	shalt  }
0x85: {  	_ =	shalt  }
0x86: {  	_ =	shalt  }
0x87: {  	_ =	shalt  }
.Lfunc_end0:
.L_simem_size_0:
called_computation.1_lowered:
.L_overlay_start_0:
0x88: {  	s2 =	sld [smem:$0x3FD9]  }
0x89: {  	s3 =	sld [smem:$0x3FFE];
	_ =	sdelay $0x1  }
0x8a: {  	s1 =	srdreg.scid  }
0x8b: {  	s0 =	sand.u32 $0x1, s1  }
0x8c: {  	s15 =	sshll.u32 s0, $0xA;
	s2 =	sadd.s32 s3, s2  }
0x8d: {  	s2 =	sadd.s32 s2, s15  }
0x8e: {  	[smem:$0x3FBE] =	sst s2  }
0x8f: {  	_ = 	snop  }
0x90: {  	s2 =	sld [smem:$0x3FD0];
	_ =	sdelay $0x2  }
0x91: {  	s4 =	simm.s32 $0xB;
	s16 =	simm.s32 $0x10  }
0x92: {  	[smem:s16], [sflag:s4] =	dma.local [hbm:s2], $0x1  }
0x93: {  	_ =	swait.eq [sflag:s4], $0x1  }
0x94: {  	[sflag:s4] =	ssyncset.done $0x0  }
0x95: {  	s17 =	sld [smem:$0x12];
	[sflag:s4] =	ssyncadd.s32 $0xFFFFFFFF  }
0x96: {  	s18 =	sld [smem:$0x13];
	(tm) =	ssettm $0x1  }
0x97: {  	s19 =	sld [smem:$0x3FFB];
	_ =	sdelay $0x3  }
0x98: {  	_ =	strace s19  }
0x99: {  	s2 =	sld [smem:$0x3FFC];
	_ =	sdelay $0x3  }
0x9a: {  	_ =	strace s2  }
0x9b: {  	s2 =	sld [smem:$0x3FFD];
	_ =	sdelay $0x3  }
0x9c: {  	_ =	strace s2  }
0x9d: {  	_ =	strace $0x8FFFFFFF  }
0x9e: {  	s20 =	sld [smem:$0x3FDB];
	_ =	sdelay $0x1  }
0x9f: {  	s5 =	simm.s32 $_scs_section_size  }
0xa0: {  	s6 =	simm.s32 $_size__tile_overlayer_lowered;
	s7 =	simm.s32 $_tile_overlayer_lowered  }
0xa1: {  	s8 =	simm.s32 $0x1BFF;
	s21 =	sshll.u32 s7, $0x1;
	s5 =	sadd.s32 s5, s20  }
0xa2: {  	s22 =	simm.s32 $0x0;
	s6 =	sshll.u32 s6, $0x1;
	s7 =	sadd.s32 s21, s5  }
0xa3: {  	[timem:s22], [sflag:s8] =	dma.local [hbm:s7], s6  }
0xa4: {  	_ =	swait.ge [sflag:s8], s6  }
0xa5: {  	s6 =	ssub.s32 $0x0, s6;
	[sflag:s8] =	ssyncset.done $0x0  }
0xa6: {  	[sflag:s8] =	ssyncadd.s32 s6;
	_ =	sdelay $0x1  }
0xa7: {  	s23 =	simm.s32 $0x1B8B  }
0xa8: {  	_ =	swait.ge [sflag:s23], $0x1  }
0xa9: {  	[sflag:s23] =	ssyncset.done $0x0  }
0xaa: {  	[sflag:s23] =	ssyncadd.s32 $0xFFFFFFFF  }
0xab: {  	s6 =	sld [smem:$0x0]  }
0xac: {  	s7 =	sand.u32 $0xFFFFFFFE, s1  }
0xad: {  	p0 =	sne.s32 s1, s7  }
0xae: {  	s7 =	sshll.u32 @p0 s7, $0xE  }
0xaf: {  	s7 =	sadd.s32 @p0 $0x11B8D, s7;
	s8 =	sshll.u32 @p0 s6, $0x11  }
0xb0: {  	s7 =	sor.u32 @p0 s8, s7  }
0xb1: {  	[sflag:s7] =	ssyncadd.remote.s32 @p0 $0x1;
	_ =	sdelay $0x1  }
0xb2: {  	s7 =	simm.s32 @p0 $0x1B8D  }
0xb3: {  	_ =	swait.eq @p0 [sflag:s7], $0x1  }
0xb4: {  	[sflag:s7] =	ssyncadd.s32 @p0 $0xFFFFFFFF  }
0xb5: {  	s8 =	sshll.u32 @!p0 s1, $0xE  }
0xb6: {  	s8 =	sor.u32 @!p0 $0x4000, s8;
	s7 =	simm.s32 @!p0 $0x1B8D  }
0xb7: {  	s6 =	sshll.u32 @!p0 s6, $0x11;
	s8 =	sadd.s32 @!p0 $0x11B8D, s8;
	_ =	swait.eq @!p0 [sflag:s7], $0x1  }
0xb8: {  	s6 =	sor.u32 @!p0 s6, s8;
	[sflag:s7] =	ssyncadd.s32 @!p0 $0xFFFFFFFF  }
0xb9: {  	s25 =	simm.s32 $0x1B8E;
	s24 =	sld [smem:$0x3FFE];
	[sflag:s6] =	ssyncadd.remote.s32 @!p0 $0x1  }
0xba: {  	s26 =	simm.s32 $execute0_lowered;
	[smem:$0x3FD2] =	sst s25  }
0xbb: {  	s7 =	sshll.u32 s26, $0x1;
	_ =	strace $0x80000049;
	[dreg:$0x1] =	wrdreg $0xFFFFFFFF  }
0xbc: {  	s28 =	simm.s32 $_size_execute0_lowered;
	s5 =	sadd.s32 s5, s7;
	[dreg:$0x0] =	wrdreg $0x0  }
0xbd: {  	s7 =	sshll.u32 s28, $0x1;
	[dreg:$0x2] =	wrdreg s5  }
0xbe: {  	[dreg:$0x3] =	wrdreg s7  }
0xbf: {  	[dreg:$0x4] =	wrdreg $0xC0  }
0xc0: {  	_ =	task [dreg:s22], $0x5FFFF  }
0xc1: {  	[dreg:$0x1] =	wrdreg $0xFFFFFFFF  }
0xc2: {  	[dreg:$0x0] =	wrdreg $0x60  }
0xc3: {  	[dreg:$0x2] =	wrdreg s18  }
0xc4: {  	[dreg:$0x3] =	wrdreg s17  }
0xc5: {  	[dreg:$0x4] =	wrdreg s24  }
0xc6: {  	[dreg:$0x5] =	wrdreg $0xA  }
0xc7: {  	_ =	task.clear_ibuf [dreg:s22], $0x6FFFF;
	_ =	strace $0x90000049  }
0xc8: {  	s29 =	simm.s32 $0xA;
	_ =	strace $0x8000004B  }
0xc9: {  	_ =	swait.ge [sflag:s29], $0x1  }
0xca: {  	[sflag:s29] =	ssyncadd.s32 $0xFFFFFFFF  }
0xcb: {  	_ =	strace $0x9000004B  }
0xcc: {  	_ =	sfence  }
0xcd: {  	s30 =	sld [smem:$0x0];
	_ =	sdelay $0x2  }
0xce: {  	s31 =	sshll.u32 s1, $0xD;
	s1 =	sshrl.u32 s1, $0x2  }
0xcf: {  	s4 =	sand.u32 $0x4000, s31;
	s1 =	sadd.s32 s1, s30  }
0xd0: {  	s0 =	sor.u32 s4, s0;
	s1 =	sshll.u32 s1, $0x11  }
0xd1: {  	s0 =	sor.u32 s1, s0  }
0xd2: {  	s0 =	sadd.s32 $0x8F2B, s0  }
0xd3: {  	[sflag:s0] =	ssyncadd.remote.s32 $0x1  }
0xd4: {  	_ =	sfence.sel $0xFFFF  }
0xd5: {  	[dreg:$0x0] =	wrdreg $0xFFFFFFFF;
	(pc) =	sbr.abs _section_cstart, $3  }
0xd6: {  	[dreg:$0x1] =	wrdreg $0xFFFFFFFF  }
0xd7: {  	_ =	task.clear_ibuf [dreg:s22], $0x2FFFF;
	_ =	strace $0x9FFFFFFF  }
0xd8: {  	(tm) =	ssettm $0x7FFFFFFF  }
0xd9: {  	_ =	shalt  }
tec
execute0_lowered:
.L_overlay_start_1:
0x0: {  	(tag) =	ssettag $0x1  }
0x1: {  	s1 =	rddreg [dreg:$0x0]  }
0x2: {  	s0 =	stileid.u32;
	s4 =	rddreg [dreg:$0x1]  }
0x3: {  	s2 =	srdreg.scid;
	s6 =	rddreg [dreg:$0x2];
	s3 =	simm.s32 $0x0  }
0x4: {  	s10 =	simm.s32 $0x1C00;
	s11 =	simm.s32 $0x2400;
	s12 =	simm.s32 $0x2C00  }
0x5: {  	s13 =	simm.s32 $0x3400;
	s14 =	simm.s32 $0x3C00;
	s15 =	simm.s32 $0x4400  }
0x6: {  	s16 =	simm.s32 $0x4C00;
	s17 =	simm.s32 $0x1;
	s18 =	simm.s32 $0x0  }
0x7: {  	s5 =	sand.u32 $0x1, s2;
	s30 =	sshll.u32 s0, $0x1;
	s2 =	rddreg [dreg:$0x3]  }
0x8: {  	s7 =	smul.u32 $0x5000, s0;
	[smem:$0x7FF] =	sst s3;
	s8 =	sor.u32 s5, s30  }
0x9: {  	s9 =	ssub.s32 $0x2, s5;
	s5 =	smul.u32 $0x2800, s5;
	_ =	strace $0x8000004A  }
0xa: {  	s8 =	smul.u32 $0x1400, s8;
	s6 =	sadd.s32 s7, s6;
	s31 =	sshrl.u32 s9, $0x1  }
0xb: {  	s7 =	ssub.s32 s9, s31;
	s6 =	sadd.s32 s5, s6;
	s9 =	simm.s32 $0x1400  }
0xc: {  	s8 =	sshrl.u32 s8, $0x3;
	s5 =	smax.u32 s7, $0x1;
	s6 =	sadd.s32 $0x56000, s6  }
0xd: {  	s7 =	simm.s32 $0x2;
	s4 =	sadd.s32 s4, s8;
	s8 =	simm.s32 $0x80  }
.LBB2_1:
0xe: {  	[tilespmem:s3], [sflag:$0x2] =	stream.linear.gather [hbm4b:s4+s3], $0x1400, $0x38;
	[tilespmem:$0x5400] =	vst v63  }
0xf: {  	_ =	swait.ge [sflag:s7], $0x1400  }
0x10: {  	[sflag:s7] =	ssyncset.done $0x0  }
0x11: {  	s19 =	simm.s32 $0x0;
	[sflag:s7] =	ssyncadd.s32 $0xFFFFEC00  }
0x12: {  	[tilespmem:s9], [sflag:$0x1] =	stream.indirect.gather [hbm4b:s1+s8], $0x10, s19, s8, $0xb8;
	[tilespmem:$0x5400] =	vst v63  }
0x13: {  	s24 =	simm.s32 $0x80  }
0x14: {  	[tilespmem:s10], [sflag:$0x1] =	stream.indirect.gather [hbm4b:s1+s8], $0x10, s24, s8, $0xb8;
	[tilespmem:$0x5400] =	vst v63  }
0x15: {  	s25 =	simm.s32 $0x100  }
0x16: {  	[tilespmem:s11], [sflag:$0x1] =	stream.indirect.gather [hbm4b:s1+s8], $0x10, s25, s8, $0xb8;
	[tilespmem:$0x5400] =	vst v63  }
0x17: {  	s26 =	simm.s32 $0x180  }
0x18: {  	[tilespmem:s12], [sflag:$0x1] =	stream.indirect.gather [hbm4b:s1+s8], $0x10, s26, s8, $0xb8;
	[tilespmem:$0x5400] =	vst v63  }
0x19: {  	s28 =	simm.s32 $0x200  }
0x1a: {  	[tilespmem:s13], [sflag:$0x1] =	stream.indirect.gather [hbm4b:s1+s8], $0x10, s28, s8, $0xb8;
	[tilespmem:$0x5400] =	vst v63  }
0x1b: {  	s29 =	simm.s32 $0x280  }
0x1c: {  	[tilespmem:s14], [sflag:$0x1] =	stream.indirect.gather [hbm4b:s1+s8], $0x10, s29, s8, $0xb8;
	[tilespmem:$0x5400] =	vst v63  }
0x1d: {  	s30 =	simm.s32 $0x300  }
0x1e: {  	[tilespmem:s15], [sflag:$0x1] =	stream.indirect.gather [hbm4b:s1+s8], $0x10, s30, s8, $0xb8;
	[tilespmem:$0x5400] =	vst v63  }
0x1f: {  	s31 =	simm.s32 $0x380  }
0x20: {  	[tilespmem:s16], [sflag:$0x1] =	stream.indirect.gather [hbm4b:s1+s8], $0x10, s31, s8, $0xb8;
	[tilespmem:$0x5400] =	vst v63  }
0x21: {  	_ =	swait.ge [sflag:s17], $0x800  }
0x22: {  	[sflag:s17] =	ssyncset.done $0x0  }
0x23: {  	[sflag:s17] =	ssyncadd.s32 $0xFFFFF800  }
0x24: {  	_ =	swait.ge [sflag:s17], $0x800  }
0x25: {  	[sflag:s17] =	ssyncset.done $0x0  }
0x26: {  	[sflag:s17] =	ssyncadd.s32 $0xFFFFF800  }
0x27: {  	_ =	swait.ge [sflag:s17], $0x800  }
0x28: {  	[sflag:s17] =	ssyncset.done $0x0  }
0x29: {  	[sflag:s17] =	ssyncadd.s32 $0xFFFFF800  }
0x2a: {  	_ =	swait.ge [sflag:s17], $0x800  }
0x2b: {  	[sflag:s17] =	ssyncset.done $0x0  }
0x2c: {  	[sflag:s17] =	ssyncadd.s32 $0xFFFFF800  }
0x2d: {  	_ =	swait.ge [sflag:s17], $0x800  }
0x2e: {  	[sflag:s17] =	ssyncset.done $0x0  }
0x2f: {  	[sflag:s17] =	ssyncadd.s32 $0xFFFFF800  }
0x30: {  	_ =	swait.ge [sflag:s17], $0x800  }
0x31: {  	[sflag:s17] =	ssyncset.done $0x0  }
0x32: {  	[sflag:s17] =	ssyncadd.s32 $0xFFFFF800  }
0x33: {  	_ =	swait.ge [sflag:s17], $0x800  }
0x34: {  	[sflag:s17] =	ssyncset.done $0x0  }
0x35: {  	[sflag:s17] =	ssyncadd.s32 $0xFFFFF800  }
0x36: {  	_ =	swait.ge [sflag:s17], $0x800  }
0x37: {  	[sflag:s17] =	ssyncset.done $0x0  }
0x38: {  	[sflag:s17] =	ssyncadd.s32 $0xFFFFF800  }
0x39: {  	[hbm4b:s6+s3] =	stream.linear.scatter [tilespmem:s9], [sflag:$0x2], $0x4000, $0x38;
	[tilespmem:$0x5400] =	vst v63  }
0x3a: {  	s20 =	simm.s32 $0x1000;
	_ =	swait.ge [sflag:s7], $0x4000  }
0x3b: {  	s22 =	simm.s32 $0x2000;
	s19 =	sadd.s32 $0x800, s6;
	[sflag:s7] =	ssyncset.done $0x0  }
.LBB2_2:
0x3c: {  	s23 =	sshra.s32 s20, $0x2  }
0x3d: {  	[sflag:s7] =	ssyncadd.s32 $0xFFFFC000;
	s20 =	smov.u32 s22;
	s21 =	sadd.s32 $0x1000, s22  }
0x3e: {  	[tilespmem:s9], [sflag:$0x1] =	stream.indirect.gather [hbm4b:s1+s8], $0x10, s23, s8, $0xb8;
	[tilespmem:$0x5400] =	vst v63  }
0x3f: {  	p0 =	sne.s32 s22, $0x4000;
	s22 =	sadd.s32 $0x80, s23  }
0x40: {  	[tilespmem:s10], [sflag:$0x1] =	stream.indirect.gather [hbm4b:s1+s8], $0x10, s22, s8, $0xb8;
	[tilespmem:$0x5400] =	vst v63  }
0x41: {  	s22 =	sadd.s32 $0x100, s23  }
0x42: {  	[tilespmem:s11], [sflag:$0x1] =	stream.indirect.gather [hbm4b:s1+s8], $0x10, s22, s8, $0xb8;
	[tilespmem:$0x5400] =	vst v63  }
0x43: {  	s22 =	sadd.s32 $0x180, s23  }
0x44: {  	[tilespmem:s12], [sflag:$0x1] =	stream.indirect.gather [hbm4b:s1+s8], $0x10, s22, s8, $0xb8;
	[tilespmem:$0x5400] =	vst v63  }
0x45: {  	s22 =	sadd.s32 $0x200, s23  }
0x46: {  	[tilespmem:s13], [sflag:$0x1] =	stream.indirect.gather [hbm4b:s1+s8], $0x10, s22, s8, $0xb8;
	[tilespmem:$0x5400] =	vst v63  }
0x47: {  	s22 =	sadd.s32 $0x280, s23  }
0x48: {  	[tilespmem:s14], [sflag:$0x1] =	stream.indirect.gather [hbm4b:s1+s8], $0x10, s22, s8, $0xb8;
	[tilespmem:$0x5400] =	vst v63  }
0x49: {  	s22 =	sadd.s32 $0x300, s23  }
0x4a: {  	[tilespmem:s15], [sflag:$0x1] =	stream.indirect.gather [hbm4b:s1+s8], $0x10, s22, s8, $0xb8;
	[tilespmem:$0x5400] =	vst v63  }
0x4b: {  	s22 =	sadd.s32 $0x380, s23  }
0x4c: {  	[tilespmem:s16], [sflag:$0x1] =	stream.indirect.gather [hbm4b:s1+s8], $0x10, s22, s8, $0xb8;
	[tilespmem:$0x5400] =	vst v63  }
0x4d: {  	_ =	swait.ge [sflag:s17], $0x800  }
0x4e: {  	[sflag:s17] =	ssyncset.done $0x0  }
0x4f: {  	[sflag:s17] =	ssyncadd.s32 $0xFFFFF800  }
0x50: {  	_ =	swait.ge [sflag:s17], $0x800  }
0x51: {  	[sflag:s17] =	ssyncset.done $0x0  }
0x52: {  	[sflag:s17] =	ssyncadd.s32 $0xFFFFF800  }
0x53: {  	_ =	swait.ge [sflag:s17], $0x800  }
0x54: {  	[sflag:s17] =	ssyncset.done $0x0  }
0x55: {  	[sflag:s17] =	ssyncadd.s32 $0xFFFFF800  }
0x56: {  	_ =	swait.ge [sflag:s17], $0x800  }
0x57: {  	[sflag:s17] =	ssyncset.done $0x0  }
0x58: {  	[sflag:s17] =	ssyncadd.s32 $0xFFFFF800  }
0x59: {  	_ =	swait.ge [sflag:s17], $0x800  }
0x5a: {  	[sflag:s17] =	ssyncset.done $0x0  }
0x5b: {  	[sflag:s17] =	ssyncadd.s32 $0xFFFFF800  }
0x5c: {  	_ =	swait.ge [sflag:s17], $0x800  }
0x5d: {  	[sflag:s17] =	ssyncset.done $0x0  }
0x5e: {  	[sflag:s17] =	ssyncadd.s32 $0xFFFFF800  }
0x5f: {  	_ =	swait.ge [sflag:s17], $0x800  }
0x60: {  	[sflag:s17] =	ssyncset.done $0x0  }
0x61: {  	[sflag:s17] =	ssyncadd.s32 $0xFFFFF800  }
0x62: {  	_ =	swait.ge [sflag:s17], $0x800  }
.Ltmp0:
0x63: {  	[sflag:s17] =	ssyncset.done $0x0;
	(pc) =	sbr.rel @p0 .LBB2_2-.Ltmp0, $4  }
0x64: {  	[sflag:s17] =	ssyncadd.s32 $0xFFFFF800  }
0x65: {  	[hbm4b:s19+s3] =	stream.linear.scatter [tilespmem:s9], [sflag:$0x2], $0x4000, $0x38;
	[tilespmem:$0x5400] =	vst v63  }
0x66: {  	_ =	swait.ge [sflag:s7], $0x4000  }
0x67: {  	s22 =	smov.u32 s21;
	s19 =	sadd.s32 $0x800, s19;
	[sflag:s7] =	ssyncset.done $0x0  }
0x68: {  	s20 =	sshra.s32 s20, $0x2;
	[sflag:s7] =	ssyncadd.s32 $0xFFFFC000  }
0x69: {  	[tilespmem:s9], [sflag:$0x1] =	stream.indirect.gather [hbm4b:s1+s8], $0x10, s20, s8, $0xb8;
	[tilespmem:$0x5400] =	vst v63  }
0x6a: {  	s21 =	sadd.s32 $0x80, s20  }
0x6b: {  	[tilespmem:s10], [sflag:$0x1] =	stream.indirect.gather [hbm4b:s1+s8], $0x10, s21, s8, $0xb8;
	[tilespmem:$0x5400] =	vst v63  }
0x6c: {  	s26 =	sadd.s32 $0x100, s20  }
0x6d: {  	[tilespmem:s11], [sflag:$0x1] =	stream.indirect.gather [hbm4b:s1+s8], $0x10, s26, s8, $0xb8;
	[tilespmem:$0x5400] =	vst v63  }
0x6e: {  	s28 =	sadd.s32 $0x180, s20  }
0x6f: {  	[tilespmem:s12], [sflag:$0x1] =	stream.indirect.gather [hbm4b:s1+s8], $0x10, s28, s8, $0xb8;
	[tilespmem:$0x5400] =	vst v63  }
0x70: {  	s29 =	sadd.s32 $0x200, s20  }
0x71: {  	[tilespmem:s13], [sflag:$0x1] =	stream.indirect.gather [hbm4b:s1+s8], $0x10, s29, s8, $0xb8;
	[tilespmem:$0x5400] =	vst v63  }
0x72: {  	s30 =	sadd.s32 $0x280, s20  }
0x73: {  	[tilespmem:s14], [sflag:$0x1] =	stream.indirect.gather [hbm4b:s1+s8], $0x10, s30, s8, $0xb8;
	[tilespmem:$0x5400] =	vst v63  }
0x74: {  	s31 =	sadd.s32 $0x300, s20  }
0x75: {  	[tilespmem:s15], [sflag:$0x1] =	stream.indirect.gather [hbm4b:s1+s8], $0x10, s31, s8, $0xb8;
	[tilespmem:$0x5400] =	vst v63  }
0x76: {  	s20 =	sadd.s32 $0x380, s20  }
0x77: {  	[tilespmem:s16], [sflag:$0x1] =	stream.indirect.gather [hbm4b:s1+s8], $0x10, s20, s8, $0xb8;
	[tilespmem:$0x5400] =	vst v63  }
0x78: {  	_ =	swait.ge [sflag:s17], $0x800  }
0x79: {  	[sflag:s17] =	ssyncset.done $0x0  }
0x7a: {  	[sflag:s17] =	ssyncadd.s32 $0xFFFFF800  }
0x7b: {  	_ =	swait.ge [sflag:s17], $0x800  }
0x7c: {  	[sflag:s17] =	ssyncset.done $0x0  }
0x7d: {  	[sflag:s17] =	ssyncadd.s32 $0xFFFFF800  }
0x7e: {  	_ =	swait.ge [sflag:s17], $0x800  }
0x7f: {  	[sflag:s17] =	ssyncset.done $0x0  }
0x80: {  	[sflag:s17] =	ssyncadd.s32 $0xFFFFF800  }
0x81: {  	_ =	swait.ge [sflag:s17], $0x800  }
0x82: {  	[sflag:s17] =	ssyncset.done $0x0  }
0x83: {  	[sflag:s17] =	ssyncadd.s32 $0xFFFFF800  }
0x84: {  	_ =	swait.ge [sflag:s17], $0x800  }
0x85: {  	[sflag:s17] =	ssyncset.done $0x0  }
0x86: {  	[sflag:s17] =	ssyncadd.s32 $0xFFFFF800  }
0x87: {  	_ =	swait.ge [sflag:s17], $0x800  }
0x88: {  	[sflag:s17] =	ssyncset.done $0x0  }
0x89: {  	[sflag:s17] =	ssyncadd.s32 $0xFFFFF800  }
0x8a: {  	_ =	swait.ge [sflag:s17], $0x800  }
0x8b: {  	[sflag:s17] =	ssyncset.done $0x0  }
0x8c: {  	[sflag:s17] =	ssyncadd.s32 $0xFFFFF800  }
0x8d: {  	s18 =	sadd.s32 $0x1, s18;
	_ =	swait.ge [sflag:s17], $0x800  }
0x8e: {  	p0 =	sne.s32 s18, s5;
	[sflag:s17] =	ssyncset.done $0x0  }
.Ltmp1:
0x8f: {  	[sflag:s17] =	ssyncadd.s32 $0xFFFFF800;
	(pc) =	sbr.rel @p0 .LBB2_1-.Ltmp1, $4  }
0x90: {  	[hbm4b:s19+s3] =	stream.linear.scatter [tilespmem:s9], [sflag:$0x2], $0x4000, $0x38;
	[tilespmem:$0x5400] =	vst v63  }
0x91: {  	_ =	swait.ge [sflag:s7], $0x4000  }
0x92: {  	[sflag:s7] =	ssyncset.done $0x0  }
0x93: {  	[sflag:s7] =	ssyncadd.s32 $0xFFFFC000  }
0x94: {  	_ =	sfence.sel $0x180000  }
0x95: {  	[bflag:$0x0] =	sbarrier.arrive $0xFFFF  }
0x96: {  	p0 =	sne.s32 s0, $0x0;
	_ =	strace $0x9000004A  }
0x97: {  	s0 =	sadd.s32 @!p0 $0x100000, s2;
	[bflag:$0x2] =	sbarrier.arrive $0xFFFF  }
0x98: {  	[sflag:s0] =	ssyncadd.tile.s32 @!p0 $0x1;
	_ =	shalt  }
.Lfunc_end2:
_tile_overlayer_lowered:
.L_overlay_start_2:
0x99: {  	(tag) =	ssettag $0x2  }
0x9a: {  	s0 =	rddreg [dreg:$0x0];
	s2 =	stileid.u32  }
0x9b: {  	s1 =	rddreg [dreg:$0x1];
	p0 =	sne.s32 s2, $0x0  }
0x9c: {  	s3 =	rddreg [dreg:$0x2];
	[bflag:$0x3] =	sbarrier.arrive $0xFFFF;
	s2 =	simm.s32 @!p0 $0x1C02  }
0x9d: {  	[timem:s3], [sflag:s2] =	dma.local @!p0 [hbm:s0], s1  }
0x9e: {  	s0 =	simm.s32 @!p0 $0x2  }
0x9f: {  	_ =	swait.ge @!p0 [sflag:s0], s1  }
0xa0: {  	s1 =	ssub.s32 @!p0 $0x0, s1;
	[sflag:s0] =	ssyncset.done @!p0 $0x0  }
0xa1: {  	[sflag:s0] =	ssyncadd.s32 @!p0 s1  }
0xa2: {  	[bflag:$0x3] =	sbarrier.arrive $0xFFFF  }
0xa3: {  	_ =	shalt  }

// kernel: kernel.29.cloned.1.call-start
scs
__scs_entry_jumppad:
0x0: {  	(pc) =	sbr.rel $0x88, $3  }
0x1: {  	(tag) =	ssettag $0x0;
	lr =	simm.s32 $0x1  }
0x2: {  	[smem:$0x3F97] =	sst lr;
	_ =	strace $0xD0000000  }
0x3: {  	_ = 	snop  }
0x4: {  	_ = 	snop  }
0x5: {  	_ = 	snop  }
0x6: {  	_ = 	snop  }
0x7: {  	_ = 	snop  }
__scs_overlays_trampoline_lowered:
0x8: {  	[smem:$0x3FA6] =	sst s0  }
0x9: {  	[smem:$0x3FA7] =	sst s1  }
0xa: {  	[smem:$0x3FA8] =	sst s2  }
0xb: {  	[smem:$0x3FA9] =	sst s3  }
0xc: {  	[smem:$0x3FAA] =	sst s4  }
0xd: {  	[smem:$0x3FAB] =	sst s5  }
0xe: {  	[smem:$0x3FAC] =	sst s6  }
0xf: {  	[smem:$0x3FAD] =	sst s7  }
0x10: {  	[smem:$0x3FAE] =	sst s8  }
0x11: {  	[smem:$0x3FAF] =	sst s9;
	s0 =	simm.s32 @!p0 $0x0  }
0x12: {  	s1 =	sld [smem:$0x3F95];
	s0 =	simm.s32 @p0 $0x1  }
0x13: {  	[smem:$0x3FB0] =	sst s0;
	s0 =	simm.s32 @!p1 $0x0  }
0x14: {  	s2 =	sld [smem:$0x3F94];
	s0 =	simm.s32 @p1 $0x1  }
0x15: {  	[smem:$0x3FB1] =	sst s0;
	s0 =	simm.s32 @!p2 $0x0  }
0x16: {  	s3 =	sld [smem:$0x3FDB];
	s0 =	simm.s32 @p2 $0x1  }
0x17: {  	s4 =	simm.s32 $0x1BF5;
	[smem:$0x3FB3] =	sst s0  }
0x18: {  	s0 =	sld [smem:$0x3F96];
	_ =	swait.ge [sflag:s4], $0x0  }
0x19: {  	s7 =	sld [smem:$0x3F97]  }
0x1a: {  	s8 =	sadd.s32 $0xFFFFE003, lr  }
0x1b: {  	s9 =	sadd.s32 $0xFFFFFEF7, lr;
	s5 =	simm.s32 $0xFFFFFFFF;
	p2 =	slt.u32 s8, $0xFFFFF086  }
0x1c: {  	p1 =	slt.u32 s9, $0xF7A;
	s5 =	simm.s32 @!p2 $0x0  }
0x1d: {  	s5 =	simm.s32 @p1 $0x1;
	p0 =	seq.s32 s7, s2  }
0x1e: {  	s7 =	smul.u32 @!p0 $0xF7A, s2;
	p2 =	seq.s32 @!p0 s5, $0x0  }
0x1f: {  	s9 =	smul.u32 $0xF7A, s1;
	s8 =	simm.s32 @!p0 $0x1BF5;
	p2 =	por !p2, p0  }
0x20: {  	[sflag:s8] =	ssyncset.s32 @!p0 $0xFFFFF086;
	s6 =	sadd.s32 @!p0 s3, s7;
	s7 =	simm.s32 @!p0 $0x108  }
0x21: {  	s3 =	sadd.s32 s3, s9;
	s6 =	sadd.s32 @!p0 $0x88, s6;
	s7 =	simm.s32 @p2 $0x1082  }
0x22: {  	[simem:s7], [sflag:s8] =	dma.local @!p0 [hbm:s6], $0xF7A  }
0x23: {  	s9 =	sor.u32 $0xD0000000, s2;
	s6 =	simm.s32 $0x108;
	_ =	swait.ge @!p0 [sflag:s8], $0x0  }
0x24: {  	s3 =	sadd.s32 $0x88, s3;
	s6 =	simm.s32 @!p1 $0x1082;
	[sflag:s4] =	ssyncset.s32 $0xFFFFF086  }
0x25: {  	[simem:s6], [sflag:s4] =	dma.local [hbm:s3], $0xF7A  }
0x26: {  	[smem:$0x3F97] =	sst s1;
	(tag) =	ssettag s2;
	_ =	strace s9  }
0x27: {  	s1 =	sld [smem:$0x3FA7]  }
0x28: {  	s2 =	sld [smem:$0x3FA8]  }
0x29: {  	s4 =	sld [smem:$0x3FAA]  }
0x2a: {  	p0 =	seq.s32 s5, $0x0;
	s5 =	sld [smem:$0x3FAB]  }
0x2b: {  	s6 =	sld [smem:$0x3FAC]  }
0x2c: {  	s7 =	sld [smem:$0x3FAD]  }
0x2d: {  	s3 =	simm.s32 $0x108;
	s8 =	sld [smem:$0x3FAE]  }
0x2e: {  	s3 =	simm.s32 @!p0 $0x1082;
	s9 =	sld [smem:$0x3FAF]  }
0x2f: {  	lr =	sadd.s32 s0, s3;
	s0 =	sld [smem:$0x3FA6]  }
0x30: {  	s3 =	sld [smem:$0x3FA9]  }
0x31: {  	[smem:$0x3FB2] =	sst s10  }
0x32: {  	s10 =	sld [smem:$0x3FB0];
	_ =	sdelay $0x3  }
0x33: {  	p0 =	seq.s32 s10, $0x1;
	s10 =	sld [smem:$0x3FB2];
	_ =	sdelay $0x3  }
0x34: {  	[smem:$0x3FB2] =	sst s10  }
0x35: {  	s10 =	sld [smem:$0x3FB1];
	_ =	sdelay $0x3  }
0x36: {  	p1 =	seq.s32 s10, $0x1;
	s10 =	sld [smem:$0x3FB2];
	_ =	sdelay $0x3  }
0x37: {  	[smem:$0x3FB2] =	sst s10  }
0x38: {  	s10 =	sld [smem:$0x3FB3]  }
0x39: {  	_ = 	snop;
	(pc) =	sbr.ind lr, $3  }
0x3a: {  	_ = 	snop  }
0x3b: {  	_ = 	snop  }
0x3c: {  	p2 =	seq.s32 s10, $0x1;
	s10 =	sld [smem:$0x3FB2]  }
0x3d: {  	_ =	shalt  }
0x3e: {  	_ =	shalt  }
0x3f: {  	_ =	shalt  }
0x40: {  	_ =	shalt  }
0x41: {  	_ =	shalt  }
0x42: {  	_ =	shalt  }
0x43: {  	_ =	shalt  }
0x44: {  	_ =	shalt  }
0x45: {  	_ =	shalt  }
0x46: {  	_ =	shalt  }
0x47: {  	_ =	shalt  }
0x48: {  	_ =	shalt  }
0x49: {  	_ =	shalt  }
0x4a: {  	_ =	shalt  }
0x4b: {  	_ =	shalt  }
0x4c: {  	_ =	shalt  }
0x4d: {  	_ =	shalt  }
0x4e: {  	_ =	shalt  }
0x4f: {  	_ =	shalt  }
0x50: {  	_ =	shalt  }
0x51: {  	_ =	shalt  }
0x52: {  	_ =	shalt  }
0x53: {  	_ =	shalt  }
0x54: {  	_ =	shalt  }
0x55: {  	_ =	shalt  }
0x56: {  	_ =	shalt  }
0x57: {  	_ =	shalt  }
0x58: {  	_ =	shalt  }
0x59: {  	_ =	shalt  }
0x5a: {  	_ =	shalt  }
0x5b: {  	_ =	shalt  }
0x5c: {  	_ =	shalt  }
0x5d: {  	_ =	shalt  }
0x5e: {  	_ =	shalt  }
0x5f: {  	_ =	shalt  }
0x60: {  	_ =	shalt  }
0x61: {  	_ =	shalt  }
0x62: {  	_ =	shalt  }
0x63: {  	_ =	shalt  }
0x64: {  	_ =	shalt  }
0x65: {  	_ =	shalt  }
0x66: {  	_ =	shalt  }
0x67: {  	_ =	shalt  }
0x68: {  	_ =	shalt  }
0x69: {  	_ =	shalt  }
0x6a: {  	_ =	shalt  }
0x6b: {  	_ =	shalt  }
0x6c: {  	_ =	shalt  }
0x6d: {  	_ =	shalt  }
0x6e: {  	_ =	shalt  }
0x6f: {  	_ =	shalt  }
0x70: {  	_ =	shalt  }
0x71: {  	_ =	shalt  }
0x72: {  	_ =	shalt  }
0x73: {  	_ =	shalt  }
0x74: {  	_ =	shalt  }
0x75: {  	_ =	shalt  }
0x76: {  	_ =	shalt  }
0x77: {  	_ =	shalt  }
0x78: {  	_ =	shalt  }
0x79: {  	_ =	shalt  }
0x7a: {  	_ =	shalt  }
0x7b: {  	_ =	shalt  }
0x7c: {  	_ =	shalt  }
0x7d: {  	_ =	shalt  }
0x7e: {  	_ =	shalt  }
0x7f: {  	_ =	shalt  }
0x80: {  	_ =	shalt  }
0x81: {  	_ =	shalt  }
0x82: {  	_ =	shalt  }
0x83: {  	_ =	shalt  }
0x84: {  	_ =	shalt  }
0x85: {  	_ =	shalt  }
0x86: {  	_ =	shalt  }
0x87: {  	_ =	shalt  }
.Lfunc_end0:
.L_simem_size_0:
called_computation.2_lowered:
.L_overlay_start_0:
0x88: {  	s2 =	sld [smem:$0x3FD9]  }
0x89: {  	s3 =	sld [smem:$0x3FFE];
	_ =	sdelay $0x1  }
0x8a: {  	s1 =	srdreg.scid  }
0x8b: {  	s0 =	sand.u32 $0x1, s1  }
0x8c: {  	s16 =	sshll.u32 s0, $0xA;
	s2 =	sadd.s32 s3, s2  }
0x8d: {  	s2 =	sadd.s32 s2, s16  }
0x8e: {  	[smem:$0x3FBE] =	sst s2  }
0x8f: {  	_ = 	snop  }
0x90: {  	(tm) =	ssettm $0x1  }
0x91: {  	s17 =	sld [smem:$0x3FFB];
	_ =	sdelay $0x3  }
0x92: {  	_ =	strace s17  }
0x93: {  	s2 =	sld [smem:$0x3FFC];
	_ =	sdelay $0x3  }
0x94: {  	_ =	strace s2  }
0x95: {  	s2 =	sld [smem:$0x3FFD];
	_ =	sdelay $0x3  }
0x96: {  	_ =	strace s2  }
0x97: {  	_ =	strace $0x8FFFFFFF  }
0x98: {  	s18 =	sld [smem:$0x3FDB];
	_ =	sdelay $0x1  }
0x99: {  	s19 =	simm.s32 $_scs_section_size  }
0x9a: {  	s4 =	simm.s32 $_size__tile_overlayer_lowered;
	s5 =	simm.s32 $_tile_overlayer_lowered  }
0x9b: {  	s22 =	simm.s32 $0x1BFF;
	s21 =	sshll.u32 s5, $0x1;
	s2 =	sadd.s32 s19, s18  }
0x9c: {  	s6 =	simm.s32 $0x0;
	s20 =	sshll.u32 s4, $0x1;
	s4 =	sadd.s32 s21, s2  }
0x9d: {  	[timem:s6], [sflag:s22] =	dma.local [hbm:s4], s20  }
0x9e: {  	_ =	swait.ge [sflag:s22], s20  }
0x9f: {  	s3 =	ssub.s32 $0x0, s20;
	[sflag:s22] =	ssyncset.done $0x0  }
0xa0: {  	[sflag:s22] =	ssyncadd.s32 s3;
	_ =	sdelay $0x1  }
0xa1: {  	s23 =	simm.s32 $0x1B8B  }
0xa2: {  	_ =	swait.ge [sflag:s23], $0x1  }
0xa3: {  	[sflag:s23] =	ssyncset.done $0x0  }
0xa4: {  	s25 =	simm.s32 $0x1B8E;
	s24 =	sld [smem:$0x3FFE];
	[sflag:s23] =	ssyncadd.s32 $0xFFFFFFFF  }
0xa5: {  	s26 =	simm.s32 $execute0_lowered;
	[smem:$0x3FD2] =	sst s25  }
0xa6: {  	s4 =	sshll.u32 s26, $0x1;
	_ =	strace $0x8000004C;
	[dreg:$0x1] =	wrdreg $0xFFFFFFFF  }
0xa7: {  	s28 =	simm.s32 $_size_execute0_lowered;
	s2 =	sadd.s32 s2, s4;
	[dreg:$0x0] =	wrdreg $0x0  }
0xa8: {  	s4 =	sshll.u32 s28, $0x1;
	[dreg:$0x2] =	wrdreg s2  }
0xa9: {  	[dreg:$0x3] =	wrdreg s4  }
0xaa: {  	[dreg:$0x4] =	wrdreg $0xC0  }
0xab: {  	_ =	task [dreg:s6], $0x5FFFF  }
0xac: {  	[dreg:$0x1] =	wrdreg $0xFFFFFFFF  }
0xad: {  	[dreg:$0x0] =	wrdreg $0x60  }
0xae: {  	[dreg:$0x2] =	wrdreg s24  }
0xaf: {  	[dreg:$0x3] =	wrdreg $0x9  }
0xb0: {  	_ =	task.clear_ibuf [dreg:s6], $0x4FFFF;
	_ =	strace $0x9000004C  }
0xb1: {  	s29 =	simm.s32 $0x9;
	_ =	strace $0x8000004E  }
0xb2: {  	_ =	swait.ge [sflag:s29], $0x1  }
0xb3: {  	[sflag:s29] =	ssyncadd.s32 $0xFFFFFFFF  }
0xb4: {  	_ =	strace $0x9000004E  }
0xb5: {  	_ =	sfence  }
0xb6: {  	s30 =	sld [smem:$0x0];
	_ =	sdelay $0x2  }
0xb7: {  	s31 =	sshll.u32 s1, $0xD;
	s1 =	sshrl.u32 s1, $0x2  }
0xb8: {  	s3 =	sand.u32 $0x4000, s31;
	s1 =	sadd.s32 s1, s30  }
0xb9: {  	s0 =	sor.u32 s3, s0;
	s1 =	sshll.u32 s1, $0x11  }
0xba: {  	s0 =	sor.u32 s1, s0  }
0xbb: {  	s0 =	sadd.s32 $0x8F2B, s0  }
0xbc: {  	[sflag:s0] =	ssyncadd.remote.s32 $0x1  }
0xbd: {  	_ =	sfence.sel $0xFFFF  }
0xbe: {  	[dreg:$0x0] =	wrdreg $0xFFFFFFFF;
	(pc) =	sbr.abs _section_cstart, $3  }
0xbf: {  	[dreg:$0x1] =	wrdreg $0xFFFFFFFF  }
0xc0: {  	_ =	task.clear_ibuf [dreg:s6], $0x2FFFF;
	_ =	strace $0x9FFFFFFF  }
0xc1: {  	(tm) =	ssettm $0x7FFFFFFF  }
tec
execute0_lowered:
.L_overlay_start_1:
0x0: {  	(tag) =	ssettag $0x1  }
0x1: {  	s1 =	srdreg.scid  }
0x2: {  	s0 =	stileid.u32;
	s4 =	rddreg [dreg:$0x0]  }
0x3: {  	s2 =	simm.s32 $0x0;
	s10 =	simm.s32 $0x3400;
	s11 =	simm.s32 $0x5400  }
0x4: {  	s12 =	simm.s32 $0x7400;
	s13 =	simm.s32 $0x9400;
	s14 =	simm.s32 $0xB400  }
0x5: {  	s15 =	simm.s32 $0xD400;
	s16 =	simm.s32 $0xF400;
	s17 =	simm.s32 $0x1  }
0x6: {  	s18 =	simm.s32 $0x0;
	s5 =	sand.u32 $0x1, s1;
	s1 =	rddreg [dreg:$0x1]  }
0x7: {  	s3 =	sshll.u32 s0, $0x1;
	[smem:$0x7FF] =	sst s2;
	s7 =	smul.u32 $0x14000, s0  }
0x8: {  	s3 =	sor.u32 s5, s3;
	s8 =	ssub.s32 $0x2, s5;
	s5 =	smul.u32 $0xA000, s5  }
0x9: {  	_ =	strace $0x8000004D;
	s6 =	smul.u32 $0x1400, s3;
	s9 =	sshrl.u32 s8, $0x1  }
0xa: {  	s3 =	sadd.s32 $0xB000, s4;
	s7 =	sadd.s32 s7, s4;
	s31 =	ssub.s32 s8, s9  }
0xb: {  	s7 =	sadd.s32 s5, s7;
	s8 =	simm.s32 $0x80;
	s6 =	sshrl.u32 s6, $0x3  }
0xc: {  	s9 =	simm.s32 $0x1400;
	s5 =	smax.u32 s31, $0x1;
	s4 =	sadd.s32 s6, s4  }
0xd: {  	s6 =	sadd.s32 $0x1B000, s7;
	s7 =	simm.s32 $0x2;
	s4 =	sadd.s32 $0x6000, s4  }
.LBB2_1:
0xe: {  	[tilespmem:s2], [sflag:$0x2] =	stream.linear.gather [hbm4b:s4+s2], $0x1400, $0x38;
	[tilespmem:$0x11400] =	vst v63  }
0xf: {  	_ =	swait.ge [sflag:s7], $0x1400  }
0x10: {  	[sflag:s7] =	ssyncset.done $0x0  }
0x11: {  	s19 =	simm.s32 $0x0;
	[sflag:s7] =	ssyncadd.s32 $0xFFFFEC00  }
0x12: {  	[tilespmem:s9], [sflag:$0x1] =	stream.indirect.gather [hbm4b:s3+s8], $0x40, s19, s8, $0xb8;
	[tilespmem:$0x11400] =	vst v63  }
0x13: {  	s24 =	simm.s32 $0x80  }
0x14: {  	[tilespmem:s10], [sflag:$0x1] =	stream.indirect.gather [hbm4b:s3+s8], $0x40, s24, s8, $0xb8;
	[tilespmem:$0x11400] =	vst v63  }
0x15: {  	s25 =	simm.s32 $0x100  }
0x16: {  	[tilespmem:s11], [sflag:$0x1] =	stream.indirect.gather [hbm4b:s3+s8], $0x40, s25, s8, $0xb8;
	[tilespmem:$0x11400] =	vst v63  }
0x17: {  	s26 =	simm.s32 $0x180  }
0x18: {  	[tilespmem:s12], [sflag:$0x1] =	stream.indirect.gather [hbm4b:s3+s8], $0x40, s26, s8, $0xb8;
	[tilespmem:$0x11400] =	vst v63  }
0x19: {  	s28 =	simm.s32 $0x200  }
0x1a: {  	[tilespmem:s13], [sflag:$0x1] =	stream.indirect.gather [hbm4b:s3+s8], $0x40, s28, s8, $0xb8;
	[tilespmem:$0x11400] =	vst v63  }
0x1b: {  	s29 =	simm.s32 $0x280  }
0x1c: {  	[tilespmem:s14], [sflag:$0x1] =	stream.indirect.gather [hbm4b:s3+s8], $0x40, s29, s8, $0xb8;
	[tilespmem:$0x11400] =	vst v63  }
0x1d: {  	s30 =	simm.s32 $0x300  }
0x1e: {  	[tilespmem:s15], [sflag:$0x1] =	stream.indirect.gather [hbm4b:s3+s8], $0x40, s30, s8, $0xb8;
	[tilespmem:$0x11400] =	vst v63  }
0x1f: {  	s31 =	simm.s32 $0x380  }
0x20: {  	[tilespmem:s16], [sflag:$0x1] =	stream.indirect.gather [hbm4b:s3+s8], $0x40, s31, s8, $0xb8;
	[tilespmem:$0x11400] =	vst v63  }
0x21: {  	_ =	swait.ge [sflag:s17], $0x2000  }
0x22: {  	[sflag:s17] =	ssyncset.done $0x0  }
0x23: {  	[sflag:s17] =	ssyncadd.s32 $0xFFFFE000  }
0x24: {  	_ =	swait.ge [sflag:s17], $0x2000  }
0x25: {  	[sflag:s17] =	ssyncset.done $0x0  }
0x26: {  	[sflag:s17] =	ssyncadd.s32 $0xFFFFE000  }
0x27: {  	_ =	swait.ge [sflag:s17], $0x2000  }
0x28: {  	[sflag:s17] =	ssyncset.done $0x0  }
0x29: {  	[sflag:s17] =	ssyncadd.s32 $0xFFFFE000  }
0x2a: {  	_ =	swait.ge [sflag:s17], $0x2000  }
0x2b: {  	[sflag:s17] =	ssyncset.done $0x0  }
0x2c: {  	[sflag:s17] =	ssyncadd.s32 $0xFFFFE000  }
0x2d: {  	_ =	swait.ge [sflag:s17], $0x2000  }
0x2e: {  	[sflag:s17] =	ssyncset.done $0x0  }
0x2f: {  	[sflag:s17] =	ssyncadd.s32 $0xFFFFE000  }
0x30: {  	_ =	swait.ge [sflag:s17], $0x2000  }
0x31: {  	[sflag:s17] =	ssyncset.done $0x0  }
0x32: {  	[sflag:s17] =	ssyncadd.s32 $0xFFFFE000  }
0x33: {  	_ =	swait.ge [sflag:s17], $0x2000  }
0x34: {  	[sflag:s17] =	ssyncset.done $0x0  }
0x35: {  	[sflag:s17] =	ssyncadd.s32 $0xFFFFE000  }
0x36: {  	_ =	swait.ge [sflag:s17], $0x2000  }
0x37: {  	[sflag:s17] =	ssyncset.done $0x0  }
0x38: {  	[sflag:s17] =	ssyncadd.s32 $0xFFFFE000  }
0x39: {  	[hbm4b:s6+s2] =	stream.linear.scatter [tilespmem:s9], [sflag:$0x2], $0x10000, $0x38;
	[tilespmem:$0x11400] =	vst v63  }
0x3a: {  	s20 =	simm.s32 $0x1000;
	_ =	swait.ge [sflag:s7], $0x10000  }
0x3b: {  	s22 =	simm.s32 $0x2000;
	s19 =	sadd.s32 $0x2000, s6;
	[sflag:s7] =	ssyncset.done $0x0  }
.LBB2_2:
0x3c: {  	s23 =	sshra.s32 s20, $0x2  }
0x3d: {  	[sflag:s7] =	ssyncadd.s32 $0xFFFF0000;
	s20 =	smov.u32 s22;
	s21 =	sadd.s32 $0x1000, s22  }
0x3e: {  	[tilespmem:s9], [sflag:$0x1] =	stream.indirect.gather [hbm4b:s3+s8], $0x40, s23, s8, $0xb8;
	[tilespmem:$0x11400] =	vst v63  }
0x3f: {  	p0 =	sne.s32 s22, $0x4000;
	s22 =	sadd.s32 $0x80, s23  }
0x40: {  	[tilespmem:s10], [sflag:$0x1] =	stream.indirect.gather [hbm4b:s3+s8], $0x40, s22, s8, $0xb8;
	[tilespmem:$0x11400] =	vst v63  }
0x41: {  	s22 =	sadd.s32 $0x100, s23  }
0x42: {  	[tilespmem:s11], [sflag:$0x1] =	stream.indirect.gather [hbm4b:s3+s8], $0x40, s22, s8, $0xb8;
	[tilespmem:$0x11400] =	vst v63  }
0x43: {  	s22 =	sadd.s32 $0x180, s23  }
0x44: {  	[tilespmem:s12], [sflag:$0x1] =	stream.indirect.gather [hbm4b:s3+s8], $0x40, s22, s8, $0xb8;
	[tilespmem:$0x11400] =	vst v63  }
0x45: {  	s22 =	sadd.s32 $0x200, s23  }
0x46: {  	[tilespmem:s13], [sflag:$0x1] =	stream.indirect.gather [hbm4b:s3+s8], $0x40, s22, s8, $0xb8;
	[tilespmem:$0x11400] =	vst v63  }
0x47: {  	s22 =	sadd.s32 $0x280, s23  }
0x48: {  	[tilespmem:s14], [sflag:$0x1] =	stream.indirect.gather [hbm4b:s3+s8], $0x40, s22, s8, $0xb8;
	[tilespmem:$0x11400] =	vst v63  }
0x49: {  	s22 =	sadd.s32 $0x300, s23  }
0x4a: {  	[tilespmem:s15], [sflag:$0x1] =	stream.indirect.gather [hbm4b:s3+s8], $0x40, s22, s8, $0xb8;
	[tilespmem:$0x11400] =	vst v63  }
0x4b: {  	s22 =	sadd.s32 $0x380, s23  }
0x4c: {  	[tilespmem:s16], [sflag:$0x1] =	stream.indirect.gather [hbm4b:s3+s8], $0x40, s22, s8, $0xb8;
	[tilespmem:$0x11400] =	vst v63  }
0x4d: {  	_ =	swait.ge [sflag:s17], $0x2000  }
0x4e: {  	[sflag:s17] =	ssyncset.done $0x0  }
0x4f: {  	[sflag:s17] =	ssyncadd.s32 $0xFFFFE000  }
0x50: {  	_ =	swait.ge [sflag:s17], $0x2000  }
0x51: {  	[sflag:s17] =	ssyncset.done $0x0  }
0x52: {  	[sflag:s17] =	ssyncadd.s32 $0xFFFFE000  }
0x53: {  	_ =	swait.ge [sflag:s17], $0x2000  }
0x54: {  	[sflag:s17] =	ssyncset.done $0x0  }
0x55: {  	[sflag:s17] =	ssyncadd.s32 $0xFFFFE000  }
0x56: {  	_ =	swait.ge [sflag:s17], $0x2000  }
0x57: {  	[sflag:s17] =	ssyncset.done $0x0  }
0x58: {  	[sflag:s17] =	ssyncadd.s32 $0xFFFFE000  }
0x59: {  	_ =	swait.ge [sflag:s17], $0x2000  }
0x5a: {  	[sflag:s17] =	ssyncset.done $0x0  }
0x5b: {  	[sflag:s17] =	ssyncadd.s32 $0xFFFFE000  }
0x5c: {  	_ =	swait.ge [sflag:s17], $0x2000  }
0x5d: {  	[sflag:s17] =	ssyncset.done $0x0  }
0x5e: {  	[sflag:s17] =	ssyncadd.s32 $0xFFFFE000  }
0x5f: {  	_ =	swait.ge [sflag:s17], $0x2000  }
0x60: {  	[sflag:s17] =	ssyncset.done $0x0  }
0x61: {  	[sflag:s17] =	ssyncadd.s32 $0xFFFFE000  }
0x62: {  	_ =	swait.ge [sflag:s17], $0x2000  }
.Ltmp0:
0x63: {  	[sflag:s17] =	ssyncset.done $0x0;
	(pc) =	sbr.rel @p0 .LBB2_2-.Ltmp0, $4  }
0x64: {  	[sflag:s17] =	ssyncadd.s32 $0xFFFFE000  }
0x65: {  	[hbm4b:s19+s2] =	stream.linear.scatter [tilespmem:s9], [sflag:$0x2], $0x10000, $0x38;
	[tilespmem:$0x11400] =	vst v63  }
0x66: {  	_ =	swait.ge [sflag:s7], $0x10000  }
0x67: {  	s22 =	smov.u32 s21;
	s19 =	sadd.s32 $0x2000, s19;
	[sflag:s7] =	ssyncset.done $0x0  }
0x68: {  	s20 =	sshra.s32 s20, $0x2;
	[sflag:s7] =	ssyncadd.s32 $0xFFFF0000  }
0x69: {  	[tilespmem:s9], [sflag:$0x1] =	stream.indirect.gather [hbm4b:s3+s8], $0x40, s20, s8, $0xb8;
	[tilespmem:$0x11400] =	vst v63  }
0x6a: {  	s21 =	sadd.s32 $0x80, s20  }
0x6b: {  	[tilespmem:s10], [sflag:$0x1] =	stream.indirect.gather [hbm4b:s3+s8], $0x40, s21, s8, $0xb8;
	[tilespmem:$0x11400] =	vst v63  }
0x6c: {  	s26 =	sadd.s32 $0x100, s20  }
0x6d: {  	[tilespmem:s11], [sflag:$0x1] =	stream.indirect.gather [hbm4b:s3+s8], $0x40, s26, s8, $0xb8;
	[tilespmem:$0x11400] =	vst v63  }
0x6e: {  	s28 =	sadd.s32 $0x180, s20  }
0x6f: {  	[tilespmem:s12], [sflag:$0x1] =	stream.indirect.gather [hbm4b:s3+s8], $0x40, s28, s8, $0xb8;
	[tilespmem:$0x11400] =	vst v63  }
0x70: {  	s29 =	sadd.s32 $0x200, s20  }
0x71: {  	[tilespmem:s13], [sflag:$0x1] =	stream.indirect.gather [hbm4b:s3+s8], $0x40, s29, s8, $0xb8;
	[tilespmem:$0x11400] =	vst v63  }
0x72: {  	s30 =	sadd.s32 $0x280, s20  }
0x73: {  	[tilespmem:s14], [sflag:$0x1] =	stream.indirect.gather [hbm4b:s3+s8], $0x40, s30, s8, $0xb8;
	[tilespmem:$0x11400] =	vst v63  }
0x74: {  	s31 =	sadd.s32 $0x300, s20  }
0x75: {  	[tilespmem:s15], [sflag:$0x1] =	stream.indirect.gather [hbm4b:s3+s8], $0x40, s31, s8, $0xb8;
	[tilespmem:$0x11400] =	vst v63  }
0x76: {  	s20 =	sadd.s32 $0x380, s20  }
0x77: {  	[tilespmem:s16], [sflag:$0x1] =	stream.indirect.gather [hbm4b:s3+s8], $0x40, s20, s8, $0xb8;
	[tilespmem:$0x11400] =	vst v63  }
0x78: {  	_ =	swait.ge [sflag:s17], $0x2000  }
0x79: {  	[sflag:s17] =	ssyncset.done $0x0  }
0x7a: {  	[sflag:s17] =	ssyncadd.s32 $0xFFFFE000  }
0x7b: {  	_ =	swait.ge [sflag:s17], $0x2000  }
0x7c: {  	[sflag:s17] =	ssyncset.done $0x0  }
0x7d: {  	[sflag:s17] =	ssyncadd.s32 $0xFFFFE000  }
0x7e: {  	_ =	swait.ge [sflag:s17], $0x2000  }
0x7f: {  	[sflag:s17] =	ssyncset.done $0x0  }
0x80: {  	[sflag:s17] =	ssyncadd.s32 $0xFFFFE000  }
0x81: {  	_ =	swait.ge [sflag:s17], $0x2000  }
0x82: {  	[sflag:s17] =	ssyncset.done $0x0  }
0x83: {  	[sflag:s17] =	ssyncadd.s32 $0xFFFFE000  }
0x84: {  	_ =	swait.ge [sflag:s17], $0x2000  }
0x85: {  	[sflag:s17] =	ssyncset.done $0x0  }
0x86: {  	[sflag:s17] =	ssyncadd.s32 $0xFFFFE000  }
0x87: {  	_ =	swait.ge [sflag:s17], $0x2000  }
0x88: {  	[sflag:s17] =	ssyncset.done $0x0  }
0x89: {  	[sflag:s17] =	ssyncadd.s32 $0xFFFFE000  }
0x8a: {  	_ =	swait.ge [sflag:s17], $0x2000  }
0x8b: {  	[sflag:s17] =	ssyncset.done $0x0  }
0x8c: {  	[sflag:s17] =	ssyncadd.s32 $0xFFFFE000  }
0x8d: {  	s18 =	sadd.s32 $0x1, s18;
	_ =	swait.ge [sflag:s17], $0x2000  }
0x8e: {  	p0 =	sne.s32 s18, s5;
	[sflag:s17] =	ssyncset.done $0x0  }
.Ltmp1:
0x8f: {  	[sflag:s17] =	ssyncadd.s32 $0xFFFFE000;
	(pc) =	sbr.rel @p0 .LBB2_1-.Ltmp1, $4  }
0x90: {  	[hbm4b:s19+s2] =	stream.linear.scatter [tilespmem:s9], [sflag:$0x2], $0x10000, $0x38;
	[tilespmem:$0x11400] =	vst v63  }
0x91: {  	_ =	swait.ge [sflag:s7], $0x10000  }
0x92: {  	[sflag:s7] =	ssyncset.done $0x0  }
0x93: {  	[sflag:s7] =	ssyncadd.s32 $0xFFFF0000  }
0x94: {  	_ =	sfence.sel $0x180000  }
0x95: {  	[bflag:$0x0] =	sbarrier.arrive $0xFFFF  }
0x96: {  	p0 =	sne.s32 s0, $0x0;
	_ =	strace $0x9000004D  }
0x97: {  	s0 =	sadd.s32 @!p0 $0x100000, s1;
	[bflag:$0x2] =	sbarrier.arrive $0xFFFF  }
0x98: {  	[sflag:s0] =	ssyncadd.tile.s32 @!p0 $0x1;
	_ =	shalt  }
.Lfunc_end2:
_tile_overlayer_lowered:
.L_overlay_start_2:
0x99: {  	(tag) =	ssettag $0x2  }
0x9a: {  	s0 =	rddreg [dreg:$0x0];
	s2 =	stileid.u32  }
0x9b: {  	s1 =	rddreg [dreg:$0x1];
	p0 =	sne.s32 s2, $0x0  }
0x9c: {  	s3 =	rddreg [dreg:$0x2];
	[bflag:$0x3] =	sbarrier.arrive $0xFFFF;
	s2 =	simm.s32 @!p0 $0x1C02  }
0x9d: {  	[timem:s3], [sflag:s2] =	dma.local @!p0 [hbm:s0], s1  }
0x9e: {  	s0 =	simm.s32 @!p0 $0x2  }
0x9f: {  	_ =	swait.ge @!p0 [sflag:s0], s1  }
0xa0: {  	s1 =	ssub.s32 @!p0 $0x0, s1;
	[sflag:s0] =	ssyncset.done @!p0 $0x0  }
0xa1: {  	[sflag:s0] =	ssyncadd.s32 @!p0 s1  }
0xa2: {  	[bflag:$0x3] =	sbarrier.arrive $0xFFFF  }
0xa3: {  	_ =	shalt  }

// kernel: kernel.32.cloned.1.call-start
scs
__scs_entry_jumppad:
0x0: {  	(pc) =	sbr.rel $0x88, $3  }
0x1: {  	(tag) =	ssettag $0x0;
	lr =	simm.s32 $0x1  }
0x2: {  	[smem:$0x3F97] =	sst lr;
	_ =	strace $0xD0000000  }
0x3: {  	_ = 	snop  }
0x4: {  	_ = 	snop  }
0x5: {  	_ = 	snop  }
0x6: {  	_ = 	snop  }
0x7: {  	_ = 	snop  }
__scs_overlays_trampoline_lowered:
0x8: {  	[smem:$0x3FA6] =	sst s0  }
0x9: {  	[smem:$0x3FA7] =	sst s1  }
0xa: {  	[smem:$0x3FA8] =	sst s2  }
0xb: {  	[smem:$0x3FA9] =	sst s3  }
0xc: {  	[smem:$0x3FAA] =	sst s4  }
0xd: {  	[smem:$0x3FAB] =	sst s5  }
0xe: {  	[smem:$0x3FAC] =	sst s6  }
0xf: {  	[smem:$0x3FAD] =	sst s7  }
0x10: {  	[smem:$0x3FAE] =	sst s8  }
0x11: {  	[smem:$0x3FAF] =	sst s9;
	s0 =	simm.s32 @!p0 $0x0  }
0x12: {  	s1 =	sld [smem:$0x3F95];
	s0 =	simm.s32 @p0 $0x1  }
0x13: {  	[smem:$0x3FB0] =	sst s0;
	s0 =	simm.s32 @!p1 $0x0  }
0x14: {  	s2 =	sld [smem:$0x3F94];
	s0 =	simm.s32 @p1 $0x1  }
0x15: {  	[smem:$0x3FB1] =	sst s0;
	s0 =	simm.s32 @!p2 $0x0  }
0x16: {  	s3 =	sld [smem:$0x3FDB];
	s0 =	simm.s32 @p2 $0x1  }
0x17: {  	s4 =	simm.s32 $0x1BF5;
	[smem:$0x3FB3] =	sst s0  }
0x18: {  	s0 =	sld [smem:$0x3F96];
	_ =	swait.ge [sflag:s4], $0x0  }
0x19: {  	s7 =	sld [smem:$0x3F97]  }
0x1a: {  	s8 =	sadd.s32 $0xFFFFE003, lr  }
0x1b: {  	s9 =	sadd.s32 $0xFFFFFEF7, lr;
	s5 =	simm.s32 $0xFFFFFFFF;
	p2 =	slt.u32 s8, $0xFFFFF086  }
0x1c: {  	p1 =	slt.u32 s9, $0xF7A;
	s5 =	simm.s32 @!p2 $0x0  }
0x1d: {  	s5 =	simm.s32 @p1 $0x1;
	p0 =	seq.s32 s7, s2  }
0x1e: {  	s7 =	smul.u32 @!p0 $0xF7A, s2;
	p2 =	seq.s32 @!p0 s5, $0x0  }
0x1f: {  	s9 =	smul.u32 $0xF7A, s1;
	s8 =	simm.s32 @!p0 $0x1BF5;
	p2 =	por !p2, p0  }
0x20: {  	[sflag:s8] =	ssyncset.s32 @!p0 $0xFFFFF086;
	s6 =	sadd.s32 @!p0 s3, s7;
	s7 =	simm.s32 @!p0 $0x108  }
0x21: {  	s3 =	sadd.s32 s3, s9;
	s6 =	sadd.s32 @!p0 $0x88, s6;
	s7 =	simm.s32 @p2 $0x1082  }
0x22: {  	[simem:s7], [sflag:s8] =	dma.local @!p0 [hbm:s6], $0xF7A  }
0x23: {  	s9 =	sor.u32 $0xD0000000, s2;
	s6 =	simm.s32 $0x108;
	_ =	swait.ge @!p0 [sflag:s8], $0x0  }
0x24: {  	s3 =	sadd.s32 $0x88, s3;
	s6 =	simm.s32 @!p1 $0x1082;
	[sflag:s4] =	ssyncset.s32 $0xFFFFF086  }
0x25: {  	[simem:s6], [sflag:s4] =	dma.local [hbm:s3], $0xF7A  }
0x26: {  	[smem:$0x3F97] =	sst s1;
	(tag) =	ssettag s2;
	_ =	strace s9  }
0x27: {  	s1 =	sld [smem:$0x3FA7]  }
0x28: {  	s2 =	sld [smem:$0x3FA8]  }
0x29: {  	s4 =	sld [smem:$0x3FAA]  }
0x2a: {  	p0 =	seq.s32 s5, $0x0;
	s5 =	sld [smem:$0x3FAB]  }
0x2b: {  	s6 =	sld [smem:$0x3FAC]  }
0x2c: {  	s7 =	sld [smem:$0x3FAD]  }
0x2d: {  	s3 =	simm.s32 $0x108;
	s8 =	sld [smem:$0x3FAE]  }
0x2e: {  	s3 =	simm.s32 @!p0 $0x1082;
	s9 =	sld [smem:$0x3FAF]  }
0x2f: {  	lr =	sadd.s32 s0, s3;
	s0 =	sld [smem:$0x3FA6]  }
0x30: {  	s3 =	sld [smem:$0x3FA9]  }
0x31: {  	[smem:$0x3FB2] =	sst s10  }
0x32: {  	s10 =	sld [smem:$0x3FB0];
	_ =	sdelay $0x3  }
0x33: {  	p0 =	seq.s32 s10, $0x1;
	s10 =	sld [smem:$0x3FB2];
	_ =	sdelay $0x3  }
0x34: {  	[smem:$0x3FB2] =	sst s10  }
0x35: {  	s10 =	sld [smem:$0x3FB1];
	_ =	sdelay $0x3  }
0x36: {  	p1 =	seq.s32 s10, $0x1;
	s10 =	sld [smem:$0x3FB2];
	_ =	sdelay $0x3  }
0x37: {  	[smem:$0x3FB2] =	sst s10  }
0x38: {  	s10 =	sld [smem:$0x3FB3]  }
0x39: {  	_ = 	snop;
	(pc) =	sbr.ind lr, $3  }
0x3a: {  	_ = 	snop  }
0x3b: {  	_ = 	snop  }
0x3c: {  	p2 =	seq.s32 s10, $0x1;
	s10 =	sld [smem:$0x3FB2]  }
0x3d: {  	_ =	shalt  }
0x3e: {  	_ =	shalt  }
0x3f: {  	_ =	shalt  }
0x40: {  	_ =	shalt  }
0x41: {  	_ =	shalt  }
0x42: {  	_ =	shalt  }
0x43: {  	_ =	shalt  }
0x44: {  	_ =	shalt  }
0x45: {  	_ =	shalt  }
0x46: {  	_ =	shalt  }
0x47: {  	_ =	shalt  }
0x48: {  	_ =	shalt  }
0x49: {  	_ =	shalt  }
0x4a: {  	_ =	shalt  }
0x4b: {  	_ =	shalt  }
0x4c: {  	_ =	shalt  }
0x4d: {  	_ =	shalt  }
0x4e: {  	_ =	shalt  }
0x4f: {  	_ =	shalt  }
0x50: {  	_ =	shalt  }
0x51: {  	_ =	shalt  }
0x52: {  	_ =	shalt  }
0x53: {  	_ =	shalt  }
0x54: {  	_ =	shalt  }
0x55: {  	_ =	shalt  }
0x56: {  	_ =	shalt  }
0x57: {  	_ =	shalt  }
0x58: {  	_ =	shalt  }
0x59: {  	_ =	shalt  }
0x5a: {  	_ =	shalt  }
0x5b: {  	_ =	shalt  }
0x5c: {  	_ =	shalt  }
0x5d: {  	_ =	shalt  }
0x5e: {  	_ =	shalt  }
0x5f: {  	_ =	shalt  }
0x60: {  	_ =	shalt  }
0x61: {  	_ =	shalt  }
0x62: {  	_ =	shalt  }
0x63: {  	_ =	shalt  }
0x64: {  	_ =	shalt  }
0x65: {  	_ =	shalt  }
0x66: {  	_ =	shalt  }
0x67: {  	_ =	shalt  }
0x68: {  	_ =	shalt  }
0x69: {  	_ =	shalt  }
0x6a: {  	_ =	shalt  }
0x6b: {  	_ =	shalt  }
0x6c: {  	_ =	shalt  }
0x6d: {  	_ =	shalt  }
0x6e: {  	_ =	shalt  }
0x6f: {  	_ =	shalt  }
0x70: {  	_ =	shalt  }
0x71: {  	_ =	shalt  }
0x72: {  	_ =	shalt  }
0x73: {  	_ =	shalt  }
0x74: {  	_ =	shalt  }
0x75: {  	_ =	shalt  }
0x76: {  	_ =	shalt  }
0x77: {  	_ =	shalt  }
0x78: {  	_ =	shalt  }
0x79: {  	_ =	shalt  }
0x7a: {  	_ =	shalt  }
0x7b: {  	_ =	shalt  }
0x7c: {  	_ =	shalt  }
0x7d: {  	_ =	shalt  }
0x7e: {  	_ =	shalt  }
0x7f: {  	_ =	shalt  }
0x80: {  	_ =	shalt  }
0x81: {  	_ =	shalt  }
0x82: {  	_ =	shalt  }
0x83: {  	_ =	shalt  }
0x84: {  	_ =	shalt  }
0x85: {  	_ =	shalt  }
0x86: {  	_ =	shalt  }
0x87: {  	_ =	shalt  }
.Lfunc_end0:
.L_simem_size_0:
called_computation.3_lowered:
.L_overlay_start_0:
0x88: {  	s2 =	sld [smem:$0x3FD9]  }
0x89: {  	s3 =	sld [smem:$0x3FFE];
	_ =	sdelay $0x1  }
0x8a: {  	s1 =	srdreg.scid  }
0x8b: {  	s0 =	sand.u32 $0x1, s1  }
0x8c: {  	s15 =	sshll.u32 s0, $0xA;
	s2 =	sadd.s32 s3, s2  }
0x8d: {  	s2 =	sadd.s32 s2, s15  }
0x8e: {  	[smem:$0x3FBE] =	sst s2  }
0x8f: {  	_ = 	snop  }
0x90: {  	s2 =	sld [smem:$0x3FD0];
	_ =	sdelay $0x2  }
0x91: {  	s16 =	simm.s32 $0xB;
	s4 =	simm.s32 $0x10  }
0x92: {  	[smem:s4], [sflag:s16] =	dma.local [hbm:s2], $0x1  }
0x93: {  	_ =	swait.eq [sflag:s16], $0x1  }
0x94: {  	[sflag:s16] =	ssyncset.done $0x0  }
0x95: {  	[sflag:s16] =	ssyncadd.s32 $0xFFFFFFFF  }
0x96: {  	s17 =	sld [smem:$0x10];
	(tm) =	ssettm $0x1  }
0x97: {  	s18 =	sld [smem:$0x3FFB];
	_ =	sdelay $0x3  }
0x98: {  	_ =	strace s18  }
0x99: {  	s2 =	sld [smem:$0x3FFC];
	_ =	sdelay $0x3  }
0x9a: {  	_ =	strace s2  }
0x9b: {  	s2 =	sld [smem:$0x3FFD];
	_ =	sdelay $0x3  }
0x9c: {  	_ =	strace s2  }
0x9d: {  	_ =	strace $0x8FFFFFFF  }
0x9e: {  	s19 =	sld [smem:$0x3FDB];
	_ =	sdelay $0x1  }
0x9f: {  	s20 =	simm.s32 $_scs_section_size  }
0xa0: {  	s5 =	simm.s32 $_size__tile_overlayer_lowered;
	s6 =	simm.s32 $_tile_overlayer_lowered  }
0xa1: {  	s7 =	simm.s32 $0x1BFF;
	s21 =	sshll.u32 s6, $0x1;
	s4 =	sadd.s32 s20, s19  }
0xa2: {  	s22 =	simm.s32 $0x0;
	s5 =	sshll.u32 s5, $0x1;
	s6 =	sadd.s32 s21, s4  }
0xa3: {  	[timem:s22], [sflag:s7] =	dma.local [hbm:s6], s5  }
0xa4: {  	_ =	swait.ge [sflag:s7], s5  }
0xa5: {  	s5 =	ssub.s32 $0x0, s5;
	[sflag:s7] =	ssyncset.done $0x0  }
0xa6: {  	[sflag:s7] =	ssyncadd.s32 s5;
	_ =	sdelay $0x1  }
0xa7: {  	s23 =	simm.s32 $0x1B8B  }
0xa8: {  	_ =	swait.ge [sflag:s23], $0x1  }
0xa9: {  	[sflag:s23] =	ssyncset.done $0x0  }
0xaa: {  	[sflag:s23] =	ssyncadd.s32 $0xFFFFFFFF  }
0xab: {  	s5 =	sld [smem:$0x0]  }
0xac: {  	s6 =	sand.u32 $0xFFFFFFFE, s1  }
0xad: {  	p0 =	sne.s32 s1, s6  }
0xae: {  	s6 =	sshll.u32 @p0 s6, $0xE  }
0xaf: {  	s6 =	sadd.s32 @p0 $0x11B8D, s6;
	s7 =	sshll.u32 @p0 s5, $0x11  }
0xb0: {  	s6 =	sor.u32 @p0 s7, s6  }
0xb1: {  	[sflag:s6] =	ssyncadd.remote.s32 @p0 $0x1;
	_ =	sdelay $0x1  }
0xb2: {  	s6 =	simm.s32 @p0 $0x1B8D  }
0xb3: {  	_ =	swait.eq @p0 [sflag:s6], $0x1  }
0xb4: {  	[sflag:s6] =	ssyncadd.s32 @p0 $0xFFFFFFFF  }
0xb5: {  	s7 =	sshll.u32 @!p0 s1, $0xE  }
0xb6: {  	s7 =	sor.u32 @!p0 $0x4000, s7;
	s6 =	simm.s32 @!p0 $0x1B8D  }
0xb7: {  	s5 =	sshll.u32 @!p0 s5, $0x11;
	s7 =	sadd.s32 @!p0 $0x11B8D, s7;
	_ =	swait.eq @!p0 [sflag:s6], $0x1  }
0xb8: {  	s5 =	sor.u32 @!p0 s5, s7;
	[sflag:s6] =	ssyncadd.s32 @!p0 $0xFFFFFFFF  }
0xb9: {  	s25 =	simm.s32 $0x1B8E;
	s24 =	sld [smem:$0x3FFE];
	[sflag:s5] =	ssyncadd.remote.s32 @!p0 $0x1  }
0xba: {  	s26 =	simm.s32 $execute0_lowered;
	[smem:$0x3FD2] =	sst s25  }
0xbb: {  	s6 =	sshll.u32 s26, $0x1;
	_ =	strace $0x8000004F;
	[dreg:$0x1] =	wrdreg $0xFFFFFFFF  }
0xbc: {  	s28 =	simm.s32 $_size_execute0_lowered;
	s4 =	sadd.s32 s4, s6;
	[dreg:$0x0] =	wrdreg $0x0  }
0xbd: {  	s6 =	sshll.u32 s28, $0x1;
	[dreg:$0x2] =	wrdreg s4  }
0xbe: {  	[dreg:$0x3] =	wrdreg s6  }
0xbf: {  	[dreg:$0x4] =	wrdreg $0xC0  }
0xc0: {  	_ =	task [dreg:s22], $0x5FFFF  }
0xc1: {  	[dreg:$0x1] =	wrdreg $0xFFFFFFFF  }
0xc2: {  	[dreg:$0x0] =	wrdreg $0x60  }
0xc3: {  	[dreg:$0x2] =	wrdreg s17  }
0xc4: {  	[dreg:$0x3] =	wrdreg s24  }
0xc5: {  	[dreg:$0x4] =	wrdreg $0xA  }
0xc6: {  	_ =	task.clear_ibuf [dreg:s22], $0x5FFFF;
	_ =	strace $0x9000004F  }
0xc7: {  	s29 =	simm.s32 $0xA;
	_ =	strace $0x80000051  }
0xc8: {  	_ =	swait.ge [sflag:s29], $0x1  }
0xc9: {  	[sflag:s29] =	ssyncadd.s32 $0xFFFFFFFF  }
0xca: {  	_ =	strace $0x90000051  }
0xcb: {  	_ =	sfence  }
0xcc: {  	s30 =	sld [smem:$0x0];
	_ =	sdelay $0x2  }
0xcd: {  	s31 =	sshll.u32 s1, $0xD;
	s1 =	sshrl.u32 s1, $0x2  }
0xce: {  	s4 =	sand.u32 $0x4000, s31;
	s1 =	sadd.s32 s1, s30  }
0xcf: {  	s0 =	sor.u32 s4, s0;
	s1 =	sshll.u32 s1, $0x11  }
0xd0: {  	s0 =	sor.u32 s1, s0  }
0xd1: {  	s0 =	sadd.s32 $0x8F2B, s0  }
0xd2: {  	[sflag:s0] =	ssyncadd.remote.s32 $0x1  }
0xd3: {  	_ =	sfence.sel $0xFFFF  }
0xd4: {  	[dreg:$0x0] =	wrdreg $0xFFFFFFFF;
	(pc) =	sbr.abs _section_cstart, $3  }
0xd5: {  	[dreg:$0x1] =	wrdreg $0xFFFFFFFF  }
0xd6: {  	_ =	task.clear_ibuf [dreg:s22], $0x2FFFF;
	_ =	strace $0x9FFFFFFF  }
0xd7: {  	(tm) =	ssettm $0x7FFFFFFF  }
tec
execute0_lowered:
.L_overlay_start_1:
0x0: {  	(tag) =	ssettag $0x1  }
0x1: {  	s1 =	srdreg.scid  }
0x2: {  	s0 =	stileid.u32;
	s2 =	rddreg [dreg:$0x0]  }
0x3: {  	s5 =	rddreg [dreg:$0x1];
	s3 =	simm.s32 $0x0;
	s10 =	simm.s32 $0x3400  }
0x4: {  	s11 =	simm.s32 $0x5400;
	s12 =	simm.s32 $0x7400;
	s13 =	simm.s32 $0x9400  }
0x5: {  	s14 =	simm.s32 $0xB400;
	s15 =	simm.s32 $0xD400;
	s16 =	simm.s32 $0xF400  }
0x6: {  	s17 =	simm.s32 $0x1;
	s18 =	simm.s32 $0x0;
	s4 =	sand.u32 $0x1, s1  }
0x7: {  	s30 =	sshll.u32 s0, $0x1;
	s1 =	rddreg [dreg:$0x2];
	s7 =	smul.u32 $0x14000, s0  }
0x8: {  	s6 =	sor.u32 s4, s30;
	s8 =	ssub.s32 $0x2, s4;
	s4 =	smul.u32 $0xA000, s4  }
0x9: {  	[smem:$0x7FF] =	sst s3;
	s6 =	smul.u32 $0x1400, s6;
	s9 =	sshrl.u32 s8, $0x1  }
0xa: {  	_ =	strace $0x80000050;
	s7 =	sadd.s32 s7, s5;
	s31 =	ssub.s32 s8, s9  }
0xb: {  	s7 =	sadd.s32 s4, s7;
	s8 =	simm.s32 $0x80;
	s6 =	sshrl.u32 s6, $0x3  }
0xc: {  	s9 =	simm.s32 $0x1400;
	s5 =	sadd.s32 s6, s5;
	s6 =	sadd.s32 $0x160000, s7  }
0xd: {  	s7 =	simm.s32 $0x2;
	s4 =	sadd.s32 $0x15B000, s5;
	s5 =	smax.u32 s31, $0x1  }
.LBB2_1:
0xe: {  	[tilespmem:s3], [sflag:$0x2] =	stream.linear.gather [hbm4b:s4+s3], $0x1400, $0x38;
	[tilespmem:$0x11400] =	vst v63  }
0xf: {  	_ =	swait.ge [sflag:s7], $0x1400  }
0x10: {  	[sflag:s7] =	ssyncset.done $0x0  }
0x11: {  	s19 =	simm.s32 $0x0;
	[sflag:s7] =	ssyncadd.s32 $0xFFFFEC00  }
0x12: {  	[tilespmem:s9], [sflag:$0x1] =	stream.indirect.gather [hbm4b:s2+s8], $0x40, s19, s8, $0xb8;
	[tilespmem:$0x11400] =	vst v63  }
0x13: {  	s24 =	simm.s32 $0x80  }
0x14: {  	[tilespmem:s10], [sflag:$0x1] =	stream.indirect.gather [hbm4b:s2+s8], $0x40, s24, s8, $0xb8;
	[tilespmem:$0x11400] =	vst v63  }
0x15: {  	s25 =	simm.s32 $0x100  }
0x16: {  	[tilespmem:s11], [sflag:$0x1] =	stream.indirect.gather [hbm4b:s2+s8], $0x40, s25, s8, $0xb8;
	[tilespmem:$0x11400] =	vst v63  }
0x17: {  	s26 =	simm.s32 $0x180  }
0x18: {  	[tilespmem:s12], [sflag:$0x1] =	stream.indirect.gather [hbm4b:s2+s8], $0x40, s26, s8, $0xb8;
	[tilespmem:$0x11400] =	vst v63  }
0x19: {  	s28 =	simm.s32 $0x200  }
0x1a: {  	[tilespmem:s13], [sflag:$0x1] =	stream.indirect.gather [hbm4b:s2+s8], $0x40, s28, s8, $0xb8;
	[tilespmem:$0x11400] =	vst v63  }
0x1b: {  	s29 =	simm.s32 $0x280  }
0x1c: {  	[tilespmem:s14], [sflag:$0x1] =	stream.indirect.gather [hbm4b:s2+s8], $0x40, s29, s8, $0xb8;
	[tilespmem:$0x11400] =	vst v63  }
0x1d: {  	s30 =	simm.s32 $0x300  }
0x1e: {  	[tilespmem:s15], [sflag:$0x1] =	stream.indirect.gather [hbm4b:s2+s8], $0x40, s30, s8, $0xb8;
	[tilespmem:$0x11400] =	vst v63  }
0x1f: {  	s31 =	simm.s32 $0x380  }
0x20: {  	[tilespmem:s16], [sflag:$0x1] =	stream.indirect.gather [hbm4b:s2+s8], $0x40, s31, s8, $0xb8;
	[tilespmem:$0x11400] =	vst v63  }
0x21: {  	_ =	swait.ge [sflag:s17], $0x2000  }
0x22: {  	[sflag:s17] =	ssyncset.done $0x0  }
0x23: {  	[sflag:s17] =	ssyncadd.s32 $0xFFFFE000  }
0x24: {  	_ =	swait.ge [sflag:s17], $0x2000  }
0x25: {  	[sflag:s17] =	ssyncset.done $0x0  }
0x26: {  	[sflag:s17] =	ssyncadd.s32 $0xFFFFE000  }
0x27: {  	_ =	swait.ge [sflag:s17], $0x2000  }
0x28: {  	[sflag:s17] =	ssyncset.done $0x0  }
0x29: {  	[sflag:s17] =	ssyncadd.s32 $0xFFFFE000  }
0x2a: {  	_ =	swait.ge [sflag:s17], $0x2000  }
0x2b: {  	[sflag:s17] =	ssyncset.done $0x0  }
0x2c: {  	[sflag:s17] =	ssyncadd.s32 $0xFFFFE000  }
0x2d: {  	_ =	swait.ge [sflag:s17], $0x2000  }
0x2e: {  	[sflag:s17] =	ssyncset.done $0x0  }
0x2f: {  	[sflag:s17] =	ssyncadd.s32 $0xFFFFE000  }
0x30: {  	_ =	swait.ge [sflag:s17], $0x2000  }
0x31: {  	[sflag:s17] =	ssyncset.done $0x0  }
0x32: {  	[sflag:s17] =	ssyncadd.s32 $0xFFFFE000  }
0x33: {  	_ =	swait.ge [sflag:s17], $0x2000  }
0x34: {  	[sflag:s17] =	ssyncset.done $0x0  }
0x35: {  	[sflag:s17] =	ssyncadd.s32 $0xFFFFE000  }
0x36: {  	_ =	swait.ge [sflag:s17], $0x2000  }
0x37: {  	[sflag:s17] =	ssyncset.done $0x0  }
0x38: {  	[sflag:s17] =	ssyncadd.s32 $0xFFFFE000  }
0x39: {  	[hbm4b:s6+s3] =	stream.linear.scatter [tilespmem:s9], [sflag:$0x2], $0x10000, $0x38;
	[tilespmem:$0x11400] =	vst v63  }
0x3a: {  	s20 =	simm.s32 $0x1000;
	_ =	swait.ge [sflag:s7], $0x10000  }
0x3b: {  	s22 =	simm.s32 $0x2000;
	s19 =	sadd.s32 $0x2000, s6;
	[sflag:s7] =	ssyncset.done $0x0  }
.LBB2_2:
0x3c: {  	s23 =	sshra.s32 s20, $0x2  }
0x3d: {  	[sflag:s7] =	ssyncadd.s32 $0xFFFF0000;
	s20 =	smov.u32 s22;
	s21 =	sadd.s32 $0x1000, s22  }
0x3e: {  	[tilespmem:s9], [sflag:$0x1] =	stream.indirect.gather [hbm4b:s2+s8], $0x40, s23, s8, $0xb8;
	[tilespmem:$0x11400] =	vst v63  }
0x3f: {  	p0 =	sne.s32 s22, $0x4000;
	s22 =	sadd.s32 $0x80, s23  }
0x40: {  	[tilespmem:s10], [sflag:$0x1] =	stream.indirect.gather [hbm4b:s2+s8], $0x40, s22, s8, $0xb8;
	[tilespmem:$0x11400] =	vst v63  }
0x41: {  	s22 =	sadd.s32 $0x100, s23  }
0x42: {  	[tilespmem:s11], [sflag:$0x1] =	stream.indirect.gather [hbm4b:s2+s8], $0x40, s22, s8, $0xb8;
	[tilespmem:$0x11400] =	vst v63  }
0x43: {  	s22 =	sadd.s32 $0x180, s23  }
0x44: {  	[tilespmem:s12], [sflag:$0x1] =	stream.indirect.gather [hbm4b:s2+s8], $0x40, s22, s8, $0xb8;
	[tilespmem:$0x11400] =	vst v63  }
0x45: {  	s22 =	sadd.s32 $0x200, s23  }
0x46: {  	[tilespmem:s13], [sflag:$0x1] =	stream.indirect.gather [hbm4b:s2+s8], $0x40, s22, s8, $0xb8;
	[tilespmem:$0x11400] =	vst v63  }
0x47: {  	s22 =	sadd.s32 $0x280, s23  }
0x48: {  	[tilespmem:s14], [sflag:$0x1] =	stream.indirect.gather [hbm4b:s2+s8], $0x40, s22, s8, $0xb8;
	[tilespmem:$0x11400] =	vst v63  }
0x49: {  	s22 =	sadd.s32 $0x300, s23  }
0x4a: {  	[tilespmem:s15], [sflag:$0x1] =	stream.indirect.gather [hbm4b:s2+s8], $0x40, s22, s8, $0xb8;
	[tilespmem:$0x11400] =	vst v63  }
0x4b: {  	s22 =	sadd.s32 $0x380, s23  }
0x4c: {  	[tilespmem:s16], [sflag:$0x1] =	stream.indirect.gather [hbm4b:s2+s8], $0x40, s22, s8, $0xb8;
	[tilespmem:$0x11400] =	vst v63  }
0x4d: {  	_ =	swait.ge [sflag:s17], $0x2000  }
0x4e: {  	[sflag:s17] =	ssyncset.done $0x0  }
0x4f: {  	[sflag:s17] =	ssyncadd.s32 $0xFFFFE000  }
0x50: {  	_ =	swait.ge [sflag:s17], $0x2000  }
0x51: {  	[sflag:s17] =	ssyncset.done $0x0  }
0x52: {  	[sflag:s17] =	ssyncadd.s32 $0xFFFFE000  }
0x53: {  	_ =	swait.ge [sflag:s17], $0x2000  }
0x54: {  	[sflag:s17] =	ssyncset.done $0x0  }
0x55: {  	[sflag:s17] =	ssyncadd.s32 $0xFFFFE000  }
0x56: {  	_ =	swait.ge [sflag:s17], $0x2000  }
0x57: {  	[sflag:s17] =	ssyncset.done $0x0  }
0x58: {  	[sflag:s17] =	ssyncadd.s32 $0xFFFFE000  }
0x59: {  	_ =	swait.ge [sflag:s17], $0x2000  }
0x5a: {  	[sflag:s17] =	ssyncset.done $0x0  }
0x5b: {  	[sflag:s17] =	ssyncadd.s32 $0xFFFFE000  }
0x5c: {  	_ =	swait.ge [sflag:s17], $0x2000  }
0x5d: {  	[sflag:s17] =	ssyncset.done $0x0  }
0x5e: {  	[sflag:s17] =	ssyncadd.s32 $0xFFFFE000  }
0x5f: {  	_ =	swait.ge [sflag:s17], $0x2000  }
0x60: {  	[sflag:s17] =	ssyncset.done $0x0  }
0x61: {  	[sflag:s17] =	ssyncadd.s32 $0xFFFFE000  }
0x62: {  	_ =	swait.ge [sflag:s17], $0x2000  }
.Ltmp0:
0x63: {  	[sflag:s17] =	ssyncset.done $0x0;
	(pc) =	sbr.rel @p0 .LBB2_2-.Ltmp0, $4  }
0x64: {  	[sflag:s17] =	ssyncadd.s32 $0xFFFFE000  }
0x65: {  	[hbm4b:s19+s3] =	stream.linear.scatter [tilespmem:s9], [sflag:$0x2], $0x10000, $0x38;
	[tilespmem:$0x11400] =	vst v63  }
0x66: {  	_ =	swait.ge [sflag:s7], $0x10000  }
0x67: {  	s22 =	smov.u32 s21;
	s19 =	sadd.s32 $0x2000, s19;
	[sflag:s7] =	ssyncset.done $0x0  }
0x68: {  	s20 =	sshra.s32 s20, $0x2;
	[sflag:s7] =	ssyncadd.s32 $0xFFFF0000  }
0x69: {  	[tilespmem:s9], [sflag:$0x1] =	stream.indirect.gather [hbm4b:s2+s8], $0x40, s20, s8, $0xb8;
	[tilespmem:$0x11400] =	vst v63  }
0x6a: {  	s21 =	sadd.s32 $0x80, s20  }
0x6b: {  	[tilespmem:s10], [sflag:$0x1] =	stream.indirect.gather [hbm4b:s2+s8], $0x40, s21, s8, $0xb8;
	[tilespmem:$0x11400] =	vst v63  }
0x6c: {  	s26 =	sadd.s32 $0x100, s20  }
0x6d: {  	[tilespmem:s11], [sflag:$0x1] =	stream.indirect.gather [hbm4b:s2+s8], $0x40, s26, s8, $0xb8;
	[tilespmem:$0x11400] =	vst v63  }
0x6e: {  	s28 =	sadd.s32 $0x180, s20  }
0x6f: {  	[tilespmem:s12], [sflag:$0x1] =	stream.indirect.gather [hbm4b:s2+s8], $0x40, s28, s8, $0xb8;
	[tilespmem:$0x11400] =	vst v63  }
0x70: {  	s29 =	sadd.s32 $0x200, s20  }
0x71: {  	[tilespmem:s13], [sflag:$0x1] =	stream.indirect.gather [hbm4b:s2+s8], $0x40, s29, s8, $0xb8;
	[tilespmem:$0x11400] =	vst v63  }
0x72: {  	s30 =	sadd.s32 $0x280, s20  }
0x73: {  	[tilespmem:s14], [sflag:$0x1] =	stream.indirect.gather [hbm4b:s2+s8], $0x40, s30, s8, $0xb8;
	[tilespmem:$0x11400] =	vst v63  }
0x74: {  	s31 =	sadd.s32 $0x300, s20  }
0x75: {  	[tilespmem:s15], [sflag:$0x1] =	stream.indirect.gather [hbm4b:s2+s8], $0x40, s31, s8, $0xb8;
	[tilespmem:$0x11400] =	vst v63  }
0x76: {  	s20 =	sadd.s32 $0x380, s20  }
0x77: {  	[tilespmem:s16], [sflag:$0x1] =	stream.indirect.gather [hbm4b:s2+s8], $0x40, s20, s8, $0xb8;
	[tilespmem:$0x11400] =	vst v63  }
0x78: {  	_ =	swait.ge [sflag:s17], $0x2000  }
0x79: {  	[sflag:s17] =	ssyncset.done $0x0  }
0x7a: {  	[sflag:s17] =	ssyncadd.s32 $0xFFFFE000  }
0x7b: {  	_ =	swait.ge [sflag:s17], $0x2000  }
0x7c: {  	[sflag:s17] =	ssyncset.done $0x0  }
0x7d: {  	[sflag:s17] =	ssyncadd.s32 $0xFFFFE000  }
0x7e: {  	_ =	swait.ge [sflag:s17], $0x2000  }
0x7f: {  	[sflag:s17] =	ssyncset.done $0x0  }
0x80: {  	[sflag:s17] =	ssyncadd.s32 $0xFFFFE000  }
0x81: {  	_ =	swait.ge [sflag:s17], $0x2000  }
0x82: {  	[sflag:s17] =	ssyncset.done $0x0  }
0x83: {  	[sflag:s17] =	ssyncadd.s32 $0xFFFFE000  }
0x84: {  	_ =	swait.ge [sflag:s17], $0x2000  }
0x85: {  	[sflag:s17] =	ssyncset.done $0x0  }
0x86: {  	[sflag:s17] =	ssyncadd.s32 $0xFFFFE000  }
0x87: {  	_ =	swait.ge [sflag:s17], $0x2000  }
0x88: {  	[sflag:s17] =	ssyncset.done $0x0  }
0x89: {  	[sflag:s17] =	ssyncadd.s32 $0xFFFFE000  }
0x8a: {  	_ =	swait.ge [sflag:s17], $0x2000  }
0x8b: {  	[sflag:s17] =	ssyncset.done $0x0  }
0x8c: {  	[sflag:s17] =	ssyncadd.s32 $0xFFFFE000  }
0x8d: {  	s18 =	sadd.s32 $0x1, s18;
	_ =	swait.ge [sflag:s17], $0x2000  }
0x8e: {  	p0 =	sne.s32 s18, s5;
	[sflag:s17] =	ssyncset.done $0x0  }
.Ltmp1:
0x8f: {  	[sflag:s17] =	ssyncadd.s32 $0xFFFFE000;
	(pc) =	sbr.rel @p0 .LBB2_1-.Ltmp1, $4  }
0x90: {  	[hbm4b:s19+s3] =	stream.linear.scatter [tilespmem:s9], [sflag:$0x2], $0x10000, $0x38;
	[tilespmem:$0x11400] =	vst v63  }
0x91: {  	_ =	swait.ge [sflag:s7], $0x10000  }
0x92: {  	[sflag:s7] =	ssyncset.done $0x0  }
0x93: {  	[sflag:s7] =	ssyncadd.s32 $0xFFFF0000  }
0x94: {  	_ =	sfence.sel $0x180000  }
0x95: {  	[bflag:$0x0] =	sbarrier.arrive $0xFFFF  }
0x96: {  	p0 =	sne.s32 s0, $0x0;
	_ =	strace $0x90000050  }
0x97: {  	s0 =	sadd.s32 @!p0 $0x100000, s1;
	[bflag:$0x2] =	sbarrier.arrive $0xFFFF  }
0x98: {  	[sflag:s0] =	ssyncadd.tile.s32 @!p0 $0x1;
	_ =	shalt  }
.Lfunc_end2:
_tile_overlayer_lowered:
.L_overlay_start_2:
0x99: {  	(tag) =	ssettag $0x2  }
0x9a: {  	s0 =	rddreg [dreg:$0x0];
	s2 =	stileid.u32  }
0x9b: {  	s1 =	rddreg [dreg:$0x1];
	p0 =	sne.s32 s2, $0x0  }
0x9c: {  	s3 =	rddreg [dreg:$0x2];
	[bflag:$0x3] =	sbarrier.arrive $0xFFFF;
	s2 =	simm.s32 @!p0 $0x1C02  }
0x9d: {  	[timem:s3], [sflag:s2] =	dma.local @!p0 [hbm:s0], s1  }
0x9e: {  	s0 =	simm.s32 @!p0 $0x2  }
0x9f: {  	_ =	swait.ge @!p0 [sflag:s0], s1  }
0xa0: {  	s1 =	ssub.s32 @!p0 $0x0, s1;
	[sflag:s0] =	ssyncset.done @!p0 $0x0  }
0xa1: {  	[sflag:s0] =	ssyncadd.s32 @!p0 s1  }
0xa2: {  	[bflag:$0x3] =	sbarrier.arrive $0xFFFF  }
0xa3: {  	_ =	shalt  }

// kernel: kernel.35.cloned.1.call-start
scs
__scs_entry_jumppad:
0x0: {  	(pc) =	sbr.rel $0x88, $3  }
0x1: {  	(tag) =	ssettag $0x0;
	lr =	simm.s32 $0x1  }
0x2: {  	[smem:$0x3F97] =	sst lr;
	_ =	strace $0xD0000000  }
0x3: {  	_ = 	snop  }
0x4: {  	_ = 	snop  }
0x5: {  	_ = 	snop  }
0x6: {  	_ = 	snop  }
0x7: {  	_ = 	snop  }
__scs_overlays_trampoline_lowered:
0x8: {  	[smem:$0x3FA6] =	sst s0  }
0x9: {  	[smem:$0x3FA7] =	sst s1  }
0xa: {  	[smem:$0x3FA8] =	sst s2  }
0xb: {  	[smem:$0x3FA9] =	sst s3  }
0xc: {  	[smem:$0x3FAA] =	sst s4  }
0xd: {  	[smem:$0x3FAB] =	sst s5  }
0xe: {  	[smem:$0x3FAC] =	sst s6  }
0xf: {  	[smem:$0x3FAD] =	sst s7  }
0x10: {  	[smem:$0x3FAE] =	sst s8  }
0x11: {  	[smem:$0x3FAF] =	sst s9;
	s0 =	simm.s32 @!p0 $0x0  }
0x12: {  	s1 =	sld [smem:$0x3F95];
	s0 =	simm.s32 @p0 $0x1  }
0x13: {  	[smem:$0x3FB0] =	sst s0;
	s0 =	simm.s32 @!p1 $0x0  }
0x14: {  	s2 =	sld [smem:$0x3F94];
	s0 =	simm.s32 @p1 $0x1  }
0x15: {  	[smem:$0x3FB1] =	sst s0;
	s0 =	simm.s32 @!p2 $0x0  }
0x16: {  	s3 =	sld [smem:$0x3FDB];
	s0 =	simm.s32 @p2 $0x1  }
0x17: {  	s4 =	simm.s32 $0x1BF5;
	[smem:$0x3FB3] =	sst s0  }
0x18: {  	s0 =	sld [smem:$0x3F96];
	_ =	swait.ge [sflag:s4], $0x0  }
0x19: {  	s7 =	sld [smem:$0x3F97]  }
0x1a: {  	s8 =	sadd.s32 $0xFFFFE003, lr  }
0x1b: {  	s9 =	sadd.s32 $0xFFFFFEF7, lr;
	s5 =	simm.s32 $0xFFFFFFFF;
	p2 =	slt.u32 s8, $0xFFFFF086  }
0x1c: {  	p1 =	slt.u32 s9, $0xF7A;
	s5 =	simm.s32 @!p2 $0x0  }
0x1d: {  	s5 =	simm.s32 @p1 $0x1;
	p0 =	seq.s32 s7, s2  }
0x1e: {  	s7 =	smul.u32 @!p0 $0xF7A, s2;
	p2 =	seq.s32 @!p0 s5, $0x0  }
0x1f: {  	s9 =	smul.u32 $0xF7A, s1;
	s8 =	simm.s32 @!p0 $0x1BF5;
	p2 =	por !p2, p0  }
0x20: {  	[sflag:s8] =	ssyncset.s32 @!p0 $0xFFFFF086;
	s6 =	sadd.s32 @!p0 s3, s7;
	s7 =	simm.s32 @!p0 $0x108  }
0x21: {  	s3 =	sadd.s32 s3, s9;
	s6 =	sadd.s32 @!p0 $0x88, s6;
	s7 =	simm.s32 @p2 $0x1082  }
0x22: {  	[simem:s7], [sflag:s8] =	dma.local @!p0 [hbm:s6], $0xF7A  }
0x23: {  	s9 =	sor.u32 $0xD0000000, s2;
	s6 =	simm.s32 $0x108;
	_ =	swait.ge @!p0 [sflag:s8], $0x0  }
0x24: {  	s3 =	sadd.s32 $0x88, s3;
	s6 =	simm.s32 @!p1 $0x1082;
	[sflag:s4] =	ssyncset.s32 $0xFFFFF086  }
0x25: {  	[simem:s6], [sflag:s4] =	dma.local [hbm:s3], $0xF7A  }
0x26: {  	[smem:$0x3F97] =	sst s1;
	(tag) =	ssettag s2;
	_ =	strace s9  }
0x27: {  	s1 =	sld [smem:$0x3FA7]  }
0x28: {  	s2 =	sld [smem:$0x3FA8]  }
0x29: {  	s4 =	sld [smem:$0x3FAA]  }
0x2a: {  	p0 =	seq.s32 s5, $0x0;
	s5 =	sld [smem:$0x3FAB]  }
0x2b: {  	s6 =	sld [smem:$0x3FAC]  }
0x2c: {  	s7 =	sld [smem:$0x3FAD]  }
0x2d: {  	s3 =	simm.s32 $0x108;
	s8 =	sld [smem:$0x3FAE]  }
0x2e: {  	s3 =	simm.s32 @!p0 $0x1082;
	s9 =	sld [smem:$0x3FAF]  }
0x2f: {  	lr =	sadd.s32 s0, s3;
	s0 =	sld [smem:$0x3FA6]  }
0x30: {  	s3 =	sld [smem:$0x3FA9]  }
0x31: {  	[smem:$0x3FB2] =	sst s10  }
0x32: {  	s10 =	sld [smem:$0x3FB0];
	_ =	sdelay $0x3  }
0x33: {  	p0 =	seq.s32 s10, $0x1;
	s10 =	sld [smem:$0x3FB2];
	_ =	sdelay $0x3  }
0x34: {  	[smem:$0x3FB2] =	sst s10  }
0x35: {  	s10 =	sld [smem:$0x3FB1];
	_ =	sdelay $0x3  }
0x36: {  	p1 =	seq.s32 s10, $0x1;
	s10 =	sld [smem:$0x3FB2];
	_ =	sdelay $0x3  }
0x37: {  	[smem:$0x3FB2] =	sst s10  }
0x38: {  	s10 =	sld [smem:$0x3FB3]  }
0x39: {  	_ = 	snop;
	(pc) =	sbr.ind lr, $3  }
0x3a: {  	_ = 	snop  }
0x3b: {  	_ = 	snop  }
0x3c: {  	p2 =	seq.s32 s10, $0x1;
	s10 =	sld [smem:$0x3FB2]  }
0x3d: {  	_ =	shalt  }
0x3e: {  	_ =	shalt  }
0x3f: {  	_ =	shalt  }
0x40: {  	_ =	shalt  }
0x41: {  	_ =	shalt  }
0x42: {  	_ =	shalt  }
0x43: {  	_ =	shalt  }
0x44: {  	_ =	shalt  }
0x45: {  	_ =	shalt  }
0x46: {  	_ =	shalt  }
0x47: {  	_ =	shalt  }
0x48: {  	_ =	shalt  }
0x49: {  	_ =	shalt  }
0x4a: {  	_ =	shalt  }
0x4b: {  	_ =	shalt  }
0x4c: {  	_ =	shalt  }
0x4d: {  	_ =	shalt  }
0x4e: {  	_ =	shalt  }
0x4f: {  	_ =	shalt  }
0x50: {  	_ =	shalt  }
0x51: {  	_ =	shalt  }
0x52: {  	_ =	shalt  }
0x53: {  	_ =	shalt  }
0x54: {  	_ =	shalt  }
0x55: {  	_ =	shalt  }
0x56: {  	_ =	shalt  }
0x57: {  	_ =	shalt  }
0x58: {  	_ =	shalt  }
0x59: {  	_ =	shalt  }
0x5a: {  	_ =	shalt  }
0x5b: {  	_ =	shalt  }
0x5c: {  	_ =	shalt  }
0x5d: {  	_ =	shalt  }
0x5e: {  	_ =	shalt  }
0x5f: {  	_ =	shalt  }
0x60: {  	_ =	shalt  }
0x61: {  	_ =	shalt  }
0x62: {  	_ =	shalt  }
0x63: {  	_ =	shalt  }
0x64: {  	_ =	shalt  }
0x65: {  	_ =	shalt  }
0x66: {  	_ =	shalt  }
0x67: {  	_ =	shalt  }
0x68: {  	_ =	shalt  }
0x69: {  	_ =	shalt  }
0x6a: {  	_ =	shalt  }
0x6b: {  	_ =	shalt  }
0x6c: {  	_ =	shalt  }
0x6d: {  	_ =	shalt  }
0x6e: {  	_ =	shalt  }
0x6f: {  	_ =	shalt  }
0x70: {  	_ =	shalt  }
0x71: {  	_ =	shalt  }
0x72: {  	_ =	shalt  }
0x73: {  	_ =	shalt  }
0x74: {  	_ =	shalt  }
0x75: {  	_ =	shalt  }
0x76: {  	_ =	shalt  }
0x77: {  	_ =	shalt  }
0x78: {  	_ =	shalt  }
0x79: {  	_ =	shalt  }
0x7a: {  	_ =	shalt  }
0x7b: {  	_ =	shalt  }
0x7c: {  	_ =	shalt  }
0x7d: {  	_ =	shalt  }
0x7e: {  	_ =	shalt  }
0x7f: {  	_ =	shalt  }
0x80: {  	_ =	shalt  }
0x81: {  	_ =	shalt  }
0x82: {  	_ =	shalt  }
0x83: {  	_ =	shalt  }
0x84: {  	_ =	shalt  }
0x85: {  	_ =	shalt  }
0x86: {  	_ =	shalt  }
0x87: {  	_ =	shalt  }
.Lfunc_end0:
.L_simem_size_0:
called_computation.4_lowered:
.L_overlay_start_0:
0x88: {  	s2 =	sld [smem:$0x3FD9]  }
0x89: {  	s3 =	sld [smem:$0x3FFE];
	_ =	sdelay $0x1  }
0x8a: {  	s1 =	srdreg.scid  }
0x8b: {  	s0 =	sand.u32 $0x1, s1  }
0x8c: {  	s16 =	sshll.u32 s0, $0xA;
	s2 =	sadd.s32 s3, s2  }
0x8d: {  	s2 =	sadd.s32 s2, s16  }
0x8e: {  	[smem:$0x3FBE] =	sst s2  }
0x8f: {  	_ = 	snop  }
0x90: {  	(tm) =	ssettm $0x1  }
0x91: {  	s17 =	sld [smem:$0x3FFB];
	_ =	sdelay $0x3  }
0x92: {  	_ =	strace s17  }
0x93: {  	s2 =	sld [smem:$0x3FFC];
	_ =	sdelay $0x3  }
0x94: {  	_ =	strace s2  }
0x95: {  	s2 =	sld [smem:$0x3FFD];
	_ =	sdelay $0x3  }
0x96: {  	_ =	strace s2  }
0x97: {  	_ =	strace $0x8FFFFFFF  }
0x98: {  	s18 =	sld [smem:$0x3FDB];
	_ =	sdelay $0x1  }
0x99: {  	s19 =	simm.s32 $_scs_section_size  }
0x9a: {  	s4 =	simm.s32 $_size__tile_overlayer_lowered;
	s5 =	simm.s32 $_tile_overlayer_lowered  }
0x9b: {  	s22 =	simm.s32 $0x1BFF;
	s21 =	sshll.u32 s5, $0x1;
	s2 =	sadd.s32 s19, s18  }
0x9c: {  	s6 =	simm.s32 $0x0;
	s20 =	sshll.u32 s4, $0x1;
	s4 =	sadd.s32 s21, s2  }
0x9d: {  	[timem:s6], [sflag:s22] =	dma.local [hbm:s4], s20  }
0x9e: {  	_ =	swait.ge [sflag:s22], s20  }
0x9f: {  	s3 =	ssub.s32 $0x0, s20;
	[sflag:s22] =	ssyncset.done $0x0  }
0xa0: {  	[sflag:s22] =	ssyncadd.s32 s3;
	_ =	sdelay $0x1  }
0xa1: {  	s23 =	simm.s32 $0x1B8B  }
0xa2: {  	_ =	swait.ge [sflag:s23], $0x1  }
0xa3: {  	[sflag:s23] =	ssyncset.done $0x0  }
0xa4: {  	s25 =	simm.s32 $0x1B8E;
	s24 =	sld [smem:$0x3FFE];
	[sflag:s23] =	ssyncadd.s32 $0xFFFFFFFF  }
0xa5: {  	s26 =	simm.s32 $execute0_lowered;
	[smem:$0x3FD2] =	sst s25  }
0xa6: {  	s4 =	sshll.u32 s26, $0x1;
	_ =	strace $0x80000052;
	[dreg:$0x1] =	wrdreg $0xFFFFFFFF  }
0xa7: {  	s28 =	simm.s32 $_size_execute0_lowered;
	s2 =	sadd.s32 s2, s4;
	[dreg:$0x0] =	wrdreg $0x0  }
0xa8: {  	s4 =	sshll.u32 s28, $0x1;
	[dreg:$0x2] =	wrdreg s2  }
0xa9: {  	[dreg:$0x3] =	wrdreg s4  }
0xaa: {  	[dreg:$0x4] =	wrdreg $0xC0  }
0xab: {  	_ =	task [dreg:s6], $0x5FFFF  }
0xac: {  	[dreg:$0x1] =	wrdreg $0xFFFFFFFF  }
0xad: {  	[dreg:$0x0] =	wrdreg $0x60  }
0xae: {  	[dreg:$0x2] =	wrdreg s24  }
0xaf: {  	[dreg:$0x3] =	wrdreg $0x9  }
0xb0: {  	_ =	task.clear_ibuf [dreg:s6], $0x4FFFF;
	_ =	strace $0x90000052  }
0xb1: {  	s29 =	simm.s32 $0x9;
	_ =	strace $0x80000054  }
0xb2: {  	_ =	swait.ge [sflag:s29], $0x1  }
0xb3: {  	[sflag:s29] =	ssyncadd.s32 $0xFFFFFFFF  }
0xb4: {  	_ =	strace $0x90000054  }
0xb5: {  	_ =	sfence  }
0xb6: {  	s30 =	sld [smem:$0x0];
	_ =	sdelay $0x2  }
0xb7: {  	s31 =	sshll.u32 s1, $0xD;
	s1 =	sshrl.u32 s1, $0x2  }
0xb8: {  	s3 =	sand.u32 $0x4000, s31;
	s1 =	sadd.s32 s1, s30  }
0xb9: {  	s0 =	sor.u32 s3, s0;
	s1 =	sshll.u32 s1, $0x11  }
0xba: {  	s0 =	sor.u32 s1, s0  }
0xbb: {  	s0 =	sadd.s32 $0x8F2B, s0  }
0xbc: {  	[sflag:s0] =	ssyncadd.remote.s32 $0x1  }
0xbd: {  	_ =	sfence.sel $0xFFFF  }
0xbe: {  	[dreg:$0x0] =	wrdreg $0xFFFFFFFF;
	(pc) =	sbr.abs _section_cstart, $3  }
0xbf: {  	[dreg:$0x1] =	wrdreg $0xFFFFFFFF  }
0xc0: {  	_ =	task.clear_ibuf [dreg:s6], $0x2FFFF;
	_ =	strace $0x9FFFFFFF  }
0xc1: {  	(tm) =	ssettm $0x7FFFFFFF  }
tec
execute0_lowered:
.L_overlay_start_1:
0x0: {  	(tag) =	ssettag $0x1  }
0x1: {  	s1 =	srdreg.scid  }
0x2: {  	s0 =	stileid.u32;
	s4 =	rddreg [dreg:$0x0]  }
0x3: {  	s2 =	simm.s32 $0x0;
	s10 =	simm.s32 $0x3400;
	s11 =	simm.s32 $0x5400  }
0x4: {  	s12 =	simm.s32 $0x7400;
	s13 =	simm.s32 $0x9400;
	s14 =	simm.s32 $0xB400  }
0x5: {  	s15 =	simm.s32 $0xD400;
	s16 =	simm.s32 $0xF400;
	s17 =	simm.s32 $0x1  }
0x6: {  	s18 =	simm.s32 $0x0;
	s5 =	sand.u32 $0x1, s1;
	s1 =	rddreg [dreg:$0x1]  }
0x7: {  	s3 =	sshll.u32 s0, $0x1;
	[smem:$0x7FF] =	sst s2;
	s7 =	smul.u32 $0x14000, s0  }
0x8: {  	s3 =	sor.u32 s5, s3;
	s8 =	ssub.s32 $0x2, s5;
	s5 =	smul.u32 $0xA000, s5  }
0x9: {  	_ =	strace $0x80000053;
	s6 =	smul.u32 $0x1400, s3;
	s9 =	sshrl.u32 s8, $0x1  }
0xa: {  	s3 =	sadd.s32 $0xB000, s4;
	s7 =	sadd.s32 s7, s4;
	s31 =	ssub.s32 s8, s9  }
0xb: {  	s7 =	sadd.s32 s5, s7;
	s8 =	simm.s32 $0x80;
	s6 =	sshrl.u32 s6, $0x3  }
0xc: {  	s9 =	simm.s32 $0x1400;
	s5 =	smax.u32 s31, $0x1;
	s4 =	sadd.s32 s6, s4  }
0xd: {  	s6 =	sadd.s32 $0x1B000, s7;
	s7 =	simm.s32 $0x2;
	s4 =	sadd.s32 $0x6000, s4  }
.LBB2_1:
0xe: {  	[tilespmem:s2], [sflag:$0x2] =	stream.linear.gather [hbm4b:s4+s2], $0x1400, $0x38;
	[tilespmem:$0x11400] =	vst v63  }
0xf: {  	_ =	swait.ge [sflag:s7], $0x1400  }
0x10: {  	[sflag:s7] =	ssyncset.done $0x0  }
0x11: {  	s19 =	simm.s32 $0x0;
	[sflag:s7] =	ssyncadd.s32 $0xFFFFEC00  }
0x12: {  	[tilespmem:s9], [sflag:$0x1] =	stream.indirect.gather [hbm4b:s3+s8], $0x40, s19, s8, $0xb8;
	[tilespmem:$0x11400] =	vst v63  }
0x13: {  	s24 =	simm.s32 $0x80  }
0x14: {  	[tilespmem:s10], [sflag:$0x1] =	stream.indirect.gather [hbm4b:s3+s8], $0x40, s24, s8, $0xb8;
	[tilespmem:$0x11400] =	vst v63  }
0x15: {  	s25 =	simm.s32 $0x100  }
0x16: {  	[tilespmem:s11], [sflag:$0x1] =	stream.indirect.gather [hbm4b:s3+s8], $0x40, s25, s8, $0xb8;
	[tilespmem:$0x11400] =	vst v63  }
0x17: {  	s26 =	simm.s32 $0x180  }
0x18: {  	[tilespmem:s12], [sflag:$0x1] =	stream.indirect.gather [hbm4b:s3+s8], $0x40, s26, s8, $0xb8;
	[tilespmem:$0x11400] =	vst v63  }
0x19: {  	s28 =	simm.s32 $0x200  }
0x1a: {  	[tilespmem:s13], [sflag:$0x1] =	stream.indirect.gather [hbm4b:s3+s8], $0x40, s28, s8, $0xb8;
	[tilespmem:$0x11400] =	vst v63  }
0x1b: {  	s29 =	simm.s32 $0x280  }
0x1c: {  	[tilespmem:s14], [sflag:$0x1] =	stream.indirect.gather [hbm4b:s3+s8], $0x40, s29, s8, $0xb8;
	[tilespmem:$0x11400] =	vst v63  }
0x1d: {  	s30 =	simm.s32 $0x300  }
0x1e: {  	[tilespmem:s15], [sflag:$0x1] =	stream.indirect.gather [hbm4b:s3+s8], $0x40, s30, s8, $0xb8;
	[tilespmem:$0x11400] =	vst v63  }
0x1f: {  	s31 =	simm.s32 $0x380  }
0x20: {  	[tilespmem:s16], [sflag:$0x1] =	stream.indirect.gather [hbm4b:s3+s8], $0x40, s31, s8, $0xb8;
	[tilespmem:$0x11400] =	vst v63  }
0x21: {  	_ =	swait.ge [sflag:s17], $0x2000  }
0x22: {  	[sflag:s17] =	ssyncset.done $0x0  }
0x23: {  	[sflag:s17] =	ssyncadd.s32 $0xFFFFE000  }
0x24: {  	_ =	swait.ge [sflag:s17], $0x2000  }
0x25: {  	[sflag:s17] =	ssyncset.done $0x0  }
0x26: {  	[sflag:s17] =	ssyncadd.s32 $0xFFFFE000  }
0x27: {  	_ =	swait.ge [sflag:s17], $0x2000  }
0x28: {  	[sflag:s17] =	ssyncset.done $0x0  }
0x29: {  	[sflag:s17] =	ssyncadd.s32 $0xFFFFE000  }
0x2a: {  	_ =	swait.ge [sflag:s17], $0x2000  }
0x2b: {  	[sflag:s17] =	ssyncset.done $0x0  }
0x2c: {  	[sflag:s17] =	ssyncadd.s32 $0xFFFFE000  }
0x2d: {  	_ =	swait.ge [sflag:s17], $0x2000  }
0x2e: {  	[sflag:s17] =	ssyncset.done $0x0  }
0x2f: {  	[sflag:s17] =	ssyncadd.s32 $0xFFFFE000  }
0x30: {  	_ =	swait.ge [sflag:s17], $0x2000  }
0x31: {  	[sflag:s17] =	ssyncset.done $0x0  }
0x32: {  	[sflag:s17] =	ssyncadd.s32 $0xFFFFE000  }
0x33: {  	_ =	swait.ge [sflag:s17], $0x2000  }
0x34: {  	[sflag:s17] =	ssyncset.done $0x0  }
0x35: {  	[sflag:s17] =	ssyncadd.s32 $0xFFFFE000  }
0x36: {  	_ =	swait.ge [sflag:s17], $0x2000  }
0x37: {  	[sflag:s17] =	ssyncset.done $0x0  }
0x38: {  	[sflag:s17] =	ssyncadd.s32 $0xFFFFE000  }
0x39: {  	[hbm4b:s6+s2] =	stream.linear.scatter [tilespmem:s9], [sflag:$0x2], $0x10000, $0x38;
	[tilespmem:$0x11400] =	vst v63  }
0x3a: {  	s20 =	simm.s32 $0x1000;
	_ =	swait.ge [sflag:s7], $0x10000  }
0x3b: {  	s22 =	simm.s32 $0x2000;
	s19 =	sadd.s32 $0x2000, s6;
	[sflag:s7] =	ssyncset.done $0x0  }
.LBB2_2:
0x3c: {  	s23 =	sshra.s32 s20, $0x2  }
0x3d: {  	[sflag:s7] =	ssyncadd.s32 $0xFFFF0000;
	s20 =	smov.u32 s22;
	s21 =	sadd.s32 $0x1000, s22  }
0x3e: {  	[tilespmem:s9], [sflag:$0x1] =	stream.indirect.gather [hbm4b:s3+s8], $0x40, s23, s8, $0xb8;
	[tilespmem:$0x11400] =	vst v63  }
0x3f: {  	p0 =	sne.s32 s22, $0x4000;
	s22 =	sadd.s32 $0x80, s23  }
0x40: {  	[tilespmem:s10], [sflag:$0x1] =	stream.indirect.gather [hbm4b:s3+s8], $0x40, s22, s8, $0xb8;
	[tilespmem:$0x11400] =	vst v63  }
0x41: {  	s22 =	sadd.s32 $0x100, s23  }
0x42: {  	[tilespmem:s11], [sflag:$0x1] =	stream.indirect.gather [hbm4b:s3+s8], $0x40, s22, s8, $0xb8;
	[tilespmem:$0x11400] =	vst v63  }
0x43: {  	s22 =	sadd.s32 $0x180, s23  }
0x44: {  	[tilespmem:s12], [sflag:$0x1] =	stream.indirect.gather [hbm4b:s3+s8], $0x40, s22, s8, $0xb8;
	[tilespmem:$0x11400] =	vst v63  }
0x45: {  	s22 =	sadd.s32 $0x200, s23  }
0x46: {  	[tilespmem:s13], [sflag:$0x1] =	stream.indirect.gather [hbm4b:s3+s8], $0x40, s22, s8, $0xb8;
	[tilespmem:$0x11400] =	vst v63  }
0x47: {  	s22 =	sadd.s32 $0x280, s23  }
0x48: {  	[tilespmem:s14], [sflag:$0x1] =	stream.indirect.gather [hbm4b:s3+s8], $0x40, s22, s8, $0xb8;
	[tilespmem:$0x11400] =	vst v63  }
0x49: {  	s22 =	sadd.s32 $0x300, s23  }
0x4a: {  	[tilespmem:s15], [sflag:$0x1] =	stream.indirect.gather [hbm4b:s3+s8], $0x40, s22, s8, $0xb8;
	[tilespmem:$0x11400] =	vst v63  }
0x4b: {  	s22 =	sadd.s32 $0x380, s23  }
0x4c: {  	[tilespmem:s16], [sflag:$0x1] =	stream.indirect.gather [hbm4b:s3+s8], $0x40, s22, s8, $0xb8;
	[tilespmem:$0x11400] =	vst v63  }
0x4d: {  	_ =	swait.ge [sflag:s17], $0x2000  }
0x4e: {  	[sflag:s17] =	ssyncset.done $0x0  }
0x4f: {  	[sflag:s17] =	ssyncadd.s32 $0xFFFFE000  }
0x50: {  	_ =	swait.ge [sflag:s17], $0x2000  }
0x51: {  	[sflag:s17] =	ssyncset.done $0x0  }
0x52: {  	[sflag:s17] =	ssyncadd.s32 $0xFFFFE000  }
0x53: {  	_ =	swait.ge [sflag:s17], $0x2000  }
0x54: {  	[sflag:s17] =	ssyncset.done $0x0  }
0x55: {  	[sflag:s17] =	ssyncadd.s32 $0xFFFFE000  }
0x56: {  	_ =	swait.ge [sflag:s17], $0x2000  }
0x57: {  	[sflag:s17] =	ssyncset.done $0x0  }
0x58: {  	[sflag:s17] =	ssyncadd.s32 $0xFFFFE000  }
0x59: {  	_ =	swait.ge [sflag:s17], $0x2000  }
0x5a: {  	[sflag:s17] =	ssyncset.done $0x0  }
0x5b: {  	[sflag:s17] =	ssyncadd.s32 $0xFFFFE000  }
0x5c: {  	_ =	swait.ge [sflag:s17], $0x2000  }
0x5d: {  	[sflag:s17] =	ssyncset.done $0x0  }
0x5e: {  	[sflag:s17] =	ssyncadd.s32 $0xFFFFE000  }
0x5f: {  	_ =	swait.ge [sflag:s17], $0x2000  }
0x60: {  	[sflag:s17] =	ssyncset.done $0x0  }
0x61: {  	[sflag:s17] =	ssyncadd.s32 $0xFFFFE000  }
0x62: {  	_ =	swait.ge [sflag:s17], $0x2000  }
.Ltmp0:
0x63: {  	[sflag:s17] =	ssyncset.done $0x0;
	(pc) =	sbr.rel @p0 .LBB2_2-.Ltmp0, $4  }
0x64: {  	[sflag:s17] =	ssyncadd.s32 $0xFFFFE000  }
0x65: {  	[hbm4b:s19+s2] =	stream.linear.scatter [tilespmem:s9], [sflag:$0x2], $0x10000, $0x38;
	[tilespmem:$0x11400] =	vst v63  }
0x66: {  	_ =	swait.ge [sflag:s7], $0x10000  }
0x67: {  	s22 =	smov.u32 s21;
	s19 =	sadd.s32 $0x2000, s19;
	[sflag:s7] =	ssyncset.done $0x0  }
0x68: {  	s20 =	sshra.s32 s20, $0x2;
	[sflag:s7] =	ssyncadd.s32 $0xFFFF0000  }
0x69: {  	[tilespmem:s9], [sflag:$0x1] =	stream.indirect.gather [hbm4b:s3+s8], $0x40, s20, s8, $0xb8;
	[tilespmem:$0x11400] =	vst v63  }
0x6a: {  	s21 =	sadd.s32 $0x80, s20  }
0x6b: {  	[tilespmem:s10], [sflag:$0x1] =	stream.indirect.gather [hbm4b:s3+s8], $0x40, s21, s8, $0xb8;
	[tilespmem:$0x11400] =	vst v63  }
0x6c: {  	s26 =	sadd.s32 $0x100, s20  }
0x6d: {  	[tilespmem:s11], [sflag:$0x1] =	stream.indirect.gather [hbm4b:s3+s8], $0x40, s26, s8, $0xb8;
	[tilespmem:$0x11400] =	vst v63  }
0x6e: {  	s28 =	sadd.s32 $0x180, s20  }
0x6f: {  	[tilespmem:s12], [sflag:$0x1] =	stream.indirect.gather [hbm4b:s3+s8], $0x40, s28, s8, $0xb8;
	[tilespmem:$0x11400] =	vst v63  }
0x70: {  	s29 =	sadd.s32 $0x200, s20  }
0x71: {  	[tilespmem:s13], [sflag:$0x1] =	stream.indirect.gather [hbm4b:s3+s8], $0x40, s29, s8, $0xb8;
	[tilespmem:$0x11400] =	vst v63  }
0x72: {  	s30 =	sadd.s32 $0x280, s20  }
0x73: {  	[tilespmem:s14], [sflag:$0x1] =	stream.indirect.gather [hbm4b:s3+s8], $0x40, s30, s8, $0xb8;
	[tilespmem:$0x11400] =	vst v63  }
0x74: {  	s31 =	sadd.s32 $0x300, s20  }
0x75: {  	[tilespmem:s15], [sflag:$0x1] =	stream.indirect.gather [hbm4b:s3+s8], $0x40, s31, s8, $0xb8;
	[tilespmem:$0x11400] =	vst v63  }
0x76: {  	s20 =	sadd.s32 $0x380, s20  }
0x77: {  	[tilespmem:s16], [sflag:$0x1] =	stream.indirect.gather [hbm4b:s3+s8], $0x40, s20, s8, $0xb8;
	[tilespmem:$0x11400] =	vst v63  }
0x78: {  	_ =	swait.ge [sflag:s17], $0x2000  }
0x79: {  	[sflag:s17] =	ssyncset.done $0x0  }
0x7a: {  	[sflag:s17] =	ssyncadd.s32 $0xFFFFE000  }
0x7b: {  	_ =	swait.ge [sflag:s17], $0x2000  }
0x7c: {  	[sflag:s17] =	ssyncset.done $0x0  }
0x7d: {  	[sflag:s17] =	ssyncadd.s32 $0xFFFFE000  }
0x7e: {  	_ =	swait.ge [sflag:s17], $0x2000  }
0x7f: {  	[sflag:s17] =	ssyncset.done $0x0  }
0x80: {  	[sflag:s17] =	ssyncadd.s32 $0xFFFFE000  }
0x81: {  	_ =	swait.ge [sflag:s17], $0x2000  }
0x82: {  	[sflag:s17] =	ssyncset.done $0x0  }
0x83: {  	[sflag:s17] =	ssyncadd.s32 $0xFFFFE000  }
0x84: {  	_ =	swait.ge [sflag:s17], $0x2000  }
0x85: {  	[sflag:s17] =	ssyncset.done $0x0  }
0x86: {  	[sflag:s17] =	ssyncadd.s32 $0xFFFFE000  }
0x87: {  	_ =	swait.ge [sflag:s17], $0x2000  }
0x88: {  	[sflag:s17] =	ssyncset.done $0x0  }
0x89: {  	[sflag:s17] =	ssyncadd.s32 $0xFFFFE000  }
0x8a: {  	_ =	swait.ge [sflag:s17], $0x2000  }
0x8b: {  	[sflag:s17] =	ssyncset.done $0x0  }
0x8c: {  	[sflag:s17] =	ssyncadd.s32 $0xFFFFE000  }
0x8d: {  	s18 =	sadd.s32 $0x1, s18;
	_ =	swait.ge [sflag:s17], $0x2000  }
0x8e: {  	p0 =	sne.s32 s18, s5;
	[sflag:s17] =	ssyncset.done $0x0  }
.Ltmp1:
0x8f: {  	[sflag:s17] =	ssyncadd.s32 $0xFFFFE000;
	(pc) =	sbr.rel @p0 .LBB2_1-.Ltmp1, $4  }
0x90: {  	[hbm4b:s19+s2] =	stream.linear.scatter [tilespmem:s9], [sflag:$0x2], $0x10000, $0x38;
	[tilespmem:$0x11400] =	vst v63  }
0x91: {  	_ =	swait.ge [sflag:s7], $0x10000  }
0x92: {  	[sflag:s7] =	ssyncset.done $0x0  }
0x93: {  	[sflag:s7] =	ssyncadd.s32 $0xFFFF0000  }
0x94: {  	_ =	sfence.sel $0x180000  }
0x95: {  	[bflag:$0x0] =	sbarrier.arrive $0xFFFF  }
0x96: {  	p0 =	sne.s32 s0, $0x0;
	_ =	strace $0x90000053  }
0x97: {  	s0 =	sadd.s32 @!p0 $0x100000, s1;
	[bflag:$0x2] =	sbarrier.arrive $0xFFFF  }
0x98: {  	[sflag:s0] =	ssyncadd.tile.s32 @!p0 $0x1;
	_ =	shalt  }
.Lfunc_end2:
_tile_overlayer_lowered:
.L_overlay_start_2:
0x99: {  	(tag) =	ssettag $0x2  }
0x9a: {  	s0 =	rddreg [dreg:$0x0];
	s2 =	stileid.u32  }
0x9b: {  	s1 =	rddreg [dreg:$0x1];
	p0 =	sne.s32 s2, $0x0  }
0x9c: {  	s3 =	rddreg [dreg:$0x2];
	[bflag:$0x3] =	sbarrier.arrive $0xFFFF;
	s2 =	simm.s32 @!p0 $0x1C02  }
0x9d: {  	[timem:s3], [sflag:s2] =	dma.local @!p0 [hbm:s0], s1  }
0x9e: {  	s0 =	simm.s32 @!p0 $0x2  }
0x9f: {  	_ =	swait.ge @!p0 [sflag:s0], s1  }
0xa0: {  	s1 =	ssub.s32 @!p0 $0x0, s1;
	[sflag:s0] =	ssyncset.done @!p0 $0x0  }
0xa1: {  	[sflag:s0] =	ssyncadd.s32 @!p0 s1  }
0xa2: {  	[bflag:$0x3] =	sbarrier.arrive $0xFFFF  }
0xa3: {  	_ =	shalt  }

// kernel: kernel.38.cloned.1.call-start
scs
__scs_entry_jumppad:
0x0: {  	(pc) =	sbr.rel $0x88, $3  }
0x1: {  	(tag) =	ssettag $0x0;
	lr =	simm.s32 $0x1  }
0x2: {  	[smem:$0x3F97] =	sst lr;
	_ =	strace $0xD0000000  }
0x3: {  	_ = 	snop  }
0x4: {  	_ = 	snop  }
0x5: {  	_ = 	snop  }
0x6: {  	_ = 	snop  }
0x7: {  	_ = 	snop  }
__scs_overlays_trampoline_lowered:
0x8: {  	[smem:$0x3FA6] =	sst s0  }
0x9: {  	[smem:$0x3FA7] =	sst s1  }
0xa: {  	[smem:$0x3FA8] =	sst s2  }
0xb: {  	[smem:$0x3FA9] =	sst s3  }
0xc: {  	[smem:$0x3FAA] =	sst s4  }
0xd: {  	[smem:$0x3FAB] =	sst s5  }
0xe: {  	[smem:$0x3FAC] =	sst s6  }
0xf: {  	[smem:$0x3FAD] =	sst s7  }
0x10: {  	[smem:$0x3FAE] =	sst s8  }
0x11: {  	[smem:$0x3FAF] =	sst s9;
	s0 =	simm.s32 @!p0 $0x0  }
0x12: {  	s1 =	sld [smem:$0x3F95];
	s0 =	simm.s32 @p0 $0x1  }
0x13: {  	[smem:$0x3FB0] =	sst s0;
	s0 =	simm.s32 @!p1 $0x0  }
0x14: {  	s2 =	sld [smem:$0x3F94];
	s0 =	simm.s32 @p1 $0x1  }
0x15: {  	[smem:$0x3FB1] =	sst s0;
	s0 =	simm.s32 @!p2 $0x0  }
0x16: {  	s3 =	sld [smem:$0x3FDB];
	s0 =	simm.s32 @p2 $0x1  }
0x17: {  	s4 =	simm.s32 $0x1BF5;
	[smem:$0x3FB3] =	sst s0  }
0x18: {  	s0 =	sld [smem:$0x3F96];
	_ =	swait.ge [sflag:s4], $0x0  }
0x19: {  	s7 =	sld [smem:$0x3F97]  }
0x1a: {  	s8 =	sadd.s32 $0xFFFFE003, lr  }
0x1b: {  	s9 =	sadd.s32 $0xFFFFFEF7, lr;
	s5 =	simm.s32 $0xFFFFFFFF;
	p2 =	slt.u32 s8, $0xFFFFF086  }
0x1c: {  	p1 =	slt.u32 s9, $0xF7A;
	s5 =	simm.s32 @!p2 $0x0  }
0x1d: {  	s5 =	simm.s32 @p1 $0x1;
	p0 =	seq.s32 s7, s2  }
0x1e: {  	s7 =	smul.u32 @!p0 $0xF7A, s2;
	p2 =	seq.s32 @!p0 s5, $0x0  }
0x1f: {  	s9 =	smul.u32 $0xF7A, s1;
	s8 =	simm.s32 @!p0 $0x1BF5;
	p2 =	por !p2, p0  }
0x20: {  	[sflag:s8] =	ssyncset.s32 @!p0 $0xFFFFF086;
	s6 =	sadd.s32 @!p0 s3, s7;
	s7 =	simm.s32 @!p0 $0x108  }
0x21: {  	s3 =	sadd.s32 s3, s9;
	s6 =	sadd.s32 @!p0 $0x88, s6;
	s7 =	simm.s32 @p2 $0x1082  }
0x22: {  	[simem:s7], [sflag:s8] =	dma.local @!p0 [hbm:s6], $0xF7A  }
0x23: {  	s9 =	sor.u32 $0xD0000000, s2;
	s6 =	simm.s32 $0x108;
	_ =	swait.ge @!p0 [sflag:s8], $0x0  }
0x24: {  	s3 =	sadd.s32 $0x88, s3;
	s6 =	simm.s32 @!p1 $0x1082;
	[sflag:s4] =	ssyncset.s32 $0xFFFFF086  }
0x25: {  	[simem:s6], [sflag:s4] =	dma.local [hbm:s3], $0xF7A  }
0x26: {  	[smem:$0x3F97] =	sst s1;
	(tag) =	ssettag s2;
	_ =	strace s9  }
0x27: {  	s1 =	sld [smem:$0x3FA7]  }
0x28: {  	s2 =	sld [smem:$0x3FA8]  }
0x29: {  	s4 =	sld [smem:$0x3FAA]  }
0x2a: {  	p0 =	seq.s32 s5, $0x0;
	s5 =	sld [smem:$0x3FAB]  }
0x2b: {  	s6 =	sld [smem:$0x3FAC]  }
0x2c: {  	s7 =	sld [smem:$0x3FAD]  }
0x2d: {  	s3 =	simm.s32 $0x108;
	s8 =	sld [smem:$0x3FAE]  }
0x2e: {  	s3 =	simm.s32 @!p0 $0x1082;
	s9 =	sld [smem:$0x3FAF]  }
0x2f: {  	lr =	sadd.s32 s0, s3;
	s0 =	sld [smem:$0x3FA6]  }
0x30: {  	s3 =	sld [smem:$0x3FA9]  }
0x31: {  	[smem:$0x3FB2] =	sst s10  }
0x32: {  	s10 =	sld [smem:$0x3FB0];
	_ =	sdelay $0x3  }
0x33: {  	p0 =	seq.s32 s10, $0x1;
	s10 =	sld [smem:$0x3FB2];
	_ =	sdelay $0x3  }
0x34: {  	[smem:$0x3FB2] =	sst s10  }
0x35: {  	s10 =	sld [smem:$0x3FB1];
	_ =	sdelay $0x3  }
0x36: {  	p1 =	seq.s32 s10, $0x1;
	s10 =	sld [smem:$0x3FB2];
	_ =	sdelay $0x3  }
0x37: {  	[smem:$0x3FB2] =	sst s10  }
0x38: {  	s10 =	sld [smem:$0x3FB3]  }
0x39: {  	_ = 	snop;
	(pc) =	sbr.ind lr, $3  }
0x3a: {  	_ = 	snop  }
0x3b: {  	_ = 	snop  }
0x3c: {  	p2 =	seq.s32 s10, $0x1;
	s10 =	sld [smem:$0x3FB2]  }
0x3d: {  	_ =	shalt  }
0x3e: {  	_ =	shalt  }
0x3f: {  	_ =	shalt  }
0x40: {  	_ =	shalt  }
0x41: {  	_ =	shalt  }
0x42: {  	_ =	shalt  }
0x43: {  	_ =	shalt  }
0x44: {  	_ =	shalt  }
0x45: {  	_ =	shalt  }
0x46: {  	_ =	shalt  }
0x47: {  	_ =	shalt  }
0x48: {  	_ =	shalt  }
0x49: {  	_ =	shalt  }
0x4a: {  	_ =	shalt  }
0x4b: {  	_ =	shalt  }
0x4c: {  	_ =	shalt  }
0x4d: {  	_ =	shalt  }
0x4e: {  	_ =	shalt  }
0x4f: {  	_ =	shalt  }
0x50: {  	_ =	shalt  }
0x51: {  	_ =	shalt  }
0x52: {  	_ =	shalt  }
0x53: {  	_ =	shalt  }
0x54: {  	_ =	shalt  }
0x55: {  	_ =	shalt  }
0x56: {  	_ =	shalt  }
0x57: {  	_ =	shalt  }
0x58: {  	_ =	shalt  }
0x59: {  	_ =	shalt  }
0x5a: {  	_ =	shalt  }
0x5b: {  	_ =	shalt  }
0x5c: {  	_ =	shalt  }
0x5d: {  	_ =	shalt  }
0x5e: {  	_ =	shalt  }
0x5f: {  	_ =	shalt  }
0x60: {  	_ =	shalt  }
0x61: {  	_ =	shalt  }
0x62: {  	_ =	shalt  }
0x63: {  	_ =	shalt  }
0x64: {  	_ =	shalt  }
0x65: {  	_ =	shalt  }
0x66: {  	_ =	shalt  }
0x67: {  	_ =	shalt  }
0x68: {  	_ =	shalt  }
0x69: {  	_ =	shalt  }
0x6a: {  	_ =	shalt  }
0x6b: {  	_ =	shalt  }
0x6c: {  	_ =	shalt  }
0x6d: {  	_ =	shalt  }
0x6e: {  	_ =	shalt  }
0x6f: {  	_ =	shalt  }
0x70: {  	_ =	shalt  }
0x71: {  	_ =	shalt  }
0x72: {  	_ =	shalt  }
0x73: {  	_ =	shalt  }
0x74: {  	_ =	shalt  }
0x75: {  	_ =	shalt  }
0x76: {  	_ =	shalt  }
0x77: {  	_ =	shalt  }
0x78: {  	_ =	shalt  }
0x79: {  	_ =	shalt  }
0x7a: {  	_ =	shalt  }
0x7b: {  	_ =	shalt  }
0x7c: {  	_ =	shalt  }
0x7d: {  	_ =	shalt  }
0x7e: {  	_ =	shalt  }
0x7f: {  	_ =	shalt  }
0x80: {  	_ =	shalt  }
0x81: {  	_ =	shalt  }
0x82: {  	_ =	shalt  }
0x83: {  	_ =	shalt  }
0x84: {  	_ =	shalt  }
0x85: {  	_ =	shalt  }
0x86: {  	_ =	shalt  }
0x87: {  	_ =	shalt  }
.Lfunc_end0:
.L_simem_size_0:
called_computation.5_lowered:
.L_overlay_start_0:
0x88: {  	s2 =	sld [smem:$0x3FD9]  }
0x89: {  	s3 =	sld [smem:$0x3FFE];
	_ =	sdelay $0x1  }
0x8a: {  	s1 =	srdreg.scid  }
0x8b: {  	s0 =	sand.u32 $0x1, s1  }
0x8c: {  	s17 =	sshll.u32 s0, $0xA;
	s2 =	sadd.s32 s3, s2  }
0x8d: {  	s2 =	sadd.s32 s2, s17  }
0x8e: {  	[smem:$0x3FBE] =	sst s2  }
0x8f: {  	_ = 	snop  }
0x90: {  	(tm) =	ssettm $0x1  }
0x91: {  	s18 =	sld [smem:$0x3FFB];
	_ =	sdelay $0x3  }
0x92: {  	_ =	strace s18  }
0x93: {  	s2 =	sld [smem:$0x3FFC];
	_ =	sdelay $0x3  }
0x94: {  	_ =	strace s2  }
0x95: {  	s2 =	sld [smem:$0x3FFD];
	_ =	sdelay $0x3  }
0x96: {  	_ =	strace s2  }
0x97: {  	_ =	strace $0x8FFFFFFF  }
0x98: {  	s19 =	sld [smem:$0x3FDB];
	_ =	sdelay $0x1  }
0x99: {  	s20 =	simm.s32 $_scs_section_size  }
0x9a: {  	s4 =	simm.s32 $_size__tile_overlayer_lowered;
	s5 =	simm.s32 $_tile_overlayer_lowered  }
0x9b: {  	s6 =	simm.s32 $0x1BFF;
	s21 =	sshll.u32 s5, $0x1;
	s3 =	sadd.s32 s20, s19  }
0x9c: {  	s22 =	simm.s32 $0x0;
	s4 =	sshll.u32 s4, $0x1;
	s5 =	sadd.s32 s21, s3  }
0x9d: {  	[timem:s22], [sflag:s6] =	dma.local [hbm:s5], s4  }
0x9e: {  	_ =	swait.ge [sflag:s6], s4  }
0x9f: {  	s4 =	ssub.s32 $0x0, s4;
	[sflag:s6] =	ssyncset.done $0x0  }
0xa0: {  	[sflag:s6] =	ssyncadd.s32 s4;
	_ =	sdelay $0x1  }
0xa1: {  	s23 =	simm.s32 $0x1B8B  }
0xa2: {  	_ =	swait.ge [sflag:s23], $0x1  }
0xa3: {  	[sflag:s23] =	ssyncset.done $0x0  }
0xa4: {  	[sflag:s23] =	ssyncadd.s32 $0xFFFFFFFF  }
0xa5: {  	s4 =	sld [smem:$0x0]  }
0xa6: {  	s5 =	sand.u32 $0xFFFFFFFE, s1  }
0xa7: {  	p0 =	sne.s32 s1, s5  }
0xa8: {  	s5 =	sshll.u32 @p0 s5, $0xE  }
0xa9: {  	s5 =	sadd.s32 @p0 $0x11B8D, s5;
	s6 =	sshll.u32 @p0 s4, $0x11  }
0xaa: {  	s5 =	sor.u32 @p0 s6, s5  }
0xab: {  	[sflag:s5] =	ssyncadd.remote.s32 @p0 $0x1;
	_ =	sdelay $0x1  }
0xac: {  	s5 =	simm.s32 @p0 $0x1B8D  }
0xad: {  	_ =	swait.eq @p0 [sflag:s5], $0x1  }
0xae: {  	[sflag:s5] =	ssyncadd.s32 @p0 $0xFFFFFFFF  }
0xaf: {  	s6 =	sshll.u32 @!p0 s1, $0xE  }
0xb0: {  	s6 =	sor.u32 @!p0 $0x4000, s6;
	s5 =	simm.s32 @!p0 $0x1B8D  }
0xb1: {  	s4 =	sshll.u32 @!p0 s4, $0x11;
	s6 =	sadd.s32 @!p0 $0x11B8D, s6;
	_ =	swait.eq @!p0 [sflag:s5], $0x1  }
0xb2: {  	s4 =	sor.u32 @!p0 s4, s6;
	[sflag:s5] =	ssyncadd.s32 @!p0 $0xFFFFFFFF  }
0xb3: {  	s25 =	simm.s32 $0x1B8E;
	s24 =	sld [smem:$0x3FFE];
	[sflag:s4] =	ssyncadd.remote.s32 @!p0 $0x1  }
0xb4: {  	s26 =	simm.s32 $execute0_lowered;
	[smem:$0x3FD2] =	sst s25  }
0xb5: {  	s5 =	sshll.u32 s26, $0x1;
	_ =	strace $0x80000055;
	[dreg:$0x1] =	wrdreg $0xFFFFFFFF  }
0xb6: {  	s28 =	simm.s32 $_size_execute0_lowered;
	s3 =	sadd.s32 s3, s5;
	[dreg:$0x0] =	wrdreg $0x0  }
0xb7: {  	s5 =	sshll.u32 s28, $0x1;
	[dreg:$0x2] =	wrdreg s3  }
0xb8: {  	[dreg:$0x3] =	wrdreg s5  }
0xb9: {  	[dreg:$0x4] =	wrdreg $0xC0  }
0xba: {  	_ =	task [dreg:s22], $0x5FFFF  }
0xbb: {  	[dreg:$0x1] =	wrdreg $0xFFFFFFFF  }
0xbc: {  	[dreg:$0x0] =	wrdreg $0x60  }
0xbd: {  	[dreg:$0x2] =	wrdreg s24  }
0xbe: {  	[dreg:$0x3] =	wrdreg $0xA  }
0xbf: {  	_ =	task.clear_ibuf [dreg:s22], $0x4FFFF;
	_ =	strace $0x90000055  }
0xc0: {  	s29 =	simm.s32 $0xA;
	_ =	strace $0x80000057  }
0xc1: {  	_ =	swait.ge [sflag:s29], $0x1  }
0xc2: {  	[sflag:s29] =	ssyncadd.s32 $0xFFFFFFFF  }
0xc3: {  	_ =	strace $0x90000057  }
0xc4: {  	_ =	sfence  }
0xc5: {  	s30 =	sld [smem:$0x0];
	_ =	sdelay $0x2  }
0xc6: {  	s31 =	sshll.u32 s1, $0xD;
	s1 =	sshrl.u32 s1, $0x2  }
0xc7: {  	s4 =	sand.u32 $0x4000, s31;
	s1 =	sadd.s32 s1, s30  }
0xc8: {  	s0 =	sor.u32 s4, s0;
	s1 =	sshll.u32 s1, $0x11  }
0xc9: {  	s0 =	sor.u32 s1, s0  }
0xca: {  	s0 =	sadd.s32 $0x8F2B, s0  }
0xcb: {  	[sflag:s0] =	ssyncadd.remote.s32 $0x1  }
0xcc: {  	_ =	sfence.sel $0xFFFF  }
0xcd: {  	[dreg:$0x0] =	wrdreg $0xFFFFFFFF;
	(pc) =	sbr.abs _section_cstart, $3  }
0xce: {  	[dreg:$0x1] =	wrdreg $0xFFFFFFFF  }
0xcf: {  	_ =	task.clear_ibuf [dreg:s22], $0x2FFFF;
	_ =	strace $0x9FFFFFFF  }
0xd0: {  	(tm) =	ssettm $0x7FFFFFFF  }
0xd1: {  	_ =	shalt  }
tec
execute0_lowered:
.L_overlay_start_1:
0x0: {  	(tag) =	ssettag $0x1  }
0x1: {  	s1 =	srdreg.scid  }
0x2: {  	s0 =	stileid.u32;
	s4 =	rddreg [dreg:$0x0]  }
0x3: {  	s2 =	simm.s32 $0x0;
	s10 =	simm.s32 $0x3400;
	s11 =	simm.s32 $0x5400  }
0x4: {  	s12 =	simm.s32 $0x7400;
	s13 =	simm.s32 $0x9400;
	s14 =	simm.s32 $0xB400  }
0x5: {  	s15 =	simm.s32 $0xD400;
	s16 =	simm.s32 $0xF400;
	s17 =	simm.s32 $0x1  }
0x6: {  	s18 =	simm.s32 $0x0;
	s5 =	sand.u32 $0x1, s1;
	s1 =	rddreg [dreg:$0x1]  }
0x7: {  	s3 =	sshll.u32 s0, $0x1;
	[smem:$0x7FF] =	sst s2;
	s7 =	smul.u32 $0x14000, s0  }
0x8: {  	s3 =	sor.u32 s5, s3;
	s8 =	ssub.s32 $0x2, s5;
	s5 =	smul.u32 $0xA000, s5  }
0x9: {  	_ =	strace $0x80000056;
	s6 =	smul.u32 $0x1400, s3;
	s9 =	sshrl.u32 s8, $0x1  }
0xa: {  	s3 =	sadd.s32 $0x160000, s4;
	s7 =	sadd.s32 s7, s4;
	s31 =	ssub.s32 s8, s9  }
0xb: {  	s7 =	sadd.s32 s5, s7;
	s8 =	simm.s32 $0x80;
	s6 =	sshrl.u32 s6, $0x3  }
0xc: {  	s9 =	simm.s32 $0x1400;
	s5 =	smax.u32 s31, $0x1;
	s4 =	sadd.s32 s6, s4  }
0xd: {  	s6 =	sadd.s32 $0x170000, s7;
	s7 =	simm.s32 $0x2;
	s4 =	sadd.s32 $0x15B000, s4  }
.LBB2_1:
0xe: {  	[tilespmem:s2], [sflag:$0x2] =	stream.linear.gather [hbm4b:s4+s2], $0x1400, $0x38;
	[tilespmem:$0x11400] =	vst v63  }
0xf: {  	_ =	swait.ge [sflag:s7], $0x1400  }
0x10: {  	[sflag:s7] =	ssyncset.done $0x0  }
0x11: {  	s19 =	simm.s32 $0x0;
	[sflag:s7] =	ssyncadd.s32 $0xFFFFEC00  }
0x12: {  	[tilespmem:s9], [sflag:$0x1] =	stream.indirect.gather [hbm4b:s3+s8], $0x40, s19, s8, $0xb8;
	[tilespmem:$0x11400] =	vst v63  }
0x13: {  	s24 =	simm.s32 $0x80  }
0x14: {  	[tilespmem:s10], [sflag:$0x1] =	stream.indirect.gather [hbm4b:s3+s8], $0x40, s24, s8, $0xb8;
	[tilespmem:$0x11400] =	vst v63  }
0x15: {  	s25 =	simm.s32 $0x100  }
0x16: {  	[tilespmem:s11], [sflag:$0x1] =	stream.indirect.gather [hbm4b:s3+s8], $0x40, s25, s8, $0xb8;
	[tilespmem:$0x11400] =	vst v63  }
0x17: {  	s26 =	simm.s32 $0x180  }
0x18: {  	[tilespmem:s12], [sflag:$0x1] =	stream.indirect.gather [hbm4b:s3+s8], $0x40, s26, s8, $0xb8;
	[tilespmem:$0x11400] =	vst v63  }
0x19: {  	s28 =	simm.s32 $0x200  }
0x1a: {  	[tilespmem:s13], [sflag:$0x1] =	stream.indirect.gather [hbm4b:s3+s8], $0x40, s28, s8, $0xb8;
	[tilespmem:$0x11400] =	vst v63  }
0x1b: {  	s29 =	simm.s32 $0x280  }
0x1c: {  	[tilespmem:s14], [sflag:$0x1] =	stream.indirect.gather [hbm4b:s3+s8], $0x40, s29, s8, $0xb8;
	[tilespmem:$0x11400] =	vst v63  }
0x1d: {  	s30 =	simm.s32 $0x300  }
0x1e: {  	[tilespmem:s15], [sflag:$0x1] =	stream.indirect.gather [hbm4b:s3+s8], $0x40, s30, s8, $0xb8;
	[tilespmem:$0x11400] =	vst v63  }
0x1f: {  	s31 =	simm.s32 $0x380  }
0x20: {  	[tilespmem:s16], [sflag:$0x1] =	stream.indirect.gather [hbm4b:s3+s8], $0x40, s31, s8, $0xb8;
	[tilespmem:$0x11400] =	vst v63  }
0x21: {  	_ =	swait.ge [sflag:s17], $0x2000  }
0x22: {  	[sflag:s17] =	ssyncset.done $0x0  }
0x23: {  	[sflag:s17] =	ssyncadd.s32 $0xFFFFE000  }
0x24: {  	_ =	swait.ge [sflag:s17], $0x2000  }
0x25: {  	[sflag:s17] =	ssyncset.done $0x0  }
0x26: {  	[sflag:s17] =	ssyncadd.s32 $0xFFFFE000  }
0x27: {  	_ =	swait.ge [sflag:s17], $0x2000  }
0x28: {  	[sflag:s17] =	ssyncset.done $0x0  }
0x29: {  	[sflag:s17] =	ssyncadd.s32 $0xFFFFE000  }
0x2a: {  	_ =	swait.ge [sflag:s17], $0x2000  }
0x2b: {  	[sflag:s17] =	ssyncset.done $0x0  }
0x2c: {  	[sflag:s17] =	ssyncadd.s32 $0xFFFFE000  }
0x2d: {  	_ =	swait.ge [sflag:s17], $0x2000  }
0x2e: {  	[sflag:s17] =	ssyncset.done $0x0  }
0x2f: {  	[sflag:s17] =	ssyncadd.s32 $0xFFFFE000  }
0x30: {  	_ =	swait.ge [sflag:s17], $0x2000  }
0x31: {  	[sflag:s17] =	ssyncset.done $0x0  }
0x32: {  	[sflag:s17] =	ssyncadd.s32 $0xFFFFE000  }
0x33: {  	_ =	swait.ge [sflag:s17], $0x2000  }
0x34: {  	[sflag:s17] =	ssyncset.done $0x0  }
0x35: {  	[sflag:s17] =	ssyncadd.s32 $0xFFFFE000  }
0x36: {  	_ =	swait.ge [sflag:s17], $0x2000  }
0x37: {  	[sflag:s17] =	ssyncset.done $0x0  }
0x38: {  	[sflag:s17] =	ssyncadd.s32 $0xFFFFE000  }
0x39: {  	[hbm4b:s6+s2] =	stream.linear.scatter [tilespmem:s9], [sflag:$0x2], $0x10000, $0x38;
	[tilespmem:$0x11400] =	vst v63  }
0x3a: {  	s20 =	simm.s32 $0x1000;
	_ =	swait.ge [sflag:s7], $0x10000  }
0x3b: {  	s22 =	simm.s32 $0x2000;
	s19 =	sadd.s32 $0x2000, s6;
	[sflag:s7] =	ssyncset.done $0x0  }
.LBB2_2:
0x3c: {  	s23 =	sshra.s32 s20, $0x2  }
0x3d: {  	[sflag:s7] =	ssyncadd.s32 $0xFFFF0000;
	s20 =	smov.u32 s22;
	s21 =	sadd.s32 $0x1000, s22  }
0x3e: {  	[tilespmem:s9], [sflag:$0x1] =	stream.indirect.gather [hbm4b:s3+s8], $0x40, s23, s8, $0xb8;
	[tilespmem:$0x11400] =	vst v63  }
0x3f: {  	p0 =	sne.s32 s22, $0x4000;
	s22 =	sadd.s32 $0x80, s23  }
0x40: {  	[tilespmem:s10], [sflag:$0x1] =	stream.indirect.gather [hbm4b:s3+s8], $0x40, s22, s8, $0xb8;
	[tilespmem:$0x11400] =	vst v63  }
0x41: {  	s22 =	sadd.s32 $0x100, s23  }
0x42: {  	[tilespmem:s11], [sflag:$0x1] =	stream.indirect.gather [hbm4b:s3+s8], $0x40, s22, s8, $0xb8;
	[tilespmem:$0x11400] =	vst v63  }
0x43: {  	s22 =	sadd.s32 $0x180, s23  }
0x44: {  	[tilespmem:s12], [sflag:$0x1] =	stream.indirect.gather [hbm4b:s3+s8], $0x40, s22, s8, $0xb8;
	[tilespmem:$0x11400] =	vst v63  }
0x45: {  	s22 =	sadd.s32 $0x200, s23  }
0x46: {  	[tilespmem:s13], [sflag:$0x1] =	stream.indirect.gather [hbm4b:s3+s8], $0x40, s22, s8, $0xb8;
	[tilespmem:$0x11400] =	vst v63  }
0x47: {  	s22 =	sadd.s32 $0x280, s23  }
0x48: {  	[tilespmem:s14], [sflag:$0x1] =	stream.indirect.gather [hbm4b:s3+s8], $0x40, s22, s8, $0xb8;
	[tilespmem:$0x11400] =	vst v63  }
0x49: {  	s22 =	sadd.s32 $0x300, s23  }
0x4a: {  	[tilespmem:s15], [sflag:$0x1] =	stream.indirect.gather [hbm4b:s3+s8], $0x40, s22, s8, $0xb8;
	[tilespmem:$0x11400] =	vst v63  }
0x4b: {  	s22 =	sadd.s32 $0x380, s23  }
0x4c: {  	[tilespmem:s16], [sflag:$0x1] =	stream.indirect.gather [hbm4b:s3+s8], $0x40, s22, s8, $0xb8;
	[tilespmem:$0x11400] =	vst v63  }
0x4d: {  	_ =	swait.ge [sflag:s17], $0x2000  }
0x4e: {  	[sflag:s17] =	ssyncset.done $0x0  }
0x4f: {  	[sflag:s17] =	ssyncadd.s32 $0xFFFFE000  }
0x50: {  	_ =	swait.ge [sflag:s17], $0x2000  }
0x51: {  	[sflag:s17] =	ssyncset.done $0x0  }
0x52: {  	[sflag:s17] =	ssyncadd.s32 $0xFFFFE000  }
0x53: {  	_ =	swait.ge [sflag:s17], $0x2000  }
0x54: {  	[sflag:s17] =	ssyncset.done $0x0  }
0x55: {  	[sflag:s17] =	ssyncadd.s32 $0xFFFFE000  }
0x56: {  	_ =	swait.ge [sflag:s17], $0x2000  }
0x57: {  	[sflag:s17] =	ssyncset.done $0x0  }
0x58: {  	[sflag:s17] =	ssyncadd.s32 $0xFFFFE000  }
0x59: {  	_ =	swait.ge [sflag:s17], $0x2000  }
0x5a: {  	[sflag:s17] =	ssyncset.done $0x0  }
0x5b: {  	[sflag:s17] =	ssyncadd.s32 $0xFFFFE000  }
0x5c: {  	_ =	swait.ge [sflag:s17], $0x2000  }
0x5d: {  	[sflag:s17] =	ssyncset.done $0x0  }
0x5e: {  	[sflag:s17] =	ssyncadd.s32 $0xFFFFE000  }
0x5f: {  	_ =	swait.ge [sflag:s17], $0x2000  }
0x60: {  	[sflag:s17] =	ssyncset.done $0x0  }
0x61: {  	[sflag:s17] =	ssyncadd.s32 $0xFFFFE000  }
0x62: {  	_ =	swait.ge [sflag:s17], $0x2000  }
.Ltmp0:
0x63: {  	[sflag:s17] =	ssyncset.done $0x0;
	(pc) =	sbr.rel @p0 .LBB2_2-.Ltmp0, $4  }
0x64: {  	[sflag:s17] =	ssyncadd.s32 $0xFFFFE000  }
0x65: {  	[hbm4b:s19+s2] =	stream.linear.scatter [tilespmem:s9], [sflag:$0x2], $0x10000, $0x38;
	[tilespmem:$0x11400] =	vst v63  }
0x66: {  	_ =	swait.ge [sflag:s7], $0x10000  }
0x67: {  	s22 =	smov.u32 s21;
	s19 =	sadd.s32 $0x2000, s19;
	[sflag:s7] =	ssyncset.done $0x0  }
0x68: {  	s20 =	sshra.s32 s20, $0x2;
	[sflag:s7] =	ssyncadd.s32 $0xFFFF0000  }
0x69: {  	[tilespmem:s9], [sflag:$0x1] =	stream.indirect.gather [hbm4b:s3+s8], $0x40, s20, s8, $0xb8;
	[tilespmem:$0x11400] =	vst v63  }
0x6a: {  	s21 =	sadd.s32 $0x80, s20  }
0x6b: {  	[tilespmem:s10], [sflag:$0x1] =	stream.indirect.gather [hbm4b:s3+s8], $0x40, s21, s8, $0xb8;
	[tilespmem:$0x11400] =	vst v63  }
0x6c: {  	s26 =	sadd.s32 $0x100, s20  }
0x6d: {  	[tilespmem:s11], [sflag:$0x1] =	stream.indirect.gather [hbm4b:s3+s8], $0x40, s26, s8, $0xb8;
	[tilespmem:$0x11400] =	vst v63  }
0x6e: {  	s28 =	sadd.s32 $0x180, s20  }
0x6f: {  	[tilespmem:s12], [sflag:$0x1] =	stream.indirect.gather [hbm4b:s3+s8], $0x40, s28, s8, $0xb8;
	[tilespmem:$0x11400] =	vst v63  }
0x70: {  	s29 =	sadd.s32 $0x200, s20  }
0x71: {  	[tilespmem:s13], [sflag:$0x1] =	stream.indirect.gather [hbm4b:s3+s8], $0x40, s29, s8, $0xb8;
	[tilespmem:$0x11400] =	vst v63  }
0x72: {  	s30 =	sadd.s32 $0x280, s20  }
0x73: {  	[tilespmem:s14], [sflag:$0x1] =	stream.indirect.gather [hbm4b:s3+s8], $0x40, s30, s8, $0xb8;
	[tilespmem:$0x11400] =	vst v63  }
0x74: {  	s31 =	sadd.s32 $0x300, s20  }
0x75: {  	[tilespmem:s15], [sflag:$0x1] =	stream.indirect.gather [hbm4b:s3+s8], $0x40, s31, s8, $0xb8;
	[tilespmem:$0x11400] =	vst v63  }
0x76: {  	s20 =	sadd.s32 $0x380, s20  }
0x77: {  	[tilespmem:s16], [sflag:$0x1] =	stream.indirect.gather [hbm4b:s3+s8], $0x40, s20, s8, $0xb8;
	[tilespmem:$0x11400] =	vst v63  }
0x78: {  	_ =	swait.ge [sflag:s17], $0x2000  }
0x79: {  	[sflag:s17] =	ssyncset.done $0x0  }
0x7a: {  	[sflag:s17] =	ssyncadd.s32 $0xFFFFE000  }
0x7b: {  	_ =	swait.ge [sflag:s17], $0x2000  }
0x7c: {  	[sflag:s17] =	ssyncset.done $0x0  }
0x7d: {  	[sflag:s17] =	ssyncadd.s32 $0xFFFFE000  }
0x7e: {  	_ =	swait.ge [sflag:s17], $0x2000  }
0x7f: {  	[sflag:s17] =	ssyncset.done $0x0  }
0x80: {  	[sflag:s17] =	ssyncadd.s32 $0xFFFFE000  }
0x81: {  	_ =	swait.ge [sflag:s17], $0x2000  }
0x82: {  	[sflag:s17] =	ssyncset.done $0x0  }
0x83: {  	[sflag:s17] =	ssyncadd.s32 $0xFFFFE000  }
0x84: {  	_ =	swait.ge [sflag:s17], $0x2000  }
0x85: {  	[sflag:s17] =	ssyncset.done $0x0  }
0x86: {  	[sflag:s17] =	ssyncadd.s32 $0xFFFFE000  }
0x87: {  	_ =	swait.ge [sflag:s17], $0x2000  }
0x88: {  	[sflag:s17] =	ssyncset.done $0x0  }
0x89: {  	[sflag:s17] =	ssyncadd.s32 $0xFFFFE000  }
0x8a: {  	_ =	swait.ge [sflag:s17], $0x2000  }
0x8b: {  	[sflag:s17] =	ssyncset.done $0x0  }
0x8c: {  	[sflag:s17] =	ssyncadd.s32 $0xFFFFE000  }
0x8d: {  	s18 =	sadd.s32 $0x1, s18;
	_ =	swait.ge [sflag:s17], $0x2000  }
0x8e: {  	p0 =	sne.s32 s18, s5;
	[sflag:s17] =	ssyncset.done $0x0  }
.Ltmp1:
0x8f: {  	[sflag:s17] =	ssyncadd.s32 $0xFFFFE000;
	(pc) =	sbr.rel @p0 .LBB2_1-.Ltmp1, $4  }
0x90: {  	[hbm4b:s19+s2] =	stream.linear.scatter [tilespmem:s9], [sflag:$0x2], $0x10000, $0x38;
	[tilespmem:$0x11400] =	vst v63  }
0x91: {  	_ =	swait.ge [sflag:s7], $0x10000  }
0x92: {  	[sflag:s7] =	ssyncset.done $0x0  }
0x93: {  	[sflag:s7] =	ssyncadd.s32 $0xFFFF0000  }
0x94: {  	_ =	sfence.sel $0x180000  }
0x95: {  	[bflag:$0x0] =	sbarrier.arrive $0xFFFF  }
0x96: {  	p0 =	sne.s32 s0, $0x0;
	_ =	strace $0x90000056  }
0x97: {  	s0 =	sadd.s32 @!p0 $0x100000, s1;
	[bflag:$0x2] =	sbarrier.arrive $0xFFFF  }
0x98: {  	[sflag:s0] =	ssyncadd.tile.s32 @!p0 $0x1;
	_ =	shalt  }
.Lfunc_end2:
_tile_overlayer_lowered:
.L_overlay_start_2:
0x99: {  	(tag) =	ssettag $0x2  }
0x9a: {  	s0 =	rddreg [dreg:$0x0];
	s2 =	stileid.u32  }
0x9b: {  	s1 =	rddreg [dreg:$0x1];
	p0 =	sne.s32 s2, $0x0  }
0x9c: {  	s3 =	rddreg [dreg:$0x2];
	[bflag:$0x3] =	sbarrier.arrive $0xFFFF;
	s2 =	simm.s32 @!p0 $0x1C02  }
0x9d: {  	[timem:s3], [sflag:s2] =	dma.local @!p0 [hbm:s0], s1  }
0x9e: {  	s0 =	simm.s32 @!p0 $0x2  }
0x9f: {  	_ =	swait.ge @!p0 [sflag:s0], s1  }
0xa0: {  	s1 =	ssub.s32 @!p0 $0x0, s1;
	[sflag:s0] =	ssyncset.done @!p0 $0x0  }
0xa1: {  	[sflag:s0] =	ssyncadd.s32 @!p0 s1  }
0xa2: {  	[bflag:$0x3] =	sbarrier.arrive $0xFFFF  }
0xa3: {  	_ =	shalt  }

</sc_bundles>
